<compile_context>
chip_gen: v7x
topology: tpu7x:2x2x1
jax: 0.10.2.dev20260603
libtpu: 0.0.44.dev20260713+nightly
codegen_flags: <defaults>
</compile_context>

<pallas_src>
import functools

import jax
import jax.numpy as jnp
from jax import lax
from jax.experimental import pallas as pl
from jax.experimental.pallas import tpu as pltpu
from jax.experimental.pallas import tpu_sc as plsc

BATCH = 4096
EMBED_DIM = 64
TAG_LEN = 50
CAT_LEN = 20
LANES = 16
NGRP = EMBED_DIM // LANES
def _make_phase(bag_len, chunk_bags, nw, bags_w, NSLOT):
    nchunks = bags_w // chunk_bags
    rows = chunk_bags * bag_len
    mesh = plsc.VectorSubcoreMesh(core_axis_name="c", subcore_axis_name="s")
    out_sds = jax.ShapeDtypeStruct((BATCH * EMBED_DIM,), jnp.float32)

    @functools.partial(
        pl.kernel,
        mesh=mesh,
        out_type=out_sds,
        compiler_params=pltpu.CompilerParams(use_tc_tiling_on_sc=False),
        scratch_types=[
            pltpu.VMEM((bags_w * bag_len,), jnp.int32),
            pltpu.VMEM((NSLOT, rows, EMBED_DIM), jnp.float32),
            pltpu.VMEM((bags_w * EMBED_DIM,), jnp.float32),
        ] + [pltpu.SemaphoreType.DMA] * NSLOT,
    )
    def enc(idx_hbm, tab_hbm, out_hbm, idx_v, rows_v, out_v, *sems):
        ncores = 2
        wid = lax.axis_index("s") * ncores + lax.axis_index("c")
        nidx = bags_w * bag_len
        pltpu.sync_copy(idx_hbm.at[pl.ds(wid * nidx, nidx)], idx_v)

        def start(j, s):
            idx = idx_v.at[pl.ds(j * rows, rows)]
            pltpu.async_copy(tab_hbm.at[idx], rows_v.at[s], sems[s])

        def wait(s):
            idx = idx_v.at[pl.ds(0, rows)]
            pltpu.make_async_copy(tab_hbm.at[idx], rows_v.at[s],
                                  sems[s]).wait()

        def accumulate(j, s):
            rv = rows_v.at[s]

            unroll = 5

            def bag_body(bb, _):
                base = bb * bag_len
                accs = [rv[base, pl.ds(g * LANES, LANES)] for g in range(NGRP)]
                for l in range(1, unroll):
                    for g in range(NGRP):
                        accs[g] = accs[g] + rv[base + l,
                                               pl.ds(g * LANES, LANES)]

                def blk(t, accs):
                    row = base + t * unroll
                    for l in range(unroll):
                        accs = tuple(accs[g] + rv[row + l,
                                                  pl.ds(g * LANES, LANES)]
                                     for g in range(NGRP))
                    return accs

                accs = lax.fori_loop(1, bag_len // unroll, blk, tuple(accs))
                out_base = (j * chunk_bags + bb) * EMBED_DIM
                for g in range(NGRP):
                    out_v[pl.ds(out_base + g * LANES, LANES)] = accs[g]
                return _

            lax.fori_loop(0, chunk_bags, bag_body, None)

        for s in range(NSLOT - 1):
            start(s, s)

        def outer(jj, _):
            for s in range(NSLOT):
                j = jj * NSLOT + s
                wait(s)
                nxt = j + NSLOT - 1
                pl.when(nxt < nchunks)(
                    lambda: start(nxt, (s + NSLOT - 1) % NSLOT))
                accumulate(j, s)
            return _

        lax.fori_loop(0, nchunks // NSLOT, outer, None)
        nout = bags_w * EMBED_DIM
        pltpu.sync_copy(out_v, out_hbm.at[pl.ds(wid * nout, nout)])

    return enc


def kernel(tags, categories, tag_table, cat_table):
    info = plsc.get_sparse_core_info()
    nw = info.num_cores * info.num_subcores
    bags_w = BATCH // nw

    ttab = jnp.pad(tag_table, ((0, 0), (0, EMBED_DIM))).reshape(-1, EMBED_DIM)
    ctab = jnp.pad(cat_table, ((0, 0), (0, EMBED_DIM))).reshape(-1, EMBED_DIM)
    out_c = _make_phase(CAT_LEN, 8, nw, bags_w, 4)(
        categories.reshape(-1) * 2, ctab)
    out_t = _make_phase(TAG_LEN, 8, nw, bags_w, 4)(
        tags.reshape(-1) * 2, ttab)
    return (out_t.reshape(BATCH, EMBED_DIM), out_c.reshape(BATCH, EMBED_DIM))

# --- scband reference (transcript-rebuilt; emitter-appended) ---
"""Pipeline reference for scband-categorical-encoder-18056042512796 (READ-ONLY COPY).

The authoritative reference and input builder live on the scoring server;
editing this copy changes nothing except your own understanding.
"""

import jax, jax.numpy as jnp
import numpy as np

NUM_TAGS = 100000
NUM_CATEGORIES = 1000
EMBED_DIM = 64
BATCH = 4096
TAG_LEN = 50
CAT_LEN = 20


def setup_inputs(seed: int = 0) -> dict:
    key = jax.random.key(seed)
    k1, k2, k3, k4 = jax.random.split(key, 4)
    tags = jax.random.randint(k1, (BATCH, TAG_LEN), 0, NUM_TAGS, dtype=jnp.int64 if jax.config.jax_enable_x64 else jnp.int32).astype(jnp.int32)
    categories = jax.random.randint(k2, (BATCH, CAT_LEN), 0, NUM_CATEGORIES, dtype=jnp.int32)
    tag_table = jax.random.normal(k3, (NUM_TAGS, EMBED_DIM), dtype=jnp.float32)
    cat_table = jax.random.normal(k4, (NUM_CATEGORIES, EMBED_DIM), dtype=jnp.float32)
    return {"tags": tags, "categories": categories, "tag_table": tag_table, "cat_table": cat_table}


def reference(tags, categories, tag_table, cat_table):
    # tag_embedding(tags): gather -> [B, L, D]; sum over dim=1 -> [B, D]
    tags_encoded = jnp.sum(jnp.take(tag_table, tags, axis=0), axis=1)
    categories_encoded = jnp.sum(jnp.take(cat_table, categories, axis=0), axis=1)
    return (tags_encoded, categories_encoded)

if __name__ == "__main__":
    import jax
    _d = setup_inputs()
    print(jax.jit(kernel)(*tuple(_d.values())))

</pallas_src>

<mosaic_0001>
#map = affine_map<(d0, d1) -> (0)>
#map1 = affine_map<(d0, d1) -> (0, 0)>
module attributes {stable_mosaic.version = 14 : i64} {
  func.func @enc(%arg0: i32, %arg1: i32, %arg2: memref<204800xi32, #tpu.memory_space<hbm>>, %arg3: memref<200000x64xf32, #tpu.memory_space<hbm>>, %arg4: memref<262144xf32, #tpu.memory_space<hbm>>, %arg5: memref<6400xi32, #tpu.memory_space<vmem>>, %arg6: memref<4x400x64xf32, #tpu.memory_space<vmem>>, %arg7: memref<8192xf32, #tpu.memory_space<vmem>>, %arg8: memref<!tpu.dma_semaphore, #tpu.memory_space<semaphore_mem>>, %arg9: memref<!tpu.dma_semaphore, #tpu.memory_space<semaphore_mem>>, %arg10: memref<!tpu.dma_semaphore, #tpu.memory_space<semaphore_mem>>, %arg11: memref<!tpu.dma_semaphore, #tpu.memory_space<semaphore_mem>>) attributes {dimension_semantics = [#tpu.dimension_semantics<core_parallel>, #tpu.dimension_semantics<subcore_parallel>], iteration_bounds = array<i64: 2, 16>, scalar_prefetch = 0 : i64, scratch_operands = 7 : i64, tpu.core_type = #tpu.core_type<sc_vector_subcore>, window_params = [{transform_indices = #map}, {transform_indices = #map1}, {transform_indices = #map}]} {
    %mul3A = arith.constant 2 : i32
    %mul3A_0 = arith.muli %arg1, %mul3A : i32
    %add3A = arith.addi %mul3A_0, %arg0 : i32
    %mul3A_1 = arith.constant 6400 : i32
    %mul3A_2 = arith.muli %add3A, %mul3A_1 : i32
    "tpu.region"() ({
      %run_scoped3A = tpu.sem_alloc : memref<!tpu.dma_semaphore, #tpu.memory_space<semaphore_mem>>
      %dma_start3A_38 = tpu.memref_slice %arg2[%mul3A_2] : memref<204800xi32, #tpu.memory_space<hbm>> -> memref<6400xi32, #tpu.memory_space<hbm>>
      %dma_start3A_39 = tpu.memref_slice %arg2[%mul3A_2] : memref<204800xi32, #tpu.memory_space<hbm>> -> memref<6400xi32, #tpu.memory_space<hbm>>
      tpu.enqueue_dma source(%dma_start3A_39 : memref<6400xi32, #tpu.memory_space<hbm>>) target(%arg5 : memref<6400xi32, #tpu.memory_space<vmem>>) target_semaphore(%run_scoped3A : memref<!tpu.dma_semaphore, #tpu.memory_space<semaphore_mem>>)
      %dma_wait3A = tpu.memref_slice %arg2[%mul3A_2] : memref<204800xi32, #tpu.memory_space<hbm>> -> memref<6400xi32, #tpu.memory_space<hbm>>
      %dma_wait3A_40 = tpu.memref_slice %arg2[%mul3A_2] : memref<204800xi32, #tpu.memory_space<hbm>> -> memref<6400xi32, #tpu.memory_space<hbm>>
      tpu.wait_dma2 semaphore(%run_scoped3A : memref<!tpu.dma_semaphore, #tpu.memory_space<semaphore_mem>>) src(%dma_wait3A_40 : memref<6400xi32, #tpu.memory_space<hbm>>) dst(%arg5 : memref<6400xi32, #tpu.memory_space<vmem>>)
      tpu.yield
    }) : () -> ()
    %dma_start3A = arith.constant 0 : i32
    %dma_start3A_3 = arith.constant 0 : i32
    %dma_start3A_4 = arith.constant 0 : i32
    %dma_start3A_5 = tpu.memref_slice %arg6[%dma_start3A, %dma_start3A_3, %dma_start3A_4] : memref<4x400x64xf32, #tpu.memory_space<vmem>> -> memref<1x400x64xf32, #tpu.memory_space<vmem>>
    %dma_start3A_6 = tpu.memref_squeeze %dma_start3A_5 : memref<1x400x64xf32, #tpu.memory_space<vmem>> -> memref<400x64xf32, #tpu.memory_space<vmem>>
    %dma_start3A_7 = arith.constant 0 : i32
    %dma_start3A_8 = tpu.memref_slice %arg5[%dma_start3A_7] : memref<6400xi32, #tpu.memory_space<vmem>> -> memref<400xi32, #tpu.memory_space<vmem>>
    %dma_start3A_9 = arith.constant 0 : i32
    %dma_start3A_10 = arith.constant 0 : i32
    %dma_start3A_11 = tpu.memref_slice %arg3[%dma_start3A_9, %dma_start3A_10] : memref<200000x64xf32, #tpu.memory_space<hbm>> -> memref<200000x64xf32, #tpu.memory_space<hbm>>
    tpu.enqueue_indirect_dma source(%dma_start3A_11 : memref<200000x64xf32, #tpu.memory_space<hbm>>) target(%dma_start3A_6 : memref<400x64xf32, #tpu.memory_space<vmem>>) offsets(%dma_start3A_8 : memref<400xi32, #tpu.memory_space<vmem>>) semaphore(%arg8 : memref<!tpu.dma_semaphore, #tpu.memory_space<semaphore_mem>>)
    %dma_start3A_12 = arith.constant 1 : i32
    %dma_start3A_13 = arith.constant 0 : i32
    %dma_start3A_14 = arith.constant 0 : i32
    %dma_start3A_15 = tpu.memref_slice %arg6[%dma_start3A_12, %dma_start3A_13, %dma_start3A_14] : memref<4x400x64xf32, #tpu.memory_space<vmem>> -> memref<1x400x64xf32, #tpu.memory_space<vmem>>
    %dma_start3A_16 = tpu.memref_squeeze %dma_start3A_15 : memref<1x400x64xf32, #tpu.memory_space<vmem>> -> memref<400x64xf32, #tpu.memory_space<vmem>>
    %dma_start3A_17 = arith.constant 400 : i32
    %dma_start3A_18 = tpu.memref_slice %arg5[%dma_start3A_17] : memref<6400xi32, #tpu.memory_space<vmem>> -> memref<400xi32, #tpu.memory_space<vmem>>
    %dma_start3A_19 = arith.constant 0 : i32
    %dma_start3A_20 = arith.constant 0 : i32
    %dma_start3A_21 = tpu.memref_slice %arg3[%dma_start3A_19, %dma_start3A_20] : memref<200000x64xf32, #tpu.memory_space<hbm>> -> memref<200000x64xf32, #tpu.memory_space<hbm>>
    tpu.enqueue_indirect_dma source(%dma_start3A_21 : memref<200000x64xf32, #tpu.memory_space<hbm>>) target(%dma_start3A_16 : memref<400x64xf32, #tpu.memory_space<vmem>>) offsets(%dma_start3A_18 : memref<400xi32, #tpu.memory_space<vmem>>) semaphore(%arg9 : memref<!tpu.dma_semaphore, #tpu.memory_space<semaphore_mem>>)
    %dma_start3A_22 = arith.constant 2 : i32
    %dma_start3A_23 = arith.constant 0 : i32
    %dma_start3A_24 = arith.constant 0 : i32
    %dma_start3A_25 = tpu.memref_slice %arg6[%dma_start3A_22, %dma_start3A_23, %dma_start3A_24] : memref<4x400x64xf32, #tpu.memory_space<vmem>> -> memref<1x400x64xf32, #tpu.memory_space<vmem>>
    %dma_start3A_26 = tpu.memref_squeeze %dma_start3A_25 : memref<1x400x64xf32, #tpu.memory_space<vmem>> -> memref<400x64xf32, #tpu.memory_space<vmem>>
    %dma_start3A_27 = arith.constant 800 : i32
    %dma_start3A_28 = tpu.memref_slice %arg5[%dma_start3A_27] : memref<6400xi32, #tpu.memory_space<vmem>> -> memref<400xi32, #tpu.memory_space<vmem>>
    %dma_start3A_29 = arith.constant 0 : i32
    %dma_start3A_30 = arith.constant 0 : i32
    %dma_start3A_31 = tpu.memref_slice %arg3[%dma_start3A_29, %dma_start3A_30] : memref<200000x64xf32, #tpu.memory_space<hbm>> -> memref<200000x64xf32, #tpu.memory_space<hbm>>
    tpu.enqueue_indirect_dma source(%dma_start3A_31 : memref<200000x64xf32, #tpu.memory_space<hbm>>) target(%dma_start3A_26 : memref<400x64xf32, #tpu.memory_space<vmem>>) offsets(%dma_start3A_28 : memref<400xi32, #tpu.memory_space<vmem>>) semaphore(%arg10 : memref<!tpu.dma_semaphore, #tpu.memory_space<semaphore_mem>>)
    %scan3A = arith.constant 0 : i32
    %scan3A_32 = arith.constant 4 : i32
    %scan3A_33 = arith.addi %scan3A, %scan3A_32 : i32
    %scan3A_34 = arith.constant 1 : i32
    scf.for %scan3A_38 = %scan3A to %scan3A_33 step %scan3A_34  : i32 {
      %mul3A_39 = arith.constant 4 : i32
      %mul3A_40 = arith.muli %scan3A_38, %mul3A_39 : i32
      %add3A_41 = arith.constant 0 : i32
      %add3A_42 = arith.addi %mul3A_40, %add3A_41 : i32
      %dma_wait3A = arith.constant 0 : i32
      %dma_wait3A_43 = arith.constant 0 : i32
      %dma_wait3A_44 = arith.constant 0 : i32
      %dma_wait3A_45 = tpu.memref_slice %arg6[%dma_wait3A, %dma_wait3A_43, %dma_wait3A_44] : memref<4x400x64xf32, #tpu.memory_space<vmem>> -> memref<1x400x64xf32, #tpu.memory_space<vmem>>
      %dma_wait3A_46 = tpu.memref_squeeze %dma_wait3A_45 : memref<1x400x64xf32, #tpu.memory_space<vmem>> -> memref<400x64xf32, #tpu.memory_space<vmem>>
      %dma_wait3A_47 = arith.constant 0 : i32
      %dma_wait3A_48 = tpu.memref_slice %arg5[%dma_wait3A_47] : memref<6400xi32, #tpu.memory_space<vmem>> -> memref<400xi32, #tpu.memory_space<vmem>>
      %dma_wait3A_49 = arith.constant 0 : i32
      %dma_wait3A_50 = arith.constant 0 : i32
      %dma_wait3A_51 = tpu.memref_slice %arg3[%dma_wait3A_49, %dma_wait3A_50] : memref<200000x64xf32, #tpu.memory_space<hbm>> -> memref<200000x64xf32, #tpu.memory_space<hbm>>
      tpu.wait_indirect_dma semaphore(%arg8 : memref<!tpu.dma_semaphore, #tpu.memory_space<semaphore_mem>>) src(%dma_wait3A_51 : memref<200000x64xf32, #tpu.memory_space<hbm>>) dst(%dma_wait3A_46 : memref<400x64xf32, #tpu.memory_space<vmem>>)
      %add3A_52 = arith.constant 4 : i32
      %add3A_53 = arith.addi %add3A_42, %add3A_52 : i32
      %sub3A = arith.constant 1 : i32
      %sub3A_54 = arith.subi %add3A_53, %sub3A : i32
      %lt3A = arith.constant 16 : i32
      %lt3A_55 = arith.cmpi slt, %sub3A_54, %lt3A : i32
      %convert_element_type3A = arith.extui %lt3A_55 : i1 to i32
      %cond3A = arith.constant 0 : i32
      %cond3A_56 = arith.cmpi ne, %convert_element_type3A, %cond3A : i32
      scf.if %cond3A_56 {
        %mul3A_150 = arith.constant 400 : i32
        %mul3A_151 = arith.muli %sub3A_54, %mul3A_150 : i32
        %dma_start3A_152 = arith.constant 3 : i32
        %dma_start3A_153 = arith.constant 0 : i32
        %dma_start3A_154 = arith.constant 0 : i32
        %dma_start3A_155 = tpu.memref_slice %arg6[%dma_start3A_152, %dma_start3A_153, %dma_start3A_154] : memref<4x400x64xf32, #tpu.memory_space<vmem>> -> memref<1x400x64xf32, #tpu.memory_space<vmem>>
        %dma_start3A_156 = tpu.memref_squeeze %dma_start3A_155 : memref<1x400x64xf32, #tpu.memory_space<vmem>> -> memref<400x64xf32, #tpu.memory_space<vmem>>
        %dma_start3A_157 = tpu.memref_slice %arg5[%mul3A_151] : memref<6400xi32, #tpu.memory_space<vmem>> -> memref<400xi32, #tpu.memory_space<vmem>>
        %dma_start3A_158 = arith.constant 0 : i32
        %dma_start3A_159 = arith.constant 0 : i32
        %dma_start3A_160 = tpu.memref_slice %arg3[%dma_start3A_158, %dma_start3A_159] : memref<200000x64xf32, #tpu.memory_space<hbm>> -> memref<200000x64xf32, #tpu.memory_space<hbm>>
        tpu.enqueue_indirect_dma source(%dma_start3A_160 : memref<200000x64xf32, #tpu.memory_space<hbm>>) target(%dma_start3A_156 : memref<400x64xf32, #tpu.memory_space<vmem>>) offsets(%dma_start3A_157 : memref<400xi32, #tpu.memory_space<vmem>>) semaphore(%arg11 : memref<!tpu.dma_semaphore, #tpu.memory_space<semaphore_mem>>)
      } else {
      }
      %scan3A_57 = arith.constant 0 : i32
      %scan3A_58 = arith.constant 0 : i32
      %scan3A_59 = arith.constant 8 : i32
      %scan3A_60 = arith.addi %scan3A_58, %scan3A_59 : i32
      %scan3A_61 = arith.constant 1 : i32
      scf.for %scan3A_150 = %scan3A_58 to %scan3A_60 step %scan3A_61  : i32 {
        %mul3A_151 = arith.constant 50 : i32
        %mul3A_152 = arith.muli %scan3A_150, %mul3A_151 : i32
        %get3A = arith.constant 0 : i32
        %get3A_153 = arith.constant 0 : i32
        %get3A_154 = tpu.memref_slice %arg6[%scan3A_57, %get3A, %get3A_153] : memref<4x400x64xf32, #tpu.memory_space<vmem>> -> memref<1x400x64xf32, #tpu.memory_space<vmem>>
        %get3A_155 = tpu.memref_squeeze %get3A_154 : memref<1x400x64xf32, #tpu.memory_space<vmem>> -> memref<400x64xf32, #tpu.memory_space<vmem>>
        %get3A_156 = arith.index_cast %mul3A_152 : i32 to index
        %get3A_157 = arith.constant 0 : index
        %get3A_158 = tpu.vector_load %get3A_155[%get3A_156, %get3A_157] {strides = array<i32>} : memref<400x64xf32, #tpu.memory_space<vmem>>, vector<1x16xf32>,
        %get3A_159 = vector.shape_cast %get3A_158 : vector<1x16xf32> to vector<16xf32>
        %get3A_160 = arith.constant 0 : i32
        %get3A_161 = arith.constant 0 : i32
        %get3A_162 = tpu.memref_slice %arg6[%scan3A_57, %get3A_160, %get3A_161] : memref<4x400x64xf32, #tpu.memory_space<vmem>> -> memref<1x400x64xf32, #tpu.memory_space<vmem>>
        %get3A_163 = tpu.memref_squeeze %get3A_162 : memref<1x400x64xf32, #tpu.memory_space<vmem>> -> memref<400x64xf32, #tpu.memory_space<vmem>>
        %get3A_164 = arith.index_cast %mul3A_152 : i32 to index
        %get3A_165 = arith.constant 16 : index
        %get3A_166 = tpu.vector_load %get3A_163[%get3A_164, %get3A_165] {strides = array<i32>} : memref<400x64xf32, #tpu.memory_space<vmem>>, vector<1x16xf32>,
        %get3A_167 = vector.shape_cast %get3A_166 : vector<1x16xf32> to vector<16xf32>
        %get3A_168 = arith.constant 0 : i32
        %get3A_169 = arith.constant 0 : i32
        %get3A_170 = tpu.memref_slice %arg6[%scan3A_57, %get3A_168, %get3A_169] : memref<4x400x64xf32, #tpu.memory_space<vmem>> -> memref<1x400x64xf32, #tpu.memory_space<vmem>>
        %get3A_171 = tpu.memref_squeeze %get3A_170 : memref<1x400x64xf32, #tpu.memory_space<vmem>> -> memref<400x64xf32, #tpu.memory_space<vmem>>
        %get3A_172 = arith.index_cast %mul3A_152 : i32 to index
        %get3A_173 = arith.constant 32 : index
        %get3A_174 = tpu.vector_load %get3A_171[%get3A_172, %get3A_173] {strides = array<i32>} : memref<400x64xf32, #tpu.memory_space<vmem>>, vector<1x16xf32>,
        %get3A_175 = vector.shape_cast %get3A_174 : vector<1x16xf32> to vector<16xf32>
        %get3A_176 = arith.constant 0 : i32
        %get3A_177 = arith.constant 0 : i32
        %get3A_178 = tpu.memref_slice %arg6[%scan3A_57, %get3A_176, %get3A_177] : memref<4x400x64xf32, #tpu.memory_space<vmem>> -> memref<1x400x64xf32, #tpu.memory_space<vmem>>
        %get3A_179 = tpu.memref_squeeze %get3A_178 : memref<1x400x64xf32, #tpu.memory_space<vmem>> -> memref<400x64xf32, #tpu.memory_space<vmem>>
        %get3A_180 = arith.index_cast %mul3A_152 : i32 to index
        %get3A_181 = arith.constant 48 : index
        %get3A_182 = tpu.vector_load %get3A_179[%get3A_180, %get3A_181] {strides = array<i32>} : memref<400x64xf32, #tpu.memory_space<vmem>>, vector<1x16xf32>,
        %get3A_183 = vector.shape_cast %get3A_182 : vector<1x16xf32> to vector<16xf32>
        %add3A_184 = arith.constant 1 : i32
        %add3A_185 = arith.addi %mul3A_152, %add3A_184 : i32
        %get3A_186 = arith.constant 0 : i32
        %get3A_187 = arith.constant 0 : i32
        %get3A_188 = tpu.memref_slice %arg6[%scan3A_57, %get3A_186, %get3A_187] : memref<4x400x64xf32, #tpu.memory_space<vmem>> -> memref<1x400x64xf32, #tpu.memory_space<vmem>>
        %get3A_189 = tpu.memref_squeeze %get3A_188 : memref<1x400x64xf32, #tpu.memory_space<vmem>> -> memref<400x64xf32, #tpu.memory_space<vmem>>
        %get3A_190 = arith.index_cast %add3A_185 : i32 to index
        %get3A_191 = arith.constant 0 : index
        %get3A_192 = tpu.vector_load %get3A_189[%get3A_190, %get3A_191] {strides = array<i32>} : memref<400x64xf32, #tpu.memory_space<vmem>>, vector<1x16xf32>,
        %get3A_193 = vector.shape_cast %get3A_192 : vector<1x16xf32> to vector<16xf32>
        %add3A_194 = arith.addf %get3A_159, %get3A_193 : vector<16xf32>
        %add3A_195 = arith.constant 1 : i32
        %add3A_196 = arith.addi %mul3A_152, %add3A_195 : i32
        %get3A_197 = arith.constant 0 : i32
        %get3A_198 = arith.constant 0 : i32
        %get3A_199 = tpu.memref_slice %arg6[%scan3A_57, %get3A_197, %get3A_198] : memref<4x400x64xf32, #tpu.memory_space<vmem>> -> memref<1x400x64xf32, #tpu.memory_space<vmem>>
        %get3A_200 = tpu.memref_squeeze %get3A_199 : memref<1x400x64xf32, #tpu.memory_space<vmem>> -> memref<400x64xf32, #tpu.memory_space<vmem>>
        %get3A_201 = arith.index_cast %add3A_196 : i32 to index
        %get3A_202 = arith.constant 16 : index
        %get3A_203 = tpu.vector_load %get3A_200[%get3A_201, %get3A_202] {strides = array<i32>} : memref<400x64xf32, #tpu.memory_space<vmem>>, vector<1x16xf32>,
        %get3A_204 = vector.shape_cast %get3A_203 : vector<1x16xf32> to vector<16xf32>
        %add3A_205 = arith.addf %get3A_167, %get3A_204 : vector<16xf32>
        %add3A_206 = arith.constant 1 : i32
        %add3A_207 = arith.addi %mul3A_152, %add3A_206 : i32
        %get3A_208 = arith.constant 0 : i32
        %get3A_209 = arith.constant 0 : i32
        %get3A_210 = tpu.memref_slice %arg6[%scan3A_57, %get3A_208, %get3A_209] : memref<4x400x64xf32, #tpu.memory_space<vmem>> -> memref<1x400x64xf32, #tpu.memory_space<vmem>>
        %get3A_211 = tpu.memref_squeeze %get3A_210 : memref<1x400x64xf32, #tpu.memory_space<vmem>> -> memref<400x64xf32, #tpu.memory_space<vmem>>
        %get3A_212 = arith.index_cast %add3A_207 : i32 to index
        %get3A_213 = arith.constant 32 : index
        %get3A_214 = tpu.vector_load %get3A_211[%get3A_212, %get3A_213] {strides = array<i32>} : memref<400x64xf32, #tpu.memory_space<vmem>>, vector<1x16xf32>,
        %get3A_215 = vector.shape_cast %get3A_214 : vector<1x16xf32> to vector<16xf32>
        %add3A_216 = arith.addf %get3A_175, %get3A_215 : vector<16xf32>
        %add3A_217 = arith.constant 1 : i32
        %add3A_218 = arith.addi %mul3A_152, %add3A_217 : i32
        %get3A_219 = arith.constant 0 : i32
        %get3A_220 = arith.constant 0 : i32
        %get3A_221 = tpu.memref_slice %arg6[%scan3A_57, %get3A_219, %get3A_220] : memref<4x400x64xf32, #tpu.memory_space<vmem>> -> memref<1x400x64xf32, #tpu.memory_space<vmem>>
        %get3A_222 = tpu.memref_squeeze %get3A_221 : memref<1x400x64xf32, #tpu.memory_space<vmem>> -> memref<400x64xf32, #tpu.memory_space<vmem>>
        %get3A_223 = arith.index_cast %add3A_218 : i32 to index
        %get3A_224 = arith.constant 48 : index
        %get3A_225 = tpu.vector_load %get3A_222[%get3A_223, %get3A_224] {strides = array<i32>} : memref<400x64xf32, #tpu.memory_space<vmem>>, vector<1x16xf32>,
        %get3A_226 = vector.shape_cast %get3A_225 : vector<1x16xf32> to vector<16xf32>
        %add3A_227 = arith.addf %get3A_183, %get3A_226 : vector<16xf32>
        %add3A_228 = arith.constant 2 : i32
        %add3A_229 = arith.addi %mul3A_152, %add3A_228 : i32
        %get3A_230 = arith.constant 0 : i32
        %get3A_231 = arith.constant 0 : i32
        %get3A_232 = tpu.memref_slice %arg6[%scan3A_57, %get3A_230, %get3A_231] : memref<4x400x64xf32, #tpu.memory_space<vmem>> -> memref<1x400x64xf32, #tpu.memory_space<vmem>>
        %get3A_233 = tpu.memref_squeeze %get3A_232 : memref<1x400x64xf32, #tpu.memory_space<vmem>> -> memref<400x64xf32, #tpu.memory_space<vmem>>
        %get3A_234 = arith.index_cast %add3A_229 : i32 to index
        %get3A_235 = arith.constant 0 : index
        %get3A_236 = tpu.vector_load %get3A_233[%get3A_234, %get3A_235] {strides = array<i32>} : memref<400x64xf32, #tpu.memory_space<vmem>>, vector<1x16xf32>,
        %get3A_237 = vector.shape_cast %get3A_236 : vector<1x16xf32> to vector<16xf32>
        %add3A_238 = arith.addf %add3A_194, %get3A_237 : vector<16xf32>
        %add3A_239 = arith.constant 2 : i32
        %add3A_240 = arith.addi %mul3A_152, %add3A_239 : i32
        %get3A_241 = arith.constant 0 : i32
        %get3A_242 = arith.constant 0 : i32
        %get3A_243 = tpu.memref_slice %arg6[%scan3A_57, %get3A_241, %get3A_242] : memref<4x400x64xf32, #tpu.memory_space<vmem>> -> memref<1x400x64xf32, #tpu.memory_space<vmem>>
        %get3A_244 = tpu.memref_squeeze %get3A_243 : memref<1x400x64xf32, #tpu.memory_space<vmem>> -> memref<400x64xf32, #tpu.memory_space<vmem>>
        %get3A_245 = arith.index_cast %add3A_240 : i32 to index
        %get3A_246 = arith.constant 16 : index
        %get3A_247 = tpu.vector_load %get3A_244[%get3A_245, %get3A_246] {strides = array<i32>} : memref<400x64xf32, #tpu.memory_space<vmem>>, vector<1x16xf32>,
        %get3A_248 = vector.shape_cast %get3A_247 : vector<1x16xf32> to vector<16xf32>
        %add3A_249 = arith.addf %add3A_205, %get3A_248 : vector<16xf32>
        %add3A_250 = arith.constant 2 : i32
        %add3A_251 = arith.addi %mul3A_152, %add3A_250 : i32
        %get3A_252 = arith.constant 0 : i32
        %get3A_253 = arith.constant 0 : i32
        %get3A_254 = tpu.memref_slice %arg6[%scan3A_57, %get3A_252, %get3A_253] : memref<4x400x64xf32, #tpu.memory_space<vmem>> -> memref<1x400x64xf32, #tpu.memory_space<vmem>>
        %get3A_255 = tpu.memref_squeeze %get3A_254 : memref<1x400x64xf32, #tpu.memory_space<vmem>> -> memref<400x64xf32, #tpu.memory_space<vmem>>
        %get3A_256 = arith.index_cast %add3A_251 : i32 to index
        %get3A_257 = arith.constant 32 : index
        %get3A_258 = tpu.vector_load %get3A_255[%get3A_256, %get3A_257] {strides = array<i32>} : memref<400x64xf32, #tpu.memory_space<vmem>>, vector<1x16xf32>,
        %get3A_259 = vector.shape_cast %get3A_258 : vector<1x16xf32> to vector<16xf32>
        %add3A_260 = arith.addf %add3A_216, %get3A_259 : vector<16xf32>
        %add3A_261 = arith.constant 2 : i32
        %add3A_262 = arith.addi %mul3A_152, %add3A_261 : i32
        %get3A_263 = arith.constant 0 : i32
        %get3A_264 = arith.constant 0 : i32
        %get3A_265 = tpu.memref_slice %arg6[%scan3A_57, %get3A_263, %get3A_264] : memref<4x400x64xf32, #tpu.memory_space<vmem>> -> memref<1x400x64xf32, #tpu.memory_space<vmem>>
        %get3A_266 = tpu.memref_squeeze %get3A_265 : memref<1x400x64xf32, #tpu.memory_space<vmem>> -> memref<400x64xf32, #tpu.memory_space<vmem>>
        %get3A_267 = arith.index_cast %add3A_262 : i32 to index
        %get3A_268 = arith.constant 48 : index
        %get3A_269 = tpu.vector_load %get3A_266[%get3A_267, %get3A_268] {strides = array<i32>} : memref<400x64xf32, #tpu.memory_space<vmem>>, vector<1x16xf32>,
        %get3A_270 = vector.shape_cast %get3A_269 : vector<1x16xf32> to vector<16xf32>
        %add3A_271 = arith.addf %add3A_227, %get3A_270 : vector<16xf32>
        %add3A_272 = arith.constant 3 : i32
        %add3A_273 = arith.addi %mul3A_152, %add3A_272 : i32
        %get3A_274 = arith.constant 0 : i32
        %get3A_275 = arith.constant 0 : i32
        %get3A_276 = tpu.memref_slice %arg6[%scan3A_57, %get3A_274, %get3A_275] : memref<4x400x64xf32, #tpu.memory_space<vmem>> -> memref<1x400x64xf32, #tpu.memory_space<vmem>>
        %get3A_277 = tpu.memref_squeeze %get3A_276 : memref<1x400x64xf32, #tpu.memory_space<vmem>> -> memref<400x64xf32, #tpu.memory_space<vmem>>
        %get3A_278 = arith.index_cast %add3A_273 : i32 to index
        %get3A_279 = arith.constant 0 : index
        %get3A_280 = tpu.vector_load %get3A_277[%get3A_278, %get3A_279] {strides = array<i32>} : memref<400x64xf32, #tpu.memory_space<vmem>>, vector<1x16xf32>,
        %get3A_281 = vector.shape_cast %get3A_280 : vector<1x16xf32> to vector<16xf32>
        %add3A_282 = arith.addf %add3A_238, %get3A_281 : vector<16xf32>
        %add3A_283 = arith.constant 3 : i32
        %add3A_284 = arith.addi %mul3A_152, %add3A_283 : i32
        %get3A_285 = arith.constant 0 : i32
        %get3A_286 = arith.constant 0 : i32
        %get3A_287 = tpu.memref_slice %arg6[%scan3A_57, %get3A_285, %get3A_286] : memref<4x400x64xf32, #tpu.memory_space<vmem>> -> memref<1x400x64xf32, #tpu.memory_space<vmem>>
        %get3A_288 = tpu.memref_squeeze %get3A_287 : memref<1x400x64xf32, #tpu.memory_space<vmem>> -> memref<400x64xf32, #tpu.memory_space<vmem>>
        %get3A_289 = arith.index_cast %add3A_284 : i32 to index
        %get3A_290 = arith.constant 16 : index
        %get3A_291 = tpu.vector_load %get3A_288[%get3A_289, %get3A_290] {strides = array<i32>} : memref<400x64xf32, #tpu.memory_space<vmem>>, vector<1x16xf32>,
        %get3A_292 = vector.shape_cast %get3A_291 : vector<1x16xf32> to vector<16xf32>
        %add3A_293 = arith.addf %add3A_249, %get3A_292 : vector<16xf32>
        %add3A_294 = arith.constant 3 : i32
        %add3A_295 = arith.addi %mul3A_152, %add3A_294 : i32
        %get3A_296 = arith.constant 0 : i32
        %get3A_297 = arith.constant 0 : i32
        %get3A_298 = tpu.memref_slice %arg6[%scan3A_57, %get3A_296, %get3A_297] : memref<4x400x64xf32, #tpu.memory_space<vmem>> -> memref<1x400x64xf32, #tpu.memory_space<vmem>>
        %get3A_299 = tpu.memref_squeeze %get3A_298 : memref<1x400x64xf32, #tpu.memory_space<vmem>> -> memref<400x64xf32, #tpu.memory_space<vmem>>
        %get3A_300 = arith.index_cast %add3A_295 : i32 to index
        %get3A_301 = arith.constant 32 : index
        %get3A_302 = tpu.vector_load %get3A_299[%get3A_300, %get3A_301] {strides = array<i32>} : memref<400x64xf32, #tpu.memory_space<vmem>>, vector<1x16xf32>,
        %get3A_303 = vector.shape_cast %get3A_302 : vector<1x16xf32> to vector<16xf32>
        %add3A_304 = arith.addf %add3A_260, %get3A_303 : vector<16xf32>
        %add3A_305 = arith.constant 3 : i32
        %add3A_306 = arith.addi %mul3A_152, %add3A_305 : i32
        %get3A_307 = arith.constant 0 : i32
        %get3A_308 = arith.constant 0 : i32
        %get3A_309 = tpu.memref_slice %arg6[%scan3A_57, %get3A_307, %get3A_308] : memref<4x400x64xf32, #tpu.memory_space<vmem>> -> memref<1x400x64xf32, #tpu.memory_space<vmem>>
        %get3A_310 = tpu.memref_squeeze %get3A_309 : memref<1x400x64xf32, #tpu.memory_space<vmem>> -> memref<400x64xf32, #tpu.memory_space<vmem>>
        %get3A_311 = arith.index_cast %add3A_306 : i32 to index
        %get3A_312 = arith.constant 48 : index
        %get3A_313 = tpu.vector_load %get3A_310[%get3A_311, %get3A_312] {strides = array<i32>} : memref<400x64xf32, #tpu.memory_space<vmem>>, vector<1x16xf32>,
        %get3A_314 = vector.shape_cast %get3A_313 : vector<1x16xf32> to vector<16xf32>
        %add3A_315 = arith.addf %add3A_271, %get3A_314 : vector<16xf32>
        %add3A_316 = arith.constant 4 : i32
        %add3A_317 = arith.addi %mul3A_152, %add3A_316 : i32
        %get3A_318 = arith.constant 0 : i32
        %get3A_319 = arith.constant 0 : i32
        %get3A_320 = tpu.memref_slice %arg6[%scan3A_57, %get3A_318, %get3A_319] : memref<4x400x64xf32, #tpu.memory_space<vmem>> -> memref<1x400x64xf32, #tpu.memory_space<vmem>>
        %get3A_321 = tpu.memref_squeeze %get3A_320 : memref<1x400x64xf32, #tpu.memory_space<vmem>> -> memref<400x64xf32, #tpu.memory_space<vmem>>
        %get3A_322 = arith.index_cast %add3A_317 : i32 to index
        %get3A_323 = arith.constant 0 : index
        %get3A_324 = tpu.vector_load %get3A_321[%get3A_322, %get3A_323] {strides = array<i32>} : memref<400x64xf32, #tpu.memory_space<vmem>>, vector<1x16xf32>,
        %get3A_325 = vector.shape_cast %get3A_324 : vector<1x16xf32> to vector<16xf32>
        %add3A_326 = arith.addf %add3A_282, %get3A_325 : vector<16xf32>
        %add3A_327 = arith.constant 4 : i32
        %add3A_328 = arith.addi %mul3A_152, %add3A_327 : i32
        %get3A_329 = arith.constant 0 : i32
        %get3A_330 = arith.constant 0 : i32
        %get3A_331 = tpu.memref_slice %arg6[%scan3A_57, %get3A_329, %get3A_330] : memref<4x400x64xf32, #tpu.memory_space<vmem>> -> memref<1x400x64xf32, #tpu.memory_space<vmem>>
        %get3A_332 = tpu.memref_squeeze %get3A_331 : memref<1x400x64xf32, #tpu.memory_space<vmem>> -> memref<400x64xf32, #tpu.memory_space<vmem>>
        %get3A_333 = arith.index_cast %add3A_328 : i32 to index
        %get3A_334 = arith.constant 16 : index
        %get3A_335 = tpu.vector_load %get3A_332[%get3A_333, %get3A_334] {strides = array<i32>} : memref<400x64xf32, #tpu.memory_space<vmem>>, vector<1x16xf32>,
        %get3A_336 = vector.shape_cast %get3A_335 : vector<1x16xf32> to vector<16xf32>
        %add3A_337 = arith.addf %add3A_293, %get3A_336 : vector<16xf32>
        %add3A_338 = arith.constant 4 : i32
        %add3A_339 = arith.addi %mul3A_152, %add3A_338 : i32
        %get3A_340 = arith.constant 0 : i32
        %get3A_341 = arith.constant 0 : i32
        %get3A_342 = tpu.memref_slice %arg6[%scan3A_57, %get3A_340, %get3A_341] : memref<4x400x64xf32, #tpu.memory_space<vmem>> -> memref<1x400x64xf32, #tpu.memory_space<vmem>>
        %get3A_343 = tpu.memref_squeeze %get3A_342 : memref<1x400x64xf32, #tpu.memory_space<vmem>> -> memref<400x64xf32, #tpu.memory_space<vmem>>
        %get3A_344 = arith.index_cast %add3A_339 : i32 to index
        %get3A_345 = arith.constant 32 : index
        %get3A_346 = tpu.vector_load %get3A_343[%get3A_344, %get3A_345] {strides = array<i32>} : memref<400x64xf32, #tpu.memory_space<vmem>>, vector<1x16xf32>,
        %get3A_347 = vector.shape_cast %get3A_346 : vector<1x16xf32> to vector<16xf32>
        %add3A_348 = arith.addf %add3A_304, %get3A_347 : vector<16xf32>
        %add3A_349 = arith.constant 4 : i32
        %add3A_350 = arith.addi %mul3A_152, %add3A_349 : i32
        %get3A_351 = arith.constant 0 : i32
        %get3A_352 = arith.constant 0 : i32
        %get3A_353 = tpu.memref_slice %arg6[%scan3A_57, %get3A_351, %get3A_352] : memref<4x400x64xf32, #tpu.memory_space<vmem>> -> memref<1x400x64xf32, #tpu.memory_space<vmem>>
        %get3A_354 = tpu.memref_squeeze %get3A_353 : memref<1x400x64xf32, #tpu.memory_space<vmem>> -> memref<400x64xf32, #tpu.memory_space<vmem>>
        %get3A_355 = arith.index_cast %add3A_350 : i32 to index
        %get3A_356 = arith.constant 48 : index
        %get3A_357 = tpu.vector_load %get3A_354[%get3A_355, %get3A_356] {strides = array<i32>} : memref<400x64xf32, #tpu.memory_space<vmem>>, vector<1x16xf32>,
        %get3A_358 = vector.shape_cast %get3A_357 : vector<1x16xf32> to vector<16xf32>
        %add3A_359 = arith.addf %add3A_315, %get3A_358 : vector<16xf32>
        %scan3A_360 = arith.constant 1 : i32
        %scan3A_361 = arith.constant 9 : i32
        %scan3A_362 = arith.addi %scan3A_360, %scan3A_361 : i32
        %scan3A_363 = arith.constant 1 : i32
        %scan3A_364:4 = scf.for %scan3A_394 = %scan3A_360 to %scan3A_362 step %scan3A_363 iter_args(%scan3A_395 = %add3A_326, %scan3A_396 = %add3A_337, %scan3A_397 = %add3A_348, %scan3A_398 = %add3A_359) -> (vector<16xf32>, vector<16xf32>, vector<16xf32>, vector<16xf32>)  : i32 {
          %mul3A_399 = arith.constant 5 : i32
          %mul3A_400 = arith.muli %scan3A_394, %mul3A_399 : i32
          %add3A_401 = arith.addi %mul3A_152, %mul3A_400 : i32
          %add3A_402 = arith.constant 0 : i32
          %add3A_403 = arith.addi %add3A_401, %add3A_402 : i32
          %get3A_404 = arith.constant 0 : i32
          %get3A_405 = arith.constant 0 : i32
          %get3A_406 = tpu.memref_slice %arg6[%scan3A_57, %get3A_404, %get3A_405] : memref<4x400x64xf32, #tpu.memory_space<vmem>> -> memref<1x400x64xf32, #tpu.memory_space<vmem>>
          %get3A_407 = tpu.memref_squeeze %get3A_406 : memref<1x400x64xf32, #tpu.memory_space<vmem>> -> memref<400x64xf32, #tpu.memory_space<vmem>>
          %get3A_408 = arith.index_cast %add3A_403 : i32 to index
          %get3A_409 = arith.constant 0 : index
          %get3A_410 = tpu.vector_load %get3A_407[%get3A_408, %get3A_409] {strides = array<i32>} : memref<400x64xf32, #tpu.memory_space<vmem>>, vector<1x16xf32>,
          %get3A_411 = vector.shape_cast %get3A_410 : vector<1x16xf32> to vector<16xf32>
          %add3A_412 = arith.addf %scan3A_395, %get3A_411 : vector<16xf32>
          %add3A_413 = arith.constant 0 : i32
          %add3A_414 = arith.addi %add3A_401, %add3A_413 : i32
          %get3A_415 = arith.constant 0 : i32
          %get3A_416 = arith.constant 0 : i32
          %get3A_417 = tpu.memref_slice %arg6[%scan3A_57, %get3A_415, %get3A_416] : memref<4x400x64xf32, #tpu.memory_space<vmem>> -> memref<1x400x64xf32, #tpu.memory_space<vmem>>
          %get3A_418 = tpu.memref_squeeze %get3A_417 : memref<1x400x64xf32, #tpu.memory_space<vmem>> -> memref<400x64xf32, #tpu.memory_space<vmem>>
          %get3A_419 = arith.index_cast %add3A_414 : i32 to index
          %get3A_420 = arith.constant 16 : index
          %get3A_421 = tpu.vector_load %get3A_418[%get3A_419, %get3A_420] {strides = array<i32>} : memref<400x64xf32, #tpu.memory_space<vmem>>, vector<1x16xf32>,
          %get3A_422 = vector.shape_cast %get3A_421 : vector<1x16xf32> to vector<16xf32>
          %add3A_423 = arith.addf %scan3A_396, %get3A_422 : vector<16xf32>
          %add3A_424 = arith.constant 0 : i32
          %add3A_425 = arith.addi %add3A_401, %add3A_424 : i32
          %get3A_426 = arith.constant 0 : i32
          %get3A_427 = arith.constant 0 : i32
          %get3A_428 = tpu.memref_slice %arg6[%scan3A_57, %get3A_426, %get3A_427] : memref<4x400x64xf32, #tpu.memory_space<vmem>> -> memref<1x400x64xf32, #tpu.memory_space<vmem>>
          %get3A_429 = tpu.memref_squeeze %get3A_428 : memref<1x400x64xf32, #tpu.memory_space<vmem>> -> memref<400x64xf32, #tpu.memory_space<vmem>>
          %get3A_430 = arith.index_cast %add3A_425 : i32 to index
          %get3A_431 = arith.constant 32 : index
          %get3A_432 = tpu.vector_load %get3A_429[%get3A_430, %get3A_431] {strides = array<i32>} : memref<400x64xf32, #tpu.memory_space<vmem>>, vector<1x16xf32>,
          %get3A_433 = vector.shape_cast %get3A_432 : vector<1x16xf32> to vector<16xf32>
          %add3A_434 = arith.addf %scan3A_397, %get3A_433 : vector<16xf32>
          %add3A_435 = arith.constant 0 : i32
          %add3A_436 = arith.addi %add3A_401, %add3A_435 : i32
          %get3A_437 = arith.constant 0 : i32
          %get3A_438 = arith.constant 0 : i32
          %get3A_439 = tpu.memref_slice %arg6[%scan3A_57, %get3A_437, %get3A_438] : memref<4x400x64xf32, #tpu.memory_space<vmem>> -> memref<1x400x64xf32, #tpu.memory_space<vmem>>
          %get3A_440 = tpu.memref_squeeze %get3A_439 : memref<1x400x64xf32, #tpu.memory_space<vmem>> -> memref<400x64xf32, #tpu.memory_space<vmem>>
          %get3A_441 = arith.index_cast %add3A_436 : i32 to index
          %get3A_442 = arith.constant 48 : index
          %get3A_443 = tpu.vector_load %get3A_440[%get3A_441, %get3A_442] {strides = array<i32>} : memref<400x64xf32, #tpu.memory_space<vmem>>, vector<1x16xf32>,
          %get3A_444 = vector.shape_cast %get3A_443 : vector<1x16xf32> to vector<16xf32>
          %add3A_445 = arith.addf %scan3A_398, %get3A_444 : vector<16xf32>
          %add3A_446 = arith.constant 1 : i32
          %add3A_447 = arith.addi %add3A_401, %add3A_446 : i32
          %get3A_448 = arith.constant 0 : i32
          %get3A_449 = arith.constant 0 : i32
          %get3A_450 = tpu.memref_slice %arg6[%scan3A_57, %get3A_448, %get3A_449] : memref<4x400x64xf32, #tpu.memory_space<vmem>> -> memref<1x400x64xf32, #tpu.memory_space<vmem>>
          %get3A_451 = tpu.memref_squeeze %get3A_450 : memref<1x400x64xf32, #tpu.memory_space<vmem>> -> memref<400x64xf32, #tpu.memory_space<vmem>>
          %get3A_452 = arith.index_cast %add3A_447 : i32 to index
          %get3A_453 = arith.constant 0 : index
          %get3A_454 = tpu.vector_load %get3A_451[%get3A_452, %get3A_453] {strides = array<i32>} : memref<400x64xf32, #tpu.memory_space<vmem>>, vector<1x16xf32>,
          %get3A_455 = vector.shape_cast %get3A_454 : vector<1x16xf32> to vector<16xf32>
          %add3A_456 = arith.addf %add3A_412, %get3A_455 : vector<16xf32>
          %add3A_457 = arith.constant 1 : i32
          %add3A_458 = arith.addi %add3A_401, %add3A_457 : i32
          %get3A_459 = arith.constant 0 : i32
          %get3A_460 = arith.constant 0 : i32
          %get3A_461 = tpu.memref_slice %arg6[%scan3A_57, %get3A_459, %get3A_460] : memref<4x400x64xf32, #tpu.memory_space<vmem>> -> memref<1x400x64xf32, #tpu.memory_space<vmem>>
          %get3A_462 = tpu.memref_squeeze %get3A_461 : memref<1x400x64xf32, #tpu.memory_space<vmem>> -> memref<400x64xf32, #tpu.memory_space<vmem>>
          %get3A_463 = arith.index_cast %add3A_458 : i32 to index
          %get3A_464 = arith.constant 16 : index
          %get3A_465 = tpu.vector_load %get3A_462[%get3A_463, %get3A_464] {strides = array<i32>} : memref<400x64xf32, #tpu.memory_space<vmem>>, vector<1x16xf32>,
          %get3A_466 = vector.shape_cast %get3A_465 : vector<1x16xf32> to vector<16xf32>
          %add3A_467 = arith.addf %add3A_423, %get3A_466 : vector<16xf32>
          %add3A_468 = arith.constant 1 : i32
          %add3A_469 = arith.addi %add3A_401, %add3A_468 : i32
          %get3A_470 = arith.constant 0 : i32
          %get3A_471 = arith.constant 0 : i32
          %get3A_472 = tpu.memref_slice %arg6[%scan3A_57, %get3A_470, %get3A_471] : memref<4x400x64xf32, #tpu.memory_space<vmem>> -> memref<1x400x64xf32, #tpu.memory_space<vmem>>
          %get3A_473 = tpu.memref_squeeze %get3A_472 : memref<1x400x64xf32, #tpu.memory_space<vmem>> -> memref<400x64xf32, #tpu.memory_space<vmem>>
          %get3A_474 = arith.index_cast %add3A_469 : i32 to index
          %get3A_475 = arith.constant 32 : index
          %get3A_476 = tpu.vector_load %get3A_473[%get3A_474, %get3A_475] {strides = array<i32>} : memref<400x64xf32, #tpu.memory_space<vmem>>, vector<1x16xf32>,
          %get3A_477 = vector.shape_cast %get3A_476 : vector<1x16xf32> to vector<16xf32>
          %add3A_478 = arith.addf %add3A_434, %get3A_477 : vector<16xf32>
          %add3A_479 = arith.constant 1 : i32
          %add3A_480 = arith.addi %add3A_401, %add3A_479 : i32
          %get3A_481 = arith.constant 0 : i32
          %get3A_482 = arith.constant 0 : i32
          %get3A_483 = tpu.memref_slice %arg6[%scan3A_57, %get3A_481, %get3A_482] : memref<4x400x64xf32, #tpu.memory_space<vmem>> -> memref<1x400x64xf32, #tpu.memory_space<vmem>>
          %get3A_484 = tpu.memref_squeeze %get3A_483 : memref<1x400x64xf32, #tpu.memory_space<vmem>> -> memref<400x64xf32, #tpu.memory_space<vmem>>
          %get3A_485 = arith.index_cast %add3A_480 : i32 to index
          %get3A_486 = arith.constant 48 : index
          %get3A_487 = tpu.vector_load %get3A_484[%get3A_485, %get3A_486] {strides = array<i32>} : memref<400x64xf32, #tpu.memory_space<vmem>>, vector<1x16xf32>,
          %get3A_488 = vector.shape_cast %get3A_487 : vector<1x16xf32> to vector<16xf32>
          %add3A_489 = arith.addf %add3A_445, %get3A_488 : vector<16xf32>
          %add3A_490 = arith.constant 2 : i32
          %add3A_491 = arith.addi %add3A_401, %add3A_490 : i32
          %get3A_492 = arith.constant 0 : i32
          %get3A_493 = arith.constant 0 : i32
          %get3A_494 = tpu.memref_slice %arg6[%scan3A_57, %get3A_492, %get3A_493] : memref<4x400x64xf32, #tpu.memory_space<vmem>> -> memref<1x400x64xf32, #tpu.memory_space<vmem>>
          %get3A_495 = tpu.memref_squeeze %get3A_494 : memref<1x400x64xf32, #tpu.memory_space<vmem>> -> memref<400x64xf32, #tpu.memory_space<vmem>>
          %get3A_496 = arith.index_cast %add3A_491 : i32 to index
          %get3A_497 = arith.constant 0 : index
          %get3A_498 = tpu.vector_load %get3A_495[%get3A_496, %get3A_497] {strides = array<i32>} : memref<400x64xf32, #tpu.memory_space<vmem>>, vector<1x16xf32>,
          %get3A_499 = vector.shape_cast %get3A_498 : vector<1x16xf32> to vector<16xf32>
          %add3A_500 = arith.addf %add3A_456, %get3A_499 : vector<16xf32>
          %add3A_501 = arith.constant 2 : i32
          %add3A_502 = arith.addi %add3A_401, %add3A_501 : i32
          %get3A_503 = arith.constant 0 : i32
          %get3A_504 = arith.constant 0 : i32
          %get3A_505 = tpu.memref_slice %arg6[%scan3A_57, %get3A_503, %get3A_504] : memref<4x400x64xf32, #tpu.memory_space<vmem>> -> memref<1x400x64xf32, #tpu.memory_space<vmem>>
          %get3A_506 = tpu.memref_squeeze %get3A_505 : memref<1x400x64xf32, #tpu.memory_space<vmem>> -> memref<400x64xf32, #tpu.memory_space<vmem>>
          %get3A_507 = arith.index_cast %add3A_502 : i32 to index
          %get3A_508 = arith.constant 16 : index
          %get3A_509 = tpu.vector_load %get3A_506[%get3A_507, %get3A_508] {strides = array<i32>} : memref<400x64xf32, #tpu.memory_space<vmem>>, vector<1x16xf32>,
          %get3A_510 = vector.shape_cast %get3A_509 : vector<1x16xf32> to vector<16xf32>
          %add3A_511 = arith.addf %add3A_467, %get3A_510 : vector<16xf32>
          %add3A_512 = arith.constant 2 : i32
          %add3A_513 = arith.addi %add3A_401, %add3A_512 : i32
          %get3A_514 = arith.constant 0 : i32
          %get3A_515 = arith.constant 0 : i32
          %get3A_516 = tpu.memref_slice %arg6[%scan3A_57, %get3A_514, %get3A_515] : memref<4x400x64xf32, #tpu.memory_space<vmem>> -> memref<1x400x64xf32, #tpu.memory_space<vmem>>
          %get3A_517 = tpu.memref_squeeze %get3A_516 : memref<1x400x64xf32, #tpu.memory_space<vmem>> -> memref<400x64xf32, #tpu.memory_space<vmem>>
          %get3A_518 = arith.index_cast %add3A_513 : i32 to index
          %get3A_519 = arith.constant 32 : index
          %get3A_520 = tpu.vector_load %get3A_517[%get3A_518, %get3A_519] {strides = array<i32>} : memref<400x64xf32, #tpu.memory_space<vmem>>, vector<1x16xf32>,
          %get3A_521 = vector.shape_cast %get3A_520 : vector<1x16xf32> to vector<16xf32>
          %add3A_522 = arith.addf %add3A_478, %get3A_521 : vector<16xf32>
          %add3A_523 = arith.constant 2 : i32
          %add3A_524 = arith.addi %add3A_401, %add3A_523 : i32
          %get3A_525 = arith.constant 0 : i32
          %get3A_526 = arith.constant 0 : i32
          %get3A_527 = tpu.memref_slice %arg6[%scan3A_57, %get3A_525, %get3A_526] : memref<4x400x64xf32, #tpu.memory_space<vmem>> -> memref<1x400x64xf32, #tpu.memory_space<vmem>>
          %get3A_528 = tpu.memref_squeeze %get3A_527 : memref<1x400x64xf32, #tpu.memory_space<vmem>> -> memref<400x64xf32, #tpu.memory_space<vmem>>
          %get3A_529 = arith.index_cast %add3A_524 : i32 to index
          %get3A_530 = arith.constant 48 : index
          %get3A_531 = tpu.vector_load %get3A_528[%get3A_529, %get3A_530] {strides = array<i32>} : memref<400x64xf32, #tpu.memory_space<vmem>>, vector<1x16xf32>,
          %get3A_532 = vector.shape_cast %get3A_531 : vector<1x16xf32> to vector<16xf32>
          %add3A_533 = arith.addf %add3A_489, %get3A_532 : vector<16xf32>
          %add3A_534 = arith.constant 3 : i32
          %add3A_535 = arith.addi %add3A_401, %add3A_534 : i32
          %get3A_536 = arith.constant 0 : i32
          %get3A_537 = arith.constant 0 : i32
          %get3A_538 = tpu.memref_slice %arg6[%scan3A_57, %get3A_536, %get3A_537] : memref<4x400x64xf32, #tpu.memory_space<vmem>> -> memref<1x400x64xf32, #tpu.memory_space<vmem>>
          %get3A_539 = tpu.memref_squeeze %get3A_538 : memref<1x400x64xf32, #tpu.memory_space<vmem>> -> memref<400x64xf32, #tpu.memory_space<vmem>>
          %get3A_540 = arith.index_cast %add3A_535 : i32 to index
          %get3A_541 = arith.constant 0 : index
          %get3A_542 = tpu.vector_load %get3A_539[%get3A_540, %get3A_541] {strides = array<i32>} : memref<400x64xf32, #tpu.memory_space<vmem>>, vector<1x16xf32>,
          %get3A_543 = vector.shape_cast %get3A_542 : vector<1x16xf32> to vector<16xf32>
          %add3A_544 = arith.addf %add3A_500, %get3A_543 : vector<16xf32>
          %add3A_545 = arith.constant 3 : i32
          %add3A_546 = arith.addi %add3A_401, %add3A_545 : i32
          %get3A_547 = arith.constant 0 : i32
          %get3A_548 = arith.constant 0 : i32
          %get3A_549 = tpu.memref_slice %arg6[%scan3A_57, %get3A_547, %get3A_548] : memref<4x400x64xf32, #tpu.memory_space<vmem>> -> memref<1x400x64xf32, #tpu.memory_space<vmem>>
          %get3A_550 = tpu.memref_squeeze %get3A_549 : memref<1x400x64xf32, #tpu.memory_space<vmem>> -> memref<400x64xf32, #tpu.memory_space<vmem>>
          %get3A_551 = arith.index_cast %add3A_546 : i32 to index
          %get3A_552 = arith.constant 16 : index
          %get3A_553 = tpu.vector_load %get3A_550[%get3A_551, %get3A_552] {strides = array<i32>} : memref<400x64xf32, #tpu.memory_space<vmem>>, vector<1x16xf32>,
          %get3A_554 = vector.shape_cast %get3A_553 : vector<1x16xf32> to vector<16xf32>
          %add3A_555 = arith.addf %add3A_511, %get3A_554 : vector<16xf32>
          %add3A_556 = arith.constant 3 : i32
          %add3A_557 = arith.addi %add3A_401, %add3A_556 : i32
          %get3A_558 = arith.constant 0 : i32
          %get3A_559 = arith.constant 0 : i32
          %get3A_560 = tpu.memref_slice %arg6[%scan3A_57, %get3A_558, %get3A_559] : memref<4x400x64xf32, #tpu.memory_space<vmem>> -> memref<1x400x64xf32, #tpu.memory_space<vmem>>
          %get3A_561 = tpu.memref_squeeze %get3A_560 : memref<1x400x64xf32, #tpu.memory_space<vmem>> -> memref<400x64xf32, #tpu.memory_space<vmem>>
          %get3A_562 = arith.index_cast %add3A_557 : i32 to index
          %get3A_563 = arith.constant 32 : index
          %get3A_564 = tpu.vector_load %get3A_561[%get3A_562, %get3A_563] {strides = array<i32>} : memref<400x64xf32, #tpu.memory_space<vmem>>, vector<1x16xf32>,
          %get3A_565 = vector.shape_cast %get3A_564 : vector<1x16xf32> to vector<16xf32>
          %add3A_566 = arith.addf %add3A_522, %get3A_565 : vector<16xf32>
          %add3A_567 = arith.constant 3 : i32
          %add3A_568 = arith.addi %add3A_401, %add3A_567 : i32
          %get3A_569 = arith.constant 0 : i32
          %get3A_570 = arith.constant 0 : i32
          %get3A_571 = tpu.memref_slice %arg6[%scan3A_57, %get3A_569, %get3A_570] : memref<4x400x64xf32, #tpu.memory_space<vmem>> -> memref<1x400x64xf32, #tpu.memory_space<vmem>>
          %get3A_572 = tpu.memref_squeeze %get3A_571 : memref<1x400x64xf32, #tpu.memory_space<vmem>> -> memref<400x64xf32, #tpu.memory_space<vmem>>
          %get3A_573 = arith.index_cast %add3A_568 : i32 to index
          %get3A_574 = arith.constant 48 : index
          %get3A_575 = tpu.vector_load %get3A_572[%get3A_573, %get3A_574] {strides = array<i32>} : memref<400x64xf32, #tpu.memory_space<vmem>>, vector<1x16xf32>,
          %get3A_576 = vector.shape_cast %get3A_575 : vector<1x16xf32> to vector<16xf32>
          %add3A_577 = arith.addf %add3A_533, %get3A_576 : vector<16xf32>
          %add3A_578 = arith.constant 4 : i32
          %add3A_579 = arith.addi %add3A_401, %add3A_578 : i32
          %get3A_580 = arith.constant 0 : i32
          %get3A_581 = arith.constant 0 : i32
          %get3A_582 = tpu.memref_slice %arg6[%scan3A_57, %get3A_580, %get3A_581] : memref<4x400x64xf32, #tpu.memory_space<vmem>> -> memref<1x400x64xf32, #tpu.memory_space<vmem>>
          %get3A_583 = tpu.memref_squeeze %get3A_582 : memref<1x400x64xf32, #tpu.memory_space<vmem>> -> memref<400x64xf32, #tpu.memory_space<vmem>>
          %get3A_584 = arith.index_cast %add3A_579 : i32 to index
          %get3A_585 = arith.constant 0 : index
          %get3A_586 = tpu.vector_load %get3A_583[%get3A_584, %get3A_585] {strides = array<i32>} : memref<400x64xf32, #tpu.memory_space<vmem>>, vector<1x16xf32>,
          %get3A_587 = vector.shape_cast %get3A_586 : vector<1x16xf32> to vector<16xf32>
          %add3A_588 = arith.addf %add3A_544, %get3A_587 : vector<16xf32>
          %add3A_589 = arith.constant 4 : i32
          %add3A_590 = arith.addi %add3A_401, %add3A_589 : i32
          %get3A_591 = arith.constant 0 : i32
          %get3A_592 = arith.constant 0 : i32
          %get3A_593 = tpu.memref_slice %arg6[%scan3A_57, %get3A_591, %get3A_592] : memref<4x400x64xf32, #tpu.memory_space<vmem>> -> memref<1x400x64xf32, #tpu.memory_space<vmem>>
          %get3A_594 = tpu.memref_squeeze %get3A_593 : memref<1x400x64xf32, #tpu.memory_space<vmem>> -> memref<400x64xf32, #tpu.memory_space<vmem>>
          %get3A_595 = arith.index_cast %add3A_590 : i32 to index
          %get3A_596 = arith.constant 16 : index
          %get3A_597 = tpu.vector_load %get3A_594[%get3A_595, %get3A_596] {strides = array<i32>} : memref<400x64xf32, #tpu.memory_space<vmem>>, vector<1x16xf32>,
          %get3A_598 = vector.shape_cast %get3A_597 : vector<1x16xf32> to vector<16xf32>
          %add3A_599 = arith.addf %add3A_555, %get3A_598 : vector<16xf32>
          %add3A_600 = arith.constant 4 : i32
          %add3A_601 = arith.addi %add3A_401, %add3A_600 : i32
          %get3A_602 = arith.constant 0 : i32
          %get3A_603 = arith.constant 0 : i32
          %get3A_604 = tpu.memref_slice %arg6[%scan3A_57, %get3A_602, %get3A_603] : memref<4x400x64xf32, #tpu.memory_space<vmem>> -> memref<1x400x64xf32, #tpu.memory_space<vmem>>
          %get3A_605 = tpu.memref_squeeze %get3A_604 : memref<1x400x64xf32, #tpu.memory_space<vmem>> -> memref<400x64xf32, #tpu.memory_space<vmem>>
          %get3A_606 = arith.index_cast %add3A_601 : i32 to index
          %get3A_607 = arith.constant 32 : index
          %get3A_608 = tpu.vector_load %get3A_605[%get3A_606, %get3A_607] {strides = array<i32>} : memref<400x64xf32, #tpu.memory_space<vmem>>, vector<1x16xf32>,
          %get3A_609 = vector.shape_cast %get3A_608 : vector<1x16xf32> to vector<16xf32>
          %add3A_610 = arith.addf %add3A_566, %get3A_609 : vector<16xf32>
          %add3A_611 = arith.constant 4 : i32
          %add3A_612 = arith.addi %add3A_401, %add3A_611 : i32
          %get3A_613 = arith.constant 0 : i32
          %get3A_614 = arith.constant 0 : i32
          %get3A_615 = tpu.memref_slice %arg6[%scan3A_57, %get3A_613, %get3A_614] : memref<4x400x64xf32, #tpu.memory_space<vmem>> -> memref<1x400x64xf32, #tpu.memory_space<vmem>>
          %get3A_616 = tpu.memref_squeeze %get3A_615 : memref<1x400x64xf32, #tpu.memory_space<vmem>> -> memref<400x64xf32, #tpu.memory_space<vmem>>
          %get3A_617 = arith.index_cast %add3A_612 : i32 to index
          %get3A_618 = arith.constant 48 : index
          %get3A_619 = tpu.vector_load %get3A_616[%get3A_617, %get3A_618] {strides = array<i32>} : memref<400x64xf32, #tpu.memory_space<vmem>>, vector<1x16xf32>,
          %get3A_620 = vector.shape_cast %get3A_619 : vector<1x16xf32> to vector<16xf32>
          %add3A_621 = arith.addf %add3A_577, %get3A_620 : vector<16xf32>
          scf.yield %add3A_588, %add3A_599, %add3A_610, %add3A_621 : vector<16xf32>, vector<16xf32>, vector<16xf32>, vector<16xf32>
        }
        %scan3A_365 = arith.constant 9 : i32
        %mul3A_366 = arith.constant 8 : i32
        %mul3A_367 = arith.muli %add3A_42, %mul3A_366 : i32
        %add3A_368 = arith.addi %mul3A_367, %scan3A_150 : i32
        %mul3A_369 = arith.constant 64 : i32
        %mul3A_370 = arith.muli %add3A_368, %mul3A_369 : i32
        %add3A_371 = arith.constant 0 : i32
        %add3A_372 = arith.addi %mul3A_370, %add3A_371 : i32
        %swap3A = arith.index_cast %add3A_372 : i32 to index
        %swap3A_373 = tpu.vector_load %arg7[%swap3A] {strides = array<i32>} : memref<8192xf32, #tpu.memory_space<vmem>>, vector<16xf32>,
        %swap3A_374 = vector.shape_cast %swap3A_373 : vector<16xf32> to vector<16xf32>
        %swap3A_375 = vector.shape_cast %scan3A_364#0 : vector<16xf32> to vector<16xf32>
        tpu.vector_store %arg7[%swap3A], %swap3A_375 {strides = array<i32>} : memref<8192xf32, #tpu.memory_space<vmem>>, vector<16xf32>,
        %add3A_376 = arith.constant 16 : i32
        %add3A_377 = arith.addi %mul3A_370, %add3A_376 : i32
        %swap3A_378 = arith.index_cast %add3A_377 : i32 to index
        %swap3A_379 = tpu.vector_load %arg7[%swap3A_378] {strides = array<i32>} : memref<8192xf32, #tpu.memory_space<vmem>>, vector<16xf32>,
        %swap3A_380 = vector.shape_cast %swap3A_379 : vector<16xf32> to vector<16xf32>
        %swap3A_381 = vector.shape_cast %scan3A_364#1 : vector<16xf32> to vector<16xf32>
        tpu.vector_store %arg7[%swap3A_378], %swap3A_381 {strides = array<i32>} : memref<8192xf32, #tpu.memory_space<vmem>>, vector<16xf32>,
        %add3A_382 = arith.constant 32 : i32
        %add3A_383 = arith.addi %mul3A_370, %add3A_382 : i32
        %swap3A_384 = arith.index_cast %add3A_383 : i32 to index
        %swap3A_385 = tpu.vector_load %arg7[%swap3A_384] {strides = array<i32>} : memref<8192xf32, #tpu.memory_space<vmem>>, vector<16xf32>,
        %swap3A_386 = vector.shape_cast %swap3A_385 : vector<16xf32> to vector<16xf32>
        %swap3A_387 = vector.shape_cast %scan3A_364#2 : vector<16xf32> to vector<16xf32>
        tpu.vector_store %arg7[%swap3A_384], %swap3A_387 {strides = array<i32>} : memref<8192xf32, #tpu.memory_space<vmem>>, vector<16xf32>,
        %add3A_388 = arith.constant 48 : i32
        %add3A_389 = arith.addi %mul3A_370, %add3A_388 : i32
        %swap3A_390 = arith.index_cast %add3A_389 : i32 to index
        %swap3A_391 = tpu.vector_load %arg7[%swap3A_390] {strides = array<i32>} : memref<8192xf32, #tpu.memory_space<vmem>>, vector<16xf32>,
        %swap3A_392 = vector.shape_cast %swap3A_391 : vector<16xf32> to vector<16xf32>
        %swap3A_393 = vector.shape_cast %scan3A_364#3 : vector<16xf32> to vector<16xf32>
        tpu.vector_store %arg7[%swap3A_390], %swap3A_393 {strides = array<i32>} : memref<8192xf32, #tpu.memory_space<vmem>>, vector<16xf32>,
      }
      %scan3A_62 = arith.constant 8 : i32
      %mul3A_63 = arith.constant 4 : i32
      %mul3A_64 = arith.muli %scan3A_38, %mul3A_63 : i32
      %add3A_65 = arith.constant 1 : i32
      %add3A_66 = arith.addi %mul3A_64, %add3A_65 : i32
      %dma_wait3A_67 = arith.constant 1 : i32
      %dma_wait3A_68 = arith.constant 0 : i32
      %dma_wait3A_69 = arith.constant 0 : i32
      %dma_wait3A_70 = tpu.memref_slice %arg6[%dma_wait3A_67, %dma_wait3A_68, %dma_wait3A_69] : memref<4x400x64xf32, #tpu.memory_space<vmem>> -> memref<1x400x64xf32, #tpu.memory_space<vmem>>
      %dma_wait3A_71 = tpu.memref_squeeze %dma_wait3A_70 : memref<1x400x64xf32, #tpu.memory_space<vmem>> -> memref<400x64xf32, #tpu.memory_space<vmem>>
      %dma_wait3A_72 = arith.constant 0 : i32
      %dma_wait3A_73 = tpu.memref_slice %arg5[%dma_wait3A_72] : memref<6400xi32, #tpu.memory_space<vmem>> -> memref<400xi32, #tpu.memory_space<vmem>>
      %dma_wait3A_74 = arith.constant 0 : i32
      %dma_wait3A_75 = arith.constant 0 : i32
      %dma_wait3A_76 = tpu.memref_slice %arg3[%dma_wait3A_74, %dma_wait3A_75] : memref<200000x64xf32, #tpu.memory_space<hbm>> -> memref<200000x64xf32, #tpu.memory_space<hbm>>
      tpu.wait_indirect_dma semaphore(%arg9 : memref<!tpu.dma_semaphore, #tpu.memory_space<semaphore_mem>>) src(%dma_wait3A_76 : memref<200000x64xf32, #tpu.memory_space<hbm>>) dst(%dma_wait3A_71 : memref<400x64xf32, #tpu.memory_space<vmem>>)
      %add3A_77 = arith.constant 4 : i32
      %add3A_78 = arith.addi %add3A_66, %add3A_77 : i32
      %sub3A_79 = arith.constant 1 : i32
      %sub3A_80 = arith.subi %add3A_78, %sub3A_79 : i32
      %lt3A_81 = arith.constant 16 : i32
      %lt3A_82 = arith.cmpi slt, %sub3A_80, %lt3A_81 : i32
      %convert_element_type3A_83 = arith.extui %lt3A_82 : i1 to i32
      %cond3A_84 = arith.constant 0 : i32
      %cond3A_85 = arith.cmpi ne, %convert_element_type3A_83, %cond3A_84 : i32
      scf.if %cond3A_85 {
        %mul3A_150 = arith.constant 400 : i32
        %mul3A_151 = arith.muli %sub3A_80, %mul3A_150 : i32
        %dma_start3A_152 = arith.constant 0 : i32
        %dma_start3A_153 = arith.constant 0 : i32
        %dma_start3A_154 = arith.constant 0 : i32
        %dma_start3A_155 = tpu.memref_slice %arg6[%dma_start3A_152, %dma_start3A_153, %dma_start3A_154] : memref<4x400x64xf32, #tpu.memory_space<vmem>> -> memref<1x400x64xf32, #tpu.memory_space<vmem>>
        %dma_start3A_156 = tpu.memref_squeeze %dma_start3A_155 : memref<1x400x64xf32, #tpu.memory_space<vmem>> -> memref<400x64xf32, #tpu.memory_space<vmem>>
        %dma_start3A_157 = tpu.memref_slice %arg5[%mul3A_151] : memref<6400xi32, #tpu.memory_space<vmem>> -> memref<400xi32, #tpu.memory_space<vmem>>
        %dma_start3A_158 = arith.constant 0 : i32
        %dma_start3A_159 = arith.constant 0 : i32
        %dma_start3A_160 = tpu.memref_slice %arg3[%dma_start3A_158, %dma_start3A_159] : memref<200000x64xf32, #tpu.memory_space<hbm>> -> memref<200000x64xf32, #tpu.memory_space<hbm>>
        tpu.enqueue_indirect_dma source(%dma_start3A_160 : memref<200000x64xf32, #tpu.memory_space<hbm>>) target(%dma_start3A_156 : memref<400x64xf32, #tpu.memory_space<vmem>>) offsets(%dma_start3A_157 : memref<400xi32, #tpu.memory_space<vmem>>) semaphore(%arg8 : memref<!tpu.dma_semaphore, #tpu.memory_space<semaphore_mem>>)
      } else {
      }
      %scan3A_86 = arith.constant 1 : i32
      %scan3A_87 = arith.constant 0 : i32
      %scan3A_88 = arith.constant 8 : i32
      %scan3A_89 = arith.addi %scan3A_87, %scan3A_88 : i32
      %scan3A_90 = arith.constant 1 : i32
      scf.for %scan3A_150 = %scan3A_87 to %scan3A_89 step %scan3A_90  : i32 {
        %mul3A_151 = arith.constant 50 : i32
        %mul3A_152 = arith.muli %scan3A_150, %mul3A_151 : i32
        %get3A = arith.constant 0 : i32
        %get3A_153 = arith.constant 0 : i32
        %get3A_154 = tpu.memref_slice %arg6[%scan3A_86, %get3A, %get3A_153] : memref<4x400x64xf32, #tpu.memory_space<vmem>> -> memref<1x400x64xf32, #tpu.memory_space<vmem>>
        %get3A_155 = tpu.memref_squeeze %get3A_154 : memref<1x400x64xf32, #tpu.memory_space<vmem>> -> memref<400x64xf32, #tpu.memory_space<vmem>>
        %get3A_156 = arith.index_cast %mul3A_152 : i32 to index
        %get3A_157 = arith.constant 0 : index
        %get3A_158 = tpu.vector_load %get3A_155[%get3A_156, %get3A_157] {strides = array<i32>} : memref<400x64xf32, #tpu.memory_space<vmem>>, vector<1x16xf32>,
        %get3A_159 = vector.shape_cast %get3A_158 : vector<1x16xf32> to vector<16xf32>
        %get3A_160 = arith.constant 0 : i32
        %get3A_161 = arith.constant 0 : i32
        %get3A_162 = tpu.memref_slice %arg6[%scan3A_86, %get3A_160, %get3A_161] : memref<4x400x64xf32, #tpu.memory_space<vmem>> -> memref<1x400x64xf32, #tpu.memory_space<vmem>>
        %get3A_163 = tpu.memref_squeeze %get3A_162 : memref<1x400x64xf32, #tpu.memory_space<vmem>> -> memref<400x64xf32, #tpu.memory_space<vmem>>
        %get3A_164 = arith.index_cast %mul3A_152 : i32 to index
        %get3A_165 = arith.constant 16 : index
        %get3A_166 = tpu.vector_load %get3A_163[%get3A_164, %get3A_165] {strides = array<i32>} : memref<400x64xf32, #tpu.memory_space<vmem>>, vector<1x16xf32>,
        %get3A_167 = vector.shape_cast %get3A_166 : vector<1x16xf32> to vector<16xf32>
        %get3A_168 = arith.constant 0 : i32
        %get3A_169 = arith.constant 0 : i32
        %get3A_170 = tpu.memref_slice %arg6[%scan3A_86, %get3A_168, %get3A_169] : memref<4x400x64xf32, #tpu.memory_space<vmem>> -> memref<1x400x64xf32, #tpu.memory_space<vmem>>
        %get3A_171 = tpu.memref_squeeze %get3A_170 : memref<1x400x64xf32, #tpu.memory_space<vmem>> -> memref<400x64xf32, #tpu.memory_space<vmem>>
        %get3A_172 = arith.index_cast %mul3A_152 : i32 to index
        %get3A_173 = arith.constant 32 : index
        %get3A_174 = tpu.vector_load %get3A_171[%get3A_172, %get3A_173] {strides = array<i32>} : memref<400x64xf32, #tpu.memory_space<vmem>>, vector<1x16xf32>,
        %get3A_175 = vector.shape_cast %get3A_174 : vector<1x16xf32> to vector<16xf32>
        %get3A_176 = arith.constant 0 : i32
        %get3A_177 = arith.constant 0 : i32
        %get3A_178 = tpu.memref_slice %arg6[%scan3A_86, %get3A_176, %get3A_177] : memref<4x400x64xf32, #tpu.memory_space<vmem>> -> memref<1x400x64xf32, #tpu.memory_space<vmem>>
        %get3A_179 = tpu.memref_squeeze %get3A_178 : memref<1x400x64xf32, #tpu.memory_space<vmem>> -> memref<400x64xf32, #tpu.memory_space<vmem>>
        %get3A_180 = arith.index_cast %mul3A_152 : i32 to index
        %get3A_181 = arith.constant 48 : index
        %get3A_182 = tpu.vector_load %get3A_179[%get3A_180, %get3A_181] {strides = array<i32>} : memref<400x64xf32, #tpu.memory_space<vmem>>, vector<1x16xf32>,
        %get3A_183 = vector.shape_cast %get3A_182 : vector<1x16xf32> to vector<16xf32>
        %add3A_184 = arith.constant 1 : i32
        %add3A_185 = arith.addi %mul3A_152, %add3A_184 : i32
        %get3A_186 = arith.constant 0 : i32
        %get3A_187 = arith.constant 0 : i32
        %get3A_188 = tpu.memref_slice %arg6[%scan3A_86, %get3A_186, %get3A_187] : memref<4x400x64xf32, #tpu.memory_space<vmem>> -> memref<1x400x64xf32, #tpu.memory_space<vmem>>
        %get3A_189 = tpu.memref_squeeze %get3A_188 : memref<1x400x64xf32, #tpu.memory_space<vmem>> -> memref<400x64xf32, #tpu.memory_space<vmem>>
        %get3A_190 = arith.index_cast %add3A_185 : i32 to index
        %get3A_191 = arith.constant 0 : index
        %get3A_192 = tpu.vector_load %get3A_189[%get3A_190, %get3A_191] {strides = array<i32>} : memref<400x64xf32, #tpu.memory_space<vmem>>, vector<1x16xf32>,
        %get3A_193 = vector.shape_cast %get3A_192 : vector<1x16xf32> to vector<16xf32>
        %add3A_194 = arith.addf %get3A_159, %get3A_193 : vector<16xf32>
        %add3A_195 = arith.constant 1 : i32
        %add3A_196 = arith.addi %mul3A_152, %add3A_195 : i32
        %get3A_197 = arith.constant 0 : i32
        %get3A_198 = arith.constant 0 : i32
        %get3A_199 = tpu.memref_slice %arg6[%scan3A_86, %get3A_197, %get3A_198] : memref<4x400x64xf32, #tpu.memory_space<vmem>> -> memref<1x400x64xf32, #tpu.memory_space<vmem>>
        %get3A_200 = tpu.memref_squeeze %get3A_199 : memref<1x400x64xf32, #tpu.memory_space<vmem>> -> memref<400x64xf32, #tpu.memory_space<vmem>>
        %get3A_201 = arith.index_cast %add3A_196 : i32 to index
        %get3A_202 = arith.constant 16 : index
        %get3A_203 = tpu.vector_load %get3A_200[%get3A_201, %get3A_202] {strides = array<i32>} : memref<400x64xf32, #tpu.memory_space<vmem>>, vector<1x16xf32>,
        %get3A_204 = vector.shape_cast %get3A_203 : vector<1x16xf32> to vector<16xf32>
        %add3A_205 = arith.addf %get3A_167, %get3A_204 : vector<16xf32>
        %add3A_206 = arith.constant 1 : i32
        %add3A_207 = arith.addi %mul3A_152, %add3A_206 : i32
        %get3A_208 = arith.constant 0 : i32
        %get3A_209 = arith.constant 0 : i32
        %get3A_210 = tpu.memref_slice %arg6[%scan3A_86, %get3A_208, %get3A_209] : memref<4x400x64xf32, #tpu.memory_space<vmem>> -> memref<1x400x64xf32, #tpu.memory_space<vmem>>
        %get3A_211 = tpu.memref_squeeze %get3A_210 : memref<1x400x64xf32, #tpu.memory_space<vmem>> -> memref<400x64xf32, #tpu.memory_space<vmem>>
        %get3A_212 = arith.index_cast %add3A_207 : i32 to index
        %get3A_213 = arith.constant 32 : index
        %get3A_214 = tpu.vector_load %get3A_211[%get3A_212, %get3A_213] {strides = array<i32>} : memref<400x64xf32, #tpu.memory_space<vmem>>, vector<1x16xf32>,
        %get3A_215 = vector.shape_cast %get3A_214 : vector<1x16xf32> to vector<16xf32>
        %add3A_216 = arith.addf %get3A_175, %get3A_215 : vector<16xf32>
        %add3A_217 = arith.constant 1 : i32
        %add3A_218 = arith.addi %mul3A_152, %add3A_217 : i32
        %get3A_219 = arith.constant 0 : i32
        %get3A_220 = arith.constant 0 : i32
        %get3A_221 = tpu.memref_slice %arg6[%scan3A_86, %get3A_219, %get3A_220] : memref<4x400x64xf32, #tpu.memory_space<vmem>> -> memref<1x400x64xf32, #tpu.memory_space<vmem>>
        %get3A_222 = tpu.memref_squeeze %get3A_221 : memref<1x400x64xf32, #tpu.memory_space<vmem>> -> memref<400x64xf32, #tpu.memory_space<vmem>>
        %get3A_223 = arith.index_cast %add3A_218 : i32 to index
        %get3A_224 = arith.constant 48 : index
        %get3A_225 = tpu.vector_load %get3A_222[%get3A_223, %get3A_224] {strides = array<i32>} : memref<400x64xf32, #tpu.memory_space<vmem>>, vector<1x16xf32>,
        %get3A_226 = vector.shape_cast %get3A_225 : vector<1x16xf32> to vector<16xf32>
        %add3A_227 = arith.addf %get3A_183, %get3A_226 : vector<16xf32>
        %add3A_228 = arith.constant 2 : i32
        %add3A_229 = arith.addi %mul3A_152, %add3A_228 : i32
        %get3A_230 = arith.constant 0 : i32
        %get3A_231 = arith.constant 0 : i32
        %get3A_232 = tpu.memref_slice %arg6[%scan3A_86, %get3A_230, %get3A_231] : memref<4x400x64xf32, #tpu.memory_space<vmem>> -> memref<1x400x64xf32, #tpu.memory_space<vmem>>
        %get3A_233 = tpu.memref_squeeze %get3A_232 : memref<1x400x64xf32, #tpu.memory_space<vmem>> -> memref<400x64xf32, #tpu.memory_space<vmem>>
        %get3A_234 = arith.index_cast %add3A_229 : i32 to index
        %get3A_235 = arith.constant 0 : index
        %get3A_236 = tpu.vector_load %get3A_233[%get3A_234, %get3A_235] {strides = array<i32>} : memref<400x64xf32, #tpu.memory_space<vmem>>, vector<1x16xf32>,
        %get3A_237 = vector.shape_cast %get3A_236 : vector<1x16xf32> to vector<16xf32>
        %add3A_238 = arith.addf %add3A_194, %get3A_237 : vector<16xf32>
        %add3A_239 = arith.constant 2 : i32
        %add3A_240 = arith.addi %mul3A_152, %add3A_239 : i32
        %get3A_241 = arith.constant 0 : i32
        %get3A_242 = arith.constant 0 : i32
        %get3A_243 = tpu.memref_slice %arg6[%scan3A_86, %get3A_241, %get3A_242] : memref<4x400x64xf32, #tpu.memory_space<vmem>> -> memref<1x400x64xf32, #tpu.memory_space<vmem>>
        %get3A_244 = tpu.memref_squeeze %get3A_243 : memref<1x400x64xf32, #tpu.memory_space<vmem>> -> memref<400x64xf32, #tpu.memory_space<vmem>>
        %get3A_245 = arith.index_cast %add3A_240 : i32 to index
        %get3A_246 = arith.constant 16 : index
        %get3A_247 = tpu.vector_load %get3A_244[%get3A_245, %get3A_246] {strides = array<i32>} : memref<400x64xf32, #tpu.memory_space<vmem>>, vector<1x16xf32>,
        %get3A_248 = vector.shape_cast %get3A_247 : vector<1x16xf32> to vector<16xf32>
        %add3A_249 = arith.addf %add3A_205, %get3A_248 : vector<16xf32>
        %add3A_250 = arith.constant 2 : i32
        %add3A_251 = arith.addi %mul3A_152, %add3A_250 : i32
        %get3A_252 = arith.constant 0 : i32
        %get3A_253 = arith.constant 0 : i32
        %get3A_254 = tpu.memref_slice %arg6[%scan3A_86, %get3A_252, %get3A_253] : memref<4x400x64xf32, #tpu.memory_space<vmem>> -> memref<1x400x64xf32, #tpu.memory_space<vmem>>
        %get3A_255 = tpu.memref_squeeze %get3A_254 : memref<1x400x64xf32, #tpu.memory_space<vmem>> -> memref<400x64xf32, #tpu.memory_space<vmem>>
        %get3A_256 = arith.index_cast %add3A_251 : i32 to index
        %get3A_257 = arith.constant 32 : index
        %get3A_258 = tpu.vector_load %get3A_255[%get3A_256, %get3A_257] {strides = array<i32>} : memref<400x64xf32, #tpu.memory_space<vmem>>, vector<1x16xf32>,
        %get3A_259 = vector.shape_cast %get3A_258 : vector<1x16xf32> to vector<16xf32>
        %add3A_260 = arith.addf %add3A_216, %get3A_259 : vector<16xf32>
        %add3A_261 = arith.constant 2 : i32
        %add3A_262 = arith.addi %mul3A_152, %add3A_261 : i32
        %get3A_263 = arith.constant 0 : i32
        %get3A_264 = arith.constant 0 : i32
        %get3A_265 = tpu.memref_slice %arg6[%scan3A_86, %get3A_263, %get3A_264] : memref<4x400x64xf32, #tpu.memory_space<vmem>> -> memref<1x400x64xf32, #tpu.memory_space<vmem>>
        %get3A_266 = tpu.memref_squeeze %get3A_265 : memref<1x400x64xf32, #tpu.memory_space<vmem>> -> memref<400x64xf32, #tpu.memory_space<vmem>>
        %get3A_267 = arith.index_cast %add3A_262 : i32 to index
        %get3A_268 = arith.constant 48 : index
        %get3A_269 = tpu.vector_load %get3A_266[%get3A_267, %get3A_268] {strides = array<i32>} : memref<400x64xf32, #tpu.memory_space<vmem>>, vector<1x16xf32>,
        %get3A_270 = vector.shape_cast %get3A_269 : vector<1x16xf32> to vector<16xf32>
        %add3A_271 = arith.addf %add3A_227, %get3A_270 : vector<16xf32>
        %add3A_272 = arith.constant 3 : i32
        %add3A_273 = arith.addi %mul3A_152, %add3A_272 : i32
        %get3A_274 = arith.constant 0 : i32
        %get3A_275 = arith.constant 0 : i32
        %get3A_276 = tpu.memref_slice %arg6[%scan3A_86, %get3A_274, %get3A_275] : memref<4x400x64xf32, #tpu.memory_space<vmem>> -> memref<1x400x64xf32, #tpu.memory_space<vmem>>
        %get3A_277 = tpu.memref_squeeze %get3A_276 : memref<1x400x64xf32, #tpu.memory_space<vmem>> -> memref<400x64xf32, #tpu.memory_space<vmem>>
        %get3A_278 = arith.index_cast %add3A_273 : i32 to index
        %get3A_279 = arith.constant 0 : index
        %get3A_280 = tpu.vector_load %get3A_277[%get3A_278, %get3A_279] {strides = array<i32>} : memref<400x64xf32, #tpu.memory_space<vmem>>, vector<1x16xf32>,
        %get3A_281 = vector.shape_cast %get3A_280 : vector<1x16xf32> to vector<16xf32>
        %add3A_282 = arith.addf %add3A_238, %get3A_281 : vector<16xf32>
        %add3A_283 = arith.constant 3 : i32
        %add3A_284 = arith.addi %mul3A_152, %add3A_283 : i32
        %get3A_285 = arith.constant 0 : i32
        %get3A_286 = arith.constant 0 : i32
        %get3A_287 = tpu.memref_slice %arg6[%scan3A_86, %get3A_285, %get3A_286] : memref<4x400x64xf32, #tpu.memory_space<vmem>> -> memref<1x400x64xf32, #tpu.memory_space<vmem>>
        %get3A_288 = tpu.memref_squeeze %get3A_287 : memref<1x400x64xf32, #tpu.memory_space<vmem>> -> memref<400x64xf32, #tpu.memory_space<vmem>>
        %get3A_289 = arith.index_cast %add3A_284 : i32 to index
        %get3A_290 = arith.constant 16 : index
        %get3A_291 = tpu.vector_load %get3A_288[%get3A_289, %get3A_290] {strides = array<i32>} : memref<400x64xf32, #tpu.memory_space<vmem>>, vector<1x16xf32>,
        %get3A_292 = vector.shape_cast %get3A_291 : vector<1x16xf32> to vector<16xf32>
        %add3A_293 = arith.addf %add3A_249, %get3A_292 : vector<16xf32>
        %add3A_294 = arith.constant 3 : i32
        %add3A_295 = arith.addi %mul3A_152, %add3A_294 : i32
        %get3A_296 = arith.constant 0 : i32
        %get3A_297 = arith.constant 0 : i32
        %get3A_298 = tpu.memref_slice %arg6[%scan3A_86, %get3A_296, %get3A_297] : memref<4x400x64xf32, #tpu.memory_space<vmem>> -> memref<1x400x64xf32, #tpu.memory_space<vmem>>
        %get3A_299 = tpu.memref_squeeze %get3A_298 : memref<1x400x64xf32, #tpu.memory_space<vmem>> -> memref<400x64xf32, #tpu.memory_space<vmem>>
        %get3A_300 = arith.index_cast %add3A_295 : i32 to index
        %get3A_301 = arith.constant 32 : index
        %get3A_302 = tpu.vector_load %get3A_299[%get3A_300, %get3A_301] {strides = array<i32>} : memref<400x64xf32, #tpu.memory_space<vmem>>, vector<1x16xf32>,
        %get3A_303 = vector.shape_cast %get3A_302 : vector<1x16xf32> to vector<16xf32>
        %add3A_304 = arith.addf %add3A_260, %get3A_303 : vector<16xf32>
        %add3A_305 = arith.constant 3 : i32
        %add3A_306 = arith.addi %mul3A_152, %add3A_305 : i32
        %get3A_307 = arith.constant 0 : i32
        %get3A_308 = arith.constant 0 : i32
        %get3A_309 = tpu.memref_slice %arg6[%scan3A_86, %get3A_307, %get3A_308] : memref<4x400x64xf32, #tpu.memory_space<vmem>> -> memref<1x400x64xf32, #tpu.memory_space<vmem>>
        %get3A_310 = tpu.memref_squeeze %get3A_309 : memref<1x400x64xf32, #tpu.memory_space<vmem>> -> memref<400x64xf32, #tpu.memory_space<vmem>>
        %get3A_311 = arith.index_cast %add3A_306 : i32 to index
        %get3A_312 = arith.constant 48 : index
        %get3A_313 = tpu.vector_load %get3A_310[%get3A_311, %get3A_312] {strides = array<i32>} : memref<400x64xf32, #tpu.memory_space<vmem>>, vector<1x16xf32>,
        %get3A_314 = vector.shape_cast %get3A_313 : vector<1x16xf32> to vector<16xf32>
        %add3A_315 = arith.addf %add3A_271, %get3A_314 : vector<16xf32>
        %add3A_316 = arith.constant 4 : i32
        %add3A_317 = arith.addi %mul3A_152, %add3A_316 : i32
        %get3A_318 = arith.constant 0 : i32
        %get3A_319 = arith.constant 0 : i32
        %get3A_320 = tpu.memref_slice %arg6[%scan3A_86, %get3A_318, %get3A_319] : memref<4x400x64xf32, #tpu.memory_space<vmem>> -> memref<1x400x64xf32, #tpu.memory_space<vmem>>
        %get3A_321 = tpu.memref_squeeze %get3A_320 : memref<1x400x64xf32, #tpu.memory_space<vmem>> -> memref<400x64xf32, #tpu.memory_space<vmem>>
        %get3A_322 = arith.index_cast %add3A_317 : i32 to index
        %get3A_323 = arith.constant 0 : index
        %get3A_324 = tpu.vector_load %get3A_321[%get3A_322, %get3A_323] {strides = array<i32>} : memref<400x64xf32, #tpu.memory_space<vmem>>, vector<1x16xf32>,
        %get3A_325 = vector.shape_cast %get3A_324 : vector<1x16xf32> to vector<16xf32>
        %add3A_326 = arith.addf %add3A_282, %get3A_325 : vector<16xf32>
        %add3A_327 = arith.constant 4 : i32
        %add3A_328 = arith.addi %mul3A_152, %add3A_327 : i32
        %get3A_329 = arith.constant 0 : i32
        %get3A_330 = arith.constant 0 : i32
        %get3A_331 = tpu.memref_slice %arg6[%scan3A_86, %get3A_329, %get3A_330] : memref<4x400x64xf32, #tpu.memory_space<vmem>> -> memref<1x400x64xf32, #tpu.memory_space<vmem>>
        %get3A_332 = tpu.memref_squeeze %get3A_331 : memref<1x400x64xf32, #tpu.memory_space<vmem>> -> memref<400x64xf32, #tpu.memory_space<vmem>>
        %get3A_333 = arith.index_cast %add3A_328 : i32 to index
        %get3A_334 = arith.constant 16 : index
        %get3A_335 = tpu.vector_load %get3A_332[%get3A_333, %get3A_334] {strides = array<i32>} : memref<400x64xf32, #tpu.memory_space<vmem>>, vector<1x16xf32>,
        %get3A_336 = vector.shape_cast %get3A_335 : vector<1x16xf32> to vector<16xf32>
        %add3A_337 = arith.addf %add3A_293, %get3A_336 : vector<16xf32>
        %add3A_338 = arith.constant 4 : i32
        %add3A_339 = arith.addi %mul3A_152, %add3A_338 : i32
        %get3A_340 = arith.constant 0 : i32
        %get3A_341 = arith.constant 0 : i32
        %get3A_342 = tpu.memref_slice %arg6[%scan3A_86, %get3A_340, %get3A_341] : memref<4x400x64xf32, #tpu.memory_space<vmem>> -> memref<1x400x64xf32, #tpu.memory_space<vmem>>
        %get3A_343 = tpu.memref_squeeze %get3A_342 : memref<1x400x64xf32, #tpu.memory_space<vmem>> -> memref<400x64xf32, #tpu.memory_space<vmem>>
        %get3A_344 = arith.index_cast %add3A_339 : i32 to index
        %get3A_345 = arith.constant 32 : index
        %get3A_346 = tpu.vector_load %get3A_343[%get3A_344, %get3A_345] {strides = array<i32>} : memref<400x64xf32, #tpu.memory_space<vmem>>, vector<1x16xf32>,
        %get3A_347 = vector.shape_cast %get3A_346 : vector<1x16xf32> to vector<16xf32>
        %add3A_348 = arith.addf %add3A_304, %get3A_347 : vector<16xf32>
        %add3A_349 = arith.constant 4 : i32
        %add3A_350 = arith.addi %mul3A_152, %add3A_349 : i32
        %get3A_351 = arith.constant 0 : i32
        %get3A_352 = arith.constant 0 : i32
        %get3A_353 = tpu.memref_slice %arg6[%scan3A_86, %get3A_351, %get3A_352] : memref<4x400x64xf32, #tpu.memory_space<vmem>> -> memref<1x400x64xf32, #tpu.memory_space<vmem>>
        %get3A_354 = tpu.memref_squeeze %get3A_353 : memref<1x400x64xf32, #tpu.memory_space<vmem>> -> memref<400x64xf32, #tpu.memory_space<vmem>>
        %get3A_355 = arith.index_cast %add3A_350 : i32 to index
        %get3A_356 = arith.constant 48 : index
        %get3A_357 = tpu.vector_load %get3A_354[%get3A_355, %get3A_356] {strides = array<i32>} : memref<400x64xf32, #tpu.memory_space<vmem>>, vector<1x16xf32>,
        %get3A_358 = vector.shape_cast %get3A_357 : vector<1x16xf32> to vector<16xf32>
        %add3A_359 = arith.addf %add3A_315, %get3A_358 : vector<16xf32>
        %scan3A_360 = arith.constant 1 : i32
        %scan3A_361 = arith.constant 9 : i32
        %scan3A_362 = arith.addi %scan3A_360, %scan3A_361 : i32
        %scan3A_363 = arith.constant 1 : i32
        %scan3A_364:4 = scf.for %scan3A_394 = %scan3A_360 to %scan3A_362 step %scan3A_363 iter_args(%scan3A_395 = %add3A_326, %scan3A_396 = %add3A_337, %scan3A_397 = %add3A_348, %scan3A_398 = %add3A_359) -> (vector<16xf32>, vector<16xf32>, vector<16xf32>, vector<16xf32>)  : i32 {
          %mul3A_399 = arith.constant 5 : i32
          %mul3A_400 = arith.muli %scan3A_394, %mul3A_399 : i32
          %add3A_401 = arith.addi %mul3A_152, %mul3A_400 : i32
          %add3A_402 = arith.constant 0 : i32
          %add3A_403 = arith.addi %add3A_401, %add3A_402 : i32
          %get3A_404 = arith.constant 0 : i32
          %get3A_405 = arith.constant 0 : i32
          %get3A_406 = tpu.memref_slice %arg6[%scan3A_86, %get3A_404, %get3A_405] : memref<4x400x64xf32, #tpu.memory_space<vmem>> -> memref<1x400x64xf32, #tpu.memory_space<vmem>>
          %get3A_407 = tpu.memref_squeeze %get3A_406 : memref<1x400x64xf32, #tpu.memory_space<vmem>> -> memref<400x64xf32, #tpu.memory_space<vmem>>
          %get3A_408 = arith.index_cast %add3A_403 : i32 to index
          %get3A_409 = arith.constant 0 : index
          %get3A_410 = tpu.vector_load %get3A_407[%get3A_408, %get3A_409] {strides = array<i32>} : memref<400x64xf32, #tpu.memory_space<vmem>>, vector<1x16xf32>,
          %get3A_411 = vector.shape_cast %get3A_410 : vector<1x16xf32> to vector<16xf32>
          %add3A_412 = arith.addf %scan3A_395, %get3A_411 : vector<16xf32>
          %add3A_413 = arith.constant 0 : i32
          %add3A_414 = arith.addi %add3A_401, %add3A_413 : i32
          %get3A_415 = arith.constant 0 : i32
          %get3A_416 = arith.constant 0 : i32
          %get3A_417 = tpu.memref_slice %arg6[%scan3A_86, %get3A_415, %get3A_416] : memref<4x400x64xf32, #tpu.memory_space<vmem>> -> memref<1x400x64xf32, #tpu.memory_space<vmem>>
          %get3A_418 = tpu.memref_squeeze %get3A_417 : memref<1x400x64xf32, #tpu.memory_space<vmem>> -> memref<400x64xf32, #tpu.memory_space<vmem>>
          %get3A_419 = arith.index_cast %add3A_414 : i32 to index
          %get3A_420 = arith.constant 16 : index
          %get3A_421 = tpu.vector_load %get3A_418[%get3A_419, %get3A_420] {strides = array<i32>} : memref<400x64xf32, #tpu.memory_space<vmem>>, vector<1x16xf32>,
          %get3A_422 = vector.shape_cast %get3A_421 : vector<1x16xf32> to vector<16xf32>
          %add3A_423 = arith.addf %scan3A_396, %get3A_422 : vector<16xf32>
          %add3A_424 = arith.constant 0 : i32
          %add3A_425 = arith.addi %add3A_401, %add3A_424 : i32
          %get3A_426 = arith.constant 0 : i32
          %get3A_427 = arith.constant 0 : i32
          %get3A_428 = tpu.memref_slice %arg6[%scan3A_86, %get3A_426, %get3A_427] : memref<4x400x64xf32, #tpu.memory_space<vmem>> -> memref<1x400x64xf32, #tpu.memory_space<vmem>>
          %get3A_429 = tpu.memref_squeeze %get3A_428 : memref<1x400x64xf32, #tpu.memory_space<vmem>> -> memref<400x64xf32, #tpu.memory_space<vmem>>
          %get3A_430 = arith.index_cast %add3A_425 : i32 to index
          %get3A_431 = arith.constant 32 : index
          %get3A_432 = tpu.vector_load %get3A_429[%get3A_430, %get3A_431] {strides = array<i32>} : memref<400x64xf32, #tpu.memory_space<vmem>>, vector<1x16xf32>,
          %get3A_433 = vector.shape_cast %get3A_432 : vector<1x16xf32> to vector<16xf32>
          %add3A_434 = arith.addf %scan3A_397, %get3A_433 : vector<16xf32>
          %add3A_435 = arith.constant 0 : i32
          %add3A_436 = arith.addi %add3A_401, %add3A_435 : i32
          %get3A_437 = arith.constant 0 : i32
          %get3A_438 = arith.constant 0 : i32
          %get3A_439 = tpu.memref_slice %arg6[%scan3A_86, %get3A_437, %get3A_438] : memref<4x400x64xf32, #tpu.memory_space<vmem>> -> memref<1x400x64xf32, #tpu.memory_space<vmem>>
          %get3A_440 = tpu.memref_squeeze %get3A_439 : memref<1x400x64xf32, #tpu.memory_space<vmem>> -> memref<400x64xf32, #tpu.memory_space<vmem>>
          %get3A_441 = arith.index_cast %add3A_436 : i32 to index
          %get3A_442 = arith.constant 48 : index
          %get3A_443 = tpu.vector_load %get3A_440[%get3A_441, %get3A_442] {strides = array<i32>} : memref<400x64xf32, #tpu.memory_space<vmem>>, vector<1x16xf32>,
          %get3A_444 = vector.shape_cast %get3A_443 : vector<1x16xf32> to vector<16xf32>
          %add3A_445 = arith.addf %scan3A_398, %get3A_444 : vector<16xf32>
          %add3A_446 = arith.constant 1 : i32
          %add3A_447 = arith.addi %add3A_401, %add3A_446 : i32
          %get3A_448 = arith.constant 0 : i32
          %get3A_449 = arith.constant 0 : i32
          %get3A_450 = tpu.memref_slice %arg6[%scan3A_86, %get3A_448, %get3A_449] : memref<4x400x64xf32, #tpu.memory_space<vmem>> -> memref<1x400x64xf32, #tpu.memory_space<vmem>>
          %get3A_451 = tpu.memref_squeeze %get3A_450 : memref<1x400x64xf32, #tpu.memory_space<vmem>> -> memref<400x64xf32, #tpu.memory_space<vmem>>
          %get3A_452 = arith.index_cast %add3A_447 : i32 to index
          %get3A_453 = arith.constant 0 : index
          %get3A_454 = tpu.vector_load %get3A_451[%get3A_452, %get3A_453] {strides = array<i32>} : memref<400x64xf32, #tpu.memory_space<vmem>>, vector<1x16xf32>,
          %get3A_455 = vector.shape_cast %get3A_454 : vector<1x16xf32> to vector<16xf32>
          %add3A_456 = arith.addf %add3A_412, %get3A_455 : vector<16xf32>
          %add3A_457 = arith.constant 1 : i32
          %add3A_458 = arith.addi %add3A_401, %add3A_457 : i32
          %get3A_459 = arith.constant 0 : i32
          %get3A_460 = arith.constant 0 : i32
          %get3A_461 = tpu.memref_slice %arg6[%scan3A_86, %get3A_459, %get3A_460] : memref<4x400x64xf32, #tpu.memory_space<vmem>> -> memref<1x400x64xf32, #tpu.memory_space<vmem>>
          %get3A_462 = tpu.memref_squeeze %get3A_461 : memref<1x400x64xf32, #tpu.memory_space<vmem>> -> memref<400x64xf32, #tpu.memory_space<vmem>>
          %get3A_463 = arith.index_cast %add3A_458 : i32 to index
          %get3A_464 = arith.constant 16 : index
          %get3A_465 = tpu.vector_load %get3A_462[%get3A_463, %get3A_464] {strides = array<i32>} : memref<400x64xf32, #tpu.memory_space<vmem>>, vector<1x16xf32>,
          %get3A_466 = vector.shape_cast %get3A_465 : vector<1x16xf32> to vector<16xf32>
          %add3A_467 = arith.addf %add3A_423, %get3A_466 : vector<16xf32>
          %add3A_468 = arith.constant 1 : i32
          %add3A_469 = arith.addi %add3A_401, %add3A_468 : i32
          %get3A_470 = arith.constant 0 : i32
          %get3A_471 = arith.constant 0 : i32
          %get3A_472 = tpu.memref_slice %arg6[%scan3A_86, %get3A_470, %get3A_471] : memref<4x400x64xf32, #tpu.memory_space<vmem>> -> memref<1x400x64xf32, #tpu.memory_space<vmem>>
          %get3A_473 = tpu.memref_squeeze %get3A_472 : memref<1x400x64xf32, #tpu.memory_space<vmem>> -> memref<400x64xf32, #tpu.memory_space<vmem>>
          %get3A_474 = arith.index_cast %add3A_469 : i32 to index
          %get3A_475 = arith.constant 32 : index
          %get3A_476 = tpu.vector_load %get3A_473[%get3A_474, %get3A_475] {strides = array<i32>} : memref<400x64xf32, #tpu.memory_space<vmem>>, vector<1x16xf32>,
          %get3A_477 = vector.shape_cast %get3A_476 : vector<1x16xf32> to vector<16xf32>
          %add3A_478 = arith.addf %add3A_434, %get3A_477 : vector<16xf32>
          %add3A_479 = arith.constant 1 : i32
          %add3A_480 = arith.addi %add3A_401, %add3A_479 : i32
          %get3A_481 = arith.constant 0 : i32
          %get3A_482 = arith.constant 0 : i32
          %get3A_483 = tpu.memref_slice %arg6[%scan3A_86, %get3A_481, %get3A_482] : memref<4x400x64xf32, #tpu.memory_space<vmem>> -> memref<1x400x64xf32, #tpu.memory_space<vmem>>
          %get3A_484 = tpu.memref_squeeze %get3A_483 : memref<1x400x64xf32, #tpu.memory_space<vmem>> -> memref<400x64xf32, #tpu.memory_space<vmem>>
          %get3A_485 = arith.index_cast %add3A_480 : i32 to index
          %get3A_486 = arith.constant 48 : index
          %get3A_487 = tpu.vector_load %get3A_484[%get3A_485, %get3A_486] {strides = array<i32>} : memref<400x64xf32, #tpu.memory_space<vmem>>, vector<1x16xf32>,
          %get3A_488 = vector.shape_cast %get3A_487 : vector<1x16xf32> to vector<16xf32>
          %add3A_489 = arith.addf %add3A_445, %get3A_488 : vector<16xf32>
          %add3A_490 = arith.constant 2 : i32
          %add3A_491 = arith.addi %add3A_401, %add3A_490 : i32
          %get3A_492 = arith.constant 0 : i32
          %get3A_493 = arith.constant 0 : i32
          %get3A_494 = tpu.memref_slice %arg6[%scan3A_86, %get3A_492, %get3A_493] : memref<4x400x64xf32, #tpu.memory_space<vmem>> -> memref<1x400x64xf32, #tpu.memory_space<vmem>>
          %get3A_495 = tpu.memref_squeeze %get3A_494 : memref<1x400x64xf32, #tpu.memory_space<vmem>> -> memref<400x64xf32, #tpu.memory_space<vmem>>
          %get3A_496 = arith.index_cast %add3A_491 : i32 to index
          %get3A_497 = arith.constant 0 : index
          %get3A_498 = tpu.vector_load %get3A_495[%get3A_496, %get3A_497] {strides = array<i32>} : memref<400x64xf32, #tpu.memory_space<vmem>>, vector<1x16xf32>,
          %get3A_499 = vector.shape_cast %get3A_498 : vector<1x16xf32> to vector<16xf32>
          %add3A_500 = arith.addf %add3A_456, %get3A_499 : vector<16xf32>
          %add3A_501 = arith.constant 2 : i32
          %add3A_502 = arith.addi %add3A_401, %add3A_501 : i32
          %get3A_503 = arith.constant 0 : i32
          %get3A_504 = arith.constant 0 : i32
          %get3A_505 = tpu.memref_slice %arg6[%scan3A_86, %get3A_503, %get3A_504] : memref<4x400x64xf32, #tpu.memory_space<vmem>> -> memref<1x400x64xf32, #tpu.memory_space<vmem>>
          %get3A_506 = tpu.memref_squeeze %get3A_505 : memref<1x400x64xf32, #tpu.memory_space<vmem>> -> memref<400x64xf32, #tpu.memory_space<vmem>>
          %get3A_507 = arith.index_cast %add3A_502 : i32 to index
          %get3A_508 = arith.constant 16 : index
          %get3A_509 = tpu.vector_load %get3A_506[%get3A_507, %get3A_508] {strides = array<i32>} : memref<400x64xf32, #tpu.memory_space<vmem>>, vector<1x16xf32>,
          %get3A_510 = vector.shape_cast %get3A_509 : vector<1x16xf32> to vector<16xf32>
          %add3A_511 = arith.addf %add3A_467, %get3A_510 : vector<16xf32>
          %add3A_512 = arith.constant 2 : i32
          %add3A_513 = arith.addi %add3A_401, %add3A_512 : i32
          %get3A_514 = arith.constant 0 : i32
          %get3A_515 = arith.constant 0 : i32
          %get3A_516 = tpu.memref_slice %arg6[%scan3A_86, %get3A_514, %get3A_515] : memref<4x400x64xf32, #tpu.memory_space<vmem>> -> memref<1x400x64xf32, #tpu.memory_space<vmem>>
          %get3A_517 = tpu.memref_squeeze %get3A_516 : memref<1x400x64xf32, #tpu.memory_space<vmem>> -> memref<400x64xf32, #tpu.memory_space<vmem>>
          %get3A_518 = arith.index_cast %add3A_513 : i32 to index
          %get3A_519 = arith.constant 32 : index
          %get3A_520 = tpu.vector_load %get3A_517[%get3A_518, %get3A_519] {strides = array<i32>} : memref<400x64xf32, #tpu.memory_space<vmem>>, vector<1x16xf32>,
          %get3A_521 = vector.shape_cast %get3A_520 : vector<1x16xf32> to vector<16xf32>
          %add3A_522 = arith.addf %add3A_478, %get3A_521 : vector<16xf32>
          %add3A_523 = arith.constant 2 : i32
          %add3A_524 = arith.addi %add3A_401, %add3A_523 : i32
          %get3A_525 = arith.constant 0 : i32
          %get3A_526 = arith.constant 0 : i32
          %get3A_527 = tpu.memref_slice %arg6[%scan3A_86, %get3A_525, %get3A_526] : memref<4x400x64xf32, #tpu.memory_space<vmem>> -> memref<1x400x64xf32, #tpu.memory_space<vmem>>
          %get3A_528 = tpu.memref_squeeze %get3A_527 : memref<1x400x64xf32, #tpu.memory_space<vmem>> -> memref<400x64xf32, #tpu.memory_space<vmem>>
          %get3A_529 = arith.index_cast %add3A_524 : i32 to index
          %get3A_530 = arith.constant 48 : index
          %get3A_531 = tpu.vector_load %get3A_528[%get3A_529, %get3A_530] {strides = array<i32>} : memref<400x64xf32, #tpu.memory_space<vmem>>, vector<1x16xf32>,
          %get3A_532 = vector.shape_cast %get3A_531 : vector<1x16xf32> to vector<16xf32>
          %add3A_533 = arith.addf %add3A_489, %get3A_532 : vector<16xf32>
          %add3A_534 = arith.constant 3 : i32
          %add3A_535 = arith.addi %add3A_401, %add3A_534 : i32
          %get3A_536 = arith.constant 0 : i32
          %get3A_537 = arith.constant 0 : i32
          %get3A_538 = tpu.memref_slice %arg6[%scan3A_86, %get3A_536, %get3A_537] : memref<4x400x64xf32, #tpu.memory_space<vmem>> -> memref<1x400x64xf32, #tpu.memory_space<vmem>>
          %get3A_539 = tpu.memref_squeeze %get3A_538 : memref<1x400x64xf32, #tpu.memory_space<vmem>> -> memref<400x64xf32, #tpu.memory_space<vmem>>
          %get3A_540 = arith.index_cast %add3A_535 : i32 to index
          %get3A_541 = arith.constant 0 : index
          %get3A_542 = tpu.vector_load %get3A_539[%get3A_540, %get3A_541] {strides = array<i32>} : memref<400x64xf32, #tpu.memory_space<vmem>>, vector<1x16xf32>,
          %get3A_543 = vector.shape_cast %get3A_542 : vector<1x16xf32> to vector<16xf32>
          %add3A_544 = arith.addf %add3A_500, %get3A_543 : vector<16xf32>
          %add3A_545 = arith.constant 3 : i32
          %add3A_546 = arith.addi %add3A_401, %add3A_545 : i32
          %get3A_547 = arith.constant 0 : i32
          %get3A_548 = arith.constant 0 : i32
          %get3A_549 = tpu.memref_slice %arg6[%scan3A_86, %get3A_547, %get3A_548] : memref<4x400x64xf32, #tpu.memory_space<vmem>> -> memref<1x400x64xf32, #tpu.memory_space<vmem>>
          %get3A_550 = tpu.memref_squeeze %get3A_549 : memref<1x400x64xf32, #tpu.memory_space<vmem>> -> memref<400x64xf32, #tpu.memory_space<vmem>>
          %get3A_551 = arith.index_cast %add3A_546 : i32 to index
          %get3A_552 = arith.constant 16 : index
          %get3A_553 = tpu.vector_load %get3A_550[%get3A_551, %get3A_552] {strides = array<i32>} : memref<400x64xf32, #tpu.memory_space<vmem>>, vector<1x16xf32>,
          %get3A_554 = vector.shape_cast %get3A_553 : vector<1x16xf32> to vector<16xf32>
          %add3A_555 = arith.addf %add3A_511, %get3A_554 : vector<16xf32>
          %add3A_556 = arith.constant 3 : i32
          %add3A_557 = arith.addi %add3A_401, %add3A_556 : i32
          %get3A_558 = arith.constant 0 : i32
          %get3A_559 = arith.constant 0 : i32
          %get3A_560 = tpu.memref_slice %arg6[%scan3A_86, %get3A_558, %get3A_559] : memref<4x400x64xf32, #tpu.memory_space<vmem>> -> memref<1x400x64xf32, #tpu.memory_space<vmem>>
          %get3A_561 = tpu.memref_squeeze %get3A_560 : memref<1x400x64xf32, #tpu.memory_space<vmem>> -> memref<400x64xf32, #tpu.memory_space<vmem>>
          %get3A_562 = arith.index_cast %add3A_557 : i32 to index
          %get3A_563 = arith.constant 32 : index
          %get3A_564 = tpu.vector_load %get3A_561[%get3A_562, %get3A_563] {strides = array<i32>} : memref<400x64xf32, #tpu.memory_space<vmem>>, vector<1x16xf32>,
          %get3A_565 = vector.shape_cast %get3A_564 : vector<1x16xf32> to vector<16xf32>
          %add3A_566 = arith.addf %add3A_522, %get3A_565 : vector<16xf32>
          %add3A_567 = arith.constant 3 : i32
          %add3A_568 = arith.addi %add3A_401, %add3A_567 : i32
          %get3A_569 = arith.constant 0 : i32
          %get3A_570 = arith.constant 0 : i32
          %get3A_571 = tpu.memref_slice %arg6[%scan3A_86, %get3A_569, %get3A_570] : memref<4x400x64xf32, #tpu.memory_space<vmem>> -> memref<1x400x64xf32, #tpu.memory_space<vmem>>
          %get3A_572 = tpu.memref_squeeze %get3A_571 : memref<1x400x64xf32, #tpu.memory_space<vmem>> -> memref<400x64xf32, #tpu.memory_space<vmem>>
          %get3A_573 = arith.index_cast %add3A_568 : i32 to index
          %get3A_574 = arith.constant 48 : index
          %get3A_575 = tpu.vector_load %get3A_572[%get3A_573, %get3A_574] {strides = array<i32>} : memref<400x64xf32, #tpu.memory_space<vmem>>, vector<1x16xf32>,
          %get3A_576 = vector.shape_cast %get3A_575 : vector<1x16xf32> to vector<16xf32>
          %add3A_577 = arith.addf %add3A_533, %get3A_576 : vector<16xf32>
          %add3A_578 = arith.constant 4 : i32
          %add3A_579 = arith.addi %add3A_401, %add3A_578 : i32
          %get3A_580 = arith.constant 0 : i32
          %get3A_581 = arith.constant 0 : i32
          %get3A_582 = tpu.memref_slice %arg6[%scan3A_86, %get3A_580, %get3A_581] : memref<4x400x64xf32, #tpu.memory_space<vmem>> -> memref<1x400x64xf32, #tpu.memory_space<vmem>>
          %get3A_583 = tpu.memref_squeeze %get3A_582 : memref<1x400x64xf32, #tpu.memory_space<vmem>> -> memref<400x64xf32, #tpu.memory_space<vmem>>
          %get3A_584 = arith.index_cast %add3A_579 : i32 to index
          %get3A_585 = arith.constant 0 : index
          %get3A_586 = tpu.vector_load %get3A_583[%get3A_584, %get3A_585] {strides = array<i32>} : memref<400x64xf32, #tpu.memory_space<vmem>>, vector<1x16xf32>,
          %get3A_587 = vector.shape_cast %get3A_586 : vector<1x16xf32> to vector<16xf32>
          %add3A_588 = arith.addf %add3A_544, %get3A_587 : vector<16xf32>
          %add3A_589 = arith.constant 4 : i32
          %add3A_590 = arith.addi %add3A_401, %add3A_589 : i32
          %get3A_591 = arith.constant 0 : i32
          %get3A_592 = arith.constant 0 : i32
          %get3A_593 = tpu.memref_slice %arg6[%scan3A_86, %get3A_591, %get3A_592] : memref<4x400x64xf32, #tpu.memory_space<vmem>> -> memref<1x400x64xf32, #tpu.memory_space<vmem>>
          %get3A_594 = tpu.memref_squeeze %get3A_593 : memref<1x400x64xf32, #tpu.memory_space<vmem>> -> memref<400x64xf32, #tpu.memory_space<vmem>>
          %get3A_595 = arith.index_cast %add3A_590 : i32 to index
          %get3A_596 = arith.constant 16 : index
          %get3A_597 = tpu.vector_load %get3A_594[%get3A_595, %get3A_596] {strides = array<i32>} : memref<400x64xf32, #tpu.memory_space<vmem>>, vector<1x16xf32>,
          %get3A_598 = vector.shape_cast %get3A_597 : vector<1x16xf32> to vector<16xf32>
          %add3A_599 = arith.addf %add3A_555, %get3A_598 : vector<16xf32>
          %add3A_600 = arith.constant 4 : i32
          %add3A_601 = arith.addi %add3A_401, %add3A_600 : i32
          %get3A_602 = arith.constant 0 : i32
          %get3A_603 = arith.constant 0 : i32
          %get3A_604 = tpu.memref_slice %arg6[%scan3A_86, %get3A_602, %get3A_603] : memref<4x400x64xf32, #tpu.memory_space<vmem>> -> memref<1x400x64xf32, #tpu.memory_space<vmem>>
          %get3A_605 = tpu.memref_squeeze %get3A_604 : memref<1x400x64xf32, #tpu.memory_space<vmem>> -> memref<400x64xf32, #tpu.memory_space<vmem>>
          %get3A_606 = arith.index_cast %add3A_601 : i32 to index
          %get3A_607 = arith.constant 32 : index
          %get3A_608 = tpu.vector_load %get3A_605[%get3A_606, %get3A_607] {strides = array<i32>} : memref<400x64xf32, #tpu.memory_space<vmem>>, vector<1x16xf32>,
          %get3A_609 = vector.shape_cast %get3A_608 : vector<1x16xf32> to vector<16xf32>
          %add3A_610 = arith.addf %add3A_566, %get3A_609 : vector<16xf32>
          %add3A_611 = arith.constant 4 : i32
          %add3A_612 = arith.addi %add3A_401, %add3A_611 : i32
          %get3A_613 = arith.constant 0 : i32
          %get3A_614 = arith.constant 0 : i32
          %get3A_615 = tpu.memref_slice %arg6[%scan3A_86, %get3A_613, %get3A_614] : memref<4x400x64xf32, #tpu.memory_space<vmem>> -> memref<1x400x64xf32, #tpu.memory_space<vmem>>
          %get3A_616 = tpu.memref_squeeze %get3A_615 : memref<1x400x64xf32, #tpu.memory_space<vmem>> -> memref<400x64xf32, #tpu.memory_space<vmem>>
          %get3A_617 = arith.index_cast %add3A_612 : i32 to index
          %get3A_618 = arith.constant 48 : index
          %get3A_619 = tpu.vector_load %get3A_616[%get3A_617, %get3A_618] {strides = array<i32>} : memref<400x64xf32, #tpu.memory_space<vmem>>, vector<1x16xf32>,
          %get3A_620 = vector.shape_cast %get3A_619 : vector<1x16xf32> to vector<16xf32>
          %add3A_621 = arith.addf %add3A_577, %get3A_620 : vector<16xf32>
          scf.yield %add3A_588, %add3A_599, %add3A_610, %add3A_621 : vector<16xf32>, vector<16xf32>, vector<16xf32>, vector<16xf32>
        }
        %scan3A_365 = arith.constant 9 : i32
        %mul3A_366 = arith.constant 8 : i32
        %mul3A_367 = arith.muli %add3A_66, %mul3A_366 : i32
        %add3A_368 = arith.addi %mul3A_367, %scan3A_150 : i32
        %mul3A_369 = arith.constant 64 : i32
        %mul3A_370 = arith.muli %add3A_368, %mul3A_369 : i32
        %add3A_371 = arith.constant 0 : i32
        %add3A_372 = arith.addi %mul3A_370, %add3A_371 : i32
        %swap3A = arith.index_cast %add3A_372 : i32 to index
        %swap3A_373 = tpu.vector_load %arg7[%swap3A] {strides = array<i32>} : memref<8192xf32, #tpu.memory_space<vmem>>, vector<16xf32>,
        %swap3A_374 = vector.shape_cast %swap3A_373 : vector<16xf32> to vector<16xf32>
        %swap3A_375 = vector.shape_cast %scan3A_364#0 : vector<16xf32> to vector<16xf32>
        tpu.vector_store %arg7[%swap3A], %swap3A_375 {strides = array<i32>} : memref<8192xf32, #tpu.memory_space<vmem>>, vector<16xf32>,
        %add3A_376 = arith.constant 16 : i32
        %add3A_377 = arith.addi %mul3A_370, %add3A_376 : i32
        %swap3A_378 = arith.index_cast %add3A_377 : i32 to index
        %swap3A_379 = tpu.vector_load %arg7[%swap3A_378] {strides = array<i32>} : memref<8192xf32, #tpu.memory_space<vmem>>, vector<16xf32>,
        %swap3A_380 = vector.shape_cast %swap3A_379 : vector<16xf32> to vector<16xf32>
        %swap3A_381 = vector.shape_cast %scan3A_364#1 : vector<16xf32> to vector<16xf32>
        tpu.vector_store %arg7[%swap3A_378], %swap3A_381 {strides = array<i32>} : memref<8192xf32, #tpu.memory_space<vmem>>, vector<16xf32>,
        %add3A_382 = arith.constant 32 : i32
        %add3A_383 = arith.addi %mul3A_370, %add3A_382 : i32
        %swap3A_384 = arith.index_cast %add3A_383 : i32 to index
        %swap3A_385 = tpu.vector_load %arg7[%swap3A_384] {strides = array<i32>} : memref<8192xf32, #tpu.memory_space<vmem>>, vector<16xf32>,
        %swap3A_386 = vector.shape_cast %swap3A_385 : vector<16xf32> to vector<16xf32>
        %swap3A_387 = vector.shape_cast %scan3A_364#2 : vector<16xf32> to vector<16xf32>
        tpu.vector_store %arg7[%swap3A_384], %swap3A_387 {strides = array<i32>} : memref<8192xf32, #tpu.memory_space<vmem>>, vector<16xf32>,
        %add3A_388 = arith.constant 48 : i32
        %add3A_389 = arith.addi %mul3A_370, %add3A_388 : i32
        %swap3A_390 = arith.index_cast %add3A_389 : i32 to index
        %swap3A_391 = tpu.vector_load %arg7[%swap3A_390] {strides = array<i32>} : memref<8192xf32, #tpu.memory_space<vmem>>, vector<16xf32>,
        %swap3A_392 = vector.shape_cast %swap3A_391 : vector<16xf32> to vector<16xf32>
        %swap3A_393 = vector.shape_cast %scan3A_364#3 : vector<16xf32> to vector<16xf32>
        tpu.vector_store %arg7[%swap3A_390], %swap3A_393 {strides = array<i32>} : memref<8192xf32, #tpu.memory_space<vmem>>, vector<16xf32>,
      }
      %scan3A_91 = arith.constant 8 : i32
      %mul3A_92 = arith.constant 4 : i32
      %mul3A_93 = arith.muli %scan3A_38, %mul3A_92 : i32
      %add3A_94 = arith.constant 2 : i32
      %add3A_95 = arith.addi %mul3A_93, %add3A_94 : i32
      %dma_wait3A_96 = arith.constant 2 : i32
      %dma_wait3A_97 = arith.constant 0 : i32
      %dma_wait3A_98 = arith.constant 0 : i32
      %dma_wait3A_99 = tpu.memref_slice %arg6[%dma_wait3A_96, %dma_wait3A_97, %dma_wait3A_98] : memref<4x400x64xf32, #tpu.memory_space<vmem>> -> memref<1x400x64xf32, #tpu.memory_space<vmem>>
      %dma_wait3A_100 = tpu.memref_squeeze %dma_wait3A_99 : memref<1x400x64xf32, #tpu.memory_space<vmem>> -> memref<400x64xf32, #tpu.memory_space<vmem>>
      %dma_wait3A_101 = arith.constant 0 : i32
      %dma_wait3A_102 = tpu.memref_slice %arg5[%dma_wait3A_101] : memref<6400xi32, #tpu.memory_space<vmem>> -> memref<400xi32, #tpu.memory_space<vmem>>
      %dma_wait3A_103 = arith.constant 0 : i32
      %dma_wait3A_104 = arith.constant 0 : i32
      %dma_wait3A_105 = tpu.memref_slice %arg3[%dma_wait3A_103, %dma_wait3A_104] : memref<200000x64xf32, #tpu.memory_space<hbm>> -> memref<200000x64xf32, #tpu.memory_space<hbm>>
      tpu.wait_indirect_dma semaphore(%arg10 : memref<!tpu.dma_semaphore, #tpu.memory_space<semaphore_mem>>) src(%dma_wait3A_105 : memref<200000x64xf32, #tpu.memory_space<hbm>>) dst(%dma_wait3A_100 : memref<400x64xf32, #tpu.memory_space<vmem>>)
      %add3A_106 = arith.constant 4 : i32
      %add3A_107 = arith.addi %add3A_95, %add3A_106 : i32
      %sub3A_108 = arith.constant 1 : i32
      %sub3A_109 = arith.subi %add3A_107, %sub3A_108 : i32
      %lt3A_110 = arith.constant 16 : i32
      %lt3A_111 = arith.cmpi slt, %sub3A_109, %lt3A_110 : i32
      %convert_element_type3A_112 = arith.extui %lt3A_111 : i1 to i32
      %cond3A_113 = arith.constant 0 : i32
      %cond3A_114 = arith.cmpi ne, %convert_element_type3A_112, %cond3A_113 : i32
      scf.if %cond3A_114 {
        %mul3A_150 = arith.constant 400 : i32
        %mul3A_151 = arith.muli %sub3A_109, %mul3A_150 : i32
        %dma_start3A_152 = arith.constant 1 : i32
        %dma_start3A_153 = arith.constant 0 : i32
        %dma_start3A_154 = arith.constant 0 : i32
        %dma_start3A_155 = tpu.memref_slice %arg6[%dma_start3A_152, %dma_start3A_153, %dma_start3A_154] : memref<4x400x64xf32, #tpu.memory_space<vmem>> -> memref<1x400x64xf32, #tpu.memory_space<vmem>>
        %dma_start3A_156 = tpu.memref_squeeze %dma_start3A_155 : memref<1x400x64xf32, #tpu.memory_space<vmem>> -> memref<400x64xf32, #tpu.memory_space<vmem>>
        %dma_start3A_157 = tpu.memref_slice %arg5[%mul3A_151] : memref<6400xi32, #tpu.memory_space<vmem>> -> memref<400xi32, #tpu.memory_space<vmem>>
        %dma_start3A_158 = arith.constant 0 : i32
        %dma_start3A_159 = arith.constant 0 : i32
        %dma_start3A_160 = tpu.memref_slice %arg3[%dma_start3A_158, %dma_start3A_159] : memref<200000x64xf32, #tpu.memory_space<hbm>> -> memref<200000x64xf32, #tpu.memory_space<hbm>>
        tpu.enqueue_indirect_dma source(%dma_start3A_160 : memref<200000x64xf32, #tpu.memory_space<hbm>>) target(%dma_start3A_156 : memref<400x64xf32, #tpu.memory_space<vmem>>) offsets(%dma_start3A_157 : memref<400xi32, #tpu.memory_space<vmem>>) semaphore(%arg9 : memref<!tpu.dma_semaphore, #tpu.memory_space<semaphore_mem>>)
      } else {
      }
      %scan3A_115 = arith.constant 2 : i32
      %scan3A_116 = arith.constant 0 : i32
      %scan3A_117 = arith.constant 8 : i32
      %scan3A_118 = arith.addi %scan3A_116, %scan3A_117 : i32
      %scan3A_119 = arith.constant 1 : i32
      scf.for %scan3A_150 = %scan3A_116 to %scan3A_118 step %scan3A_119  : i32 {
        %mul3A_151 = arith.constant 50 : i32
        %mul3A_152 = arith.muli %scan3A_150, %mul3A_151 : i32
        %get3A = arith.constant 0 : i32
        %get3A_153 = arith.constant 0 : i32
        %get3A_154 = tpu.memref_slice %arg6[%scan3A_115, %get3A, %get3A_153] : memref<4x400x64xf32, #tpu.memory_space<vmem>> -> memref<1x400x64xf32, #tpu.memory_space<vmem>>
        %get3A_155 = tpu.memref_squeeze %get3A_154 : memref<1x400x64xf32, #tpu.memory_space<vmem>> -> memref<400x64xf32, #tpu.memory_space<vmem>>
        %get3A_156 = arith.index_cast %mul3A_152 : i32 to index
        %get3A_157 = arith.constant 0 : index
        %get3A_158 = tpu.vector_load %get3A_155[%get3A_156, %get3A_157] {strides = array<i32>} : memref<400x64xf32, #tpu.memory_space<vmem>>, vector<1x16xf32>,
        %get3A_159 = vector.shape_cast %get3A_158 : vector<1x16xf32> to vector<16xf32>
        %get3A_160 = arith.constant 0 : i32
        %get3A_161 = arith.constant 0 : i32
        %get3A_162 = tpu.memref_slice %arg6[%scan3A_115, %get3A_160, %get3A_161] : memref<4x400x64xf32, #tpu.memory_space<vmem>> -> memref<1x400x64xf32, #tpu.memory_space<vmem>>
        %get3A_163 = tpu.memref_squeeze %get3A_162 : memref<1x400x64xf32, #tpu.memory_space<vmem>> -> memref<400x64xf32, #tpu.memory_space<vmem>>
        %get3A_164 = arith.index_cast %mul3A_152 : i32 to index
        %get3A_165 = arith.constant 16 : index
        %get3A_166 = tpu.vector_load %get3A_163[%get3A_164, %get3A_165] {strides = array<i32>} : memref<400x64xf32, #tpu.memory_space<vmem>>, vector<1x16xf32>,
        %get3A_167 = vector.shape_cast %get3A_166 : vector<1x16xf32> to vector<16xf32>
        %get3A_168 = arith.constant 0 : i32
        %get3A_169 = arith.constant 0 : i32
        %get3A_170 = tpu.memref_slice %arg6[%scan3A_115, %get3A_168, %get3A_169] : memref<4x400x64xf32, #tpu.memory_space<vmem>> -> memref<1x400x64xf32, #tpu.memory_space<vmem>>
        %get3A_171 = tpu.memref_squeeze %get3A_170 : memref<1x400x64xf32, #tpu.memory_space<vmem>> -> memref<400x64xf32, #tpu.memory_space<vmem>>
        %get3A_172 = arith.index_cast %mul3A_152 : i32 to index
        %get3A_173 = arith.constant 32 : index
        %get3A_174 = tpu.vector_load %get3A_171[%get3A_172, %get3A_173] {strides = array<i32>} : memref<400x64xf32, #tpu.memory_space<vmem>>, vector<1x16xf32>,
        %get3A_175 = vector.shape_cast %get3A_174 : vector<1x16xf32> to vector<16xf32>
        %get3A_176 = arith.constant 0 : i32
        %get3A_177 = arith.constant 0 : i32
        %get3A_178 = tpu.memref_slice %arg6[%scan3A_115, %get3A_176, %get3A_177] : memref<4x400x64xf32, #tpu.memory_space<vmem>> -> memref<1x400x64xf32, #tpu.memory_space<vmem>>
        %get3A_179 = tpu.memref_squeeze %get3A_178 : memref<1x400x64xf32, #tpu.memory_space<vmem>> -> memref<400x64xf32, #tpu.memory_space<vmem>>
        %get3A_180 = arith.index_cast %mul3A_152 : i32 to index
        %get3A_181 = arith.constant 48 : index
        %get3A_182 = tpu.vector_load %get3A_179[%get3A_180, %get3A_181] {strides = array<i32>} : memref<400x64xf32, #tpu.memory_space<vmem>>, vector<1x16xf32>,
        %get3A_183 = vector.shape_cast %get3A_182 : vector<1x16xf32> to vector<16xf32>
        %add3A_184 = arith.constant 1 : i32
        %add3A_185 = arith.addi %mul3A_152, %add3A_184 : i32
        %get3A_186 = arith.constant 0 : i32
        %get3A_187 = arith.constant 0 : i32
        %get3A_188 = tpu.memref_slice %arg6[%scan3A_115, %get3A_186, %get3A_187] : memref<4x400x64xf32, #tpu.memory_space<vmem>> -> memref<1x400x64xf32, #tpu.memory_space<vmem>>
        %get3A_189 = tpu.memref_squeeze %get3A_188 : memref<1x400x64xf32, #tpu.memory_space<vmem>> -> memref<400x64xf32, #tpu.memory_space<vmem>>
        %get3A_190 = arith.index_cast %add3A_185 : i32 to index
        %get3A_191 = arith.constant 0 : index
        %get3A_192 = tpu.vector_load %get3A_189[%get3A_190, %get3A_191] {strides = array<i32>} : memref<400x64xf32, #tpu.memory_space<vmem>>, vector<1x16xf32>,
        %get3A_193 = vector.shape_cast %get3A_192 : vector<1x16xf32> to vector<16xf32>
        %add3A_194 = arith.addf %get3A_159, %get3A_193 : vector<16xf32>
        %add3A_195 = arith.constant 1 : i32
        %add3A_196 = arith.addi %mul3A_152, %add3A_195 : i32
        %get3A_197 = arith.constant 0 : i32
        %get3A_198 = arith.constant 0 : i32
        %get3A_199 = tpu.memref_slice %arg6[%scan3A_115, %get3A_197, %get3A_198] : memref<4x400x64xf32, #tpu.memory_space<vmem>> -> memref<1x400x64xf32, #tpu.memory_space<vmem>>
        %get3A_200 = tpu.memref_squeeze %get3A_199 : memref<1x400x64xf32, #tpu.memory_space<vmem>> -> memref<400x64xf32, #tpu.memory_space<vmem>>
        %get3A_201 = arith.index_cast %add3A_196 : i32 to index
        %get3A_202 = arith.constant 16 : index
        %get3A_203 = tpu.vector_load %get3A_200[%get3A_201, %get3A_202] {strides = array<i32>} : memref<400x64xf32, #tpu.memory_space<vmem>>, vector<1x16xf32>,
        %get3A_204 = vector.shape_cast %get3A_203 : vector<1x16xf32> to vector<16xf32>
        %add3A_205 = arith.addf %get3A_167, %get3A_204 : vector<16xf32>
        %add3A_206 = arith.constant 1 : i32
        %add3A_207 = arith.addi %mul3A_152, %add3A_206 : i32
        %get3A_208 = arith.constant 0 : i32
        %get3A_209 = arith.constant 0 : i32
        %get3A_210 = tpu.memref_slice %arg6[%scan3A_115, %get3A_208, %get3A_209] : memref<4x400x64xf32, #tpu.memory_space<vmem>> -> memref<1x400x64xf32, #tpu.memory_space<vmem>>
        %get3A_211 = tpu.memref_squeeze %get3A_210 : memref<1x400x64xf32, #tpu.memory_space<vmem>> -> memref<400x64xf32, #tpu.memory_space<vmem>>
        %get3A_212 = arith.index_cast %add3A_207 : i32 to index
        %get3A_213 = arith.constant 32 : index
        %get3A_214 = tpu.vector_load %get3A_211[%get3A_212, %get3A_213] {strides = array<i32>} : memref<400x64xf32, #tpu.memory_space<vmem>>, vector<1x16xf32>,
        %get3A_215 = vector.shape_cast %get3A_214 : vector<1x16xf32> to vector<16xf32>
        %add3A_216 = arith.addf %get3A_175, %get3A_215 : vector<16xf32>
        %add3A_217 = arith.constant 1 : i32
        %add3A_218 = arith.addi %mul3A_152, %add3A_217 : i32
        %get3A_219 = arith.constant 0 : i32
        %get3A_220 = arith.constant 0 : i32
        %get3A_221 = tpu.memref_slice %arg6[%scan3A_115, %get3A_219, %get3A_220] : memref<4x400x64xf32, #tpu.memory_space<vmem>> -> memref<1x400x64xf32, #tpu.memory_space<vmem>>
        %get3A_222 = tpu.memref_squeeze %get3A_221 : memref<1x400x64xf32, #tpu.memory_space<vmem>> -> memref<400x64xf32, #tpu.memory_space<vmem>>
        %get3A_223 = arith.index_cast %add3A_218 : i32 to index
        %get3A_224 = arith.constant 48 : index
        %get3A_225 = tpu.vector_load %get3A_222[%get3A_223, %get3A_224] {strides = array<i32>} : memref<400x64xf32, #tpu.memory_space<vmem>>, vector<1x16xf32>,
        %get3A_226 = vector.shape_cast %get3A_225 : vector<1x16xf32> to vector<16xf32>
        %add3A_227 = arith.addf %get3A_183, %get3A_226 : vector<16xf32>
        %add3A_228 = arith.constant 2 : i32
        %add3A_229 = arith.addi %mul3A_152, %add3A_228 : i32
        %get3A_230 = arith.constant 0 : i32
        %get3A_231 = arith.constant 0 : i32
        %get3A_232 = tpu.memref_slice %arg6[%scan3A_115, %get3A_230, %get3A_231] : memref<4x400x64xf32, #tpu.memory_space<vmem>> -> memref<1x400x64xf32, #tpu.memory_space<vmem>>
        %get3A_233 = tpu.memref_squeeze %get3A_232 : memref<1x400x64xf32, #tpu.memory_space<vmem>> -> memref<400x64xf32, #tpu.memory_space<vmem>>
        %get3A_234 = arith.index_cast %add3A_229 : i32 to index
        %get3A_235 = arith.constant 0 : index
        %get3A_236 = tpu.vector_load %get3A_233[%get3A_234, %get3A_235] {strides = array<i32>} : memref<400x64xf32, #tpu.memory_space<vmem>>, vector<1x16xf32>,
        %get3A_237 = vector.shape_cast %get3A_236 : vector<1x16xf32> to vector<16xf32>
        %add3A_238 = arith.addf %add3A_194, %get3A_237 : vector<16xf32>
        %add3A_239 = arith.constant 2 : i32
        %add3A_240 = arith.addi %mul3A_152, %add3A_239 : i32
        %get3A_241 = arith.constant 0 : i32
        %get3A_242 = arith.constant 0 : i32
        %get3A_243 = tpu.memref_slice %arg6[%scan3A_115, %get3A_241, %get3A_242] : memref<4x400x64xf32, #tpu.memory_space<vmem>> -> memref<1x400x64xf32, #tpu.memory_space<vmem>>
        %get3A_244 = tpu.memref_squeeze %get3A_243 : memref<1x400x64xf32, #tpu.memory_space<vmem>> -> memref<400x64xf32, #tpu.memory_space<vmem>>
        %get3A_245 = arith.index_cast %add3A_240 : i32 to index
        %get3A_246 = arith.constant 16 : index
        %get3A_247 = tpu.vector_load %get3A_244[%get3A_245, %get3A_246] {strides = array<i32>} : memref<400x64xf32, #tpu.memory_space<vmem>>, vector<1x16xf32>,
        %get3A_248 = vector.shape_cast %get3A_247 : vector<1x16xf32> to vector<16xf32>
        %add3A_249 = arith.addf %add3A_205, %get3A_248 : vector<16xf32>
        %add3A_250 = arith.constant 2 : i32
        %add3A_251 = arith.addi %mul3A_152, %add3A_250 : i32
        %get3A_252 = arith.constant 0 : i32
        %get3A_253 = arith.constant 0 : i32
        %get3A_254 = tpu.memref_slice %arg6[%scan3A_115, %get3A_252, %get3A_253] : memref<4x400x64xf32, #tpu.memory_space<vmem>> -> memref<1x400x64xf32, #tpu.memory_space<vmem>>
        %get3A_255 = tpu.memref_squeeze %get3A_254 : memref<1x400x64xf32, #tpu.memory_space<vmem>> -> memref<400x64xf32, #tpu.memory_space<vmem>>
        %get3A_256 = arith.index_cast %add3A_251 : i32 to index
        %get3A_257 = arith.constant 32 : index
        %get3A_258 = tpu.vector_load %get3A_255[%get3A_256, %get3A_257] {strides = array<i32>} : memref<400x64xf32, #tpu.memory_space<vmem>>, vector<1x16xf32>,
        %get3A_259 = vector.shape_cast %get3A_258 : vector<1x16xf32> to vector<16xf32>
        %add3A_260 = arith.addf %add3A_216, %get3A_259 : vector<16xf32>
        %add3A_261 = arith.constant 2 : i32
        %add3A_262 = arith.addi %mul3A_152, %add3A_261 : i32
        %get3A_263 = arith.constant 0 : i32
        %get3A_264 = arith.constant 0 : i32
        %get3A_265 = tpu.memref_slice %arg6[%scan3A_115, %get3A_263, %get3A_264] : memref<4x400x64xf32, #tpu.memory_space<vmem>> -> memref<1x400x64xf32, #tpu.memory_space<vmem>>
        %get3A_266 = tpu.memref_squeeze %get3A_265 : memref<1x400x64xf32, #tpu.memory_space<vmem>> -> memref<400x64xf32, #tpu.memory_space<vmem>>
        %get3A_267 = arith.index_cast %add3A_262 : i32 to index
        %get3A_268 = arith.constant 48 : index
        %get3A_269 = tpu.vector_load %get3A_266[%get3A_267, %get3A_268] {strides = array<i32>} : memref<400x64xf32, #tpu.memory_space<vmem>>, vector<1x16xf32>,
        %get3A_270 = vector.shape_cast %get3A_269 : vector<1x16xf32> to vector<16xf32>
        %add3A_271 = arith.addf %add3A_227, %get3A_270 : vector<16xf32>
        %add3A_272 = arith.constant 3 : i32
        %add3A_273 = arith.addi %mul3A_152, %add3A_272 : i32
        %get3A_274 = arith.constant 0 : i32
        %get3A_275 = arith.constant 0 : i32
        %get3A_276 = tpu.memref_slice %arg6[%scan3A_115, %get3A_274, %get3A_275] : memref<4x400x64xf32, #tpu.memory_space<vmem>> -> memref<1x400x64xf32, #tpu.memory_space<vmem>>
        %get3A_277 = tpu.memref_squeeze %get3A_276 : memref<1x400x64xf32, #tpu.memory_space<vmem>> -> memref<400x64xf32, #tpu.memory_space<vmem>>
        %get3A_278 = arith.index_cast %add3A_273 : i32 to index
        %get3A_279 = arith.constant 0 : index
        %get3A_280 = tpu.vector_load %get3A_277[%get3A_278, %get3A_279] {strides = array<i32>} : memref<400x64xf32, #tpu.memory_space<vmem>>, vector<1x16xf32>,
        %get3A_281 = vector.shape_cast %get3A_280 : vector<1x16xf32> to vector<16xf32>
        %add3A_282 = arith.addf %add3A_238, %get3A_281 : vector<16xf32>
        %add3A_283 = arith.constant 3 : i32
        %add3A_284 = arith.addi %mul3A_152, %add3A_283 : i32
        %get3A_285 = arith.constant 0 : i32
        %get3A_286 = arith.constant 0 : i32
        %get3A_287 = tpu.memref_slice %arg6[%scan3A_115, %get3A_285, %get3A_286] : memref<4x400x64xf32, #tpu.memory_space<vmem>> -> memref<1x400x64xf32, #tpu.memory_space<vmem>>
        %get3A_288 = tpu.memref_squeeze %get3A_287 : memref<1x400x64xf32, #tpu.memory_space<vmem>> -> memref<400x64xf32, #tpu.memory_space<vmem>>
        %get3A_289 = arith.index_cast %add3A_284 : i32 to index
        %get3A_290 = arith.constant 16 : index
        %get3A_291 = tpu.vector_load %get3A_288[%get3A_289, %get3A_290] {strides = array<i32>} : memref<400x64xf32, #tpu.memory_space<vmem>>, vector<1x16xf32>,
        %get3A_292 = vector.shape_cast %get3A_291 : vector<1x16xf32> to vector<16xf32>
        %add3A_293 = arith.addf %add3A_249, %get3A_292 : vector<16xf32>
        %add3A_294 = arith.constant 3 : i32
        %add3A_295 = arith.addi %mul3A_152, %add3A_294 : i32
        %get3A_296 = arith.constant 0 : i32
        %get3A_297 = arith.constant 0 : i32
        %get3A_298 = tpu.memref_slice %arg6[%scan3A_115, %get3A_296, %get3A_297] : memref<4x400x64xf32, #tpu.memory_space<vmem>> -> memref<1x400x64xf32, #tpu.memory_space<vmem>>
        %get3A_299 = tpu.memref_squeeze %get3A_298 : memref<1x400x64xf32, #tpu.memory_space<vmem>> -> memref<400x64xf32, #tpu.memory_space<vmem>>
        %get3A_300 = arith.index_cast %add3A_295 : i32 to index
        %get3A_301 = arith.constant 32 : index
        %get3A_302 = tpu.vector_load %get3A_299[%get3A_300, %get3A_301] {strides = array<i32>} : memref<400x64xf32, #tpu.memory_space<vmem>>, vector<1x16xf32>,
        %get3A_303 = vector.shape_cast %get3A_302 : vector<1x16xf32> to vector<16xf32>
        %add3A_304 = arith.addf %add3A_260, %get3A_303 : vector<16xf32>
        %add3A_305 = arith.constant 3 : i32
        %add3A_306 = arith.addi %mul3A_152, %add3A_305 : i32
        %get3A_307 = arith.constant 0 : i32
        %get3A_308 = arith.constant 0 : i32
        %get3A_309 = tpu.memref_slice %arg6[%scan3A_115, %get3A_307, %get3A_308] : memref<4x400x64xf32, #tpu.memory_space<vmem>> -> memref<1x400x64xf32, #tpu.memory_space<vmem>>
        %get3A_310 = tpu.memref_squeeze %get3A_309 : memref<1x400x64xf32, #tpu.memory_space<vmem>> -> memref<400x64xf32, #tpu.memory_space<vmem>>
        %get3A_311 = arith.index_cast %add3A_306 : i32 to index
        %get3A_312 = arith.constant 48 : index
        %get3A_313 = tpu.vector_load %get3A_310[%get3A_311, %get3A_312] {strides = array<i32>} : memref<400x64xf32, #tpu.memory_space<vmem>>, vector<1x16xf32>,
        %get3A_314 = vector.shape_cast %get3A_313 : vector<1x16xf32> to vector<16xf32>
        %add3A_315 = arith.addf %add3A_271, %get3A_314 : vector<16xf32>
        %add3A_316 = arith.constant 4 : i32
        %add3A_317 = arith.addi %mul3A_152, %add3A_316 : i32
        %get3A_318 = arith.constant 0 : i32
        %get3A_319 = arith.constant 0 : i32
        %get3A_320 = tpu.memref_slice %arg6[%scan3A_115, %get3A_318, %get3A_319] : memref<4x400x64xf32, #tpu.memory_space<vmem>> -> memref<1x400x64xf32, #tpu.memory_space<vmem>>
        %get3A_321 = tpu.memref_squeeze %get3A_320 : memref<1x400x64xf32, #tpu.memory_space<vmem>> -> memref<400x64xf32, #tpu.memory_space<vmem>>
        %get3A_322 = arith.index_cast %add3A_317 : i32 to index
        %get3A_323 = arith.constant 0 : index
        %get3A_324 = tpu.vector_load %get3A_321[%get3A_322, %get3A_323] {strides = array<i32>} : memref<400x64xf32, #tpu.memory_space<vmem>>, vector<1x16xf32>,
        %get3A_325 = vector.shape_cast %get3A_324 : vector<1x16xf32> to vector<16xf32>
        %add3A_326 = arith.addf %add3A_282, %get3A_325 : vector<16xf32>
        %add3A_327 = arith.constant 4 : i32
        %add3A_328 = arith.addi %mul3A_152, %add3A_327 : i32
        %get3A_329 = arith.constant 0 : i32
        %get3A_330 = arith.constant 0 : i32
        %get3A_331 = tpu.memref_slice %arg6[%scan3A_115, %get3A_329, %get3A_330] : memref<4x400x64xf32, #tpu.memory_space<vmem>> -> memref<1x400x64xf32, #tpu.memory_space<vmem>>
        %get3A_332 = tpu.memref_squeeze %get3A_331 : memref<1x400x64xf32, #tpu.memory_space<vmem>> -> memref<400x64xf32, #tpu.memory_space<vmem>>
        %get3A_333 = arith.index_cast %add3A_328 : i32 to index
        %get3A_334 = arith.constant 16 : index
        %get3A_335 = tpu.vector_load %get3A_332[%get3A_333, %get3A_334] {strides = array<i32>} : memref<400x64xf32, #tpu.memory_space<vmem>>, vector<1x16xf32>,
        %get3A_336 = vector.shape_cast %get3A_335 : vector<1x16xf32> to vector<16xf32>
        %add3A_337 = arith.addf %add3A_293, %get3A_336 : vector<16xf32>
        %add3A_338 = arith.constant 4 : i32
        %add3A_339 = arith.addi %mul3A_152, %add3A_338 : i32
        %get3A_340 = arith.constant 0 : i32
        %get3A_341 = arith.constant 0 : i32
        %get3A_342 = tpu.memref_slice %arg6[%scan3A_115, %get3A_340, %get3A_341] : memref<4x400x64xf32, #tpu.memory_space<vmem>> -> memref<1x400x64xf32, #tpu.memory_space<vmem>>
        %get3A_343 = tpu.memref_squeeze %get3A_342 : memref<1x400x64xf32, #tpu.memory_space<vmem>> -> memref<400x64xf32, #tpu.memory_space<vmem>>
        %get3A_344 = arith.index_cast %add3A_339 : i32 to index
        %get3A_345 = arith.constant 32 : index
        %get3A_346 = tpu.vector_load %get3A_343[%get3A_344, %get3A_345] {strides = array<i32>} : memref<400x64xf32, #tpu.memory_space<vmem>>, vector<1x16xf32>,
        %get3A_347 = vector.shape_cast %get3A_346 : vector<1x16xf32> to vector<16xf32>
        %add3A_348 = arith.addf %add3A_304, %get3A_347 : vector<16xf32>
        %add3A_349 = arith.constant 4 : i32
        %add3A_350 = arith.addi %mul3A_152, %add3A_349 : i32
        %get3A_351 = arith.constant 0 : i32
        %get3A_352 = arith.constant 0 : i32
        %get3A_353 = tpu.memref_slice %arg6[%scan3A_115, %get3A_351, %get3A_352] : memref<4x400x64xf32, #tpu.memory_space<vmem>> -> memref<1x400x64xf32, #tpu.memory_space<vmem>>
        %get3A_354 = tpu.memref_squeeze %get3A_353 : memref<1x400x64xf32, #tpu.memory_space<vmem>> -> memref<400x64xf32, #tpu.memory_space<vmem>>
        %get3A_355 = arith.index_cast %add3A_350 : i32 to index
        %get3A_356 = arith.constant 48 : index
        %get3A_357 = tpu.vector_load %get3A_354[%get3A_355, %get3A_356] {strides = array<i32>} : memref<400x64xf32, #tpu.memory_space<vmem>>, vector<1x16xf32>,
        %get3A_358 = vector.shape_cast %get3A_357 : vector<1x16xf32> to vector<16xf32>
        %add3A_359 = arith.addf %add3A_315, %get3A_358 : vector<16xf32>
        %scan3A_360 = arith.constant 1 : i32
        %scan3A_361 = arith.constant 9 : i32
        %scan3A_362 = arith.addi %scan3A_360, %scan3A_361 : i32
        %scan3A_363 = arith.constant 1 : i32
        %scan3A_364:4 = scf.for %scan3A_394 = %scan3A_360 to %scan3A_362 step %scan3A_363 iter_args(%scan3A_395 = %add3A_326, %scan3A_396 = %add3A_337, %scan3A_397 = %add3A_348, %scan3A_398 = %add3A_359) -> (vector<16xf32>, vector<16xf32>, vector<16xf32>, vector<16xf32>)  : i32 {
          %mul3A_399 = arith.constant 5 : i32
          %mul3A_400 = arith.muli %scan3A_394, %mul3A_399 : i32
          %add3A_401 = arith.addi %mul3A_152, %mul3A_400 : i32
          %add3A_402 = arith.constant 0 : i32
          %add3A_403 = arith.addi %add3A_401, %add3A_402 : i32
          %get3A_404 = arith.constant 0 : i32
          %get3A_405 = arith.constant 0 : i32
          %get3A_406 = tpu.memref_slice %arg6[%scan3A_115, %get3A_404, %get3A_405] : memref<4x400x64xf32, #tpu.memory_space<vmem>> -> memref<1x400x64xf32, #tpu.memory_space<vmem>>
          %get3A_407 = tpu.memref_squeeze %get3A_406 : memref<1x400x64xf32, #tpu.memory_space<vmem>> -> memref<400x64xf32, #tpu.memory_space<vmem>>
          %get3A_408 = arith.index_cast %add3A_403 : i32 to index
          %get3A_409 = arith.constant 0 : index
          %get3A_410 = tpu.vector_load %get3A_407[%get3A_408, %get3A_409] {strides = array<i32>} : memref<400x64xf32, #tpu.memory_space<vmem>>, vector<1x16xf32>,
          %get3A_411 = vector.shape_cast %get3A_410 : vector<1x16xf32> to vector<16xf32>
          %add3A_412 = arith.addf %scan3A_395, %get3A_411 : vector<16xf32>
          %add3A_413 = arith.constant 0 : i32
          %add3A_414 = arith.addi %add3A_401, %add3A_413 : i32
          %get3A_415 = arith.constant 0 : i32
          %get3A_416 = arith.constant 0 : i32
          %get3A_417 = tpu.memref_slice %arg6[%scan3A_115, %get3A_415, %get3A_416] : memref<4x400x64xf32, #tpu.memory_space<vmem>> -> memref<1x400x64xf32, #tpu.memory_space<vmem>>
          %get3A_418 = tpu.memref_squeeze %get3A_417 : memref<1x400x64xf32, #tpu.memory_space<vmem>> -> memref<400x64xf32, #tpu.memory_space<vmem>>
          %get3A_419 = arith.index_cast %add3A_414 : i32 to index
          %get3A_420 = arith.constant 16 : index
          %get3A_421 = tpu.vector_load %get3A_418[%get3A_419, %get3A_420] {strides = array<i32>} : memref<400x64xf32, #tpu.memory_space<vmem>>, vector<1x16xf32>,
          %get3A_422 = vector.shape_cast %get3A_421 : vector<1x16xf32> to vector<16xf32>
          %add3A_423 = arith.addf %scan3A_396, %get3A_422 : vector<16xf32>
          %add3A_424 = arith.constant 0 : i32
          %add3A_425 = arith.addi %add3A_401, %add3A_424 : i32
          %get3A_426 = arith.constant 0 : i32
          %get3A_427 = arith.constant 0 : i32
          %get3A_428 = tpu.memref_slice %arg6[%scan3A_115, %get3A_426, %get3A_427] : memref<4x400x64xf32, #tpu.memory_space<vmem>> -> memref<1x400x64xf32, #tpu.memory_space<vmem>>
          %get3A_429 = tpu.memref_squeeze %get3A_428 : memref<1x400x64xf32, #tpu.memory_space<vmem>> -> memref<400x64xf32, #tpu.memory_space<vmem>>
          %get3A_430 = arith.index_cast %add3A_425 : i32 to index
          %get3A_431 = arith.constant 32 : index
          %get3A_432 = tpu.vector_load %get3A_429[%get3A_430, %get3A_431] {strides = array<i32>} : memref<400x64xf32, #tpu.memory_space<vmem>>, vector<1x16xf32>,
          %get3A_433 = vector.shape_cast %get3A_432 : vector<1x16xf32> to vector<16xf32>
          %add3A_434 = arith.addf %scan3A_397, %get3A_433 : vector<16xf32>
          %add3A_435 = arith.constant 0 : i32
          %add3A_436 = arith.addi %add3A_401, %add3A_435 : i32
          %get3A_437 = arith.constant 0 : i32
          %get3A_438 = arith.constant 0 : i32
          %get3A_439 = tpu.memref_slice %arg6[%scan3A_115, %get3A_437, %get3A_438] : memref<4x400x64xf32, #tpu.memory_space<vmem>> -> memref<1x400x64xf32, #tpu.memory_space<vmem>>
          %get3A_440 = tpu.memref_squeeze %get3A_439 : memref<1x400x64xf32, #tpu.memory_space<vmem>> -> memref<400x64xf32, #tpu.memory_space<vmem>>
          %get3A_441 = arith.index_cast %add3A_436 : i32 to index
          %get3A_442 = arith.constant 48 : index
          %get3A_443 = tpu.vector_load %get3A_440[%get3A_441, %get3A_442] {strides = array<i32>} : memref<400x64xf32, #tpu.memory_space<vmem>>, vector<1x16xf32>,
          %get3A_444 = vector.shape_cast %get3A_443 : vector<1x16xf32> to vector<16xf32>
          %add3A_445 = arith.addf %scan3A_398, %get3A_444 : vector<16xf32>
          %add3A_446 = arith.constant 1 : i32
          %add3A_447 = arith.addi %add3A_401, %add3A_446 : i32
          %get3A_448 = arith.constant 0 : i32
          %get3A_449 = arith.constant 0 : i32
          %get3A_450 = tpu.memref_slice %arg6[%scan3A_115, %get3A_448, %get3A_449] : memref<4x400x64xf32, #tpu.memory_space<vmem>> -> memref<1x400x64xf32, #tpu.memory_space<vmem>>
          %get3A_451 = tpu.memref_squeeze %get3A_450 : memref<1x400x64xf32, #tpu.memory_space<vmem>> -> memref<400x64xf32, #tpu.memory_space<vmem>>
          %get3A_452 = arith.index_cast %add3A_447 : i32 to index
          %get3A_453 = arith.constant 0 : index
          %get3A_454 = tpu.vector_load %get3A_451[%get3A_452, %get3A_453] {strides = array<i32>} : memref<400x64xf32, #tpu.memory_space<vmem>>, vector<1x16xf32>,
          %get3A_455 = vector.shape_cast %get3A_454 : vector<1x16xf32> to vector<16xf32>
          %add3A_456 = arith.addf %add3A_412, %get3A_455 : vector<16xf32>
          %add3A_457 = arith.constant 1 : i32
          %add3A_458 = arith.addi %add3A_401, %add3A_457 : i32
          %get3A_459 = arith.constant 0 : i32
          %get3A_460 = arith.constant 0 : i32
          %get3A_461 = tpu.memref_slice %arg6[%scan3A_115, %get3A_459, %get3A_460] : memref<4x400x64xf32, #tpu.memory_space<vmem>> -> memref<1x400x64xf32, #tpu.memory_space<vmem>>
          %get3A_462 = tpu.memref_squeeze %get3A_461 : memref<1x400x64xf32, #tpu.memory_space<vmem>> -> memref<400x64xf32, #tpu.memory_space<vmem>>
          %get3A_463 = arith.index_cast %add3A_458 : i32 to index
          %get3A_464 = arith.constant 16 : index
          %get3A_465 = tpu.vector_load %get3A_462[%get3A_463, %get3A_464] {strides = array<i32>} : memref<400x64xf32, #tpu.memory_space<vmem>>, vector<1x16xf32>,
          %get3A_466 = vector.shape_cast %get3A_465 : vector<1x16xf32> to vector<16xf32>
          %add3A_467 = arith.addf %add3A_423, %get3A_466 : vector<16xf32>
          %add3A_468 = arith.constant 1 : i32
          %add3A_469 = arith.addi %add3A_401, %add3A_468 : i32
          %get3A_470 = arith.constant 0 : i32
          %get3A_471 = arith.constant 0 : i32
          %get3A_472 = tpu.memref_slice %arg6[%scan3A_115, %get3A_470, %get3A_471] : memref<4x400x64xf32, #tpu.memory_space<vmem>> -> memref<1x400x64xf32, #tpu.memory_space<vmem>>
          %get3A_473 = tpu.memref_squeeze %get3A_472 : memref<1x400x64xf32, #tpu.memory_space<vmem>> -> memref<400x64xf32, #tpu.memory_space<vmem>>
          %get3A_474 = arith.index_cast %add3A_469 : i32 to index
          %get3A_475 = arith.constant 32 : index
          %get3A_476 = tpu.vector_load %get3A_473[%get3A_474, %get3A_475] {strides = array<i32>} : memref<400x64xf32, #tpu.memory_space<vmem>>, vector<1x16xf32>,
          %get3A_477 = vector.shape_cast %get3A_476 : vector<1x16xf32> to vector<16xf32>
          %add3A_478 = arith.addf %add3A_434, %get3A_477 : vector<16xf32>
          %add3A_479 = arith.constant 1 : i32
          %add3A_480 = arith.addi %add3A_401, %add3A_479 : i32
          %get3A_481 = arith.constant 0 : i32
          %get3A_482 = arith.constant 0 : i32
          %get3A_483 = tpu.memref_slice %arg6[%scan3A_115, %get3A_481, %get3A_482] : memref<4x400x64xf32, #tpu.memory_space<vmem>> -> memref<1x400x64xf32, #tpu.memory_space<vmem>>
          %get3A_484 = tpu.memref_squeeze %get3A_483 : memref<1x400x64xf32, #tpu.memory_space<vmem>> -> memref<400x64xf32, #tpu.memory_space<vmem>>
          %get3A_485 = arith.index_cast %add3A_480 : i32 to index
          %get3A_486 = arith.constant 48 : index
          %get3A_487 = tpu.vector_load %get3A_484[%get3A_485, %get3A_486] {strides = array<i32>} : memref<400x64xf32, #tpu.memory_space<vmem>>, vector<1x16xf32>,
          %get3A_488 = vector.shape_cast %get3A_487 : vector<1x16xf32> to vector<16xf32>
          %add3A_489 = arith.addf %add3A_445, %get3A_488 : vector<16xf32>
          %add3A_490 = arith.constant 2 : i32
          %add3A_491 = arith.addi %add3A_401, %add3A_490 : i32
          %get3A_492 = arith.constant 0 : i32
          %get3A_493 = arith.constant 0 : i32
          %get3A_494 = tpu.memref_slice %arg6[%scan3A_115, %get3A_492, %get3A_493] : memref<4x400x64xf32, #tpu.memory_space<vmem>> -> memref<1x400x64xf32, #tpu.memory_space<vmem>>
          %get3A_495 = tpu.memref_squeeze %get3A_494 : memref<1x400x64xf32, #tpu.memory_space<vmem>> -> memref<400x64xf32, #tpu.memory_space<vmem>>
          %get3A_496 = arith.index_cast %add3A_491 : i32 to index
          %get3A_497 = arith.constant 0 : index
          %get3A_498 = tpu.vector_load %get3A_495[%get3A_496, %get3A_497] {strides = array<i32>} : memref<400x64xf32, #tpu.memory_space<vmem>>, vector<1x16xf32>,
          %get3A_499 = vector.shape_cast %get3A_498 : vector<1x16xf32> to vector<16xf32>
          %add3A_500 = arith.addf %add3A_456, %get3A_499 : vector<16xf32>
          %add3A_501 = arith.constant 2 : i32
          %add3A_502 = arith.addi %add3A_401, %add3A_501 : i32
          %get3A_503 = arith.constant 0 : i32
          %get3A_504 = arith.constant 0 : i32
          %get3A_505 = tpu.memref_slice %arg6[%scan3A_115, %get3A_503, %get3A_504] : memref<4x400x64xf32, #tpu.memory_space<vmem>> -> memref<1x400x64xf32, #tpu.memory_space<vmem>>
          %get3A_506 = tpu.memref_squeeze %get3A_505 : memref<1x400x64xf32, #tpu.memory_space<vmem>> -> memref<400x64xf32, #tpu.memory_space<vmem>>
          %get3A_507 = arith.index_cast %add3A_502 : i32 to index
          %get3A_508 = arith.constant 16 : index
          %get3A_509 = tpu.vector_load %get3A_506[%get3A_507, %get3A_508] {strides = array<i32>} : memref<400x64xf32, #tpu.memory_space<vmem>>, vector<1x16xf32>,
          %get3A_510 = vector.shape_cast %get3A_509 : vector<1x16xf32> to vector<16xf32>
          %add3A_511 = arith.addf %add3A_467, %get3A_510 : vector<16xf32>
          %add3A_512 = arith.constant 2 : i32
          %add3A_513 = arith.addi %add3A_401, %add3A_512 : i32
          %get3A_514 = arith.constant 0 : i32
          %get3A_515 = arith.constant 0 : i32
          %get3A_516 = tpu.memref_slice %arg6[%scan3A_115, %get3A_514, %get3A_515] : memref<4x400x64xf32, #tpu.memory_space<vmem>> -> memref<1x400x64xf32, #tpu.memory_space<vmem>>
          %get3A_517 = tpu.memref_squeeze %get3A_516 : memref<1x400x64xf32, #tpu.memory_space<vmem>> -> memref<400x64xf32, #tpu.memory_space<vmem>>
          %get3A_518 = arith.index_cast %add3A_513 : i32 to index
          %get3A_519 = arith.constant 32 : index
          %get3A_520 = tpu.vector_load %get3A_517[%get3A_518, %get3A_519] {strides = array<i32>} : memref<400x64xf32, #tpu.memory_space<vmem>>, vector<1x16xf32>,
          %get3A_521 = vector.shape_cast %get3A_520 : vector<1x16xf32> to vector<16xf32>
          %add3A_522 = arith.addf %add3A_478, %get3A_521 : vector<16xf32>
          %add3A_523 = arith.constant 2 : i32
          %add3A_524 = arith.addi %add3A_401, %add3A_523 : i32
          %get3A_525 = arith.constant 0 : i32
          %get3A_526 = arith.constant 0 : i32
          %get3A_527 = tpu.memref_slice %arg6[%scan3A_115, %get3A_525, %get3A_526] : memref<4x400x64xf32, #tpu.memory_space<vmem>> -> memref<1x400x64xf32, #tpu.memory_space<vmem>>
          %get3A_528 = tpu.memref_squeeze %get3A_527 : memref<1x400x64xf32, #tpu.memory_space<vmem>> -> memref<400x64xf32, #tpu.memory_space<vmem>>
          %get3A_529 = arith.index_cast %add3A_524 : i32 to index
          %get3A_530 = arith.constant 48 : index
          %get3A_531 = tpu.vector_load %get3A_528[%get3A_529, %get3A_530] {strides = array<i32>} : memref<400x64xf32, #tpu.memory_space<vmem>>, vector<1x16xf32>,
          %get3A_532 = vector.shape_cast %get3A_531 : vector<1x16xf32> to vector<16xf32>
          %add3A_533 = arith.addf %add3A_489, %get3A_532 : vector<16xf32>
          %add3A_534 = arith.constant 3 : i32
          %add3A_535 = arith.addi %add3A_401, %add3A_534 : i32
          %get3A_536 = arith.constant 0 : i32
          %get3A_537 = arith.constant 0 : i32
          %get3A_538 = tpu.memref_slice %arg6[%scan3A_115, %get3A_536, %get3A_537] : memref<4x400x64xf32, #tpu.memory_space<vmem>> -> memref<1x400x64xf32, #tpu.memory_space<vmem>>
          %get3A_539 = tpu.memref_squeeze %get3A_538 : memref<1x400x64xf32, #tpu.memory_space<vmem>> -> memref<400x64xf32, #tpu.memory_space<vmem>>
          %get3A_540 = arith.index_cast %add3A_535 : i32 to index
          %get3A_541 = arith.constant 0 : index
          %get3A_542 = tpu.vector_load %get3A_539[%get3A_540, %get3A_541] {strides = array<i32>} : memref<400x64xf32, #tpu.memory_space<vmem>>, vector<1x16xf32>,
          %get3A_543 = vector.shape_cast %get3A_542 : vector<1x16xf32> to vector<16xf32>
          %add3A_544 = arith.addf %add3A_500, %get3A_543 : vector<16xf32>
          %add3A_545 = arith.constant 3 : i32
          %add3A_546 = arith.addi %add3A_401, %add3A_545 : i32
          %get3A_547 = arith.constant 0 : i32
          %get3A_548 = arith.constant 0 : i32
          %get3A_549 = tpu.memref_slice %arg6[%scan3A_115, %get3A_547, %get3A_548] : memref<4x400x64xf32, #tpu.memory_space<vmem>> -> memref<1x400x64xf32, #tpu.memory_space<vmem>>
          %get3A_550 = tpu.memref_squeeze %get3A_549 : memref<1x400x64xf32, #tpu.memory_space<vmem>> -> memref<400x64xf32, #tpu.memory_space<vmem>>
          %get3A_551 = arith.index_cast %add3A_546 : i32 to index
          %get3A_552 = arith.constant 16 : index
          %get3A_553 = tpu.vector_load %get3A_550[%get3A_551, %get3A_552] {strides = array<i32>} : memref<400x64xf32, #tpu.memory_space<vmem>>, vector<1x16xf32>,
          %get3A_554 = vector.shape_cast %get3A_553 : vector<1x16xf32> to vector<16xf32>
          %add3A_555 = arith.addf %add3A_511, %get3A_554 : vector<16xf32>
          %add3A_556 = arith.constant 3 : i32
          %add3A_557 = arith.addi %add3A_401, %add3A_556 : i32
          %get3A_558 = arith.constant 0 : i32
          %get3A_559 = arith.constant 0 : i32
          %get3A_560 = tpu.memref_slice %arg6[%scan3A_115, %get3A_558, %get3A_559] : memref<4x400x64xf32, #tpu.memory_space<vmem>> -> memref<1x400x64xf32, #tpu.memory_space<vmem>>
          %get3A_561 = tpu.memref_squeeze %get3A_560 : memref<1x400x64xf32, #tpu.memory_space<vmem>> -> memref<400x64xf32, #tpu.memory_space<vmem>>
          %get3A_562 = arith.index_cast %add3A_557 : i32 to index
          %get3A_563 = arith.constant 32 : index
          %get3A_564 = tpu.vector_load %get3A_561[%get3A_562, %get3A_563] {strides = array<i32>} : memref<400x64xf32, #tpu.memory_space<vmem>>, vector<1x16xf32>,
          %get3A_565 = vector.shape_cast %get3A_564 : vector<1x16xf32> to vector<16xf32>
          %add3A_566 = arith.addf %add3A_522, %get3A_565 : vector<16xf32>
          %add3A_567 = arith.constant 3 : i32
          %add3A_568 = arith.addi %add3A_401, %add3A_567 : i32
          %get3A_569 = arith.constant 0 : i32
          %get3A_570 = arith.constant 0 : i32
          %get3A_571 = tpu.memref_slice %arg6[%scan3A_115, %get3A_569, %get3A_570] : memref<4x400x64xf32, #tpu.memory_space<vmem>> -> memref<1x400x64xf32, #tpu.memory_space<vmem>>
          %get3A_572 = tpu.memref_squeeze %get3A_571 : memref<1x400x64xf32, #tpu.memory_space<vmem>> -> memref<400x64xf32, #tpu.memory_space<vmem>>
          %get3A_573 = arith.index_cast %add3A_568 : i32 to index
          %get3A_574 = arith.constant 48 : index
          %get3A_575 = tpu.vector_load %get3A_572[%get3A_573, %get3A_574] {strides = array<i32>} : memref<400x64xf32, #tpu.memory_space<vmem>>, vector<1x16xf32>,
          %get3A_576 = vector.shape_cast %get3A_575 : vector<1x16xf32> to vector<16xf32>
          %add3A_577 = arith.addf %add3A_533, %get3A_576 : vector<16xf32>
          %add3A_578 = arith.constant 4 : i32
          %add3A_579 = arith.addi %add3A_401, %add3A_578 : i32
          %get3A_580 = arith.constant 0 : i32
          %get3A_581 = arith.constant 0 : i32
          %get3A_582 = tpu.memref_slice %arg6[%scan3A_115, %get3A_580, %get3A_581] : memref<4x400x64xf32, #tpu.memory_space<vmem>> -> memref<1x400x64xf32, #tpu.memory_space<vmem>>
          %get3A_583 = tpu.memref_squeeze %get3A_582 : memref<1x400x64xf32, #tpu.memory_space<vmem>> -> memref<400x64xf32, #tpu.memory_space<vmem>>
          %get3A_584 = arith.index_cast %add3A_579 : i32 to index
          %get3A_585 = arith.constant 0 : index
          %get3A_586 = tpu.vector_load %get3A_583[%get3A_584, %get3A_585] {strides = array<i32>} : memref<400x64xf32, #tpu.memory_space<vmem>>, vector<1x16xf32>,
          %get3A_587 = vector.shape_cast %get3A_586 : vector<1x16xf32> to vector<16xf32>
          %add3A_588 = arith.addf %add3A_544, %get3A_587 : vector<16xf32>
          %add3A_589 = arith.constant 4 : i32
          %add3A_590 = arith.addi %add3A_401, %add3A_589 : i32
          %get3A_591 = arith.constant 0 : i32
          %get3A_592 = arith.constant 0 : i32
          %get3A_593 = tpu.memref_slice %arg6[%scan3A_115, %get3A_591, %get3A_592] : memref<4x400x64xf32, #tpu.memory_space<vmem>> -> memref<1x400x64xf32, #tpu.memory_space<vmem>>
          %get3A_594 = tpu.memref_squeeze %get3A_593 : memref<1x400x64xf32, #tpu.memory_space<vmem>> -> memref<400x64xf32, #tpu.memory_space<vmem>>
          %get3A_595 = arith.index_cast %add3A_590 : i32 to index
          %get3A_596 = arith.constant 16 : index
          %get3A_597 = tpu.vector_load %get3A_594[%get3A_595, %get3A_596] {strides = array<i32>} : memref<400x64xf32, #tpu.memory_space<vmem>>, vector<1x16xf32>,
          %get3A_598 = vector.shape_cast %get3A_597 : vector<1x16xf32> to vector<16xf32>
          %add3A_599 = arith.addf %add3A_555, %get3A_598 : vector<16xf32>
          %add3A_600 = arith.constant 4 : i32
          %add3A_601 = arith.addi %add3A_401, %add3A_600 : i32
          %get3A_602 = arith.constant 0 : i32
          %get3A_603 = arith.constant 0 : i32
          %get3A_604 = tpu.memref_slice %arg6[%scan3A_115, %get3A_602, %get3A_603] : memref<4x400x64xf32, #tpu.memory_space<vmem>> -> memref<1x400x64xf32, #tpu.memory_space<vmem>>
          %get3A_605 = tpu.memref_squeeze %get3A_604 : memref<1x400x64xf32, #tpu.memory_space<vmem>> -> memref<400x64xf32, #tpu.memory_space<vmem>>
          %get3A_606 = arith.index_cast %add3A_601 : i32 to index
          %get3A_607 = arith.constant 32 : index
          %get3A_608 = tpu.vector_load %get3A_605[%get3A_606, %get3A_607] {strides = array<i32>} : memref<400x64xf32, #tpu.memory_space<vmem>>, vector<1x16xf32>,
          %get3A_609 = vector.shape_cast %get3A_608 : vector<1x16xf32> to vector<16xf32>
          %add3A_610 = arith.addf %add3A_566, %get3A_609 : vector<16xf32>
          %add3A_611 = arith.constant 4 : i32
          %add3A_612 = arith.addi %add3A_401, %add3A_611 : i32
          %get3A_613 = arith.constant 0 : i32
          %get3A_614 = arith.constant 0 : i32
          %get3A_615 = tpu.memref_slice %arg6[%scan3A_115, %get3A_613, %get3A_614] : memref<4x400x64xf32, #tpu.memory_space<vmem>> -> memref<1x400x64xf32, #tpu.memory_space<vmem>>
          %get3A_616 = tpu.memref_squeeze %get3A_615 : memref<1x400x64xf32, #tpu.memory_space<vmem>> -> memref<400x64xf32, #tpu.memory_space<vmem>>
          %get3A_617 = arith.index_cast %add3A_612 : i32 to index
          %get3A_618 = arith.constant 48 : index
          %get3A_619 = tpu.vector_load %get3A_616[%get3A_617, %get3A_618] {strides = array<i32>} : memref<400x64xf32, #tpu.memory_space<vmem>>, vector<1x16xf32>,
          %get3A_620 = vector.shape_cast %get3A_619 : vector<1x16xf32> to vector<16xf32>
          %add3A_621 = arith.addf %add3A_577, %get3A_620 : vector<16xf32>
          scf.yield %add3A_588, %add3A_599, %add3A_610, %add3A_621 : vector<16xf32>, vector<16xf32>, vector<16xf32>, vector<16xf32>
        }
        %scan3A_365 = arith.constant 9 : i32
        %mul3A_366 = arith.constant 8 : i32
        %mul3A_367 = arith.muli %add3A_95, %mul3A_366 : i32
        %add3A_368 = arith.addi %mul3A_367, %scan3A_150 : i32
        %mul3A_369 = arith.constant 64 : i32
        %mul3A_370 = arith.muli %add3A_368, %mul3A_369 : i32
        %add3A_371 = arith.constant 0 : i32
        %add3A_372 = arith.addi %mul3A_370, %add3A_371 : i32
        %swap3A = arith.index_cast %add3A_372 : i32 to index
        %swap3A_373 = tpu.vector_load %arg7[%swap3A] {strides = array<i32>} : memref<8192xf32, #tpu.memory_space<vmem>>, vector<16xf32>,
        %swap3A_374 = vector.shape_cast %swap3A_373 : vector<16xf32> to vector<16xf32>
        %swap3A_375 = vector.shape_cast %scan3A_364#0 : vector<16xf32> to vector<16xf32>
        tpu.vector_store %arg7[%swap3A], %swap3A_375 {strides = array<i32>} : memref<8192xf32, #tpu.memory_space<vmem>>, vector<16xf32>,
        %add3A_376 = arith.constant 16 : i32
        %add3A_377 = arith.addi %mul3A_370, %add3A_376 : i32
        %swap3A_378 = arith.index_cast %add3A_377 : i32 to index
        %swap3A_379 = tpu.vector_load %arg7[%swap3A_378] {strides = array<i32>} : memref<8192xf32, #tpu.memory_space<vmem>>, vector<16xf32>,
        %swap3A_380 = vector.shape_cast %swap3A_379 : vector<16xf32> to vector<16xf32>
        %swap3A_381 = vector.shape_cast %scan3A_364#1 : vector<16xf32> to vector<16xf32>
        tpu.vector_store %arg7[%swap3A_378], %swap3A_381 {strides = array<i32>} : memref<8192xf32, #tpu.memory_space<vmem>>, vector<16xf32>,
        %add3A_382 = arith.constant 32 : i32
        %add3A_383 = arith.addi %mul3A_370, %add3A_382 : i32
        %swap3A_384 = arith.index_cast %add3A_383 : i32 to index
        %swap3A_385 = tpu.vector_load %arg7[%swap3A_384] {strides = array<i32>} : memref<8192xf32, #tpu.memory_space<vmem>>, vector<16xf32>,
        %swap3A_386 = vector.shape_cast %swap3A_385 : vector<16xf32> to vector<16xf32>
        %swap3A_387 = vector.shape_cast %scan3A_364#2 : vector<16xf32> to vector<16xf32>
        tpu.vector_store %arg7[%swap3A_384], %swap3A_387 {strides = array<i32>} : memref<8192xf32, #tpu.memory_space<vmem>>, vector<16xf32>,
        %add3A_388 = arith.constant 48 : i32
        %add3A_389 = arith.addi %mul3A_370, %add3A_388 : i32
        %swap3A_390 = arith.index_cast %add3A_389 : i32 to index
        %swap3A_391 = tpu.vector_load %arg7[%swap3A_390] {strides = array<i32>} : memref<8192xf32, #tpu.memory_space<vmem>>, vector<16xf32>,
        %swap3A_392 = vector.shape_cast %swap3A_391 : vector<16xf32> to vector<16xf32>
        %swap3A_393 = vector.shape_cast %scan3A_364#3 : vector<16xf32> to vector<16xf32>
        tpu.vector_store %arg7[%swap3A_390], %swap3A_393 {strides = array<i32>} : memref<8192xf32, #tpu.memory_space<vmem>>, vector<16xf32>,
      }
      %scan3A_120 = arith.constant 8 : i32
      %mul3A_121 = arith.constant 4 : i32
      %mul3A_122 = arith.muli %scan3A_38, %mul3A_121 : i32
      %add3A_123 = arith.constant 3 : i32
      %add3A_124 = arith.addi %mul3A_122, %add3A_123 : i32
      %dma_wait3A_125 = arith.constant 3 : i32
      %dma_wait3A_126 = arith.constant 0 : i32
      %dma_wait3A_127 = arith.constant 0 : i32
      %dma_wait3A_128 = tpu.memref_slice %arg6[%dma_wait3A_125, %dma_wait3A_126, %dma_wait3A_127] : memref<4x400x64xf32, #tpu.memory_space<vmem>> -> memref<1x400x64xf32, #tpu.memory_space<vmem>>
      %dma_wait3A_129 = tpu.memref_squeeze %dma_wait3A_128 : memref<1x400x64xf32, #tpu.memory_space<vmem>> -> memref<400x64xf32, #tpu.memory_space<vmem>>
      %dma_wait3A_130 = arith.constant 0 : i32
      %dma_wait3A_131 = tpu.memref_slice %arg5[%dma_wait3A_130] : memref<6400xi32, #tpu.memory_space<vmem>> -> memref<400xi32, #tpu.memory_space<vmem>>
      %dma_wait3A_132 = arith.constant 0 : i32
      %dma_wait3A_133 = arith.constant 0 : i32
      %dma_wait3A_134 = tpu.memref_slice %arg3[%dma_wait3A_132, %dma_wait3A_133] : memref<200000x64xf32, #tpu.memory_space<hbm>> -> memref<200000x64xf32, #tpu.memory_space<hbm>>
      tpu.wait_indirect_dma semaphore(%arg11 : memref<!tpu.dma_semaphore, #tpu.memory_space<semaphore_mem>>) src(%dma_wait3A_134 : memref<200000x64xf32, #tpu.memory_space<hbm>>) dst(%dma_wait3A_129 : memref<400x64xf32, #tpu.memory_space<vmem>>)
      %add3A_135 = arith.constant 4 : i32
      %add3A_136 = arith.addi %add3A_124, %add3A_135 : i32
      %sub3A_137 = arith.constant 1 : i32
      %sub3A_138 = arith.subi %add3A_136, %sub3A_137 : i32
      %lt3A_139 = arith.constant 16 : i32
      %lt3A_140 = arith.cmpi slt, %sub3A_138, %lt3A_139 : i32
      %convert_element_type3A_141 = arith.extui %lt3A_140 : i1 to i32
      %cond3A_142 = arith.constant 0 : i32
      %cond3A_143 = arith.cmpi ne, %convert_element_type3A_141, %cond3A_142 : i32
      scf.if %cond3A_143 {
        %mul3A_150 = arith.constant 400 : i32
        %mul3A_151 = arith.muli %sub3A_138, %mul3A_150 : i32
        %dma_start3A_152 = arith.constant 2 : i32
        %dma_start3A_153 = arith.constant 0 : i32
        %dma_start3A_154 = arith.constant 0 : i32
        %dma_start3A_155 = tpu.memref_slice %arg6[%dma_start3A_152, %dma_start3A_153, %dma_start3A_154] : memref<4x400x64xf32, #tpu.memory_space<vmem>> -> memref<1x400x64xf32, #tpu.memory_space<vmem>>
        %dma_start3A_156 = tpu.memref_squeeze %dma_start3A_155 : memref<1x400x64xf32, #tpu.memory_space<vmem>> -> memref<400x64xf32, #tpu.memory_space<vmem>>
        %dma_start3A_157 = tpu.memref_slice %arg5[%mul3A_151] : memref<6400xi32, #tpu.memory_space<vmem>> -> memref<400xi32, #tpu.memory_space<vmem>>
        %dma_start3A_158 = arith.constant 0 : i32
        %dma_start3A_159 = arith.constant 0 : i32
        %dma_start3A_160 = tpu.memref_slice %arg3[%dma_start3A_158, %dma_start3A_159] : memref<200000x64xf32, #tpu.memory_space<hbm>> -> memref<200000x64xf32, #tpu.memory_space<hbm>>
        tpu.enqueue_indirect_dma source(%dma_start3A_160 : memref<200000x64xf32, #tpu.memory_space<hbm>>) target(%dma_start3A_156 : memref<400x64xf32, #tpu.memory_space<vmem>>) offsets(%dma_start3A_157 : memref<400xi32, #tpu.memory_space<vmem>>) semaphore(%arg10 : memref<!tpu.dma_semaphore, #tpu.memory_space<semaphore_mem>>)
      } else {
      }
      %scan3A_144 = arith.constant 3 : i32
      %scan3A_145 = arith.constant 0 : i32
      %scan3A_146 = arith.constant 8 : i32
      %scan3A_147 = arith.addi %scan3A_145, %scan3A_146 : i32
      %scan3A_148 = arith.constant 1 : i32
      scf.for %scan3A_150 = %scan3A_145 to %scan3A_147 step %scan3A_148  : i32 {
        %mul3A_151 = arith.constant 50 : i32
        %mul3A_152 = arith.muli %scan3A_150, %mul3A_151 : i32
        %get3A = arith.constant 0 : i32
        %get3A_153 = arith.constant 0 : i32
        %get3A_154 = tpu.memref_slice %arg6[%scan3A_144, %get3A, %get3A_153] : memref<4x400x64xf32, #tpu.memory_space<vmem>> -> memref<1x400x64xf32, #tpu.memory_space<vmem>>
        %get3A_155 = tpu.memref_squeeze %get3A_154 : memref<1x400x64xf32, #tpu.memory_space<vmem>> -> memref<400x64xf32, #tpu.memory_space<vmem>>
        %get3A_156 = arith.index_cast %mul3A_152 : i32 to index
        %get3A_157 = arith.constant 0 : index
        %get3A_158 = tpu.vector_load %get3A_155[%get3A_156, %get3A_157] {strides = array<i32>} : memref<400x64xf32, #tpu.memory_space<vmem>>, vector<1x16xf32>,
        %get3A_159 = vector.shape_cast %get3A_158 : vector<1x16xf32> to vector<16xf32>
        %get3A_160 = arith.constant 0 : i32
        %get3A_161 = arith.constant 0 : i32
        %get3A_162 = tpu.memref_slice %arg6[%scan3A_144, %get3A_160, %get3A_161] : memref<4x400x64xf32, #tpu.memory_space<vmem>> -> memref<1x400x64xf32, #tpu.memory_space<vmem>>
        %get3A_163 = tpu.memref_squeeze %get3A_162 : memref<1x400x64xf32, #tpu.memory_space<vmem>> -> memref<400x64xf32, #tpu.memory_space<vmem>>
        %get3A_164 = arith.index_cast %mul3A_152 : i32 to index
        %get3A_165 = arith.constant 16 : index
        %get3A_166 = tpu.vector_load %get3A_163[%get3A_164, %get3A_165] {strides = array<i32>} : memref<400x64xf32, #tpu.memory_space<vmem>>, vector<1x16xf32>,
        %get3A_167 = vector.shape_cast %get3A_166 : vector<1x16xf32> to vector<16xf32>
        %get3A_168 = arith.constant 0 : i32
        %get3A_169 = arith.constant 0 : i32
        %get3A_170 = tpu.memref_slice %arg6[%scan3A_144, %get3A_168, %get3A_169] : memref<4x400x64xf32, #tpu.memory_space<vmem>> -> memref<1x400x64xf32, #tpu.memory_space<vmem>>
        %get3A_171 = tpu.memref_squeeze %get3A_170 : memref<1x400x64xf32, #tpu.memory_space<vmem>> -> memref<400x64xf32, #tpu.memory_space<vmem>>
        %get3A_172 = arith.index_cast %mul3A_152 : i32 to index
        %get3A_173 = arith.constant 32 : index
        %get3A_174 = tpu.vector_load %get3A_171[%get3A_172, %get3A_173] {strides = array<i32>} : memref<400x64xf32, #tpu.memory_space<vmem>>, vector<1x16xf32>,
        %get3A_175 = vector.shape_cast %get3A_174 : vector<1x16xf32> to vector<16xf32>
        %get3A_176 = arith.constant 0 : i32
        %get3A_177 = arith.constant 0 : i32
        %get3A_178 = tpu.memref_slice %arg6[%scan3A_144, %get3A_176, %get3A_177] : memref<4x400x64xf32, #tpu.memory_space<vmem>> -> memref<1x400x64xf32, #tpu.memory_space<vmem>>
        %get3A_179 = tpu.memref_squeeze %get3A_178 : memref<1x400x64xf32, #tpu.memory_space<vmem>> -> memref<400x64xf32, #tpu.memory_space<vmem>>
        %get3A_180 = arith.index_cast %mul3A_152 : i32 to index
        %get3A_181 = arith.constant 48 : index
        %get3A_182 = tpu.vector_load %get3A_179[%get3A_180, %get3A_181] {strides = array<i32>} : memref<400x64xf32, #tpu.memory_space<vmem>>, vector<1x16xf32>,
        %get3A_183 = vector.shape_cast %get3A_182 : vector<1x16xf32> to vector<16xf32>
        %add3A_184 = arith.constant 1 : i32
        %add3A_185 = arith.addi %mul3A_152, %add3A_184 : i32
        %get3A_186 = arith.constant 0 : i32
        %get3A_187 = arith.constant 0 : i32
        %get3A_188 = tpu.memref_slice %arg6[%scan3A_144, %get3A_186, %get3A_187] : memref<4x400x64xf32, #tpu.memory_space<vmem>> -> memref<1x400x64xf32, #tpu.memory_space<vmem>>
        %get3A_189 = tpu.memref_squeeze %get3A_188 : memref<1x400x64xf32, #tpu.memory_space<vmem>> -> memref<400x64xf32, #tpu.memory_space<vmem>>
        %get3A_190 = arith.index_cast %add3A_185 : i32 to index
        %get3A_191 = arith.constant 0 : index
        %get3A_192 = tpu.vector_load %get3A_189[%get3A_190, %get3A_191] {strides = array<i32>} : memref<400x64xf32, #tpu.memory_space<vmem>>, vector<1x16xf32>,
        %get3A_193 = vector.shape_cast %get3A_192 : vector<1x16xf32> to vector<16xf32>
        %add3A_194 = arith.addf %get3A_159, %get3A_193 : vector<16xf32>
        %add3A_195 = arith.constant 1 : i32
        %add3A_196 = arith.addi %mul3A_152, %add3A_195 : i32
        %get3A_197 = arith.constant 0 : i32
        %get3A_198 = arith.constant 0 : i32
        %get3A_199 = tpu.memref_slice %arg6[%scan3A_144, %get3A_197, %get3A_198] : memref<4x400x64xf32, #tpu.memory_space<vmem>> -> memref<1x400x64xf32, #tpu.memory_space<vmem>>
        %get3A_200 = tpu.memref_squeeze %get3A_199 : memref<1x400x64xf32, #tpu.memory_space<vmem>> -> memref<400x64xf32, #tpu.memory_space<vmem>>
        %get3A_201 = arith.index_cast %add3A_196 : i32 to index
        %get3A_202 = arith.constant 16 : index
        %get3A_203 = tpu.vector_load %get3A_200[%get3A_201, %get3A_202] {strides = array<i32>} : memref<400x64xf32, #tpu.memory_space<vmem>>, vector<1x16xf32>,
        %get3A_204 = vector.shape_cast %get3A_203 : vector<1x16xf32> to vector<16xf32>
        %add3A_205 = arith.addf %get3A_167, %get3A_204 : vector<16xf32>
        %add3A_206 = arith.constant 1 : i32
        %add3A_207 = arith.addi %mul3A_152, %add3A_206 : i32
        %get3A_208 = arith.constant 0 : i32
        %get3A_209 = arith.constant 0 : i32
        %get3A_210 = tpu.memref_slice %arg6[%scan3A_144, %get3A_208, %get3A_209] : memref<4x400x64xf32, #tpu.memory_space<vmem>> -> memref<1x400x64xf32, #tpu.memory_space<vmem>>
        %get3A_211 = tpu.memref_squeeze %get3A_210 : memref<1x400x64xf32, #tpu.memory_space<vmem>> -> memref<400x64xf32, #tpu.memory_space<vmem>>
        %get3A_212 = arith.index_cast %add3A_207 : i32 to index
        %get3A_213 = arith.constant 32 : index
        %get3A_214 = tpu.vector_load %get3A_211[%get3A_212, %get3A_213] {strides = array<i32>} : memref<400x64xf32, #tpu.memory_space<vmem>>, vector<1x16xf32>,
        %get3A_215 = vector.shape_cast %get3A_214 : vector<1x16xf32> to vector<16xf32>
        %add3A_216 = arith.addf %get3A_175, %get3A_215 : vector<16xf32>
        %add3A_217 = arith.constant 1 : i32
        %add3A_218 = arith.addi %mul3A_152, %add3A_217 : i32
        %get3A_219 = arith.constant 0 : i32
        %get3A_220 = arith.constant 0 : i32
        %get3A_221 = tpu.memref_slice %arg6[%scan3A_144, %get3A_219, %get3A_220] : memref<4x400x64xf32, #tpu.memory_space<vmem>> -> memref<1x400x64xf32, #tpu.memory_space<vmem>>
        %get3A_222 = tpu.memref_squeeze %get3A_221 : memref<1x400x64xf32, #tpu.memory_space<vmem>> -> memref<400x64xf32, #tpu.memory_space<vmem>>
        %get3A_223 = arith.index_cast %add3A_218 : i32 to index
        %get3A_224 = arith.constant 48 : index
        %get3A_225 = tpu.vector_load %get3A_222[%get3A_223, %get3A_224] {strides = array<i32>} : memref<400x64xf32, #tpu.memory_space<vmem>>, vector<1x16xf32>,
        %get3A_226 = vector.shape_cast %get3A_225 : vector<1x16xf32> to vector<16xf32>
        %add3A_227 = arith.addf %get3A_183, %get3A_226 : vector<16xf32>
        %add3A_228 = arith.constant 2 : i32
        %add3A_229 = arith.addi %mul3A_152, %add3A_228 : i32
        %get3A_230 = arith.constant 0 : i32
        %get3A_231 = arith.constant 0 : i32
        %get3A_232 = tpu.memref_slice %arg6[%scan3A_144, %get3A_230, %get3A_231] : memref<4x400x64xf32, #tpu.memory_space<vmem>> -> memref<1x400x64xf32, #tpu.memory_space<vmem>>
        %get3A_233 = tpu.memref_squeeze %get3A_232 : memref<1x400x64xf32, #tpu.memory_space<vmem>> -> memref<400x64xf32, #tpu.memory_space<vmem>>
        %get3A_234 = arith.index_cast %add3A_229 : i32 to index
        %get3A_235 = arith.constant 0 : index
        %get3A_236 = tpu.vector_load %get3A_233[%get3A_234, %get3A_235] {strides = array<i32>} : memref<400x64xf32, #tpu.memory_space<vmem>>, vector<1x16xf32>,
        %get3A_237 = vector.shape_cast %get3A_236 : vector<1x16xf32> to vector<16xf32>
        %add3A_238 = arith.addf %add3A_194, %get3A_237 : vector<16xf32>
        %add3A_239 = arith.constant 2 : i32
        %add3A_240 = arith.addi %mul3A_152, %add3A_239 : i32
        %get3A_241 = arith.constant 0 : i32
        %get3A_242 = arith.constant 0 : i32
        %get3A_243 = tpu.memref_slice %arg6[%scan3A_144, %get3A_241, %get3A_242] : memref<4x400x64xf32, #tpu.memory_space<vmem>> -> memref<1x400x64xf32, #tpu.memory_space<vmem>>
        %get3A_244 = tpu.memref_squeeze %get3A_243 : memref<1x400x64xf32, #tpu.memory_space<vmem>> -> memref<400x64xf32, #tpu.memory_space<vmem>>
        %get3A_245 = arith.index_cast %add3A_240 : i32 to index
        %get3A_246 = arith.constant 16 : index
        %get3A_247 = tpu.vector_load %get3A_244[%get3A_245, %get3A_246] {strides = array<i32>} : memref<400x64xf32, #tpu.memory_space<vmem>>, vector<1x16xf32>,
        %get3A_248 = vector.shape_cast %get3A_247 : vector<1x16xf32> to vector<16xf32>
        %add3A_249 = arith.addf %add3A_205, %get3A_248 : vector<16xf32>
        %add3A_250 = arith.constant 2 : i32
        %add3A_251 = arith.addi %mul3A_152, %add3A_250 : i32
        %get3A_252 = arith.constant 0 : i32
        %get3A_253 = arith.constant 0 : i32
        %get3A_254 = tpu.memref_slice %arg6[%scan3A_144, %get3A_252, %get3A_253] : memref<4x400x64xf32, #tpu.memory_space<vmem>> -> memref<1x400x64xf32, #tpu.memory_space<vmem>>
        %get3A_255 = tpu.memref_squeeze %get3A_254 : memref<1x400x64xf32, #tpu.memory_space<vmem>> -> memref<400x64xf32, #tpu.memory_space<vmem>>
        %get3A_256 = arith.index_cast %add3A_251 : i32 to index
        %get3A_257 = arith.constant 32 : index
        %get3A_258 = tpu.vector_load %get3A_255[%get3A_256, %get3A_257] {strides = array<i32>} : memref<400x64xf32, #tpu.memory_space<vmem>>, vector<1x16xf32>,
        %get3A_259 = vector.shape_cast %get3A_258 : vector<1x16xf32> to vector<16xf32>
        %add3A_260 = arith.addf %add3A_216, %get3A_259 : vector<16xf32>
        %add3A_261 = arith.constant 2 : i32
        %add3A_262 = arith.addi %mul3A_152, %add3A_261 : i32
        %get3A_263 = arith.constant 0 : i32
        %get3A_264 = arith.constant 0 : i32
        %get3A_265 = tpu.memref_slice %arg6[%scan3A_144, %get3A_263, %get3A_264] : memref<4x400x64xf32, #tpu.memory_space<vmem>> -> memref<1x400x64xf32, #tpu.memory_space<vmem>>
        %get3A_266 = tpu.memref_squeeze %get3A_265 : memref<1x400x64xf32, #tpu.memory_space<vmem>> -> memref<400x64xf32, #tpu.memory_space<vmem>>
        %get3A_267 = arith.index_cast %add3A_262 : i32 to index
        %get3A_268 = arith.constant 48 : index
        %get3A_269 = tpu.vector_load %get3A_266[%get3A_267, %get3A_268] {strides = array<i32>} : memref<400x64xf32, #tpu.memory_space<vmem>>, vector<1x16xf32>,
        %get3A_270 = vector.shape_cast %get3A_269 : vector<1x16xf32> to vector<16xf32>
        %add3A_271 = arith.addf %add3A_227, %get3A_270 : vector<16xf32>
        %add3A_272 = arith.constant 3 : i32
        %add3A_273 = arith.addi %mul3A_152, %add3A_272 : i32
        %get3A_274 = arith.constant 0 : i32
        %get3A_275 = arith.constant 0 : i32
        %get3A_276 = tpu.memref_slice %arg6[%scan3A_144, %get3A_274, %get3A_275] : memref<4x400x64xf32, #tpu.memory_space<vmem>> -> memref<1x400x64xf32, #tpu.memory_space<vmem>>
        %get3A_277 = tpu.memref_squeeze %get3A_276 : memref<1x400x64xf32, #tpu.memory_space<vmem>> -> memref<400x64xf32, #tpu.memory_space<vmem>>
        %get3A_278 = arith.index_cast %add3A_273 : i32 to index
        %get3A_279 = arith.constant 0 : index
        %get3A_280 = tpu.vector_load %get3A_277[%get3A_278, %get3A_279] {strides = array<i32>} : memref<400x64xf32, #tpu.memory_space<vmem>>, vector<1x16xf32>,
        %get3A_281 = vector.shape_cast %get3A_280 : vector<1x16xf32> to vector<16xf32>
        %add3A_282 = arith.addf %add3A_238, %get3A_281 : vector<16xf32>
        %add3A_283 = arith.constant 3 : i32
        %add3A_284 = arith.addi %mul3A_152, %add3A_283 : i32
        %get3A_285 = arith.constant 0 : i32
        %get3A_286 = arith.constant 0 : i32
        %get3A_287 = tpu.memref_slice %arg6[%scan3A_144, %get3A_285, %get3A_286] : memref<4x400x64xf32, #tpu.memory_space<vmem>> -> memref<1x400x64xf32, #tpu.memory_space<vmem>>
        %get3A_288 = tpu.memref_squeeze %get3A_287 : memref<1x400x64xf32, #tpu.memory_space<vmem>> -> memref<400x64xf32, #tpu.memory_space<vmem>>
        %get3A_289 = arith.index_cast %add3A_284 : i32 to index
        %get3A_290 = arith.constant 16 : index
        %get3A_291 = tpu.vector_load %get3A_288[%get3A_289, %get3A_290] {strides = array<i32>} : memref<400x64xf32, #tpu.memory_space<vmem>>, vector<1x16xf32>,
        %get3A_292 = vector.shape_cast %get3A_291 : vector<1x16xf32> to vector<16xf32>
        %add3A_293 = arith.addf %add3A_249, %get3A_292 : vector<16xf32>
        %add3A_294 = arith.constant 3 : i32
        %add3A_295 = arith.addi %mul3A_152, %add3A_294 : i32
        %get3A_296 = arith.constant 0 : i32
        %get3A_297 = arith.constant 0 : i32
        %get3A_298 = tpu.memref_slice %arg6[%scan3A_144, %get3A_296, %get3A_297] : memref<4x400x64xf32, #tpu.memory_space<vmem>> -> memref<1x400x64xf32, #tpu.memory_space<vmem>>
        %get3A_299 = tpu.memref_squeeze %get3A_298 : memref<1x400x64xf32, #tpu.memory_space<vmem>> -> memref<400x64xf32, #tpu.memory_space<vmem>>
        %get3A_300 = arith.index_cast %add3A_295 : i32 to index
        %get3A_301 = arith.constant 32 : index
        %get3A_302 = tpu.vector_load %get3A_299[%get3A_300, %get3A_301] {strides = array<i32>} : memref<400x64xf32, #tpu.memory_space<vmem>>, vector<1x16xf32>,
        %get3A_303 = vector.shape_cast %get3A_302 : vector<1x16xf32> to vector<16xf32>
        %add3A_304 = arith.addf %add3A_260, %get3A_303 : vector<16xf32>
        %add3A_305 = arith.constant 3 : i32
        %add3A_306 = arith.addi %mul3A_152, %add3A_305 : i32
        %get3A_307 = arith.constant 0 : i32
        %get3A_308 = arith.constant 0 : i32
        %get3A_309 = tpu.memref_slice %arg6[%scan3A_144, %get3A_307, %get3A_308] : memref<4x400x64xf32, #tpu.memory_space<vmem>> -> memref<1x400x64xf32, #tpu.memory_space<vmem>>
        %get3A_310 = tpu.memref_squeeze %get3A_309 : memref<1x400x64xf32, #tpu.memory_space<vmem>> -> memref<400x64xf32, #tpu.memory_space<vmem>>
        %get3A_311 = arith.index_cast %add3A_306 : i32 to index
        %get3A_312 = arith.constant 48 : index
        %get3A_313 = tpu.vector_load %get3A_310[%get3A_311, %get3A_312] {strides = array<i32>} : memref<400x64xf32, #tpu.memory_space<vmem>>, vector<1x16xf32>,
        %get3A_314 = vector.shape_cast %get3A_313 : vector<1x16xf32> to vector<16xf32>
        %add3A_315 = arith.addf %add3A_271, %get3A_314 : vector<16xf32>
        %add3A_316 = arith.constant 4 : i32
        %add3A_317 = arith.addi %mul3A_152, %add3A_316 : i32
        %get3A_318 = arith.constant 0 : i32
        %get3A_319 = arith.constant 0 : i32
        %get3A_320 = tpu.memref_slice %arg6[%scan3A_144, %get3A_318, %get3A_319] : memref<4x400x64xf32, #tpu.memory_space<vmem>> -> memref<1x400x64xf32, #tpu.memory_space<vmem>>
        %get3A_321 = tpu.memref_squeeze %get3A_320 : memref<1x400x64xf32, #tpu.memory_space<vmem>> -> memref<400x64xf32, #tpu.memory_space<vmem>>
        %get3A_322 = arith.index_cast %add3A_317 : i32 to index
        %get3A_323 = arith.constant 0 : index
        %get3A_324 = tpu.vector_load %get3A_321[%get3A_322, %get3A_323] {strides = array<i32>} : memref<400x64xf32, #tpu.memory_space<vmem>>, vector<1x16xf32>,
        %get3A_325 = vector.shape_cast %get3A_324 : vector<1x16xf32> to vector<16xf32>
        %add3A_326 = arith.addf %add3A_282, %get3A_325 : vector<16xf32>
        %add3A_327 = arith.constant 4 : i32
        %add3A_328 = arith.addi %mul3A_152, %add3A_327 : i32
        %get3A_329 = arith.constant 0 : i32
        %get3A_330 = arith.constant 0 : i32
        %get3A_331 = tpu.memref_slice %arg6[%scan3A_144, %get3A_329, %get3A_330] : memref<4x400x64xf32, #tpu.memory_space<vmem>> -> memref<1x400x64xf32, #tpu.memory_space<vmem>>
        %get3A_332 = tpu.memref_squeeze %get3A_331 : memref<1x400x64xf32, #tpu.memory_space<vmem>> -> memref<400x64xf32, #tpu.memory_space<vmem>>
        %get3A_333 = arith.index_cast %add3A_328 : i32 to index
        %get3A_334 = arith.constant 16 : index
        %get3A_335 = tpu.vector_load %get3A_332[%get3A_333, %get3A_334] {strides = array<i32>} : memref<400x64xf32, #tpu.memory_space<vmem>>, vector<1x16xf32>,
        %get3A_336 = vector.shape_cast %get3A_335 : vector<1x16xf32> to vector<16xf32>
        %add3A_337 = arith.addf %add3A_293, %get3A_336 : vector<16xf32>
        %add3A_338 = arith.constant 4 : i32
        %add3A_339 = arith.addi %mul3A_152, %add3A_338 : i32
        %get3A_340 = arith.constant 0 : i32
        %get3A_341 = arith.constant 0 : i32
        %get3A_342 = tpu.memref_slice %arg6[%scan3A_144, %get3A_340, %get3A_341] : memref<4x400x64xf32, #tpu.memory_space<vmem>> -> memref<1x400x64xf32, #tpu.memory_space<vmem>>
        %get3A_343 = tpu.memref_squeeze %get3A_342 : memref<1x400x64xf32, #tpu.memory_space<vmem>> -> memref<400x64xf32, #tpu.memory_space<vmem>>
        %get3A_344 = arith.index_cast %add3A_339 : i32 to index
        %get3A_345 = arith.constant 32 : index
        %get3A_346 = tpu.vector_load %get3A_343[%get3A_344, %get3A_345] {strides = array<i32>} : memref<400x64xf32, #tpu.memory_space<vmem>>, vector<1x16xf32>,
        %get3A_347 = vector.shape_cast %get3A_346 : vector<1x16xf32> to vector<16xf32>
        %add3A_348 = arith.addf %add3A_304, %get3A_347 : vector<16xf32>
        %add3A_349 = arith.constant 4 : i32
        %add3A_350 = arith.addi %mul3A_152, %add3A_349 : i32
        %get3A_351 = arith.constant 0 : i32
        %get3A_352 = arith.constant 0 : i32
        %get3A_353 = tpu.memref_slice %arg6[%scan3A_144, %get3A_351, %get3A_352] : memref<4x400x64xf32, #tpu.memory_space<vmem>> -> memref<1x400x64xf32, #tpu.memory_space<vmem>>
        %get3A_354 = tpu.memref_squeeze %get3A_353 : memref<1x400x64xf32, #tpu.memory_space<vmem>> -> memref<400x64xf32, #tpu.memory_space<vmem>>
        %get3A_355 = arith.index_cast %add3A_350 : i32 to index
        %get3A_356 = arith.constant 48 : index
        %get3A_357 = tpu.vector_load %get3A_354[%get3A_355, %get3A_356] {strides = array<i32>} : memref<400x64xf32, #tpu.memory_space<vmem>>, vector<1x16xf32>,
        %get3A_358 = vector.shape_cast %get3A_357 : vector<1x16xf32> to vector<16xf32>
        %add3A_359 = arith.addf %add3A_315, %get3A_358 : vector<16xf32>
        %scan3A_360 = arith.constant 1 : i32
        %scan3A_361 = arith.constant 9 : i32
        %scan3A_362 = arith.addi %scan3A_360, %scan3A_361 : i32
        %scan3A_363 = arith.constant 1 : i32
        %scan3A_364:4 = scf.for %scan3A_394 = %scan3A_360 to %scan3A_362 step %scan3A_363 iter_args(%scan3A_395 = %add3A_326, %scan3A_396 = %add3A_337, %scan3A_397 = %add3A_348, %scan3A_398 = %add3A_359) -> (vector<16xf32>, vector<16xf32>, vector<16xf32>, vector<16xf32>)  : i32 {
          %mul3A_399 = arith.constant 5 : i32
          %mul3A_400 = arith.muli %scan3A_394, %mul3A_399 : i32
          %add3A_401 = arith.addi %mul3A_152, %mul3A_400 : i32
          %add3A_402 = arith.constant 0 : i32
          %add3A_403 = arith.addi %add3A_401, %add3A_402 : i32
          %get3A_404 = arith.constant 0 : i32
          %get3A_405 = arith.constant 0 : i32
          %get3A_406 = tpu.memref_slice %arg6[%scan3A_144, %get3A_404, %get3A_405] : memref<4x400x64xf32, #tpu.memory_space<vmem>> -> memref<1x400x64xf32, #tpu.memory_space<vmem>>
          %get3A_407 = tpu.memref_squeeze %get3A_406 : memref<1x400x64xf32, #tpu.memory_space<vmem>> -> memref<400x64xf32, #tpu.memory_space<vmem>>
          %get3A_408 = arith.index_cast %add3A_403 : i32 to index
          %get3A_409 = arith.constant 0 : index
          %get3A_410 = tpu.vector_load %get3A_407[%get3A_408, %get3A_409] {strides = array<i32>} : memref<400x64xf32, #tpu.memory_space<vmem>>, vector<1x16xf32>,
          %get3A_411 = vector.shape_cast %get3A_410 : vector<1x16xf32> to vector<16xf32>
          %add3A_412 = arith.addf %scan3A_395, %get3A_411 : vector<16xf32>
          %add3A_413 = arith.constant 0 : i32
          %add3A_414 = arith.addi %add3A_401, %add3A_413 : i32
          %get3A_415 = arith.constant 0 : i32
          %get3A_416 = arith.constant 0 : i32
          %get3A_417 = tpu.memref_slice %arg6[%scan3A_144, %get3A_415, %get3A_416] : memref<4x400x64xf32, #tpu.memory_space<vmem>> -> memref<1x400x64xf32, #tpu.memory_space<vmem>>
          %get3A_418 = tpu.memref_squeeze %get3A_417 : memref<1x400x64xf32, #tpu.memory_space<vmem>> -> memref<400x64xf32, #tpu.memory_space<vmem>>
          %get3A_419 = arith.index_cast %add3A_414 : i32 to index
          %get3A_420 = arith.constant 16 : index
          %get3A_421 = tpu.vector_load %get3A_418[%get3A_419, %get3A_420] {strides = array<i32>} : memref<400x64xf32, #tpu.memory_space<vmem>>, vector<1x16xf32>,
          %get3A_422 = vector.shape_cast %get3A_421 : vector<1x16xf32> to vector<16xf32>
          %add3A_423 = arith.addf %scan3A_396, %get3A_422 : vector<16xf32>
          %add3A_424 = arith.constant 0 : i32
          %add3A_425 = arith.addi %add3A_401, %add3A_424 : i32
          %get3A_426 = arith.constant 0 : i32
          %get3A_427 = arith.constant 0 : i32
          %get3A_428 = tpu.memref_slice %arg6[%scan3A_144, %get3A_426, %get3A_427] : memref<4x400x64xf32, #tpu.memory_space<vmem>> -> memref<1x400x64xf32, #tpu.memory_space<vmem>>
          %get3A_429 = tpu.memref_squeeze %get3A_428 : memref<1x400x64xf32, #tpu.memory_space<vmem>> -> memref<400x64xf32, #tpu.memory_space<vmem>>
          %get3A_430 = arith.index_cast %add3A_425 : i32 to index
          %get3A_431 = arith.constant 32 : index
          %get3A_432 = tpu.vector_load %get3A_429[%get3A_430, %get3A_431] {strides = array<i32>} : memref<400x64xf32, #tpu.memory_space<vmem>>, vector<1x16xf32>,
          %get3A_433 = vector.shape_cast %get3A_432 : vector<1x16xf32> to vector<16xf32>
          %add3A_434 = arith.addf %scan3A_397, %get3A_433 : vector<16xf32>
          %add3A_435 = arith.constant 0 : i32
          %add3A_436 = arith.addi %add3A_401, %add3A_435 : i32
          %get3A_437 = arith.constant 0 : i32
          %get3A_438 = arith.constant 0 : i32
          %get3A_439 = tpu.memref_slice %arg6[%scan3A_144, %get3A_437, %get3A_438] : memref<4x400x64xf32, #tpu.memory_space<vmem>> -> memref<1x400x64xf32, #tpu.memory_space<vmem>>
          %get3A_440 = tpu.memref_squeeze %get3A_439 : memref<1x400x64xf32, #tpu.memory_space<vmem>> -> memref<400x64xf32, #tpu.memory_space<vmem>>
          %get3A_441 = arith.index_cast %add3A_436 : i32 to index
          %get3A_442 = arith.constant 48 : index
          %get3A_443 = tpu.vector_load %get3A_440[%get3A_441, %get3A_442] {strides = array<i32>} : memref<400x64xf32, #tpu.memory_space<vmem>>, vector<1x16xf32>,
          %get3A_444 = vector.shape_cast %get3A_443 : vector<1x16xf32> to vector<16xf32>
          %add3A_445 = arith.addf %scan3A_398, %get3A_444 : vector<16xf32>
          %add3A_446 = arith.constant 1 : i32
          %add3A_447 = arith.addi %add3A_401, %add3A_446 : i32
          %get3A_448 = arith.constant 0 : i32
          %get3A_449 = arith.constant 0 : i32
          %get3A_450 = tpu.memref_slice %arg6[%scan3A_144, %get3A_448, %get3A_449] : memref<4x400x64xf32, #tpu.memory_space<vmem>> -> memref<1x400x64xf32, #tpu.memory_space<vmem>>
          %get3A_451 = tpu.memref_squeeze %get3A_450 : memref<1x400x64xf32, #tpu.memory_space<vmem>> -> memref<400x64xf32, #tpu.memory_space<vmem>>
          %get3A_452 = arith.index_cast %add3A_447 : i32 to index
          %get3A_453 = arith.constant 0 : index
          %get3A_454 = tpu.vector_load %get3A_451[%get3A_452, %get3A_453] {strides = array<i32>} : memref<400x64xf32, #tpu.memory_space<vmem>>, vector<1x16xf32>,
          %get3A_455 = vector.shape_cast %get3A_454 : vector<1x16xf32> to vector<16xf32>
          %add3A_456 = arith.addf %add3A_412, %get3A_455 : vector<16xf32>
          %add3A_457 = arith.constant 1 : i32
          %add3A_458 = arith.addi %add3A_401, %add3A_457 : i32
          %get3A_459 = arith.constant 0 : i32
          %get3A_460 = arith.constant 0 : i32
          %get3A_461 = tpu.memref_slice %arg6[%scan3A_144, %get3A_459, %get3A_460] : memref<4x400x64xf32, #tpu.memory_space<vmem>> -> memref<1x400x64xf32, #tpu.memory_space<vmem>>
          %get3A_462 = tpu.memref_squeeze %get3A_461 : memref<1x400x64xf32, #tpu.memory_space<vmem>> -> memref<400x64xf32, #tpu.memory_space<vmem>>
          %get3A_463 = arith.index_cast %add3A_458 : i32 to index
          %get3A_464 = arith.constant 16 : index
          %get3A_465 = tpu.vector_load %get3A_462[%get3A_463, %get3A_464] {strides = array<i32>} : memref<400x64xf32, #tpu.memory_space<vmem>>, vector<1x16xf32>,
          %get3A_466 = vector.shape_cast %get3A_465 : vector<1x16xf32> to vector<16xf32>
          %add3A_467 = arith.addf %add3A_423, %get3A_466 : vector<16xf32>
          %add3A_468 = arith.constant 1 : i32
          %add3A_469 = arith.addi %add3A_401, %add3A_468 : i32
          %get3A_470 = arith.constant 0 : i32
          %get3A_471 = arith.constant 0 : i32
          %get3A_472 = tpu.memref_slice %arg6[%scan3A_144, %get3A_470, %get3A_471] : memref<4x400x64xf32, #tpu.memory_space<vmem>> -> memref<1x400x64xf32, #tpu.memory_space<vmem>>
          %get3A_473 = tpu.memref_squeeze %get3A_472 : memref<1x400x64xf32, #tpu.memory_space<vmem>> -> memref<400x64xf32, #tpu.memory_space<vmem>>
          %get3A_474 = arith.index_cast %add3A_469 : i32 to index
          %get3A_475 = arith.constant 32 : index
          %get3A_476 = tpu.vector_load %get3A_473[%get3A_474, %get3A_475] {strides = array<i32>} : memref<400x64xf32, #tpu.memory_space<vmem>>, vector<1x16xf32>,
          %get3A_477 = vector.shape_cast %get3A_476 : vector<1x16xf32> to vector<16xf32>
          %add3A_478 = arith.addf %add3A_434, %get3A_477 : vector<16xf32>
          %add3A_479 = arith.constant 1 : i32
          %add3A_480 = arith.addi %add3A_401, %add3A_479 : i32
          %get3A_481 = arith.constant 0 : i32
          %get3A_482 = arith.constant 0 : i32
          %get3A_483 = tpu.memref_slice %arg6[%scan3A_144, %get3A_481, %get3A_482] : memref<4x400x64xf32, #tpu.memory_space<vmem>> -> memref<1x400x64xf32, #tpu.memory_space<vmem>>
          %get3A_484 = tpu.memref_squeeze %get3A_483 : memref<1x400x64xf32, #tpu.memory_space<vmem>> -> memref<400x64xf32, #tpu.memory_space<vmem>>
          %get3A_485 = arith.index_cast %add3A_480 : i32 to index
          %get3A_486 = arith.constant 48 : index
          %get3A_487 = tpu.vector_load %get3A_484[%get3A_485, %get3A_486] {strides = array<i32>} : memref<400x64xf32, #tpu.memory_space<vmem>>, vector<1x16xf32>,
          %get3A_488 = vector.shape_cast %get3A_487 : vector<1x16xf32> to vector<16xf32>
          %add3A_489 = arith.addf %add3A_445, %get3A_488 : vector<16xf32>
          %add3A_490 = arith.constant 2 : i32
          %add3A_491 = arith.addi %add3A_401, %add3A_490 : i32
          %get3A_492 = arith.constant 0 : i32
          %get3A_493 = arith.constant 0 : i32
          %get3A_494 = tpu.memref_slice %arg6[%scan3A_144, %get3A_492, %get3A_493] : memref<4x400x64xf32, #tpu.memory_space<vmem>> -> memref<1x400x64xf32, #tpu.memory_space<vmem>>
          %get3A_495 = tpu.memref_squeeze %get3A_494 : memref<1x400x64xf32, #tpu.memory_space<vmem>> -> memref<400x64xf32, #tpu.memory_space<vmem>>
          %get3A_496 = arith.index_cast %add3A_491 : i32 to index
          %get3A_497 = arith.constant 0 : index
          %get3A_498 = tpu.vector_load %get3A_495[%get3A_496, %get3A_497] {strides = array<i32>} : memref<400x64xf32, #tpu.memory_space<vmem>>, vector<1x16xf32>,
          %get3A_499 = vector.shape_cast %get3A_498 : vector<1x16xf32> to vector<16xf32>
          %add3A_500 = arith.addf %add3A_456, %get3A_499 : vector<16xf32>
          %add3A_501 = arith.constant 2 : i32
          %add3A_502 = arith.addi %add3A_401, %add3A_501 : i32
          %get3A_503 = arith.constant 0 : i32
          %get3A_504 = arith.constant 0 : i32
          %get3A_505 = tpu.memref_slice %arg6[%scan3A_144, %get3A_503, %get3A_504] : memref<4x400x64xf32, #tpu.memory_space<vmem>> -> memref<1x400x64xf32, #tpu.memory_space<vmem>>
          %get3A_506 = tpu.memref_squeeze %get3A_505 : memref<1x400x64xf32, #tpu.memory_space<vmem>> -> memref<400x64xf32, #tpu.memory_space<vmem>>
          %get3A_507 = arith.index_cast %add3A_502 : i32 to index
          %get3A_508 = arith.constant 16 : index
          %get3A_509 = tpu.vector_load %get3A_506[%get3A_507, %get3A_508] {strides = array<i32>} : memref<400x64xf32, #tpu.memory_space<vmem>>, vector<1x16xf32>,
          %get3A_510 = vector.shape_cast %get3A_509 : vector<1x16xf32> to vector<16xf32>
          %add3A_511 = arith.addf %add3A_467, %get3A_510 : vector<16xf32>
          %add3A_512 = arith.constant 2 : i32
          %add3A_513 = arith.addi %add3A_401, %add3A_512 : i32
          %get3A_514 = arith.constant 0 : i32
          %get3A_515 = arith.constant 0 : i32
          %get3A_516 = tpu.memref_slice %arg6[%scan3A_144, %get3A_514, %get3A_515] : memref<4x400x64xf32, #tpu.memory_space<vmem>> -> memref<1x400x64xf32, #tpu.memory_space<vmem>>
          %get3A_517 = tpu.memref_squeeze %get3A_516 : memref<1x400x64xf32, #tpu.memory_space<vmem>> -> memref<400x64xf32, #tpu.memory_space<vmem>>
          %get3A_518 = arith.index_cast %add3A_513 : i32 to index
          %get3A_519 = arith.constant 32 : index
          %get3A_520 = tpu.vector_load %get3A_517[%get3A_518, %get3A_519] {strides = array<i32>} : memref<400x64xf32, #tpu.memory_space<vmem>>, vector<1x16xf32>,
          %get3A_521 = vector.shape_cast %get3A_520 : vector<1x16xf32> to vector<16xf32>
          %add3A_522 = arith.addf %add3A_478, %get3A_521 : vector<16xf32>
          %add3A_523 = arith.constant 2 : i32
          %add3A_524 = arith.addi %add3A_401, %add3A_523 : i32
          %get3A_525 = arith.constant 0 : i32
          %get3A_526 = arith.constant 0 : i32
          %get3A_527 = tpu.memref_slice %arg6[%scan3A_144, %get3A_525, %get3A_526] : memref<4x400x64xf32, #tpu.memory_space<vmem>> -> memref<1x400x64xf32, #tpu.memory_space<vmem>>
          %get3A_528 = tpu.memref_squeeze %get3A_527 : memref<1x400x64xf32, #tpu.memory_space<vmem>> -> memref<400x64xf32, #tpu.memory_space<vmem>>
          %get3A_529 = arith.index_cast %add3A_524 : i32 to index
          %get3A_530 = arith.constant 48 : index
          %get3A_531 = tpu.vector_load %get3A_528[%get3A_529, %get3A_530] {strides = array<i32>} : memref<400x64xf32, #tpu.memory_space<vmem>>, vector<1x16xf32>,
          %get3A_532 = vector.shape_cast %get3A_531 : vector<1x16xf32> to vector<16xf32>
          %add3A_533 = arith.addf %add3A_489, %get3A_532 : vector<16xf32>
          %add3A_534 = arith.constant 3 : i32
          %add3A_535 = arith.addi %add3A_401, %add3A_534 : i32
          %get3A_536 = arith.constant 0 : i32
          %get3A_537 = arith.constant 0 : i32
          %get3A_538 = tpu.memref_slice %arg6[%scan3A_144, %get3A_536, %get3A_537] : memref<4x400x64xf32, #tpu.memory_space<vmem>> -> memref<1x400x64xf32, #tpu.memory_space<vmem>>
          %get3A_539 = tpu.memref_squeeze %get3A_538 : memref<1x400x64xf32, #tpu.memory_space<vmem>> -> memref<400x64xf32, #tpu.memory_space<vmem>>
          %get3A_540 = arith.index_cast %add3A_535 : i32 to index
          %get3A_541 = arith.constant 0 : index
          %get3A_542 = tpu.vector_load %get3A_539[%get3A_540, %get3A_541] {strides = array<i32>} : memref<400x64xf32, #tpu.memory_space<vmem>>, vector<1x16xf32>,
          %get3A_543 = vector.shape_cast %get3A_542 : vector<1x16xf32> to vector<16xf32>
          %add3A_544 = arith.addf %add3A_500, %get3A_543 : vector<16xf32>
          %add3A_545 = arith.constant 3 : i32
          %add3A_546 = arith.addi %add3A_401, %add3A_545 : i32
          %get3A_547 = arith.constant 0 : i32
          %get3A_548 = arith.constant 0 : i32
          %get3A_549 = tpu.memref_slice %arg6[%scan3A_144, %get3A_547, %get3A_548] : memref<4x400x64xf32, #tpu.memory_space<vmem>> -> memref<1x400x64xf32, #tpu.memory_space<vmem>>
          %get3A_550 = tpu.memref_squeeze %get3A_549 : memref<1x400x64xf32, #tpu.memory_space<vmem>> -> memref<400x64xf32, #tpu.memory_space<vmem>>
          %get3A_551 = arith.index_cast %add3A_546 : i32 to index
          %get3A_552 = arith.constant 16 : index
          %get3A_553 = tpu.vector_load %get3A_550[%get3A_551, %get3A_552] {strides = array<i32>} : memref<400x64xf32, #tpu.memory_space<vmem>>, vector<1x16xf32>,
          %get3A_554 = vector.shape_cast %get3A_553 : vector<1x16xf32> to vector<16xf32>
          %add3A_555 = arith.addf %add3A_511, %get3A_554 : vector<16xf32>
          %add3A_556 = arith.constant 3 : i32
          %add3A_557 = arith.addi %add3A_401, %add3A_556 : i32
          %get3A_558 = arith.constant 0 : i32
          %get3A_559 = arith.constant 0 : i32
          %get3A_560 = tpu.memref_slice %arg6[%scan3A_144, %get3A_558, %get3A_559] : memref<4x400x64xf32, #tpu.memory_space<vmem>> -> memref<1x400x64xf32, #tpu.memory_space<vmem>>
          %get3A_561 = tpu.memref_squeeze %get3A_560 : memref<1x400x64xf32, #tpu.memory_space<vmem>> -> memref<400x64xf32, #tpu.memory_space<vmem>>
          %get3A_562 = arith.index_cast %add3A_557 : i32 to index
          %get3A_563 = arith.constant 32 : index
          %get3A_564 = tpu.vector_load %get3A_561[%get3A_562, %get3A_563] {strides = array<i32>} : memref<400x64xf32, #tpu.memory_space<vmem>>, vector<1x16xf32>,
          %get3A_565 = vector.shape_cast %get3A_564 : vector<1x16xf32> to vector<16xf32>
          %add3A_566 = arith.addf %add3A_522, %get3A_565 : vector<16xf32>
          %add3A_567 = arith.constant 3 : i32
          %add3A_568 = arith.addi %add3A_401, %add3A_567 : i32
          %get3A_569 = arith.constant 0 : i32
          %get3A_570 = arith.constant 0 : i32
          %get3A_571 = tpu.memref_slice %arg6[%scan3A_144, %get3A_569, %get3A_570] : memref<4x400x64xf32, #tpu.memory_space<vmem>> -> memref<1x400x64xf32, #tpu.memory_space<vmem>>
          %get3A_572 = tpu.memref_squeeze %get3A_571 : memref<1x400x64xf32, #tpu.memory_space<vmem>> -> memref<400x64xf32, #tpu.memory_space<vmem>>
          %get3A_573 = arith.index_cast %add3A_568 : i32 to index
          %get3A_574 = arith.constant 48 : index
          %get3A_575 = tpu.vector_load %get3A_572[%get3A_573, %get3A_574] {strides = array<i32>} : memref<400x64xf32, #tpu.memory_space<vmem>>, vector<1x16xf32>,
          %get3A_576 = vector.shape_cast %get3A_575 : vector<1x16xf32> to vector<16xf32>
          %add3A_577 = arith.addf %add3A_533, %get3A_576 : vector<16xf32>
          %add3A_578 = arith.constant 4 : i32
          %add3A_579 = arith.addi %add3A_401, %add3A_578 : i32
          %get3A_580 = arith.constant 0 : i32
          %get3A_581 = arith.constant 0 : i32
          %get3A_582 = tpu.memref_slice %arg6[%scan3A_144, %get3A_580, %get3A_581] : memref<4x400x64xf32, #tpu.memory_space<vmem>> -> memref<1x400x64xf32, #tpu.memory_space<vmem>>
          %get3A_583 = tpu.memref_squeeze %get3A_582 : memref<1x400x64xf32, #tpu.memory_space<vmem>> -> memref<400x64xf32, #tpu.memory_space<vmem>>
          %get3A_584 = arith.index_cast %add3A_579 : i32 to index
          %get3A_585 = arith.constant 0 : index
          %get3A_586 = tpu.vector_load %get3A_583[%get3A_584, %get3A_585] {strides = array<i32>} : memref<400x64xf32, #tpu.memory_space<vmem>>, vector<1x16xf32>,
          %get3A_587 = vector.shape_cast %get3A_586 : vector<1x16xf32> to vector<16xf32>
          %add3A_588 = arith.addf %add3A_544, %get3A_587 : vector<16xf32>
          %add3A_589 = arith.constant 4 : i32
          %add3A_590 = arith.addi %add3A_401, %add3A_589 : i32
          %get3A_591 = arith.constant 0 : i32
          %get3A_592 = arith.constant 0 : i32
          %get3A_593 = tpu.memref_slice %arg6[%scan3A_144, %get3A_591, %get3A_592] : memref<4x400x64xf32, #tpu.memory_space<vmem>> -> memref<1x400x64xf32, #tpu.memory_space<vmem>>
          %get3A_594 = tpu.memref_squeeze %get3A_593 : memref<1x400x64xf32, #tpu.memory_space<vmem>> -> memref<400x64xf32, #tpu.memory_space<vmem>>
          %get3A_595 = arith.index_cast %add3A_590 : i32 to index
          %get3A_596 = arith.constant 16 : index
          %get3A_597 = tpu.vector_load %get3A_594[%get3A_595, %get3A_596] {strides = array<i32>} : memref<400x64xf32, #tpu.memory_space<vmem>>, vector<1x16xf32>,
          %get3A_598 = vector.shape_cast %get3A_597 : vector<1x16xf32> to vector<16xf32>
          %add3A_599 = arith.addf %add3A_555, %get3A_598 : vector<16xf32>
          %add3A_600 = arith.constant 4 : i32
          %add3A_601 = arith.addi %add3A_401, %add3A_600 : i32
          %get3A_602 = arith.constant 0 : i32
          %get3A_603 = arith.constant 0 : i32
          %get3A_604 = tpu.memref_slice %arg6[%scan3A_144, %get3A_602, %get3A_603] : memref<4x400x64xf32, #tpu.memory_space<vmem>> -> memref<1x400x64xf32, #tpu.memory_space<vmem>>
          %get3A_605 = tpu.memref_squeeze %get3A_604 : memref<1x400x64xf32, #tpu.memory_space<vmem>> -> memref<400x64xf32, #tpu.memory_space<vmem>>
          %get3A_606 = arith.index_cast %add3A_601 : i32 to index
          %get3A_607 = arith.constant 32 : index
          %get3A_608 = tpu.vector_load %get3A_605[%get3A_606, %get3A_607] {strides = array<i32>} : memref<400x64xf32, #tpu.memory_space<vmem>>, vector<1x16xf32>,
          %get3A_609 = vector.shape_cast %get3A_608 : vector<1x16xf32> to vector<16xf32>
          %add3A_610 = arith.addf %add3A_566, %get3A_609 : vector<16xf32>
          %add3A_611 = arith.constant 4 : i32
          %add3A_612 = arith.addi %add3A_401, %add3A_611 : i32
          %get3A_613 = arith.constant 0 : i32
          %get3A_614 = arith.constant 0 : i32
          %get3A_615 = tpu.memref_slice %arg6[%scan3A_144, %get3A_613, %get3A_614] : memref<4x400x64xf32, #tpu.memory_space<vmem>> -> memref<1x400x64xf32, #tpu.memory_space<vmem>>
          %get3A_616 = tpu.memref_squeeze %get3A_615 : memref<1x400x64xf32, #tpu.memory_space<vmem>> -> memref<400x64xf32, #tpu.memory_space<vmem>>
          %get3A_617 = arith.index_cast %add3A_612 : i32 to index
          %get3A_618 = arith.constant 48 : index
          %get3A_619 = tpu.vector_load %get3A_616[%get3A_617, %get3A_618] {strides = array<i32>} : memref<400x64xf32, #tpu.memory_space<vmem>>, vector<1x16xf32>,
          %get3A_620 = vector.shape_cast %get3A_619 : vector<1x16xf32> to vector<16xf32>
          %add3A_621 = arith.addf %add3A_577, %get3A_620 : vector<16xf32>
          scf.yield %add3A_588, %add3A_599, %add3A_610, %add3A_621 : vector<16xf32>, vector<16xf32>, vector<16xf32>, vector<16xf32>
        }
        %scan3A_365 = arith.constant 9 : i32
        %mul3A_366 = arith.constant 8 : i32
        %mul3A_367 = arith.muli %add3A_124, %mul3A_366 : i32
        %add3A_368 = arith.addi %mul3A_367, %scan3A_150 : i32
        %mul3A_369 = arith.constant 64 : i32
        %mul3A_370 = arith.muli %add3A_368, %mul3A_369 : i32
        %add3A_371 = arith.constant 0 : i32
        %add3A_372 = arith.addi %mul3A_370, %add3A_371 : i32
        %swap3A = arith.index_cast %add3A_372 : i32 to index
        %swap3A_373 = tpu.vector_load %arg7[%swap3A] {strides = array<i32>} : memref<8192xf32, #tpu.memory_space<vmem>>, vector<16xf32>,
        %swap3A_374 = vector.shape_cast %swap3A_373 : vector<16xf32> to vector<16xf32>
        %swap3A_375 = vector.shape_cast %scan3A_364#0 : vector<16xf32> to vector<16xf32>
        tpu.vector_store %arg7[%swap3A], %swap3A_375 {strides = array<i32>} : memref<8192xf32, #tpu.memory_space<vmem>>, vector<16xf32>,
        %add3A_376 = arith.constant 16 : i32
        %add3A_377 = arith.addi %mul3A_370, %add3A_376 : i32
        %swap3A_378 = arith.index_cast %add3A_377 : i32 to index
        %swap3A_379 = tpu.vector_load %arg7[%swap3A_378] {strides = array<i32>} : memref<8192xf32, #tpu.memory_space<vmem>>, vector<16xf32>,
        %swap3A_380 = vector.shape_cast %swap3A_379 : vector<16xf32> to vector<16xf32>
        %swap3A_381 = vector.shape_cast %scan3A_364#1 : vector<16xf32> to vector<16xf32>
        tpu.vector_store %arg7[%swap3A_378], %swap3A_381 {strides = array<i32>} : memref<8192xf32, #tpu.memory_space<vmem>>, vector<16xf32>,
        %add3A_382 = arith.constant 32 : i32
        %add3A_383 = arith.addi %mul3A_370, %add3A_382 : i32
        %swap3A_384 = arith.index_cast %add3A_383 : i32 to index
        %swap3A_385 = tpu.vector_load %arg7[%swap3A_384] {strides = array<i32>} : memref<8192xf32, #tpu.memory_space<vmem>>, vector<16xf32>,
        %swap3A_386 = vector.shape_cast %swap3A_385 : vector<16xf32> to vector<16xf32>
        %swap3A_387 = vector.shape_cast %scan3A_364#2 : vector<16xf32> to vector<16xf32>
        tpu.vector_store %arg7[%swap3A_384], %swap3A_387 {strides = array<i32>} : memref<8192xf32, #tpu.memory_space<vmem>>, vector<16xf32>,
        %add3A_388 = arith.constant 48 : i32
        %add3A_389 = arith.addi %mul3A_370, %add3A_388 : i32
        %swap3A_390 = arith.index_cast %add3A_389 : i32 to index
        %swap3A_391 = tpu.vector_load %arg7[%swap3A_390] {strides = array<i32>} : memref<8192xf32, #tpu.memory_space<vmem>>, vector<16xf32>,
        %swap3A_392 = vector.shape_cast %swap3A_391 : vector<16xf32> to vector<16xf32>
        %swap3A_393 = vector.shape_cast %scan3A_364#3 : vector<16xf32> to vector<16xf32>
        tpu.vector_store %arg7[%swap3A_390], %swap3A_393 {strides = array<i32>} : memref<8192xf32, #tpu.memory_space<vmem>>, vector<16xf32>,
      }
      %scan3A_149 = arith.constant 8 : i32
    }
    %scan3A_35 = arith.constant 4 : i32
    %mul3A_36 = arith.constant 8192 : i32
    %mul3A_37 = arith.muli %add3A, %mul3A_36 : i32
    "tpu.region"() ({
      %run_scoped3A = tpu.sem_alloc : memref<!tpu.dma_semaphore, #tpu.memory_space<semaphore_mem>>
      %dma_start3A_38 = tpu.memref_slice %arg4[%mul3A_37] : memref<262144xf32, #tpu.memory_space<hbm>> -> memref<8192xf32, #tpu.memory_space<hbm>>
      %dma_start3A_39 = tpu.memref_slice %arg4[%mul3A_37] : memref<262144xf32, #tpu.memory_space<hbm>> -> memref<8192xf32, #tpu.memory_space<hbm>>
      tpu.enqueue_dma source(%arg7 : memref<8192xf32, #tpu.memory_space<vmem>>) target(%dma_start3A_39 : memref<8192xf32, #tpu.memory_space<hbm>>) target_semaphore(%run_scoped3A : memref<!tpu.dma_semaphore, #tpu.memory_space<semaphore_mem>>)
      %dma_wait3A = tpu.memref_slice %arg4[%mul3A_37] : memref<262144xf32, #tpu.memory_space<hbm>> -> memref<8192xf32, #tpu.memory_space<hbm>>
      %dma_wait3A_40 = tpu.memref_slice %arg4[%mul3A_37] : memref<262144xf32, #tpu.memory_space<hbm>> -> memref<8192xf32, #tpu.memory_space<hbm>>
      tpu.wait_dma2 semaphore(%run_scoped3A : memref<!tpu.dma_semaphore, #tpu.memory_space<semaphore_mem>>) src(%arg7 : memref<8192xf32, #tpu.memory_space<vmem>>) dst(%dma_wait3A_40 : memref<8192xf32, #tpu.memory_space<hbm>>)
      tpu.yield
    }) : () -> ()
    return
  }
}

#map = affine_map<(d0, d1) -> (0)>
#map1 = affine_map<(d0, d1) -> (0, 0)>
module attributes {stable_mosaic.version = 14 : i64} {
  func.func @enc(%arg0: i32, %arg1: i32, %arg2: memref<81920xi32, #tpu.memory_space<hbm>>, %arg3: memref<2000x64xf32, #tpu.memory_space<hbm>>, %arg4: memref<262144xf32, #tpu.memory_space<hbm>>, %arg5: memref<2560xi32, #tpu.memory_space<vmem>>, %arg6: memref<4x160x64xf32, #tpu.memory_space<vmem>>, %arg7: memref<8192xf32, #tpu.memory_space<vmem>>, %arg8: memref<!tpu.dma_semaphore, #tpu.memory_space<semaphore_mem>>, %arg9: memref<!tpu.dma_semaphore, #tpu.memory_space<semaphore_mem>>, %arg10: memref<!tpu.dma_semaphore, #tpu.memory_space<semaphore_mem>>, %arg11: memref<!tpu.dma_semaphore, #tpu.memory_space<semaphore_mem>>) attributes {dimension_semantics = [#tpu.dimension_semantics<core_parallel>, #tpu.dimension_semantics<subcore_parallel>], iteration_bounds = array<i64: 2, 16>, scalar_prefetch = 0 : i64, scratch_operands = 7 : i64, tpu.core_type = #tpu.core_type<sc_vector_subcore>, window_params = [{transform_indices = #map}, {transform_indices = #map1}, {transform_indices = #map}]} {
    %mul3A = arith.constant 2 : i32
    %mul3A_0 = arith.muli %arg1, %mul3A : i32
    %add3A = arith.addi %mul3A_0, %arg0 : i32
    %mul3A_1 = arith.constant 2560 : i32
    %mul3A_2 = arith.muli %add3A, %mul3A_1 : i32
    "tpu.region"() ({
      %run_scoped3A = tpu.sem_alloc : memref<!tpu.dma_semaphore, #tpu.memory_space<semaphore_mem>>
      %dma_start3A_38 = tpu.memref_slice %arg2[%mul3A_2] : memref<81920xi32, #tpu.memory_space<hbm>> -> memref<2560xi32, #tpu.memory_space<hbm>>
      %dma_start3A_39 = tpu.memref_slice %arg2[%mul3A_2] : memref<81920xi32, #tpu.memory_space<hbm>> -> memref<2560xi32, #tpu.memory_space<hbm>>
      tpu.enqueue_dma source(%dma_start3A_39 : memref<2560xi32, #tpu.memory_space<hbm>>) target(%arg5 : memref<2560xi32, #tpu.memory_space<vmem>>) target_semaphore(%run_scoped3A : memref<!tpu.dma_semaphore, #tpu.memory_space<semaphore_mem>>)
      %dma_wait3A = tpu.memref_slice %arg2[%mul3A_2] : memref<81920xi32, #tpu.memory_space<hbm>> -> memref<2560xi32, #tpu.memory_space<hbm>>
      %dma_wait3A_40 = tpu.memref_slice %arg2[%mul3A_2] : memref<81920xi32, #tpu.memory_space<hbm>> -> memref<2560xi32, #tpu.memory_space<hbm>>
      tpu.wait_dma2 semaphore(%run_scoped3A : memref<!tpu.dma_semaphore, #tpu.memory_space<semaphore_mem>>) src(%dma_wait3A_40 : memref<2560xi32, #tpu.memory_space<hbm>>) dst(%arg5 : memref<2560xi32, #tpu.memory_space<vmem>>)
      tpu.yield
    }) : () -> ()
    %dma_start3A = arith.constant 0 : i32
    %dma_start3A_3 = arith.constant 0 : i32
    %dma_start3A_4 = arith.constant 0 : i32
    %dma_start3A_5 = tpu.memref_slice %arg6[%dma_start3A, %dma_start3A_3, %dma_start3A_4] : memref<4x160x64xf32, #tpu.memory_space<vmem>> -> memref<1x160x64xf32, #tpu.memory_space<vmem>>
    %dma_start3A_6 = tpu.memref_squeeze %dma_start3A_5 : memref<1x160x64xf32, #tpu.memory_space<vmem>> -> memref<160x64xf32, #tpu.memory_space<vmem>>
    %dma_start3A_7 = arith.constant 0 : i32
    %dma_start3A_8 = tpu.memref_slice %arg5[%dma_start3A_7] : memref<2560xi32, #tpu.memory_space<vmem>> -> memref<160xi32, #tpu.memory_space<vmem>>
    %dma_start3A_9 = arith.constant 0 : i32
    %dma_start3A_10 = arith.constant 0 : i32
    %dma_start3A_11 = tpu.memref_slice %arg3[%dma_start3A_9, %dma_start3A_10] : memref<2000x64xf32, #tpu.memory_space<hbm>> -> memref<2000x64xf32, #tpu.memory_space<hbm>>
    tpu.enqueue_indirect_dma source(%dma_start3A_11 : memref<2000x64xf32, #tpu.memory_space<hbm>>) target(%dma_start3A_6 : memref<160x64xf32, #tpu.memory_space<vmem>>) offsets(%dma_start3A_8 : memref<160xi32, #tpu.memory_space<vmem>>) semaphore(%arg8 : memref<!tpu.dma_semaphore, #tpu.memory_space<semaphore_mem>>)
    %dma_start3A_12 = arith.constant 1 : i32
    %dma_start3A_13 = arith.constant 0 : i32
    %dma_start3A_14 = arith.constant 0 : i32
    %dma_start3A_15 = tpu.memref_slice %arg6[%dma_start3A_12, %dma_start3A_13, %dma_start3A_14] : memref<4x160x64xf32, #tpu.memory_space<vmem>> -> memref<1x160x64xf32, #tpu.memory_space<vmem>>
    %dma_start3A_16 = tpu.memref_squeeze %dma_start3A_15 : memref<1x160x64xf32, #tpu.memory_space<vmem>> -> memref<160x64xf32, #tpu.memory_space<vmem>>
    %dma_start3A_17 = arith.constant 160 : i32
    %dma_start3A_18 = tpu.memref_slice %arg5[%dma_start3A_17] : memref<2560xi32, #tpu.memory_space<vmem>> -> memref<160xi32, #tpu.memory_space<vmem>>
    %dma_start3A_19 = arith.constant 0 : i32
    %dma_start3A_20 = arith.constant 0 : i32
    %dma_start3A_21 = tpu.memref_slice %arg3[%dma_start3A_19, %dma_start3A_20] : memref<2000x64xf32, #tpu.memory_space<hbm>> -> memref<2000x64xf32, #tpu.memory_space<hbm>>
    tpu.enqueue_indirect_dma source(%dma_start3A_21 : memref<2000x64xf32, #tpu.memory_space<hbm>>) target(%dma_start3A_16 : memref<160x64xf32, #tpu.memory_space<vmem>>) offsets(%dma_start3A_18 : memref<160xi32, #tpu.memory_space<vmem>>) semaphore(%arg9 : memref<!tpu.dma_semaphore, #tpu.memory_space<semaphore_mem>>)
    %dma_start3A_22 = arith.constant 2 : i32
    %dma_start3A_23 = arith.constant 0 : i32
    %dma_start3A_24 = arith.constant 0 : i32
    %dma_start3A_25 = tpu.memref_slice %arg6[%dma_start3A_22, %dma_start3A_23, %dma_start3A_24] : memref<4x160x64xf32, #tpu.memory_space<vmem>> -> memref<1x160x64xf32, #tpu.memory_space<vmem>>
    %dma_start3A_26 = tpu.memref_squeeze %dma_start3A_25 : memref<1x160x64xf32, #tpu.memory_space<vmem>> -> memref<160x64xf32, #tpu.memory_space<vmem>>
    %dma_start3A_27 = arith.constant 320 : i32
    %dma_start3A_28 = tpu.memref_slice %arg5[%dma_start3A_27] : memref<2560xi32, #tpu.memory_space<vmem>> -> memref<160xi32, #tpu.memory_space<vmem>>
    %dma_start3A_29 = arith.constant 0 : i32
    %dma_start3A_30 = arith.constant 0 : i32
    %dma_start3A_31 = tpu.memref_slice %arg3[%dma_start3A_29, %dma_start3A_30] : memref<2000x64xf32, #tpu.memory_space<hbm>> -> memref<2000x64xf32, #tpu.memory_space<hbm>>
    tpu.enqueue_indirect_dma source(%dma_start3A_31 : memref<2000x64xf32, #tpu.memory_space<hbm>>) target(%dma_start3A_26 : memref<160x64xf32, #tpu.memory_space<vmem>>) offsets(%dma_start3A_28 : memref<160xi32, #tpu.memory_space<vmem>>) semaphore(%arg10 : memref<!tpu.dma_semaphore, #tpu.memory_space<semaphore_mem>>)
    %scan3A = arith.constant 0 : i32
    %scan3A_32 = arith.constant 4 : i32
    %scan3A_33 = arith.addi %scan3A, %scan3A_32 : i32
    %scan3A_34 = arith.constant 1 : i32
    scf.for %scan3A_38 = %scan3A to %scan3A_33 step %scan3A_34  : i32 {
      %mul3A_39 = arith.constant 4 : i32
      %mul3A_40 = arith.muli %scan3A_38, %mul3A_39 : i32
      %add3A_41 = arith.constant 0 : i32
      %add3A_42 = arith.addi %mul3A_40, %add3A_41 : i32
      %dma_wait3A = arith.constant 0 : i32
      %dma_wait3A_43 = arith.constant 0 : i32
      %dma_wait3A_44 = arith.constant 0 : i32
      %dma_wait3A_45 = tpu.memref_slice %arg6[%dma_wait3A, %dma_wait3A_43, %dma_wait3A_44] : memref<4x160x64xf32, #tpu.memory_space<vmem>> -> memref<1x160x64xf32, #tpu.memory_space<vmem>>
      %dma_wait3A_46 = tpu.memref_squeeze %dma_wait3A_45 : memref<1x160x64xf32, #tpu.memory_space<vmem>> -> memref<160x64xf32, #tpu.memory_space<vmem>>
      %dma_wait3A_47 = arith.constant 0 : i32
      %dma_wait3A_48 = tpu.memref_slice %arg5[%dma_wait3A_47] : memref<2560xi32, #tpu.memory_space<vmem>> -> memref<160xi32, #tpu.memory_space<vmem>>
      %dma_wait3A_49 = arith.constant 0 : i32
      %dma_wait3A_50 = arith.constant 0 : i32
      %dma_wait3A_51 = tpu.memref_slice %arg3[%dma_wait3A_49, %dma_wait3A_50] : memref<2000x64xf32, #tpu.memory_space<hbm>> -> memref<2000x64xf32, #tpu.memory_space<hbm>>
      tpu.wait_indirect_dma semaphore(%arg8 : memref<!tpu.dma_semaphore, #tpu.memory_space<semaphore_mem>>) src(%dma_wait3A_51 : memref<2000x64xf32, #tpu.memory_space<hbm>>) dst(%dma_wait3A_46 : memref<160x64xf32, #tpu.memory_space<vmem>>)
      %add3A_52 = arith.constant 4 : i32
      %add3A_53 = arith.addi %add3A_42, %add3A_52 : i32
      %sub3A = arith.constant 1 : i32
      %sub3A_54 = arith.subi %add3A_53, %sub3A : i32
      %lt3A = arith.constant 16 : i32
      %lt3A_55 = arith.cmpi slt, %sub3A_54, %lt3A : i32
      %convert_element_type3A = arith.extui %lt3A_55 : i1 to i32
      %cond3A = arith.constant 0 : i32
      %cond3A_56 = arith.cmpi ne, %convert_element_type3A, %cond3A : i32
      scf.if %cond3A_56 {
        %mul3A_150 = arith.constant 160 : i32
        %mul3A_151 = arith.muli %sub3A_54, %mul3A_150 : i32
        %dma_start3A_152 = arith.constant 3 : i32
        %dma_start3A_153 = arith.constant 0 : i32
        %dma_start3A_154 = arith.constant 0 : i32
        %dma_start3A_155 = tpu.memref_slice %arg6[%dma_start3A_152, %dma_start3A_153, %dma_start3A_154] : memref<4x160x64xf32, #tpu.memory_space<vmem>> -> memref<1x160x64xf32, #tpu.memory_space<vmem>>
        %dma_start3A_156 = tpu.memref_squeeze %dma_start3A_155 : memref<1x160x64xf32, #tpu.memory_space<vmem>> -> memref<160x64xf32, #tpu.memory_space<vmem>>
        %dma_start3A_157 = tpu.memref_slice %arg5[%mul3A_151] : memref<2560xi32, #tpu.memory_space<vmem>> -> memref<160xi32, #tpu.memory_space<vmem>>
        %dma_start3A_158 = arith.constant 0 : i32
        %dma_start3A_159 = arith.constant 0 : i32
        %dma_start3A_160 = tpu.memref_slice %arg3[%dma_start3A_158, %dma_start3A_159] : memref<2000x64xf32, #tpu.memory_space<hbm>> -> memref<2000x64xf32, #tpu.memory_space<hbm>>
        tpu.enqueue_indirect_dma source(%dma_start3A_160 : memref<2000x64xf32, #tpu.memory_space<hbm>>) target(%dma_start3A_156 : memref<160x64xf32, #tpu.memory_space<vmem>>) offsets(%dma_start3A_157 : memref<160xi32, #tpu.memory_space<vmem>>) semaphore(%arg11 : memref<!tpu.dma_semaphore, #tpu.memory_space<semaphore_mem>>)
      } else {
      }
      %scan3A_57 = arith.constant 0 : i32
      %scan3A_58 = arith.constant 0 : i32
      %scan3A_59 = arith.constant 8 : i32
      %scan3A_60 = arith.addi %scan3A_58, %scan3A_59 : i32
      %scan3A_61 = arith.constant 1 : i32
      scf.for %scan3A_150 = %scan3A_58 to %scan3A_60 step %scan3A_61  : i32 {
        %mul3A_151 = arith.constant 20 : i32
        %mul3A_152 = arith.muli %scan3A_150, %mul3A_151 : i32
        %get3A = arith.constant 0 : i32
        %get3A_153 = arith.constant 0 : i32
        %get3A_154 = tpu.memref_slice %arg6[%scan3A_57, %get3A, %get3A_153] : memref<4x160x64xf32, #tpu.memory_space<vmem>> -> memref<1x160x64xf32, #tpu.memory_space<vmem>>
        %get3A_155 = tpu.memref_squeeze %get3A_154 : memref<1x160x64xf32, #tpu.memory_space<vmem>> -> memref<160x64xf32, #tpu.memory_space<vmem>>
        %get3A_156 = arith.index_cast %mul3A_152 : i32 to index
        %get3A_157 = arith.constant 0 : index
        %get3A_158 = tpu.vector_load %get3A_155[%get3A_156, %get3A_157] {strides = array<i32>} : memref<160x64xf32, #tpu.memory_space<vmem>>, vector<1x16xf32>,
        %get3A_159 = vector.shape_cast %get3A_158 : vector<1x16xf32> to vector<16xf32>
        %get3A_160 = arith.constant 0 : i32
        %get3A_161 = arith.constant 0 : i32
        %get3A_162 = tpu.memref_slice %arg6[%scan3A_57, %get3A_160, %get3A_161] : memref<4x160x64xf32, #tpu.memory_space<vmem>> -> memref<1x160x64xf32, #tpu.memory_space<vmem>>
        %get3A_163 = tpu.memref_squeeze %get3A_162 : memref<1x160x64xf32, #tpu.memory_space<vmem>> -> memref<160x64xf32, #tpu.memory_space<vmem>>
        %get3A_164 = arith.index_cast %mul3A_152 : i32 to index
        %get3A_165 = arith.constant 16 : index
        %get3A_166 = tpu.vector_load %get3A_163[%get3A_164, %get3A_165] {strides = array<i32>} : memref<160x64xf32, #tpu.memory_space<vmem>>, vector<1x16xf32>,
        %get3A_167 = vector.shape_cast %get3A_166 : vector<1x16xf32> to vector<16xf32>
        %get3A_168 = arith.constant 0 : i32
        %get3A_169 = arith.constant 0 : i32
        %get3A_170 = tpu.memref_slice %arg6[%scan3A_57, %get3A_168, %get3A_169] : memref<4x160x64xf32, #tpu.memory_space<vmem>> -> memref<1x160x64xf32, #tpu.memory_space<vmem>>
        %get3A_171 = tpu.memref_squeeze %get3A_170 : memref<1x160x64xf32, #tpu.memory_space<vmem>> -> memref<160x64xf32, #tpu.memory_space<vmem>>
        %get3A_172 = arith.index_cast %mul3A_152 : i32 to index
        %get3A_173 = arith.constant 32 : index
        %get3A_174 = tpu.vector_load %get3A_171[%get3A_172, %get3A_173] {strides = array<i32>} : memref<160x64xf32, #tpu.memory_space<vmem>>, vector<1x16xf32>,
        %get3A_175 = vector.shape_cast %get3A_174 : vector<1x16xf32> to vector<16xf32>
        %get3A_176 = arith.constant 0 : i32
        %get3A_177 = arith.constant 0 : i32
        %get3A_178 = tpu.memref_slice %arg6[%scan3A_57, %get3A_176, %get3A_177] : memref<4x160x64xf32, #tpu.memory_space<vmem>> -> memref<1x160x64xf32, #tpu.memory_space<vmem>>
        %get3A_179 = tpu.memref_squeeze %get3A_178 : memref<1x160x64xf32, #tpu.memory_space<vmem>> -> memref<160x64xf32, #tpu.memory_space<vmem>>
        %get3A_180 = arith.index_cast %mul3A_152 : i32 to index
        %get3A_181 = arith.constant 48 : index
        %get3A_182 = tpu.vector_load %get3A_179[%get3A_180, %get3A_181] {strides = array<i32>} : memref<160x64xf32, #tpu.memory_space<vmem>>, vector<1x16xf32>,
        %get3A_183 = vector.shape_cast %get3A_182 : vector<1x16xf32> to vector<16xf32>
        %add3A_184 = arith.constant 1 : i32
        %add3A_185 = arith.addi %mul3A_152, %add3A_184 : i32
        %get3A_186 = arith.constant 0 : i32
        %get3A_187 = arith.constant 0 : i32
        %get3A_188 = tpu.memref_slice %arg6[%scan3A_57, %get3A_186, %get3A_187] : memref<4x160x64xf32, #tpu.memory_space<vmem>> -> memref<1x160x64xf32, #tpu.memory_space<vmem>>
        %get3A_189 = tpu.memref_squeeze %get3A_188 : memref<1x160x64xf32, #tpu.memory_space<vmem>> -> memref<160x64xf32, #tpu.memory_space<vmem>>
        %get3A_190 = arith.index_cast %add3A_185 : i32 to index
        %get3A_191 = arith.constant 0 : index
        %get3A_192 = tpu.vector_load %get3A_189[%get3A_190, %get3A_191] {strides = array<i32>} : memref<160x64xf32, #tpu.memory_space<vmem>>, vector<1x16xf32>,
        %get3A_193 = vector.shape_cast %get3A_192 : vector<1x16xf32> to vector<16xf32>
        %add3A_194 = arith.addf %get3A_159, %get3A_193 : vector<16xf32>
        %add3A_195 = arith.constant 1 : i32
        %add3A_196 = arith.addi %mul3A_152, %add3A_195 : i32
        %get3A_197 = arith.constant 0 : i32
        %get3A_198 = arith.constant 0 : i32
        %get3A_199 = tpu.memref_slice %arg6[%scan3A_57, %get3A_197, %get3A_198] : memref<4x160x64xf32, #tpu.memory_space<vmem>> -> memref<1x160x64xf32, #tpu.memory_space<vmem>>
        %get3A_200 = tpu.memref_squeeze %get3A_199 : memref<1x160x64xf32, #tpu.memory_space<vmem>> -> memref<160x64xf32, #tpu.memory_space<vmem>>
        %get3A_201 = arith.index_cast %add3A_196 : i32 to index
        %get3A_202 = arith.constant 16 : index
        %get3A_203 = tpu.vector_load %get3A_200[%get3A_201, %get3A_202] {strides = array<i32>} : memref<160x64xf32, #tpu.memory_space<vmem>>, vector<1x16xf32>,
        %get3A_204 = vector.shape_cast %get3A_203 : vector<1x16xf32> to vector<16xf32>
        %add3A_205 = arith.addf %get3A_167, %get3A_204 : vector<16xf32>
        %add3A_206 = arith.constant 1 : i32
        %add3A_207 = arith.addi %mul3A_152, %add3A_206 : i32
        %get3A_208 = arith.constant 0 : i32
        %get3A_209 = arith.constant 0 : i32
        %get3A_210 = tpu.memref_slice %arg6[%scan3A_57, %get3A_208, %get3A_209] : memref<4x160x64xf32, #tpu.memory_space<vmem>> -> memref<1x160x64xf32, #tpu.memory_space<vmem>>
        %get3A_211 = tpu.memref_squeeze %get3A_210 : memref<1x160x64xf32, #tpu.memory_space<vmem>> -> memref<160x64xf32, #tpu.memory_space<vmem>>
        %get3A_212 = arith.index_cast %add3A_207 : i32 to index
        %get3A_213 = arith.constant 32 : index
        %get3A_214 = tpu.vector_load %get3A_211[%get3A_212, %get3A_213] {strides = array<i32>} : memref<160x64xf32, #tpu.memory_space<vmem>>, vector<1x16xf32>,
        %get3A_215 = vector.shape_cast %get3A_214 : vector<1x16xf32> to vector<16xf32>
        %add3A_216 = arith.addf %get3A_175, %get3A_215 : vector<16xf32>
        %add3A_217 = arith.constant 1 : i32
        %add3A_218 = arith.addi %mul3A_152, %add3A_217 : i32
        %get3A_219 = arith.constant 0 : i32
        %get3A_220 = arith.constant 0 : i32
        %get3A_221 = tpu.memref_slice %arg6[%scan3A_57, %get3A_219, %get3A_220] : memref<4x160x64xf32, #tpu.memory_space<vmem>> -> memref<1x160x64xf32, #tpu.memory_space<vmem>>
        %get3A_222 = tpu.memref_squeeze %get3A_221 : memref<1x160x64xf32, #tpu.memory_space<vmem>> -> memref<160x64xf32, #tpu.memory_space<vmem>>
        %get3A_223 = arith.index_cast %add3A_218 : i32 to index
        %get3A_224 = arith.constant 48 : index
        %get3A_225 = tpu.vector_load %get3A_222[%get3A_223, %get3A_224] {strides = array<i32>} : memref<160x64xf32, #tpu.memory_space<vmem>>, vector<1x16xf32>,
        %get3A_226 = vector.shape_cast %get3A_225 : vector<1x16xf32> to vector<16xf32>
        %add3A_227 = arith.addf %get3A_183, %get3A_226 : vector<16xf32>
        %add3A_228 = arith.constant 2 : i32
        %add3A_229 = arith.addi %mul3A_152, %add3A_228 : i32
        %get3A_230 = arith.constant 0 : i32
        %get3A_231 = arith.constant 0 : i32
        %get3A_232 = tpu.memref_slice %arg6[%scan3A_57, %get3A_230, %get3A_231] : memref<4x160x64xf32, #tpu.memory_space<vmem>> -> memref<1x160x64xf32, #tpu.memory_space<vmem>>
        %get3A_233 = tpu.memref_squeeze %get3A_232 : memref<1x160x64xf32, #tpu.memory_space<vmem>> -> memref<160x64xf32, #tpu.memory_space<vmem>>
        %get3A_234 = arith.index_cast %add3A_229 : i32 to index
        %get3A_235 = arith.constant 0 : index
        %get3A_236 = tpu.vector_load %get3A_233[%get3A_234, %get3A_235] {strides = array<i32>} : memref<160x64xf32, #tpu.memory_space<vmem>>, vector<1x16xf32>,
        %get3A_237 = vector.shape_cast %get3A_236 : vector<1x16xf32> to vector<16xf32>
        %add3A_238 = arith.addf %add3A_194, %get3A_237 : vector<16xf32>
        %add3A_239 = arith.constant 2 : i32
        %add3A_240 = arith.addi %mul3A_152, %add3A_239 : i32
        %get3A_241 = arith.constant 0 : i32
        %get3A_242 = arith.constant 0 : i32
        %get3A_243 = tpu.memref_slice %arg6[%scan3A_57, %get3A_241, %get3A_242] : memref<4x160x64xf32, #tpu.memory_space<vmem>> -> memref<1x160x64xf32, #tpu.memory_space<vmem>>
        %get3A_244 = tpu.memref_squeeze %get3A_243 : memref<1x160x64xf32, #tpu.memory_space<vmem>> -> memref<160x64xf32, #tpu.memory_space<vmem>>
        %get3A_245 = arith.index_cast %add3A_240 : i32 to index
        %get3A_246 = arith.constant 16 : index
        %get3A_247 = tpu.vector_load %get3A_244[%get3A_245, %get3A_246] {strides = array<i32>} : memref<160x64xf32, #tpu.memory_space<vmem>>, vector<1x16xf32>,
        %get3A_248 = vector.shape_cast %get3A_247 : vector<1x16xf32> to vector<16xf32>
        %add3A_249 = arith.addf %add3A_205, %get3A_248 : vector<16xf32>
        %add3A_250 = arith.constant 2 : i32
        %add3A_251 = arith.addi %mul3A_152, %add3A_250 : i32
        %get3A_252 = arith.constant 0 : i32
        %get3A_253 = arith.constant 0 : i32
        %get3A_254 = tpu.memref_slice %arg6[%scan3A_57, %get3A_252, %get3A_253] : memref<4x160x64xf32, #tpu.memory_space<vmem>> -> memref<1x160x64xf32, #tpu.memory_space<vmem>>
        %get3A_255 = tpu.memref_squeeze %get3A_254 : memref<1x160x64xf32, #tpu.memory_space<vmem>> -> memref<160x64xf32, #tpu.memory_space<vmem>>
        %get3A_256 = arith.index_cast %add3A_251 : i32 to index
        %get3A_257 = arith.constant 32 : index
        %get3A_258 = tpu.vector_load %get3A_255[%get3A_256, %get3A_257] {strides = array<i32>} : memref<160x64xf32, #tpu.memory_space<vmem>>, vector<1x16xf32>,
        %get3A_259 = vector.shape_cast %get3A_258 : vector<1x16xf32> to vector<16xf32>
        %add3A_260 = arith.addf %add3A_216, %get3A_259 : vector<16xf32>
        %add3A_261 = arith.constant 2 : i32
        %add3A_262 = arith.addi %mul3A_152, %add3A_261 : i32
        %get3A_263 = arith.constant 0 : i32
        %get3A_264 = arith.constant 0 : i32
        %get3A_265 = tpu.memref_slice %arg6[%scan3A_57, %get3A_263, %get3A_264] : memref<4x160x64xf32, #tpu.memory_space<vmem>> -> memref<1x160x64xf32, #tpu.memory_space<vmem>>
        %get3A_266 = tpu.memref_squeeze %get3A_265 : memref<1x160x64xf32, #tpu.memory_space<vmem>> -> memref<160x64xf32, #tpu.memory_space<vmem>>
        %get3A_267 = arith.index_cast %add3A_262 : i32 to index
        %get3A_268 = arith.constant 48 : index
        %get3A_269 = tpu.vector_load %get3A_266[%get3A_267, %get3A_268] {strides = array<i32>} : memref<160x64xf32, #tpu.memory_space<vmem>>, vector<1x16xf32>,
        %get3A_270 = vector.shape_cast %get3A_269 : vector<1x16xf32> to vector<16xf32>
        %add3A_271 = arith.addf %add3A_227, %get3A_270 : vector<16xf32>
        %add3A_272 = arith.constant 3 : i32
        %add3A_273 = arith.addi %mul3A_152, %add3A_272 : i32
        %get3A_274 = arith.constant 0 : i32
        %get3A_275 = arith.constant 0 : i32
        %get3A_276 = tpu.memref_slice %arg6[%scan3A_57, %get3A_274, %get3A_275] : memref<4x160x64xf32, #tpu.memory_space<vmem>> -> memref<1x160x64xf32, #tpu.memory_space<vmem>>
        %get3A_277 = tpu.memref_squeeze %get3A_276 : memref<1x160x64xf32, #tpu.memory_space<vmem>> -> memref<160x64xf32, #tpu.memory_space<vmem>>
        %get3A_278 = arith.index_cast %add3A_273 : i32 to index
        %get3A_279 = arith.constant 0 : index
        %get3A_280 = tpu.vector_load %get3A_277[%get3A_278, %get3A_279] {strides = array<i32>} : memref<160x64xf32, #tpu.memory_space<vmem>>, vector<1x16xf32>,
        %get3A_281 = vector.shape_cast %get3A_280 : vector<1x16xf32> to vector<16xf32>
        %add3A_282 = arith.addf %add3A_238, %get3A_281 : vector<16xf32>
        %add3A_283 = arith.constant 3 : i32
        %add3A_284 = arith.addi %mul3A_152, %add3A_283 : i32
        %get3A_285 = arith.constant 0 : i32
        %get3A_286 = arith.constant 0 : i32
        %get3A_287 = tpu.memref_slice %arg6[%scan3A_57, %get3A_285, %get3A_286] : memref<4x160x64xf32, #tpu.memory_space<vmem>> -> memref<1x160x64xf32, #tpu.memory_space<vmem>>
        %get3A_288 = tpu.memref_squeeze %get3A_287 : memref<1x160x64xf32, #tpu.memory_space<vmem>> -> memref<160x64xf32, #tpu.memory_space<vmem>>
        %get3A_289 = arith.index_cast %add3A_284 : i32 to index
        %get3A_290 = arith.constant 16 : index
        %get3A_291 = tpu.vector_load %get3A_288[%get3A_289, %get3A_290] {strides = array<i32>} : memref<160x64xf32, #tpu.memory_space<vmem>>, vector<1x16xf32>,
        %get3A_292 = vector.shape_cast %get3A_291 : vector<1x16xf32> to vector<16xf32>
        %add3A_293 = arith.addf %add3A_249, %get3A_292 : vector<16xf32>
        %add3A_294 = arith.constant 3 : i32
        %add3A_295 = arith.addi %mul3A_152, %add3A_294 : i32
        %get3A_296 = arith.constant 0 : i32
        %get3A_297 = arith.constant 0 : i32
        %get3A_298 = tpu.memref_slice %arg6[%scan3A_57, %get3A_296, %get3A_297] : memref<4x160x64xf32, #tpu.memory_space<vmem>> -> memref<1x160x64xf32, #tpu.memory_space<vmem>>
        %get3A_299 = tpu.memref_squeeze %get3A_298 : memref<1x160x64xf32, #tpu.memory_space<vmem>> -> memref<160x64xf32, #tpu.memory_space<vmem>>
        %get3A_300 = arith.index_cast %add3A_295 : i32 to index
        %get3A_301 = arith.constant 32 : index
        %get3A_302 = tpu.vector_load %get3A_299[%get3A_300, %get3A_301] {strides = array<i32>} : memref<160x64xf32, #tpu.memory_space<vmem>>, vector<1x16xf32>,
        %get3A_303 = vector.shape_cast %get3A_302 : vector<1x16xf32> to vector<16xf32>
        %add3A_304 = arith.addf %add3A_260, %get3A_303 : vector<16xf32>
        %add3A_305 = arith.constant 3 : i32
        %add3A_306 = arith.addi %mul3A_152, %add3A_305 : i32
        %get3A_307 = arith.constant 0 : i32
        %get3A_308 = arith.constant 0 : i32
        %get3A_309 = tpu.memref_slice %arg6[%scan3A_57, %get3A_307, %get3A_308] : memref<4x160x64xf32, #tpu.memory_space<vmem>> -> memref<1x160x64xf32, #tpu.memory_space<vmem>>
        %get3A_310 = tpu.memref_squeeze %get3A_309 : memref<1x160x64xf32, #tpu.memory_space<vmem>> -> memref<160x64xf32, #tpu.memory_space<vmem>>
        %get3A_311 = arith.index_cast %add3A_306 : i32 to index
        %get3A_312 = arith.constant 48 : index
        %get3A_313 = tpu.vector_load %get3A_310[%get3A_311, %get3A_312] {strides = array<i32>} : memref<160x64xf32, #tpu.memory_space<vmem>>, vector<1x16xf32>,
        %get3A_314 = vector.shape_cast %get3A_313 : vector<1x16xf32> to vector<16xf32>
        %add3A_315 = arith.addf %add3A_271, %get3A_314 : vector<16xf32>
        %add3A_316 = arith.constant 4 : i32
        %add3A_317 = arith.addi %mul3A_152, %add3A_316 : i32
        %get3A_318 = arith.constant 0 : i32
        %get3A_319 = arith.constant 0 : i32
        %get3A_320 = tpu.memref_slice %arg6[%scan3A_57, %get3A_318, %get3A_319] : memref<4x160x64xf32, #tpu.memory_space<vmem>> -> memref<1x160x64xf32, #tpu.memory_space<vmem>>
        %get3A_321 = tpu.memref_squeeze %get3A_320 : memref<1x160x64xf32, #tpu.memory_space<vmem>> -> memref<160x64xf32, #tpu.memory_space<vmem>>
        %get3A_322 = arith.index_cast %add3A_317 : i32 to index
        %get3A_323 = arith.constant 0 : index
        %get3A_324 = tpu.vector_load %get3A_321[%get3A_322, %get3A_323] {strides = array<i32>} : memref<160x64xf32, #tpu.memory_space<vmem>>, vector<1x16xf32>,
        %get3A_325 = vector.shape_cast %get3A_324 : vector<1x16xf32> to vector<16xf32>
        %add3A_326 = arith.addf %add3A_282, %get3A_325 : vector<16xf32>
        %add3A_327 = arith.constant 4 : i32
        %add3A_328 = arith.addi %mul3A_152, %add3A_327 : i32
        %get3A_329 = arith.constant 0 : i32
        %get3A_330 = arith.constant 0 : i32
        %get3A_331 = tpu.memref_slice %arg6[%scan3A_57, %get3A_329, %get3A_330] : memref<4x160x64xf32, #tpu.memory_space<vmem>> -> memref<1x160x64xf32, #tpu.memory_space<vmem>>
        %get3A_332 = tpu.memref_squeeze %get3A_331 : memref<1x160x64xf32, #tpu.memory_space<vmem>> -> memref<160x64xf32, #tpu.memory_space<vmem>>
        %get3A_333 = arith.index_cast %add3A_328 : i32 to index
        %get3A_334 = arith.constant 16 : index
        %get3A_335 = tpu.vector_load %get3A_332[%get3A_333, %get3A_334] {strides = array<i32>} : memref<160x64xf32, #tpu.memory_space<vmem>>, vector<1x16xf32>,
        %get3A_336 = vector.shape_cast %get3A_335 : vector<1x16xf32> to vector<16xf32>
        %add3A_337 = arith.addf %add3A_293, %get3A_336 : vector<16xf32>
        %add3A_338 = arith.constant 4 : i32
        %add3A_339 = arith.addi %mul3A_152, %add3A_338 : i32
        %get3A_340 = arith.constant 0 : i32
        %get3A_341 = arith.constant 0 : i32
        %get3A_342 = tpu.memref_slice %arg6[%scan3A_57, %get3A_340, %get3A_341] : memref<4x160x64xf32, #tpu.memory_space<vmem>> -> memref<1x160x64xf32, #tpu.memory_space<vmem>>
        %get3A_343 = tpu.memref_squeeze %get3A_342 : memref<1x160x64xf32, #tpu.memory_space<vmem>> -> memref<160x64xf32, #tpu.memory_space<vmem>>
        %get3A_344 = arith.index_cast %add3A_339 : i32 to index
        %get3A_345 = arith.constant 32 : index
        %get3A_346 = tpu.vector_load %get3A_343[%get3A_344, %get3A_345] {strides = array<i32>} : memref<160x64xf32, #tpu.memory_space<vmem>>, vector<1x16xf32>,
        %get3A_347 = vector.shape_cast %get3A_346 : vector<1x16xf32> to vector<16xf32>
        %add3A_348 = arith.addf %add3A_304, %get3A_347 : vector<16xf32>
        %add3A_349 = arith.constant 4 : i32
        %add3A_350 = arith.addi %mul3A_152, %add3A_349 : i32
        %get3A_351 = arith.constant 0 : i32
        %get3A_352 = arith.constant 0 : i32
        %get3A_353 = tpu.memref_slice %arg6[%scan3A_57, %get3A_351, %get3A_352] : memref<4x160x64xf32, #tpu.memory_space<vmem>> -> memref<1x160x64xf32, #tpu.memory_space<vmem>>
        %get3A_354 = tpu.memref_squeeze %get3A_353 : memref<1x160x64xf32, #tpu.memory_space<vmem>> -> memref<160x64xf32, #tpu.memory_space<vmem>>
        %get3A_355 = arith.index_cast %add3A_350 : i32 to index
        %get3A_356 = arith.constant 48 : index
        %get3A_357 = tpu.vector_load %get3A_354[%get3A_355, %get3A_356] {strides = array<i32>} : memref<160x64xf32, #tpu.memory_space<vmem>>, vector<1x16xf32>,
        %get3A_358 = vector.shape_cast %get3A_357 : vector<1x16xf32> to vector<16xf32>
        %add3A_359 = arith.addf %add3A_315, %get3A_358 : vector<16xf32>
        %scan3A_360 = arith.constant 1 : i32
        %scan3A_361 = arith.constant 3 : i32
        %scan3A_362 = arith.addi %scan3A_360, %scan3A_361 : i32
        %scan3A_363 = arith.constant 1 : i32
        %scan3A_364:4 = scf.for %scan3A_394 = %scan3A_360 to %scan3A_362 step %scan3A_363 iter_args(%scan3A_395 = %add3A_326, %scan3A_396 = %add3A_337, %scan3A_397 = %add3A_348, %scan3A_398 = %add3A_359) -> (vector<16xf32>, vector<16xf32>, vector<16xf32>, vector<16xf32>)  : i32 {
          %mul3A_399 = arith.constant 5 : i32
          %mul3A_400 = arith.muli %scan3A_394, %mul3A_399 : i32
          %add3A_401 = arith.addi %mul3A_152, %mul3A_400 : i32
          %add3A_402 = arith.constant 0 : i32
          %add3A_403 = arith.addi %add3A_401, %add3A_402 : i32
          %get3A_404 = arith.constant 0 : i32
          %get3A_405 = arith.constant 0 : i32
          %get3A_406 = tpu.memref_slice %arg6[%scan3A_57, %get3A_404, %get3A_405] : memref<4x160x64xf32, #tpu.memory_space<vmem>> -> memref<1x160x64xf32, #tpu.memory_space<vmem>>
          %get3A_407 = tpu.memref_squeeze %get3A_406 : memref<1x160x64xf32, #tpu.memory_space<vmem>> -> memref<160x64xf32, #tpu.memory_space<vmem>>
          %get3A_408 = arith.index_cast %add3A_403 : i32 to index
          %get3A_409 = arith.constant 0 : index
          %get3A_410 = tpu.vector_load %get3A_407[%get3A_408, %get3A_409] {strides = array<i32>} : memref<160x64xf32, #tpu.memory_space<vmem>>, vector<1x16xf32>,
          %get3A_411 = vector.shape_cast %get3A_410 : vector<1x16xf32> to vector<16xf32>
          %add3A_412 = arith.addf %scan3A_395, %get3A_411 : vector<16xf32>
          %add3A_413 = arith.constant 0 : i32
          %add3A_414 = arith.addi %add3A_401, %add3A_413 : i32
          %get3A_415 = arith.constant 0 : i32
          %get3A_416 = arith.constant 0 : i32
          %get3A_417 = tpu.memref_slice %arg6[%scan3A_57, %get3A_415, %get3A_416] : memref<4x160x64xf32, #tpu.memory_space<vmem>> -> memref<1x160x64xf32, #tpu.memory_space<vmem>>
          %get3A_418 = tpu.memref_squeeze %get3A_417 : memref<1x160x64xf32, #tpu.memory_space<vmem>> -> memref<160x64xf32, #tpu.memory_space<vmem>>
          %get3A_419 = arith.index_cast %add3A_414 : i32 to index
          %get3A_420 = arith.constant 16 : index
          %get3A_421 = tpu.vector_load %get3A_418[%get3A_419, %get3A_420] {strides = array<i32>} : memref<160x64xf32, #tpu.memory_space<vmem>>, vector<1x16xf32>,
          %get3A_422 = vector.shape_cast %get3A_421 : vector<1x16xf32> to vector<16xf32>
          %add3A_423 = arith.addf %scan3A_396, %get3A_422 : vector<16xf32>
          %add3A_424 = arith.constant 0 : i32
          %add3A_425 = arith.addi %add3A_401, %add3A_424 : i32
          %get3A_426 = arith.constant 0 : i32
          %get3A_427 = arith.constant 0 : i32
          %get3A_428 = tpu.memref_slice %arg6[%scan3A_57, %get3A_426, %get3A_427] : memref<4x160x64xf32, #tpu.memory_space<vmem>> -> memref<1x160x64xf32, #tpu.memory_space<vmem>>
          %get3A_429 = tpu.memref_squeeze %get3A_428 : memref<1x160x64xf32, #tpu.memory_space<vmem>> -> memref<160x64xf32, #tpu.memory_space<vmem>>
          %get3A_430 = arith.index_cast %add3A_425 : i32 to index
          %get3A_431 = arith.constant 32 : index
          %get3A_432 = tpu.vector_load %get3A_429[%get3A_430, %get3A_431] {strides = array<i32>} : memref<160x64xf32, #tpu.memory_space<vmem>>, vector<1x16xf32>,
          %get3A_433 = vector.shape_cast %get3A_432 : vector<1x16xf32> to vector<16xf32>
          %add3A_434 = arith.addf %scan3A_397, %get3A_433 : vector<16xf32>
          %add3A_435 = arith.constant 0 : i32
          %add3A_436 = arith.addi %add3A_401, %add3A_435 : i32
          %get3A_437 = arith.constant 0 : i32
          %get3A_438 = arith.constant 0 : i32
          %get3A_439 = tpu.memref_slice %arg6[%scan3A_57, %get3A_437, %get3A_438] : memref<4x160x64xf32, #tpu.memory_space<vmem>> -> memref<1x160x64xf32, #tpu.memory_space<vmem>>
          %get3A_440 = tpu.memref_squeeze %get3A_439 : memref<1x160x64xf32, #tpu.memory_space<vmem>> -> memref<160x64xf32, #tpu.memory_space<vmem>>
          %get3A_441 = arith.index_cast %add3A_436 : i32 to index
          %get3A_442 = arith.constant 48 : index
          %get3A_443 = tpu.vector_load %get3A_440[%get3A_441, %get3A_442] {strides = array<i32>} : memref<160x64xf32, #tpu.memory_space<vmem>>, vector<1x16xf32>,
          %get3A_444 = vector.shape_cast %get3A_443 : vector<1x16xf32> to vector<16xf32>
          %add3A_445 = arith.addf %scan3A_398, %get3A_444 : vector<16xf32>
          %add3A_446 = arith.constant 1 : i32
          %add3A_447 = arith.addi %add3A_401, %add3A_446 : i32
          %get3A_448 = arith.constant 0 : i32
          %get3A_449 = arith.constant 0 : i32
          %get3A_450 = tpu.memref_slice %arg6[%scan3A_57, %get3A_448, %get3A_449] : memref<4x160x64xf32, #tpu.memory_space<vmem>> -> memref<1x160x64xf32, #tpu.memory_space<vmem>>
          %get3A_451 = tpu.memref_squeeze %get3A_450 : memref<1x160x64xf32, #tpu.memory_space<vmem>> -> memref<160x64xf32, #tpu.memory_space<vmem>>
          %get3A_452 = arith.index_cast %add3A_447 : i32 to index
          %get3A_453 = arith.constant 0 : index
          %get3A_454 = tpu.vector_load %get3A_451[%get3A_452, %get3A_453] {strides = array<i32>} : memref<160x64xf32, #tpu.memory_space<vmem>>, vector<1x16xf32>,
          %get3A_455 = vector.shape_cast %get3A_454 : vector<1x16xf32> to vector<16xf32>
          %add3A_456 = arith.addf %add3A_412, %get3A_455 : vector<16xf32>
          %add3A_457 = arith.constant 1 : i32
          %add3A_458 = arith.addi %add3A_401, %add3A_457 : i32
          %get3A_459 = arith.constant 0 : i32
          %get3A_460 = arith.constant 0 : i32
          %get3A_461 = tpu.memref_slice %arg6[%scan3A_57, %get3A_459, %get3A_460] : memref<4x160x64xf32, #tpu.memory_space<vmem>> -> memref<1x160x64xf32, #tpu.memory_space<vmem>>
          %get3A_462 = tpu.memref_squeeze %get3A_461 : memref<1x160x64xf32, #tpu.memory_space<vmem>> -> memref<160x64xf32, #tpu.memory_space<vmem>>
          %get3A_463 = arith.index_cast %add3A_458 : i32 to index
          %get3A_464 = arith.constant 16 : index
          %get3A_465 = tpu.vector_load %get3A_462[%get3A_463, %get3A_464] {strides = array<i32>} : memref<160x64xf32, #tpu.memory_space<vmem>>, vector<1x16xf32>,
          %get3A_466 = vector.shape_cast %get3A_465 : vector<1x16xf32> to vector<16xf32>
          %add3A_467 = arith.addf %add3A_423, %get3A_466 : vector<16xf32>
          %add3A_468 = arith.constant 1 : i32
          %add3A_469 = arith.addi %add3A_401, %add3A_468 : i32
          %get3A_470 = arith.constant 0 : i32
          %get3A_471 = arith.constant 0 : i32
          %get3A_472 = tpu.memref_slice %arg6[%scan3A_57, %get3A_470, %get3A_471] : memref<4x160x64xf32, #tpu.memory_space<vmem>> -> memref<1x160x64xf32, #tpu.memory_space<vmem>>
          %get3A_473 = tpu.memref_squeeze %get3A_472 : memref<1x160x64xf32, #tpu.memory_space<vmem>> -> memref<160x64xf32, #tpu.memory_space<vmem>>
          %get3A_474 = arith.index_cast %add3A_469 : i32 to index
          %get3A_475 = arith.constant 32 : index
          %get3A_476 = tpu.vector_load %get3A_473[%get3A_474, %get3A_475] {strides = array<i32>} : memref<160x64xf32, #tpu.memory_space<vmem>>, vector<1x16xf32>,
          %get3A_477 = vector.shape_cast %get3A_476 : vector<1x16xf32> to vector<16xf32>
          %add3A_478 = arith.addf %add3A_434, %get3A_477 : vector<16xf32>
          %add3A_479 = arith.constant 1 : i32
          %add3A_480 = arith.addi %add3A_401, %add3A_479 : i32
          %get3A_481 = arith.constant 0 : i32
          %get3A_482 = arith.constant 0 : i32
          %get3A_483 = tpu.memref_slice %arg6[%scan3A_57, %get3A_481, %get3A_482] : memref<4x160x64xf32, #tpu.memory_space<vmem>> -> memref<1x160x64xf32, #tpu.memory_space<vmem>>
          %get3A_484 = tpu.memref_squeeze %get3A_483 : memref<1x160x64xf32, #tpu.memory_space<vmem>> -> memref<160x64xf32, #tpu.memory_space<vmem>>
          %get3A_485 = arith.index_cast %add3A_480 : i32 to index
          %get3A_486 = arith.constant 48 : index
          %get3A_487 = tpu.vector_load %get3A_484[%get3A_485, %get3A_486] {strides = array<i32>} : memref<160x64xf32, #tpu.memory_space<vmem>>, vector<1x16xf32>,
          %get3A_488 = vector.shape_cast %get3A_487 : vector<1x16xf32> to vector<16xf32>
          %add3A_489 = arith.addf %add3A_445, %get3A_488 : vector<16xf32>
          %add3A_490 = arith.constant 2 : i32
          %add3A_491 = arith.addi %add3A_401, %add3A_490 : i32
          %get3A_492 = arith.constant 0 : i32
          %get3A_493 = arith.constant 0 : i32
          %get3A_494 = tpu.memref_slice %arg6[%scan3A_57, %get3A_492, %get3A_493] : memref<4x160x64xf32, #tpu.memory_space<vmem>> -> memref<1x160x64xf32, #tpu.memory_space<vmem>>
          %get3A_495 = tpu.memref_squeeze %get3A_494 : memref<1x160x64xf32, #tpu.memory_space<vmem>> -> memref<160x64xf32, #tpu.memory_space<vmem>>
          %get3A_496 = arith.index_cast %add3A_491 : i32 to index
          %get3A_497 = arith.constant 0 : index
          %get3A_498 = tpu.vector_load %get3A_495[%get3A_496, %get3A_497] {strides = array<i32>} : memref<160x64xf32, #tpu.memory_space<vmem>>, vector<1x16xf32>,
          %get3A_499 = vector.shape_cast %get3A_498 : vector<1x16xf32> to vector<16xf32>
          %add3A_500 = arith.addf %add3A_456, %get3A_499 : vector<16xf32>
          %add3A_501 = arith.constant 2 : i32
          %add3A_502 = arith.addi %add3A_401, %add3A_501 : i32
          %get3A_503 = arith.constant 0 : i32
          %get3A_504 = arith.constant 0 : i32
          %get3A_505 = tpu.memref_slice %arg6[%scan3A_57, %get3A_503, %get3A_504] : memref<4x160x64xf32, #tpu.memory_space<vmem>> -> memref<1x160x64xf32, #tpu.memory_space<vmem>>
          %get3A_506 = tpu.memref_squeeze %get3A_505 : memref<1x160x64xf32, #tpu.memory_space<vmem>> -> memref<160x64xf32, #tpu.memory_space<vmem>>
          %get3A_507 = arith.index_cast %add3A_502 : i32 to index
          %get3A_508 = arith.constant 16 : index
          %get3A_509 = tpu.vector_load %get3A_506[%get3A_507, %get3A_508] {strides = array<i32>} : memref<160x64xf32, #tpu.memory_space<vmem>>, vector<1x16xf32>,
          %get3A_510 = vector.shape_cast %get3A_509 : vector<1x16xf32> to vector<16xf32>
          %add3A_511 = arith.addf %add3A_467, %get3A_510 : vector<16xf32>
          %add3A_512 = arith.constant 2 : i32
          %add3A_513 = arith.addi %add3A_401, %add3A_512 : i32
          %get3A_514 = arith.constant 0 : i32
          %get3A_515 = arith.constant 0 : i32
          %get3A_516 = tpu.memref_slice %arg6[%scan3A_57, %get3A_514, %get3A_515] : memref<4x160x64xf32, #tpu.memory_space<vmem>> -> memref<1x160x64xf32, #tpu.memory_space<vmem>>
          %get3A_517 = tpu.memref_squeeze %get3A_516 : memref<1x160x64xf32, #tpu.memory_space<vmem>> -> memref<160x64xf32, #tpu.memory_space<vmem>>
          %get3A_518 = arith.index_cast %add3A_513 : i32 to index
          %get3A_519 = arith.constant 32 : index
          %get3A_520 = tpu.vector_load %get3A_517[%get3A_518, %get3A_519] {strides = array<i32>} : memref<160x64xf32, #tpu.memory_space<vmem>>, vector<1x16xf32>,
          %get3A_521 = vector.shape_cast %get3A_520 : vector<1x16xf32> to vector<16xf32>
          %add3A_522 = arith.addf %add3A_478, %get3A_521 : vector<16xf32>
          %add3A_523 = arith.constant 2 : i32
          %add3A_524 = arith.addi %add3A_401, %add3A_523 : i32
          %get3A_525 = arith.constant 0 : i32
          %get3A_526 = arith.constant 0 : i32
          %get3A_527 = tpu.memref_slice %arg6[%scan3A_57, %get3A_525, %get3A_526] : memref<4x160x64xf32, #tpu.memory_space<vmem>> -> memref<1x160x64xf32, #tpu.memory_space<vmem>>
          %get3A_528 = tpu.memref_squeeze %get3A_527 : memref<1x160x64xf32, #tpu.memory_space<vmem>> -> memref<160x64xf32, #tpu.memory_space<vmem>>
          %get3A_529 = arith.index_cast %add3A_524 : i32 to index
          %get3A_530 = arith.constant 48 : index
          %get3A_531 = tpu.vector_load %get3A_528[%get3A_529, %get3A_530] {strides = array<i32>} : memref<160x64xf32, #tpu.memory_space<vmem>>, vector<1x16xf32>,
          %get3A_532 = vector.shape_cast %get3A_531 : vector<1x16xf32> to vector<16xf32>
          %add3A_533 = arith.addf %add3A_489, %get3A_532 : vector<16xf32>
          %add3A_534 = arith.constant 3 : i32
          %add3A_535 = arith.addi %add3A_401, %add3A_534 : i32
          %get3A_536 = arith.constant 0 : i32
          %get3A_537 = arith.constant 0 : i32
          %get3A_538 = tpu.memref_slice %arg6[%scan3A_57, %get3A_536, %get3A_537] : memref<4x160x64xf32, #tpu.memory_space<vmem>> -> memref<1x160x64xf32, #tpu.memory_space<vmem>>
          %get3A_539 = tpu.memref_squeeze %get3A_538 : memref<1x160x64xf32, #tpu.memory_space<vmem>> -> memref<160x64xf32, #tpu.memory_space<vmem>>
          %get3A_540 = arith.index_cast %add3A_535 : i32 to index
          %get3A_541 = arith.constant 0 : index
          %get3A_542 = tpu.vector_load %get3A_539[%get3A_540, %get3A_541] {strides = array<i32>} : memref<160x64xf32, #tpu.memory_space<vmem>>, vector<1x16xf32>,
          %get3A_543 = vector.shape_cast %get3A_542 : vector<1x16xf32> to vector<16xf32>
          %add3A_544 = arith.addf %add3A_500, %get3A_543 : vector<16xf32>
          %add3A_545 = arith.constant 3 : i32
          %add3A_546 = arith.addi %add3A_401, %add3A_545 : i32
          %get3A_547 = arith.constant 0 : i32
          %get3A_548 = arith.constant 0 : i32
          %get3A_549 = tpu.memref_slice %arg6[%scan3A_57, %get3A_547, %get3A_548] : memref<4x160x64xf32, #tpu.memory_space<vmem>> -> memref<1x160x64xf32, #tpu.memory_space<vmem>>
          %get3A_550 = tpu.memref_squeeze %get3A_549 : memref<1x160x64xf32, #tpu.memory_space<vmem>> -> memref<160x64xf32, #tpu.memory_space<vmem>>
          %get3A_551 = arith.index_cast %add3A_546 : i32 to index
          %get3A_552 = arith.constant 16 : index
          %get3A_553 = tpu.vector_load %get3A_550[%get3A_551, %get3A_552] {strides = array<i32>} : memref<160x64xf32, #tpu.memory_space<vmem>>, vector<1x16xf32>,
          %get3A_554 = vector.shape_cast %get3A_553 : vector<1x16xf32> to vector<16xf32>
          %add3A_555 = arith.addf %add3A_511, %get3A_554 : vector<16xf32>
          %add3A_556 = arith.constant 3 : i32
          %add3A_557 = arith.addi %add3A_401, %add3A_556 : i32
          %get3A_558 = arith.constant 0 : i32
          %get3A_559 = arith.constant 0 : i32
          %get3A_560 = tpu.memref_slice %arg6[%scan3A_57, %get3A_558, %get3A_559] : memref<4x160x64xf32, #tpu.memory_space<vmem>> -> memref<1x160x64xf32, #tpu.memory_space<vmem>>
          %get3A_561 = tpu.memref_squeeze %get3A_560 : memref<1x160x64xf32, #tpu.memory_space<vmem>> -> memref<160x64xf32, #tpu.memory_space<vmem>>
          %get3A_562 = arith.index_cast %add3A_557 : i32 to index
          %get3A_563 = arith.constant 32 : index
          %get3A_564 = tpu.vector_load %get3A_561[%get3A_562, %get3A_563] {strides = array<i32>} : memref<160x64xf32, #tpu.memory_space<vmem>>, vector<1x16xf32>,
          %get3A_565 = vector.shape_cast %get3A_564 : vector<1x16xf32> to vector<16xf32>
          %add3A_566 = arith.addf %add3A_522, %get3A_565 : vector<16xf32>
          %add3A_567 = arith.constant 3 : i32
          %add3A_568 = arith.addi %add3A_401, %add3A_567 : i32
          %get3A_569 = arith.constant 0 : i32
          %get3A_570 = arith.constant 0 : i32
          %get3A_571 = tpu.memref_slice %arg6[%scan3A_57, %get3A_569, %get3A_570] : memref<4x160x64xf32, #tpu.memory_space<vmem>> -> memref<1x160x64xf32, #tpu.memory_space<vmem>>
          %get3A_572 = tpu.memref_squeeze %get3A_571 : memref<1x160x64xf32, #tpu.memory_space<vmem>> -> memref<160x64xf32, #tpu.memory_space<vmem>>
          %get3A_573 = arith.index_cast %add3A_568 : i32 to index
          %get3A_574 = arith.constant 48 : index
          %get3A_575 = tpu.vector_load %get3A_572[%get3A_573, %get3A_574] {strides = array<i32>} : memref<160x64xf32, #tpu.memory_space<vmem>>, vector<1x16xf32>,
          %get3A_576 = vector.shape_cast %get3A_575 : vector<1x16xf32> to vector<16xf32>
          %add3A_577 = arith.addf %add3A_533, %get3A_576 : vector<16xf32>
          %add3A_578 = arith.constant 4 : i32
          %add3A_579 = arith.addi %add3A_401, %add3A_578 : i32
          %get3A_580 = arith.constant 0 : i32
          %get3A_581 = arith.constant 0 : i32
          %get3A_582 = tpu.memref_slice %arg6[%scan3A_57, %get3A_580, %get3A_581] : memref<4x160x64xf32, #tpu.memory_space<vmem>> -> memref<1x160x64xf32, #tpu.memory_space<vmem>>
          %get3A_583 = tpu.memref_squeeze %get3A_582 : memref<1x160x64xf32, #tpu.memory_space<vmem>> -> memref<160x64xf32, #tpu.memory_space<vmem>>
          %get3A_584 = arith.index_cast %add3A_579 : i32 to index
          %get3A_585 = arith.constant 0 : index
          %get3A_586 = tpu.vector_load %get3A_583[%get3A_584, %get3A_585] {strides = array<i32>} : memref<160x64xf32, #tpu.memory_space<vmem>>, vector<1x16xf32>,
          %get3A_587 = vector.shape_cast %get3A_586 : vector<1x16xf32> to vector<16xf32>
          %add3A_588 = arith.addf %add3A_544, %get3A_587 : vector<16xf32>
          %add3A_589 = arith.constant 4 : i32
          %add3A_590 = arith.addi %add3A_401, %add3A_589 : i32
          %get3A_591 = arith.constant 0 : i32
          %get3A_592 = arith.constant 0 : i32
          %get3A_593 = tpu.memref_slice %arg6[%scan3A_57, %get3A_591, %get3A_592] : memref<4x160x64xf32, #tpu.memory_space<vmem>> -> memref<1x160x64xf32, #tpu.memory_space<vmem>>
          %get3A_594 = tpu.memref_squeeze %get3A_593 : memref<1x160x64xf32, #tpu.memory_space<vmem>> -> memref<160x64xf32, #tpu.memory_space<vmem>>
          %get3A_595 = arith.index_cast %add3A_590 : i32 to index
          %get3A_596 = arith.constant 16 : index
          %get3A_597 = tpu.vector_load %get3A_594[%get3A_595, %get3A_596] {strides = array<i32>} : memref<160x64xf32, #tpu.memory_space<vmem>>, vector<1x16xf32>,
          %get3A_598 = vector.shape_cast %get3A_597 : vector<1x16xf32> to vector<16xf32>
          %add3A_599 = arith.addf %add3A_555, %get3A_598 : vector<16xf32>
          %add3A_600 = arith.constant 4 : i32
          %add3A_601 = arith.addi %add3A_401, %add3A_600 : i32
          %get3A_602 = arith.constant 0 : i32
          %get3A_603 = arith.constant 0 : i32
          %get3A_604 = tpu.memref_slice %arg6[%scan3A_57, %get3A_602, %get3A_603] : memref<4x160x64xf32, #tpu.memory_space<vmem>> -> memref<1x160x64xf32, #tpu.memory_space<vmem>>
          %get3A_605 = tpu.memref_squeeze %get3A_604 : memref<1x160x64xf32, #tpu.memory_space<vmem>> -> memref<160x64xf32, #tpu.memory_space<vmem>>
          %get3A_606 = arith.index_cast %add3A_601 : i32 to index
          %get3A_607 = arith.constant 32 : index
          %get3A_608 = tpu.vector_load %get3A_605[%get3A_606, %get3A_607] {strides = array<i32>} : memref<160x64xf32, #tpu.memory_space<vmem>>, vector<1x16xf32>,
          %get3A_609 = vector.shape_cast %get3A_608 : vector<1x16xf32> to vector<16xf32>
          %add3A_610 = arith.addf %add3A_566, %get3A_609 : vector<16xf32>
          %add3A_611 = arith.constant 4 : i32
          %add3A_612 = arith.addi %add3A_401, %add3A_611 : i32
          %get3A_613 = arith.constant 0 : i32
          %get3A_614 = arith.constant 0 : i32
          %get3A_615 = tpu.memref_slice %arg6[%scan3A_57, %get3A_613, %get3A_614] : memref<4x160x64xf32, #tpu.memory_space<vmem>> -> memref<1x160x64xf32, #tpu.memory_space<vmem>>
          %get3A_616 = tpu.memref_squeeze %get3A_615 : memref<1x160x64xf32, #tpu.memory_space<vmem>> -> memref<160x64xf32, #tpu.memory_space<vmem>>
          %get3A_617 = arith.index_cast %add3A_612 : i32 to index
          %get3A_618 = arith.constant 48 : index
          %get3A_619 = tpu.vector_load %get3A_616[%get3A_617, %get3A_618] {strides = array<i32>} : memref<160x64xf32, #tpu.memory_space<vmem>>, vector<1x16xf32>,
          %get3A_620 = vector.shape_cast %get3A_619 : vector<1x16xf32> to vector<16xf32>
          %add3A_621 = arith.addf %add3A_577, %get3A_620 : vector<16xf32>
          scf.yield %add3A_588, %add3A_599, %add3A_610, %add3A_621 : vector<16xf32>, vector<16xf32>, vector<16xf32>, vector<16xf32>
        }
        %scan3A_365 = arith.constant 3 : i32
        %mul3A_366 = arith.constant 8 : i32
        %mul3A_367 = arith.muli %add3A_42, %mul3A_366 : i32
        %add3A_368 = arith.addi %mul3A_367, %scan3A_150 : i32
        %mul3A_369 = arith.constant 64 : i32
        %mul3A_370 = arith.muli %add3A_368, %mul3A_369 : i32
        %add3A_371 = arith.constant 0 : i32
        %add3A_372 = arith.addi %mul3A_370, %add3A_371 : i32
        %swap3A = arith.index_cast %add3A_372 : i32 to index
        %swap3A_373 = tpu.vector_load %arg7[%swap3A] {strides = array<i32>} : memref<8192xf32, #tpu.memory_space<vmem>>, vector<16xf32>,
        %swap3A_374 = vector.shape_cast %swap3A_373 : vector<16xf32> to vector<16xf32>
        %swap3A_375 = vector.shape_cast %scan3A_364#0 : vector<16xf32> to vector<16xf32>
        tpu.vector_store %arg7[%swap3A], %swap3A_375 {strides = array<i32>} : memref<8192xf32, #tpu.memory_space<vmem>>, vector<16xf32>,
        %add3A_376 = arith.constant 16 : i32
        %add3A_377 = arith.addi %mul3A_370, %add3A_376 : i32
        %swap3A_378 = arith.index_cast %add3A_377 : i32 to index
        %swap3A_379 = tpu.vector_load %arg7[%swap3A_378] {strides = array<i32>} : memref<8192xf32, #tpu.memory_space<vmem>>, vector<16xf32>,
        %swap3A_380 = vector.shape_cast %swap3A_379 : vector<16xf32> to vector<16xf32>
        %swap3A_381 = vector.shape_cast %scan3A_364#1 : vector<16xf32> to vector<16xf32>
        tpu.vector_store %arg7[%swap3A_378], %swap3A_381 {strides = array<i32>} : memref<8192xf32, #tpu.memory_space<vmem>>, vector<16xf32>,
        %add3A_382 = arith.constant 32 : i32
        %add3A_383 = arith.addi %mul3A_370, %add3A_382 : i32
        %swap3A_384 = arith.index_cast %add3A_383 : i32 to index
        %swap3A_385 = tpu.vector_load %arg7[%swap3A_384] {strides = array<i32>} : memref<8192xf32, #tpu.memory_space<vmem>>, vector<16xf32>,
        %swap3A_386 = vector.shape_cast %swap3A_385 : vector<16xf32> to vector<16xf32>
        %swap3A_387 = vector.shape_cast %scan3A_364#2 : vector<16xf32> to vector<16xf32>
        tpu.vector_store %arg7[%swap3A_384], %swap3A_387 {strides = array<i32>} : memref<8192xf32, #tpu.memory_space<vmem>>, vector<16xf32>,
        %add3A_388 = arith.constant 48 : i32
        %add3A_389 = arith.addi %mul3A_370, %add3A_388 : i32
        %swap3A_390 = arith.index_cast %add3A_389 : i32 to index
        %swap3A_391 = tpu.vector_load %arg7[%swap3A_390] {strides = array<i32>} : memref<8192xf32, #tpu.memory_space<vmem>>, vector<16xf32>,
        %swap3A_392 = vector.shape_cast %swap3A_391 : vector<16xf32> to vector<16xf32>
        %swap3A_393 = vector.shape_cast %scan3A_364#3 : vector<16xf32> to vector<16xf32>
        tpu.vector_store %arg7[%swap3A_390], %swap3A_393 {strides = array<i32>} : memref<8192xf32, #tpu.memory_space<vmem>>, vector<16xf32>,
      }
      %scan3A_62 = arith.constant 8 : i32
      %mul3A_63 = arith.constant 4 : i32
      %mul3A_64 = arith.muli %scan3A_38, %mul3A_63 : i32
      %add3A_65 = arith.constant 1 : i32
      %add3A_66 = arith.addi %mul3A_64, %add3A_65 : i32
      %dma_wait3A_67 = arith.constant 1 : i32
      %dma_wait3A_68 = arith.constant 0 : i32
      %dma_wait3A_69 = arith.constant 0 : i32
      %dma_wait3A_70 = tpu.memref_slice %arg6[%dma_wait3A_67, %dma_wait3A_68, %dma_wait3A_69] : memref<4x160x64xf32, #tpu.memory_space<vmem>> -> memref<1x160x64xf32, #tpu.memory_space<vmem>>
      %dma_wait3A_71 = tpu.memref_squeeze %dma_wait3A_70 : memref<1x160x64xf32, #tpu.memory_space<vmem>> -> memref<160x64xf32, #tpu.memory_space<vmem>>
      %dma_wait3A_72 = arith.constant 0 : i32
      %dma_wait3A_73 = tpu.memref_slice %arg5[%dma_wait3A_72] : memref<2560xi32, #tpu.memory_space<vmem>> -> memref<160xi32, #tpu.memory_space<vmem>>
      %dma_wait3A_74 = arith.constant 0 : i32
      %dma_wait3A_75 = arith.constant 0 : i32
      %dma_wait3A_76 = tpu.memref_slice %arg3[%dma_wait3A_74, %dma_wait3A_75] : memref<2000x64xf32, #tpu.memory_space<hbm>> -> memref<2000x64xf32, #tpu.memory_space<hbm>>
      tpu.wait_indirect_dma semaphore(%arg9 : memref<!tpu.dma_semaphore, #tpu.memory_space<semaphore_mem>>) src(%dma_wait3A_76 : memref<2000x64xf32, #tpu.memory_space<hbm>>) dst(%dma_wait3A_71 : memref<160x64xf32, #tpu.memory_space<vmem>>)
      %add3A_77 = arith.constant 4 : i32
      %add3A_78 = arith.addi %add3A_66, %add3A_77 : i32
      %sub3A_79 = arith.constant 1 : i32
      %sub3A_80 = arith.subi %add3A_78, %sub3A_79 : i32
      %lt3A_81 = arith.constant 16 : i32
      %lt3A_82 = arith.cmpi slt, %sub3A_80, %lt3A_81 : i32
      %convert_element_type3A_83 = arith.extui %lt3A_82 : i1 to i32
      %cond3A_84 = arith.constant 0 : i32
      %cond3A_85 = arith.cmpi ne, %convert_element_type3A_83, %cond3A_84 : i32
      scf.if %cond3A_85 {
        %mul3A_150 = arith.constant 160 : i32
        %mul3A_151 = arith.muli %sub3A_80, %mul3A_150 : i32
        %dma_start3A_152 = arith.constant 0 : i32
        %dma_start3A_153 = arith.constant 0 : i32
        %dma_start3A_154 = arith.constant 0 : i32
        %dma_start3A_155 = tpu.memref_slice %arg6[%dma_start3A_152, %dma_start3A_153, %dma_start3A_154] : memref<4x160x64xf32, #tpu.memory_space<vmem>> -> memref<1x160x64xf32, #tpu.memory_space<vmem>>
        %dma_start3A_156 = tpu.memref_squeeze %dma_start3A_155 : memref<1x160x64xf32, #tpu.memory_space<vmem>> -> memref<160x64xf32, #tpu.memory_space<vmem>>
        %dma_start3A_157 = tpu.memref_slice %arg5[%mul3A_151] : memref<2560xi32, #tpu.memory_space<vmem>> -> memref<160xi32, #tpu.memory_space<vmem>>
        %dma_start3A_158 = arith.constant 0 : i32
        %dma_start3A_159 = arith.constant 0 : i32
        %dma_start3A_160 = tpu.memref_slice %arg3[%dma_start3A_158, %dma_start3A_159] : memref<2000x64xf32, #tpu.memory_space<hbm>> -> memref<2000x64xf32, #tpu.memory_space<hbm>>
        tpu.enqueue_indirect_dma source(%dma_start3A_160 : memref<2000x64xf32, #tpu.memory_space<hbm>>) target(%dma_start3A_156 : memref<160x64xf32, #tpu.memory_space<vmem>>) offsets(%dma_start3A_157 : memref<160xi32, #tpu.memory_space<vmem>>) semaphore(%arg8 : memref<!tpu.dma_semaphore, #tpu.memory_space<semaphore_mem>>)
      } else {
      }
      %scan3A_86 = arith.constant 1 : i32
      %scan3A_87 = arith.constant 0 : i32
      %scan3A_88 = arith.constant 8 : i32
      %scan3A_89 = arith.addi %scan3A_87, %scan3A_88 : i32
      %scan3A_90 = arith.constant 1 : i32
      scf.for %scan3A_150 = %scan3A_87 to %scan3A_89 step %scan3A_90  : i32 {
        %mul3A_151 = arith.constant 20 : i32
        %mul3A_152 = arith.muli %scan3A_150, %mul3A_151 : i32
        %get3A = arith.constant 0 : i32
        %get3A_153 = arith.constant 0 : i32
        %get3A_154 = tpu.memref_slice %arg6[%scan3A_86, %get3A, %get3A_153] : memref<4x160x64xf32, #tpu.memory_space<vmem>> -> memref<1x160x64xf32, #tpu.memory_space<vmem>>
        %get3A_155 = tpu.memref_squeeze %get3A_154 : memref<1x160x64xf32, #tpu.memory_space<vmem>> -> memref<160x64xf32, #tpu.memory_space<vmem>>
        %get3A_156 = arith.index_cast %mul3A_152 : i32 to index
        %get3A_157 = arith.constant 0 : index
        %get3A_158 = tpu.vector_load %get3A_155[%get3A_156, %get3A_157] {strides = array<i32>} : memref<160x64xf32, #tpu.memory_space<vmem>>, vector<1x16xf32>,
        %get3A_159 = vector.shape_cast %get3A_158 : vector<1x16xf32> to vector<16xf32>
        %get3A_160 = arith.constant 0 : i32
        %get3A_161 = arith.constant 0 : i32
        %get3A_162 = tpu.memref_slice %arg6[%scan3A_86, %get3A_160, %get3A_161] : memref<4x160x64xf32, #tpu.memory_space<vmem>> -> memref<1x160x64xf32, #tpu.memory_space<vmem>>
        %get3A_163 = tpu.memref_squeeze %get3A_162 : memref<1x160x64xf32, #tpu.memory_space<vmem>> -> memref<160x64xf32, #tpu.memory_space<vmem>>
        %get3A_164 = arith.index_cast %mul3A_152 : i32 to index
        %get3A_165 = arith.constant 16 : index
        %get3A_166 = tpu.vector_load %get3A_163[%get3A_164, %get3A_165] {strides = array<i32>} : memref<160x64xf32, #tpu.memory_space<vmem>>, vector<1x16xf32>,
        %get3A_167 = vector.shape_cast %get3A_166 : vector<1x16xf32> to vector<16xf32>
        %get3A_168 = arith.constant 0 : i32
        %get3A_169 = arith.constant 0 : i32
        %get3A_170 = tpu.memref_slice %arg6[%scan3A_86, %get3A_168, %get3A_169] : memref<4x160x64xf32, #tpu.memory_space<vmem>> -> memref<1x160x64xf32, #tpu.memory_space<vmem>>
        %get3A_171 = tpu.memref_squeeze %get3A_170 : memref<1x160x64xf32, #tpu.memory_space<vmem>> -> memref<160x64xf32, #tpu.memory_space<vmem>>
        %get3A_172 = arith.index_cast %mul3A_152 : i32 to index
        %get3A_173 = arith.constant 32 : index
        %get3A_174 = tpu.vector_load %get3A_171[%get3A_172, %get3A_173] {strides = array<i32>} : memref<160x64xf32, #tpu.memory_space<vmem>>, vector<1x16xf32>,
        %get3A_175 = vector.shape_cast %get3A_174 : vector<1x16xf32> to vector<16xf32>
        %get3A_176 = arith.constant 0 : i32
        %get3A_177 = arith.constant 0 : i32
        %get3A_178 = tpu.memref_slice %arg6[%scan3A_86, %get3A_176, %get3A_177] : memref<4x160x64xf32, #tpu.memory_space<vmem>> -> memref<1x160x64xf32, #tpu.memory_space<vmem>>
        %get3A_179 = tpu.memref_squeeze %get3A_178 : memref<1x160x64xf32, #tpu.memory_space<vmem>> -> memref<160x64xf32, #tpu.memory_space<vmem>>
        %get3A_180 = arith.index_cast %mul3A_152 : i32 to index
        %get3A_181 = arith.constant 48 : index
        %get3A_182 = tpu.vector_load %get3A_179[%get3A_180, %get3A_181] {strides = array<i32>} : memref<160x64xf32, #tpu.memory_space<vmem>>, vector<1x16xf32>,
        %get3A_183 = vector.shape_cast %get3A_182 : vector<1x16xf32> to vector<16xf32>
        %add3A_184 = arith.constant 1 : i32
        %add3A_185 = arith.addi %mul3A_152, %add3A_184 : i32
        %get3A_186 = arith.constant 0 : i32
        %get3A_187 = arith.constant 0 : i32
        %get3A_188 = tpu.memref_slice %arg6[%scan3A_86, %get3A_186, %get3A_187] : memref<4x160x64xf32, #tpu.memory_space<vmem>> -> memref<1x160x64xf32, #tpu.memory_space<vmem>>
        %get3A_189 = tpu.memref_squeeze %get3A_188 : memref<1x160x64xf32, #tpu.memory_space<vmem>> -> memref<160x64xf32, #tpu.memory_space<vmem>>
        %get3A_190 = arith.index_cast %add3A_185 : i32 to index
        %get3A_191 = arith.constant 0 : index
        %get3A_192 = tpu.vector_load %get3A_189[%get3A_190, %get3A_191] {strides = array<i32>} : memref<160x64xf32, #tpu.memory_space<vmem>>, vector<1x16xf32>,
        %get3A_193 = vector.shape_cast %get3A_192 : vector<1x16xf32> to vector<16xf32>
        %add3A_194 = arith.addf %get3A_159, %get3A_193 : vector<16xf32>
        %add3A_195 = arith.constant 1 : i32
        %add3A_196 = arith.addi %mul3A_152, %add3A_195 : i32
        %get3A_197 = arith.constant 0 : i32
        %get3A_198 = arith.constant 0 : i32
        %get3A_199 = tpu.memref_slice %arg6[%scan3A_86, %get3A_197, %get3A_198] : memref<4x160x64xf32, #tpu.memory_space<vmem>> -> memref<1x160x64xf32, #tpu.memory_space<vmem>>
        %get3A_200 = tpu.memref_squeeze %get3A_199 : memref<1x160x64xf32, #tpu.memory_space<vmem>> -> memref<160x64xf32, #tpu.memory_space<vmem>>
        %get3A_201 = arith.index_cast %add3A_196 : i32 to index
        %get3A_202 = arith.constant 16 : index
        %get3A_203 = tpu.vector_load %get3A_200[%get3A_201, %get3A_202] {strides = array<i32>} : memref<160x64xf32, #tpu.memory_space<vmem>>, vector<1x16xf32>,
        %get3A_204 = vector.shape_cast %get3A_203 : vector<1x16xf32> to vector<16xf32>
        %add3A_205 = arith.addf %get3A_167, %get3A_204 : vector<16xf32>
        %add3A_206 = arith.constant 1 : i32
        %add3A_207 = arith.addi %mul3A_152, %add3A_206 : i32
        %get3A_208 = arith.constant 0 : i32
        %get3A_209 = arith.constant 0 : i32
        %get3A_210 = tpu.memref_slice %arg6[%scan3A_86, %get3A_208, %get3A_209] : memref<4x160x64xf32, #tpu.memory_space<vmem>> -> memref<1x160x64xf32, #tpu.memory_space<vmem>>
        %get3A_211 = tpu.memref_squeeze %get3A_210 : memref<1x160x64xf32, #tpu.memory_space<vmem>> -> memref<160x64xf32, #tpu.memory_space<vmem>>
        %get3A_212 = arith.index_cast %add3A_207 : i32 to index
        %get3A_213 = arith.constant 32 : index
        %get3A_214 = tpu.vector_load %get3A_211[%get3A_212, %get3A_213] {strides = array<i32>} : memref<160x64xf32, #tpu.memory_space<vmem>>, vector<1x16xf32>,
        %get3A_215 = vector.shape_cast %get3A_214 : vector<1x16xf32> to vector<16xf32>
        %add3A_216 = arith.addf %get3A_175, %get3A_215 : vector<16xf32>
        %add3A_217 = arith.constant 1 : i32
        %add3A_218 = arith.addi %mul3A_152, %add3A_217 : i32
        %get3A_219 = arith.constant 0 : i32
        %get3A_220 = arith.constant 0 : i32
        %get3A_221 = tpu.memref_slice %arg6[%scan3A_86, %get3A_219, %get3A_220] : memref<4x160x64xf32, #tpu.memory_space<vmem>> -> memref<1x160x64xf32, #tpu.memory_space<vmem>>
        %get3A_222 = tpu.memref_squeeze %get3A_221 : memref<1x160x64xf32, #tpu.memory_space<vmem>> -> memref<160x64xf32, #tpu.memory_space<vmem>>
        %get3A_223 = arith.index_cast %add3A_218 : i32 to index
        %get3A_224 = arith.constant 48 : index
        %get3A_225 = tpu.vector_load %get3A_222[%get3A_223, %get3A_224] {strides = array<i32>} : memref<160x64xf32, #tpu.memory_space<vmem>>, vector<1x16xf32>,
        %get3A_226 = vector.shape_cast %get3A_225 : vector<1x16xf32> to vector<16xf32>
        %add3A_227 = arith.addf %get3A_183, %get3A_226 : vector<16xf32>
        %add3A_228 = arith.constant 2 : i32
        %add3A_229 = arith.addi %mul3A_152, %add3A_228 : i32
        %get3A_230 = arith.constant 0 : i32
        %get3A_231 = arith.constant 0 : i32
        %get3A_232 = tpu.memref_slice %arg6[%scan3A_86, %get3A_230, %get3A_231] : memref<4x160x64xf32, #tpu.memory_space<vmem>> -> memref<1x160x64xf32, #tpu.memory_space<vmem>>
        %get3A_233 = tpu.memref_squeeze %get3A_232 : memref<1x160x64xf32, #tpu.memory_space<vmem>> -> memref<160x64xf32, #tpu.memory_space<vmem>>
        %get3A_234 = arith.index_cast %add3A_229 : i32 to index
        %get3A_235 = arith.constant 0 : index
        %get3A_236 = tpu.vector_load %get3A_233[%get3A_234, %get3A_235] {strides = array<i32>} : memref<160x64xf32, #tpu.memory_space<vmem>>, vector<1x16xf32>,
        %get3A_237 = vector.shape_cast %get3A_236 : vector<1x16xf32> to vector<16xf32>
        %add3A_238 = arith.addf %add3A_194, %get3A_237 : vector<16xf32>
        %add3A_239 = arith.constant 2 : i32
        %add3A_240 = arith.addi %mul3A_152, %add3A_239 : i32
        %get3A_241 = arith.constant 0 : i32
        %get3A_242 = arith.constant 0 : i32
        %get3A_243 = tpu.memref_slice %arg6[%scan3A_86, %get3A_241, %get3A_242] : memref<4x160x64xf32, #tpu.memory_space<vmem>> -> memref<1x160x64xf32, #tpu.memory_space<vmem>>
        %get3A_244 = tpu.memref_squeeze %get3A_243 : memref<1x160x64xf32, #tpu.memory_space<vmem>> -> memref<160x64xf32, #tpu.memory_space<vmem>>
        %get3A_245 = arith.index_cast %add3A_240 : i32 to index
        %get3A_246 = arith.constant 16 : index
        %get3A_247 = tpu.vector_load %get3A_244[%get3A_245, %get3A_246] {strides = array<i32>} : memref<160x64xf32, #tpu.memory_space<vmem>>, vector<1x16xf32>,
        %get3A_248 = vector.shape_cast %get3A_247 : vector<1x16xf32> to vector<16xf32>
        %add3A_249 = arith.addf %add3A_205, %get3A_248 : vector<16xf32>
        %add3A_250 = arith.constant 2 : i32
        %add3A_251 = arith.addi %mul3A_152, %add3A_250 : i32
        %get3A_252 = arith.constant 0 : i32
        %get3A_253 = arith.constant 0 : i32
        %get3A_254 = tpu.memref_slice %arg6[%scan3A_86, %get3A_252, %get3A_253] : memref<4x160x64xf32, #tpu.memory_space<vmem>> -> memref<1x160x64xf32, #tpu.memory_space<vmem>>
        %get3A_255 = tpu.memref_squeeze %get3A_254 : memref<1x160x64xf32, #tpu.memory_space<vmem>> -> memref<160x64xf32, #tpu.memory_space<vmem>>
        %get3A_256 = arith.index_cast %add3A_251 : i32 to index
        %get3A_257 = arith.constant 32 : index
        %get3A_258 = tpu.vector_load %get3A_255[%get3A_256, %get3A_257] {strides = array<i32>} : memref<160x64xf32, #tpu.memory_space<vmem>>, vector<1x16xf32>,
        %get3A_259 = vector.shape_cast %get3A_258 : vector<1x16xf32> to vector<16xf32>
        %add3A_260 = arith.addf %add3A_216, %get3A_259 : vector<16xf32>
        %add3A_261 = arith.constant 2 : i32
        %add3A_262 = arith.addi %mul3A_152, %add3A_261 : i32
        %get3A_263 = arith.constant 0 : i32
        %get3A_264 = arith.constant 0 : i32
        %get3A_265 = tpu.memref_slice %arg6[%scan3A_86, %get3A_263, %get3A_264] : memref<4x160x64xf32, #tpu.memory_space<vmem>> -> memref<1x160x64xf32, #tpu.memory_space<vmem>>
        %get3A_266 = tpu.memref_squeeze %get3A_265 : memref<1x160x64xf32, #tpu.memory_space<vmem>> -> memref<160x64xf32, #tpu.memory_space<vmem>>
        %get3A_267 = arith.index_cast %add3A_262 : i32 to index
        %get3A_268 = arith.constant 48 : index
        %get3A_269 = tpu.vector_load %get3A_266[%get3A_267, %get3A_268] {strides = array<i32>} : memref<160x64xf32, #tpu.memory_space<vmem>>, vector<1x16xf32>,
        %get3A_270 = vector.shape_cast %get3A_269 : vector<1x16xf32> to vector<16xf32>
        %add3A_271 = arith.addf %add3A_227, %get3A_270 : vector<16xf32>
        %add3A_272 = arith.constant 3 : i32
        %add3A_273 = arith.addi %mul3A_152, %add3A_272 : i32
        %get3A_274 = arith.constant 0 : i32
        %get3A_275 = arith.constant 0 : i32
        %get3A_276 = tpu.memref_slice %arg6[%scan3A_86, %get3A_274, %get3A_275] : memref<4x160x64xf32, #tpu.memory_space<vmem>> -> memref<1x160x64xf32, #tpu.memory_space<vmem>>
        %get3A_277 = tpu.memref_squeeze %get3A_276 : memref<1x160x64xf32, #tpu.memory_space<vmem>> -> memref<160x64xf32, #tpu.memory_space<vmem>>
        %get3A_278 = arith.index_cast %add3A_273 : i32 to index
        %get3A_279 = arith.constant 0 : index
        %get3A_280 = tpu.vector_load %get3A_277[%get3A_278, %get3A_279] {strides = array<i32>} : memref<160x64xf32, #tpu.memory_space<vmem>>, vector<1x16xf32>,
        %get3A_281 = vector.shape_cast %get3A_280 : vector<1x16xf32> to vector<16xf32>
        %add3A_282 = arith.addf %add3A_238, %get3A_281 : vector<16xf32>
        %add3A_283 = arith.constant 3 : i32
        %add3A_284 = arith.addi %mul3A_152, %add3A_283 : i32
        %get3A_285 = arith.constant 0 : i32
        %get3A_286 = arith.constant 0 : i32
        %get3A_287 = tpu.memref_slice %arg6[%scan3A_86, %get3A_285, %get3A_286] : memref<4x160x64xf32, #tpu.memory_space<vmem>> -> memref<1x160x64xf32, #tpu.memory_space<vmem>>
        %get3A_288 = tpu.memref_squeeze %get3A_287 : memref<1x160x64xf32, #tpu.memory_space<vmem>> -> memref<160x64xf32, #tpu.memory_space<vmem>>
        %get3A_289 = arith.index_cast %add3A_284 : i32 to index
        %get3A_290 = arith.constant 16 : index
        %get3A_291 = tpu.vector_load %get3A_288[%get3A_289, %get3A_290] {strides = array<i32>} : memref<160x64xf32, #tpu.memory_space<vmem>>, vector<1x16xf32>,
        %get3A_292 = vector.shape_cast %get3A_291 : vector<1x16xf32> to vector<16xf32>
        %add3A_293 = arith.addf %add3A_249, %get3A_292 : vector<16xf32>
        %add3A_294 = arith.constant 3 : i32
        %add3A_295 = arith.addi %mul3A_152, %add3A_294 : i32
        %get3A_296 = arith.constant 0 : i32
        %get3A_297 = arith.constant 0 : i32
        %get3A_298 = tpu.memref_slice %arg6[%scan3A_86, %get3A_296, %get3A_297] : memref<4x160x64xf32, #tpu.memory_space<vmem>> -> memref<1x160x64xf32, #tpu.memory_space<vmem>>
        %get3A_299 = tpu.memref_squeeze %get3A_298 : memref<1x160x64xf32, #tpu.memory_space<vmem>> -> memref<160x64xf32, #tpu.memory_space<vmem>>
        %get3A_300 = arith.index_cast %add3A_295 : i32 to index
        %get3A_301 = arith.constant 32 : index
        %get3A_302 = tpu.vector_load %get3A_299[%get3A_300, %get3A_301] {strides = array<i32>} : memref<160x64xf32, #tpu.memory_space<vmem>>, vector<1x16xf32>,
        %get3A_303 = vector.shape_cast %get3A_302 : vector<1x16xf32> to vector<16xf32>
        %add3A_304 = arith.addf %add3A_260, %get3A_303 : vector<16xf32>
        %add3A_305 = arith.constant 3 : i32
        %add3A_306 = arith.addi %mul3A_152, %add3A_305 : i32
        %get3A_307 = arith.constant 0 : i32
        %get3A_308 = arith.constant 0 : i32
        %get3A_309 = tpu.memref_slice %arg6[%scan3A_86, %get3A_307, %get3A_308] : memref<4x160x64xf32, #tpu.memory_space<vmem>> -> memref<1x160x64xf32, #tpu.memory_space<vmem>>
        %get3A_310 = tpu.memref_squeeze %get3A_309 : memref<1x160x64xf32, #tpu.memory_space<vmem>> -> memref<160x64xf32, #tpu.memory_space<vmem>>
        %get3A_311 = arith.index_cast %add3A_306 : i32 to index
        %get3A_312 = arith.constant 48 : index
        %get3A_313 = tpu.vector_load %get3A_310[%get3A_311, %get3A_312] {strides = array<i32>} : memref<160x64xf32, #tpu.memory_space<vmem>>, vector<1x16xf32>,
        %get3A_314 = vector.shape_cast %get3A_313 : vector<1x16xf32> to vector<16xf32>
        %add3A_315 = arith.addf %add3A_271, %get3A_314 : vector<16xf32>
        %add3A_316 = arith.constant 4 : i32
        %add3A_317 = arith.addi %mul3A_152, %add3A_316 : i32
        %get3A_318 = arith.constant 0 : i32
        %get3A_319 = arith.constant 0 : i32
        %get3A_320 = tpu.memref_slice %arg6[%scan3A_86, %get3A_318, %get3A_319] : memref<4x160x64xf32, #tpu.memory_space<vmem>> -> memref<1x160x64xf32, #tpu.memory_space<vmem>>
        %get3A_321 = tpu.memref_squeeze %get3A_320 : memref<1x160x64xf32, #tpu.memory_space<vmem>> -> memref<160x64xf32, #tpu.memory_space<vmem>>
        %get3A_322 = arith.index_cast %add3A_317 : i32 to index
        %get3A_323 = arith.constant 0 : index
        %get3A_324 = tpu.vector_load %get3A_321[%get3A_322, %get3A_323] {strides = array<i32>} : memref<160x64xf32, #tpu.memory_space<vmem>>, vector<1x16xf32>,
        %get3A_325 = vector.shape_cast %get3A_324 : vector<1x16xf32> to vector<16xf32>
        %add3A_326 = arith.addf %add3A_282, %get3A_325 : vector<16xf32>
        %add3A_327 = arith.constant 4 : i32
        %add3A_328 = arith.addi %mul3A_152, %add3A_327 : i32
        %get3A_329 = arith.constant 0 : i32
        %get3A_330 = arith.constant 0 : i32
        %get3A_331 = tpu.memref_slice %arg6[%scan3A_86, %get3A_329, %get3A_330] : memref<4x160x64xf32, #tpu.memory_space<vmem>> -> memref<1x160x64xf32, #tpu.memory_space<vmem>>
        %get3A_332 = tpu.memref_squeeze %get3A_331 : memref<1x160x64xf32, #tpu.memory_space<vmem>> -> memref<160x64xf32, #tpu.memory_space<vmem>>
        %get3A_333 = arith.index_cast %add3A_328 : i32 to index
        %get3A_334 = arith.constant 16 : index
        %get3A_335 = tpu.vector_load %get3A_332[%get3A_333, %get3A_334] {strides = array<i32>} : memref<160x64xf32, #tpu.memory_space<vmem>>, vector<1x16xf32>,
        %get3A_336 = vector.shape_cast %get3A_335 : vector<1x16xf32> to vector<16xf32>
        %add3A_337 = arith.addf %add3A_293, %get3A_336 : vector<16xf32>
        %add3A_338 = arith.constant 4 : i32
        %add3A_339 = arith.addi %mul3A_152, %add3A_338 : i32
        %get3A_340 = arith.constant 0 : i32
        %get3A_341 = arith.constant 0 : i32
        %get3A_342 = tpu.memref_slice %arg6[%scan3A_86, %get3A_340, %get3A_341] : memref<4x160x64xf32, #tpu.memory_space<vmem>> -> memref<1x160x64xf32, #tpu.memory_space<vmem>>
        %get3A_343 = tpu.memref_squeeze %get3A_342 : memref<1x160x64xf32, #tpu.memory_space<vmem>> -> memref<160x64xf32, #tpu.memory_space<vmem>>
        %get3A_344 = arith.index_cast %add3A_339 : i32 to index
        %get3A_345 = arith.constant 32 : index
        %get3A_346 = tpu.vector_load %get3A_343[%get3A_344, %get3A_345] {strides = array<i32>} : memref<160x64xf32, #tpu.memory_space<vmem>>, vector<1x16xf32>,
        %get3A_347 = vector.shape_cast %get3A_346 : vector<1x16xf32> to vector<16xf32>
        %add3A_348 = arith.addf %add3A_304, %get3A_347 : vector<16xf32>
        %add3A_349 = arith.constant 4 : i32
        %add3A_350 = arith.addi %mul3A_152, %add3A_349 : i32
        %get3A_351 = arith.constant 0 : i32
        %get3A_352 = arith.constant 0 : i32
        %get3A_353 = tpu.memref_slice %arg6[%scan3A_86, %get3A_351, %get3A_352] : memref<4x160x64xf32, #tpu.memory_space<vmem>> -> memref<1x160x64xf32, #tpu.memory_space<vmem>>
        %get3A_354 = tpu.memref_squeeze %get3A_353 : memref<1x160x64xf32, #tpu.memory_space<vmem>> -> memref<160x64xf32, #tpu.memory_space<vmem>>
        %get3A_355 = arith.index_cast %add3A_350 : i32 to index
        %get3A_356 = arith.constant 48 : index
        %get3A_357 = tpu.vector_load %get3A_354[%get3A_355, %get3A_356] {strides = array<i32>} : memref<160x64xf32, #tpu.memory_space<vmem>>, vector<1x16xf32>,
        %get3A_358 = vector.shape_cast %get3A_357 : vector<1x16xf32> to vector<16xf32>
        %add3A_359 = arith.addf %add3A_315, %get3A_358 : vector<16xf32>
        %scan3A_360 = arith.constant 1 : i32
        %scan3A_361 = arith.constant 3 : i32
        %scan3A_362 = arith.addi %scan3A_360, %scan3A_361 : i32
        %scan3A_363 = arith.constant 1 : i32
        %scan3A_364:4 = scf.for %scan3A_394 = %scan3A_360 to %scan3A_362 step %scan3A_363 iter_args(%scan3A_395 = %add3A_326, %scan3A_396 = %add3A_337, %scan3A_397 = %add3A_348, %scan3A_398 = %add3A_359) -> (vector<16xf32>, vector<16xf32>, vector<16xf32>, vector<16xf32>)  : i32 {
          %mul3A_399 = arith.constant 5 : i32
          %mul3A_400 = arith.muli %scan3A_394, %mul3A_399 : i32
          %add3A_401 = arith.addi %mul3A_152, %mul3A_400 : i32
          %add3A_402 = arith.constant 0 : i32
          %add3A_403 = arith.addi %add3A_401, %add3A_402 : i32
          %get3A_404 = arith.constant 0 : i32
          %get3A_405 = arith.constant 0 : i32
          %get3A_406 = tpu.memref_slice %arg6[%scan3A_86, %get3A_404, %get3A_405] : memref<4x160x64xf32, #tpu.memory_space<vmem>> -> memref<1x160x64xf32, #tpu.memory_space<vmem>>
          %get3A_407 = tpu.memref_squeeze %get3A_406 : memref<1x160x64xf32, #tpu.memory_space<vmem>> -> memref<160x64xf32, #tpu.memory_space<vmem>>
          %get3A_408 = arith.index_cast %add3A_403 : i32 to index
          %get3A_409 = arith.constant 0 : index
          %get3A_410 = tpu.vector_load %get3A_407[%get3A_408, %get3A_409] {strides = array<i32>} : memref<160x64xf32, #tpu.memory_space<vmem>>, vector<1x16xf32>,
          %get3A_411 = vector.shape_cast %get3A_410 : vector<1x16xf32> to vector<16xf32>
          %add3A_412 = arith.addf %scan3A_395, %get3A_411 : vector<16xf32>
          %add3A_413 = arith.constant 0 : i32
          %add3A_414 = arith.addi %add3A_401, %add3A_413 : i32
          %get3A_415 = arith.constant 0 : i32
          %get3A_416 = arith.constant 0 : i32
          %get3A_417 = tpu.memref_slice %arg6[%scan3A_86, %get3A_415, %get3A_416] : memref<4x160x64xf32, #tpu.memory_space<vmem>> -> memref<1x160x64xf32, #tpu.memory_space<vmem>>
          %get3A_418 = tpu.memref_squeeze %get3A_417 : memref<1x160x64xf32, #tpu.memory_space<vmem>> -> memref<160x64xf32, #tpu.memory_space<vmem>>
          %get3A_419 = arith.index_cast %add3A_414 : i32 to index
          %get3A_420 = arith.constant 16 : index
          %get3A_421 = tpu.vector_load %get3A_418[%get3A_419, %get3A_420] {strides = array<i32>} : memref<160x64xf32, #tpu.memory_space<vmem>>, vector<1x16xf32>,
          %get3A_422 = vector.shape_cast %get3A_421 : vector<1x16xf32> to vector<16xf32>
          %add3A_423 = arith.addf %scan3A_396, %get3A_422 : vector<16xf32>
          %add3A_424 = arith.constant 0 : i32
          %add3A_425 = arith.addi %add3A_401, %add3A_424 : i32
          %get3A_426 = arith.constant 0 : i32
          %get3A_427 = arith.constant 0 : i32
          %get3A_428 = tpu.memref_slice %arg6[%scan3A_86, %get3A_426, %get3A_427] : memref<4x160x64xf32, #tpu.memory_space<vmem>> -> memref<1x160x64xf32, #tpu.memory_space<vmem>>
          %get3A_429 = tpu.memref_squeeze %get3A_428 : memref<1x160x64xf32, #tpu.memory_space<vmem>> -> memref<160x64xf32, #tpu.memory_space<vmem>>
          %get3A_430 = arith.index_cast %add3A_425 : i32 to index
          %get3A_431 = arith.constant 32 : index
          %get3A_432 = tpu.vector_load %get3A_429[%get3A_430, %get3A_431] {strides = array<i32>} : memref<160x64xf32, #tpu.memory_space<vmem>>, vector<1x16xf32>,
          %get3A_433 = vector.shape_cast %get3A_432 : vector<1x16xf32> to vector<16xf32>
          %add3A_434 = arith.addf %scan3A_397, %get3A_433 : vector<16xf32>
          %add3A_435 = arith.constant 0 : i32
          %add3A_436 = arith.addi %add3A_401, %add3A_435 : i32
          %get3A_437 = arith.constant 0 : i32
          %get3A_438 = arith.constant 0 : i32
          %get3A_439 = tpu.memref_slice %arg6[%scan3A_86, %get3A_437, %get3A_438] : memref<4x160x64xf32, #tpu.memory_space<vmem>> -> memref<1x160x64xf32, #tpu.memory_space<vmem>>
          %get3A_440 = tpu.memref_squeeze %get3A_439 : memref<1x160x64xf32, #tpu.memory_space<vmem>> -> memref<160x64xf32, #tpu.memory_space<vmem>>
          %get3A_441 = arith.index_cast %add3A_436 : i32 to index
          %get3A_442 = arith.constant 48 : index
          %get3A_443 = tpu.vector_load %get3A_440[%get3A_441, %get3A_442] {strides = array<i32>} : memref<160x64xf32, #tpu.memory_space<vmem>>, vector<1x16xf32>,
          %get3A_444 = vector.shape_cast %get3A_443 : vector<1x16xf32> to vector<16xf32>
          %add3A_445 = arith.addf %scan3A_398, %get3A_444 : vector<16xf32>
          %add3A_446 = arith.constant 1 : i32
          %add3A_447 = arith.addi %add3A_401, %add3A_446 : i32
          %get3A_448 = arith.constant 0 : i32
          %get3A_449 = arith.constant 0 : i32
          %get3A_450 = tpu.memref_slice %arg6[%scan3A_86, %get3A_448, %get3A_449] : memref<4x160x64xf32, #tpu.memory_space<vmem>> -> memref<1x160x64xf32, #tpu.memory_space<vmem>>
          %get3A_451 = tpu.memref_squeeze %get3A_450 : memref<1x160x64xf32, #tpu.memory_space<vmem>> -> memref<160x64xf32, #tpu.memory_space<vmem>>
          %get3A_452 = arith.index_cast %add3A_447 : i32 to index
          %get3A_453 = arith.constant 0 : index
          %get3A_454 = tpu.vector_load %get3A_451[%get3A_452, %get3A_453] {strides = array<i32>} : memref<160x64xf32, #tpu.memory_space<vmem>>, vector<1x16xf32>,
          %get3A_455 = vector.shape_cast %get3A_454 : vector<1x16xf32> to vector<16xf32>
          %add3A_456 = arith.addf %add3A_412, %get3A_455 : vector<16xf32>
          %add3A_457 = arith.constant 1 : i32
          %add3A_458 = arith.addi %add3A_401, %add3A_457 : i32
          %get3A_459 = arith.constant 0 : i32
          %get3A_460 = arith.constant 0 : i32
          %get3A_461 = tpu.memref_slice %arg6[%scan3A_86, %get3A_459, %get3A_460] : memref<4x160x64xf32, #tpu.memory_space<vmem>> -> memref<1x160x64xf32, #tpu.memory_space<vmem>>
          %get3A_462 = tpu.memref_squeeze %get3A_461 : memref<1x160x64xf32, #tpu.memory_space<vmem>> -> memref<160x64xf32, #tpu.memory_space<vmem>>
          %get3A_463 = arith.index_cast %add3A_458 : i32 to index
          %get3A_464 = arith.constant 16 : index
          %get3A_465 = tpu.vector_load %get3A_462[%get3A_463, %get3A_464] {strides = array<i32>} : memref<160x64xf32, #tpu.memory_space<vmem>>, vector<1x16xf32>,
          %get3A_466 = vector.shape_cast %get3A_465 : vector<1x16xf32> to vector<16xf32>
          %add3A_467 = arith.addf %add3A_423, %get3A_466 : vector<16xf32>
          %add3A_468 = arith.constant 1 : i32
          %add3A_469 = arith.addi %add3A_401, %add3A_468 : i32
          %get3A_470 = arith.constant 0 : i32
          %get3A_471 = arith.constant 0 : i32
          %get3A_472 = tpu.memref_slice %arg6[%scan3A_86, %get3A_470, %get3A_471] : memref<4x160x64xf32, #tpu.memory_space<vmem>> -> memref<1x160x64xf32, #tpu.memory_space<vmem>>
          %get3A_473 = tpu.memref_squeeze %get3A_472 : memref<1x160x64xf32, #tpu.memory_space<vmem>> -> memref<160x64xf32, #tpu.memory_space<vmem>>
          %get3A_474 = arith.index_cast %add3A_469 : i32 to index
          %get3A_475 = arith.constant 32 : index
          %get3A_476 = tpu.vector_load %get3A_473[%get3A_474, %get3A_475] {strides = array<i32>} : memref<160x64xf32, #tpu.memory_space<vmem>>, vector<1x16xf32>,
          %get3A_477 = vector.shape_cast %get3A_476 : vector<1x16xf32> to vector<16xf32>
          %add3A_478 = arith.addf %add3A_434, %get3A_477 : vector<16xf32>
          %add3A_479 = arith.constant 1 : i32
          %add3A_480 = arith.addi %add3A_401, %add3A_479 : i32
          %get3A_481 = arith.constant 0 : i32
          %get3A_482 = arith.constant 0 : i32
          %get3A_483 = tpu.memref_slice %arg6[%scan3A_86, %get3A_481, %get3A_482] : memref<4x160x64xf32, #tpu.memory_space<vmem>> -> memref<1x160x64xf32, #tpu.memory_space<vmem>>
          %get3A_484 = tpu.memref_squeeze %get3A_483 : memref<1x160x64xf32, #tpu.memory_space<vmem>> -> memref<160x64xf32, #tpu.memory_space<vmem>>
          %get3A_485 = arith.index_cast %add3A_480 : i32 to index
          %get3A_486 = arith.constant 48 : index
          %get3A_487 = tpu.vector_load %get3A_484[%get3A_485, %get3A_486] {strides = array<i32>} : memref<160x64xf32, #tpu.memory_space<vmem>>, vector<1x16xf32>,
          %get3A_488 = vector.shape_cast %get3A_487 : vector<1x16xf32> to vector<16xf32>
          %add3A_489 = arith.addf %add3A_445, %get3A_488 : vector<16xf32>
          %add3A_490 = arith.constant 2 : i32
          %add3A_491 = arith.addi %add3A_401, %add3A_490 : i32
          %get3A_492 = arith.constant 0 : i32
          %get3A_493 = arith.constant 0 : i32
          %get3A_494 = tpu.memref_slice %arg6[%scan3A_86, %get3A_492, %get3A_493] : memref<4x160x64xf32, #tpu.memory_space<vmem>> -> memref<1x160x64xf32, #tpu.memory_space<vmem>>
          %get3A_495 = tpu.memref_squeeze %get3A_494 : memref<1x160x64xf32, #tpu.memory_space<vmem>> -> memref<160x64xf32, #tpu.memory_space<vmem>>
          %get3A_496 = arith.index_cast %add3A_491 : i32 to index
          %get3A_497 = arith.constant 0 : index
          %get3A_498 = tpu.vector_load %get3A_495[%get3A_496, %get3A_497] {strides = array<i32>} : memref<160x64xf32, #tpu.memory_space<vmem>>, vector<1x16xf32>,
          %get3A_499 = vector.shape_cast %get3A_498 : vector<1x16xf32> to vector<16xf32>
          %add3A_500 = arith.addf %add3A_456, %get3A_499 : vector<16xf32>
          %add3A_501 = arith.constant 2 : i32
          %add3A_502 = arith.addi %add3A_401, %add3A_501 : i32
          %get3A_503 = arith.constant 0 : i32
          %get3A_504 = arith.constant 0 : i32
          %get3A_505 = tpu.memref_slice %arg6[%scan3A_86, %get3A_503, %get3A_504] : memref<4x160x64xf32, #tpu.memory_space<vmem>> -> memref<1x160x64xf32, #tpu.memory_space<vmem>>
          %get3A_506 = tpu.memref_squeeze %get3A_505 : memref<1x160x64xf32, #tpu.memory_space<vmem>> -> memref<160x64xf32, #tpu.memory_space<vmem>>
          %get3A_507 = arith.index_cast %add3A_502 : i32 to index
          %get3A_508 = arith.constant 16 : index
          %get3A_509 = tpu.vector_load %get3A_506[%get3A_507, %get3A_508] {strides = array<i32>} : memref<160x64xf32, #tpu.memory_space<vmem>>, vector<1x16xf32>,
          %get3A_510 = vector.shape_cast %get3A_509 : vector<1x16xf32> to vector<16xf32>
          %add3A_511 = arith.addf %add3A_467, %get3A_510 : vector<16xf32>
          %add3A_512 = arith.constant 2 : i32
          %add3A_513 = arith.addi %add3A_401, %add3A_512 : i32
          %get3A_514 = arith.constant 0 : i32
          %get3A_515 = arith.constant 0 : i32
          %get3A_516 = tpu.memref_slice %arg6[%scan3A_86, %get3A_514, %get3A_515] : memref<4x160x64xf32, #tpu.memory_space<vmem>> -> memref<1x160x64xf32, #tpu.memory_space<vmem>>
          %get3A_517 = tpu.memref_squeeze %get3A_516 : memref<1x160x64xf32, #tpu.memory_space<vmem>> -> memref<160x64xf32, #tpu.memory_space<vmem>>
          %get3A_518 = arith.index_cast %add3A_513 : i32 to index
          %get3A_519 = arith.constant 32 : index
          %get3A_520 = tpu.vector_load %get3A_517[%get3A_518, %get3A_519] {strides = array<i32>} : memref<160x64xf32, #tpu.memory_space<vmem>>, vector<1x16xf32>,
          %get3A_521 = vector.shape_cast %get3A_520 : vector<1x16xf32> to vector<16xf32>
          %add3A_522 = arith.addf %add3A_478, %get3A_521 : vector<16xf32>
          %add3A_523 = arith.constant 2 : i32
          %add3A_524 = arith.addi %add3A_401, %add3A_523 : i32
          %get3A_525 = arith.constant 0 : i32
          %get3A_526 = arith.constant 0 : i32
          %get3A_527 = tpu.memref_slice %arg6[%scan3A_86, %get3A_525, %get3A_526] : memref<4x160x64xf32, #tpu.memory_space<vmem>> -> memref<1x160x64xf32, #tpu.memory_space<vmem>>
          %get3A_528 = tpu.memref_squeeze %get3A_527 : memref<1x160x64xf32, #tpu.memory_space<vmem>> -> memref<160x64xf32, #tpu.memory_space<vmem>>
          %get3A_529 = arith.index_cast %add3A_524 : i32 to index
          %get3A_530 = arith.constant 48 : index
          %get3A_531 = tpu.vector_load %get3A_528[%get3A_529, %get3A_530] {strides = array<i32>} : memref<160x64xf32, #tpu.memory_space<vmem>>, vector<1x16xf32>,
          %get3A_532 = vector.shape_cast %get3A_531 : vector<1x16xf32> to vector<16xf32>
          %add3A_533 = arith.addf %add3A_489, %get3A_532 : vector<16xf32>
          %add3A_534 = arith.constant 3 : i32
          %add3A_535 = arith.addi %add3A_401, %add3A_534 : i32
          %get3A_536 = arith.constant 0 : i32
          %get3A_537 = arith.constant 0 : i32
          %get3A_538 = tpu.memref_slice %arg6[%scan3A_86, %get3A_536, %get3A_537] : memref<4x160x64xf32, #tpu.memory_space<vmem>> -> memref<1x160x64xf32, #tpu.memory_space<vmem>>
          %get3A_539 = tpu.memref_squeeze %get3A_538 : memref<1x160x64xf32, #tpu.memory_space<vmem>> -> memref<160x64xf32, #tpu.memory_space<vmem>>
          %get3A_540 = arith.index_cast %add3A_535 : i32 to index
          %get3A_541 = arith.constant 0 : index
          %get3A_542 = tpu.vector_load %get3A_539[%get3A_540, %get3A_541] {strides = array<i32>} : memref<160x64xf32, #tpu.memory_space<vmem>>, vector<1x16xf32>,
          %get3A_543 = vector.shape_cast %get3A_542 : vector<1x16xf32> to vector<16xf32>
          %add3A_544 = arith.addf %add3A_500, %get3A_543 : vector<16xf32>
          %add3A_545 = arith.constant 3 : i32
          %add3A_546 = arith.addi %add3A_401, %add3A_545 : i32
          %get3A_547 = arith.constant 0 : i32
          %get3A_548 = arith.constant 0 : i32
          %get3A_549 = tpu.memref_slice %arg6[%scan3A_86, %get3A_547, %get3A_548] : memref<4x160x64xf32, #tpu.memory_space<vmem>> -> memref<1x160x64xf32, #tpu.memory_space<vmem>>
          %get3A_550 = tpu.memref_squeeze %get3A_549 : memref<1x160x64xf32, #tpu.memory_space<vmem>> -> memref<160x64xf32, #tpu.memory_space<vmem>>
          %get3A_551 = arith.index_cast %add3A_546 : i32 to index
          %get3A_552 = arith.constant 16 : index
          %get3A_553 = tpu.vector_load %get3A_550[%get3A_551, %get3A_552] {strides = array<i32>} : memref<160x64xf32, #tpu.memory_space<vmem>>, vector<1x16xf32>,
          %get3A_554 = vector.shape_cast %get3A_553 : vector<1x16xf32> to vector<16xf32>
          %add3A_555 = arith.addf %add3A_511, %get3A_554 : vector<16xf32>
          %add3A_556 = arith.constant 3 : i32
          %add3A_557 = arith.addi %add3A_401, %add3A_556 : i32
          %get3A_558 = arith.constant 0 : i32
          %get3A_559 = arith.constant 0 : i32
          %get3A_560 = tpu.memref_slice %arg6[%scan3A_86, %get3A_558, %get3A_559] : memref<4x160x64xf32, #tpu.memory_space<vmem>> -> memref<1x160x64xf32, #tpu.memory_space<vmem>>
          %get3A_561 = tpu.memref_squeeze %get3A_560 : memref<1x160x64xf32, #tpu.memory_space<vmem>> -> memref<160x64xf32, #tpu.memory_space<vmem>>
          %get3A_562 = arith.index_cast %add3A_557 : i32 to index
          %get3A_563 = arith.constant 32 : index
          %get3A_564 = tpu.vector_load %get3A_561[%get3A_562, %get3A_563] {strides = array<i32>} : memref<160x64xf32, #tpu.memory_space<vmem>>, vector<1x16xf32>,
          %get3A_565 = vector.shape_cast %get3A_564 : vector<1x16xf32> to vector<16xf32>
          %add3A_566 = arith.addf %add3A_522, %get3A_565 : vector<16xf32>
          %add3A_567 = arith.constant 3 : i32
          %add3A_568 = arith.addi %add3A_401, %add3A_567 : i32
          %get3A_569 = arith.constant 0 : i32
          %get3A_570 = arith.constant 0 : i32
          %get3A_571 = tpu.memref_slice %arg6[%scan3A_86, %get3A_569, %get3A_570] : memref<4x160x64xf32, #tpu.memory_space<vmem>> -> memref<1x160x64xf32, #tpu.memory_space<vmem>>
          %get3A_572 = tpu.memref_squeeze %get3A_571 : memref<1x160x64xf32, #tpu.memory_space<vmem>> -> memref<160x64xf32, #tpu.memory_space<vmem>>
          %get3A_573 = arith.index_cast %add3A_568 : i32 to index
          %get3A_574 = arith.constant 48 : index
          %get3A_575 = tpu.vector_load %get3A_572[%get3A_573, %get3A_574] {strides = array<i32>} : memref<160x64xf32, #tpu.memory_space<vmem>>, vector<1x16xf32>,
          %get3A_576 = vector.shape_cast %get3A_575 : vector<1x16xf32> to vector<16xf32>
          %add3A_577 = arith.addf %add3A_533, %get3A_576 : vector<16xf32>
          %add3A_578 = arith.constant 4 : i32
          %add3A_579 = arith.addi %add3A_401, %add3A_578 : i32
          %get3A_580 = arith.constant 0 : i32
          %get3A_581 = arith.constant 0 : i32
          %get3A_582 = tpu.memref_slice %arg6[%scan3A_86, %get3A_580, %get3A_581] : memref<4x160x64xf32, #tpu.memory_space<vmem>> -> memref<1x160x64xf32, #tpu.memory_space<vmem>>
          %get3A_583 = tpu.memref_squeeze %get3A_582 : memref<1x160x64xf32, #tpu.memory_space<vmem>> -> memref<160x64xf32, #tpu.memory_space<vmem>>
          %get3A_584 = arith.index_cast %add3A_579 : i32 to index
          %get3A_585 = arith.constant 0 : index
          %get3A_586 = tpu.vector_load %get3A_583[%get3A_584, %get3A_585] {strides = array<i32>} : memref<160x64xf32, #tpu.memory_space<vmem>>, vector<1x16xf32>,
          %get3A_587 = vector.shape_cast %get3A_586 : vector<1x16xf32> to vector<16xf32>
          %add3A_588 = arith.addf %add3A_544, %get3A_587 : vector<16xf32>
          %add3A_589 = arith.constant 4 : i32
          %add3A_590 = arith.addi %add3A_401, %add3A_589 : i32
          %get3A_591 = arith.constant 0 : i32
          %get3A_592 = arith.constant 0 : i32
          %get3A_593 = tpu.memref_slice %arg6[%scan3A_86, %get3A_591, %get3A_592] : memref<4x160x64xf32, #tpu.memory_space<vmem>> -> memref<1x160x64xf32, #tpu.memory_space<vmem>>
          %get3A_594 = tpu.memref_squeeze %get3A_593 : memref<1x160x64xf32, #tpu.memory_space<vmem>> -> memref<160x64xf32, #tpu.memory_space<vmem>>
          %get3A_595 = arith.index_cast %add3A_590 : i32 to index
          %get3A_596 = arith.constant 16 : index
          %get3A_597 = tpu.vector_load %get3A_594[%get3A_595, %get3A_596] {strides = array<i32>} : memref<160x64xf32, #tpu.memory_space<vmem>>, vector<1x16xf32>,
          %get3A_598 = vector.shape_cast %get3A_597 : vector<1x16xf32> to vector<16xf32>
          %add3A_599 = arith.addf %add3A_555, %get3A_598 : vector<16xf32>
          %add3A_600 = arith.constant 4 : i32
          %add3A_601 = arith.addi %add3A_401, %add3A_600 : i32
          %get3A_602 = arith.constant 0 : i32
          %get3A_603 = arith.constant 0 : i32
          %get3A_604 = tpu.memref_slice %arg6[%scan3A_86, %get3A_602, %get3A_603] : memref<4x160x64xf32, #tpu.memory_space<vmem>> -> memref<1x160x64xf32, #tpu.memory_space<vmem>>
          %get3A_605 = tpu.memref_squeeze %get3A_604 : memref<1x160x64xf32, #tpu.memory_space<vmem>> -> memref<160x64xf32, #tpu.memory_space<vmem>>
          %get3A_606 = arith.index_cast %add3A_601 : i32 to index
          %get3A_607 = arith.constant 32 : index
          %get3A_608 = tpu.vector_load %get3A_605[%get3A_606, %get3A_607] {strides = array<i32>} : memref<160x64xf32, #tpu.memory_space<vmem>>, vector<1x16xf32>,
          %get3A_609 = vector.shape_cast %get3A_608 : vector<1x16xf32> to vector<16xf32>
          %add3A_610 = arith.addf %add3A_566, %get3A_609 : vector<16xf32>
          %add3A_611 = arith.constant 4 : i32
          %add3A_612 = arith.addi %add3A_401, %add3A_611 : i32
          %get3A_613 = arith.constant 0 : i32
          %get3A_614 = arith.constant 0 : i32
          %get3A_615 = tpu.memref_slice %arg6[%scan3A_86, %get3A_613, %get3A_614] : memref<4x160x64xf32, #tpu.memory_space<vmem>> -> memref<1x160x64xf32, #tpu.memory_space<vmem>>
          %get3A_616 = tpu.memref_squeeze %get3A_615 : memref<1x160x64xf32, #tpu.memory_space<vmem>> -> memref<160x64xf32, #tpu.memory_space<vmem>>
          %get3A_617 = arith.index_cast %add3A_612 : i32 to index
          %get3A_618 = arith.constant 48 : index
          %get3A_619 = tpu.vector_load %get3A_616[%get3A_617, %get3A_618] {strides = array<i32>} : memref<160x64xf32, #tpu.memory_space<vmem>>, vector<1x16xf32>,
          %get3A_620 = vector.shape_cast %get3A_619 : vector<1x16xf32> to vector<16xf32>
          %add3A_621 = arith.addf %add3A_577, %get3A_620 : vector<16xf32>
          scf.yield %add3A_588, %add3A_599, %add3A_610, %add3A_621 : vector<16xf32>, vector<16xf32>, vector<16xf32>, vector<16xf32>
        }
        %scan3A_365 = arith.constant 3 : i32
        %mul3A_366 = arith.constant 8 : i32
        %mul3A_367 = arith.muli %add3A_66, %mul3A_366 : i32
        %add3A_368 = arith.addi %mul3A_367, %scan3A_150 : i32
        %mul3A_369 = arith.constant 64 : i32
        %mul3A_370 = arith.muli %add3A_368, %mul3A_369 : i32
        %add3A_371 = arith.constant 0 : i32
        %add3A_372 = arith.addi %mul3A_370, %add3A_371 : i32
        %swap3A = arith.index_cast %add3A_372 : i32 to index
        %swap3A_373 = tpu.vector_load %arg7[%swap3A] {strides = array<i32>} : memref<8192xf32, #tpu.memory_space<vmem>>, vector<16xf32>,
        %swap3A_374 = vector.shape_cast %swap3A_373 : vector<16xf32> to vector<16xf32>
        %swap3A_375 = vector.shape_cast %scan3A_364#0 : vector<16xf32> to vector<16xf32>
        tpu.vector_store %arg7[%swap3A], %swap3A_375 {strides = array<i32>} : memref<8192xf32, #tpu.memory_space<vmem>>, vector<16xf32>,
        %add3A_376 = arith.constant 16 : i32
        %add3A_377 = arith.addi %mul3A_370, %add3A_376 : i32
        %swap3A_378 = arith.index_cast %add3A_377 : i32 to index
        %swap3A_379 = tpu.vector_load %arg7[%swap3A_378] {strides = array<i32>} : memref<8192xf32, #tpu.memory_space<vmem>>, vector<16xf32>,
        %swap3A_380 = vector.shape_cast %swap3A_379 : vector<16xf32> to vector<16xf32>
        %swap3A_381 = vector.shape_cast %scan3A_364#1 : vector<16xf32> to vector<16xf32>
        tpu.vector_store %arg7[%swap3A_378], %swap3A_381 {strides = array<i32>} : memref<8192xf32, #tpu.memory_space<vmem>>, vector<16xf32>,
        %add3A_382 = arith.constant 32 : i32
        %add3A_383 = arith.addi %mul3A_370, %add3A_382 : i32
        %swap3A_384 = arith.index_cast %add3A_383 : i32 to index
        %swap3A_385 = tpu.vector_load %arg7[%swap3A_384] {strides = array<i32>} : memref<8192xf32, #tpu.memory_space<vmem>>, vector<16xf32>,
        %swap3A_386 = vector.shape_cast %swap3A_385 : vector<16xf32> to vector<16xf32>
        %swap3A_387 = vector.shape_cast %scan3A_364#2 : vector<16xf32> to vector<16xf32>
        tpu.vector_store %arg7[%swap3A_384], %swap3A_387 {strides = array<i32>} : memref<8192xf32, #tpu.memory_space<vmem>>, vector<16xf32>,
        %add3A_388 = arith.constant 48 : i32
        %add3A_389 = arith.addi %mul3A_370, %add3A_388 : i32
        %swap3A_390 = arith.index_cast %add3A_389 : i32 to index
        %swap3A_391 = tpu.vector_load %arg7[%swap3A_390] {strides = array<i32>} : memref<8192xf32, #tpu.memory_space<vmem>>, vector<16xf32>,
        %swap3A_392 = vector.shape_cast %swap3A_391 : vector<16xf32> to vector<16xf32>
        %swap3A_393 = vector.shape_cast %scan3A_364#3 : vector<16xf32> to vector<16xf32>
        tpu.vector_store %arg7[%swap3A_390], %swap3A_393 {strides = array<i32>} : memref<8192xf32, #tpu.memory_space<vmem>>, vector<16xf32>,
      }
      %scan3A_91 = arith.constant 8 : i32
      %mul3A_92 = arith.constant 4 : i32
      %mul3A_93 = arith.muli %scan3A_38, %mul3A_92 : i32
      %add3A_94 = arith.constant 2 : i32
      %add3A_95 = arith.addi %mul3A_93, %add3A_94 : i32
      %dma_wait3A_96 = arith.constant 2 : i32
      %dma_wait3A_97 = arith.constant 0 : i32
      %dma_wait3A_98 = arith.constant 0 : i32
      %dma_wait3A_99 = tpu.memref_slice %arg6[%dma_wait3A_96, %dma_wait3A_97, %dma_wait3A_98] : memref<4x160x64xf32, #tpu.memory_space<vmem>> -> memref<1x160x64xf32, #tpu.memory_space<vmem>>
      %dma_wait3A_100 = tpu.memref_squeeze %dma_wait3A_99 : memref<1x160x64xf32, #tpu.memory_space<vmem>> -> memref<160x64xf32, #tpu.memory_space<vmem>>
      %dma_wait3A_101 = arith.constant 0 : i32
      %dma_wait3A_102 = tpu.memref_slice %arg5[%dma_wait3A_101] : memref<2560xi32, #tpu.memory_space<vmem>> -> memref<160xi32, #tpu.memory_space<vmem>>
      %dma_wait3A_103 = arith.constant 0 : i32
      %dma_wait3A_104 = arith.constant 0 : i32
      %dma_wait3A_105 = tpu.memref_slice %arg3[%dma_wait3A_103, %dma_wait3A_104] : memref<2000x64xf32, #tpu.memory_space<hbm>> -> memref<2000x64xf32, #tpu.memory_space<hbm>>
      tpu.wait_indirect_dma semaphore(%arg10 : memref<!tpu.dma_semaphore, #tpu.memory_space<semaphore_mem>>) src(%dma_wait3A_105 : memref<2000x64xf32, #tpu.memory_space<hbm>>) dst(%dma_wait3A_100 : memref<160x64xf32, #tpu.memory_space<vmem>>)
      %add3A_106 = arith.constant 4 : i32
      %add3A_107 = arith.addi %add3A_95, %add3A_106 : i32
      %sub3A_108 = arith.constant 1 : i32
      %sub3A_109 = arith.subi %add3A_107, %sub3A_108 : i32
      %lt3A_110 = arith.constant 16 : i32
      %lt3A_111 = arith.cmpi slt, %sub3A_109, %lt3A_110 : i32
      %convert_element_type3A_112 = arith.extui %lt3A_111 : i1 to i32
      %cond3A_113 = arith.constant 0 : i32
      %cond3A_114 = arith.cmpi ne, %convert_element_type3A_112, %cond3A_113 : i32
      scf.if %cond3A_114 {
        %mul3A_150 = arith.constant 160 : i32
        %mul3A_151 = arith.muli %sub3A_109, %mul3A_150 : i32
        %dma_start3A_152 = arith.constant 1 : i32
        %dma_start3A_153 = arith.constant 0 : i32
        %dma_start3A_154 = arith.constant 0 : i32
        %dma_start3A_155 = tpu.memref_slice %arg6[%dma_start3A_152, %dma_start3A_153, %dma_start3A_154] : memref<4x160x64xf32, #tpu.memory_space<vmem>> -> memref<1x160x64xf32, #tpu.memory_space<vmem>>
        %dma_start3A_156 = tpu.memref_squeeze %dma_start3A_155 : memref<1x160x64xf32, #tpu.memory_space<vmem>> -> memref<160x64xf32, #tpu.memory_space<vmem>>
        %dma_start3A_157 = tpu.memref_slice %arg5[%mul3A_151] : memref<2560xi32, #tpu.memory_space<vmem>> -> memref<160xi32, #tpu.memory_space<vmem>>
        %dma_start3A_158 = arith.constant 0 : i32
        %dma_start3A_159 = arith.constant 0 : i32
        %dma_start3A_160 = tpu.memref_slice %arg3[%dma_start3A_158, %dma_start3A_159] : memref<2000x64xf32, #tpu.memory_space<hbm>> -> memref<2000x64xf32, #tpu.memory_space<hbm>>
        tpu.enqueue_indirect_dma source(%dma_start3A_160 : memref<2000x64xf32, #tpu.memory_space<hbm>>) target(%dma_start3A_156 : memref<160x64xf32, #tpu.memory_space<vmem>>) offsets(%dma_start3A_157 : memref<160xi32, #tpu.memory_space<vmem>>) semaphore(%arg9 : memref<!tpu.dma_semaphore, #tpu.memory_space<semaphore_mem>>)
      } else {
      }
      %scan3A_115 = arith.constant 2 : i32
      %scan3A_116 = arith.constant 0 : i32
      %scan3A_117 = arith.constant 8 : i32
      %scan3A_118 = arith.addi %scan3A_116, %scan3A_117 : i32
      %scan3A_119 = arith.constant 1 : i32
      scf.for %scan3A_150 = %scan3A_116 to %scan3A_118 step %scan3A_119  : i32 {
        %mul3A_151 = arith.constant 20 : i32
        %mul3A_152 = arith.muli %scan3A_150, %mul3A_151 : i32
        %get3A = arith.constant 0 : i32
        %get3A_153 = arith.constant 0 : i32
        %get3A_154 = tpu.memref_slice %arg6[%scan3A_115, %get3A, %get3A_153] : memref<4x160x64xf32, #tpu.memory_space<vmem>> -> memref<1x160x64xf32, #tpu.memory_space<vmem>>
        %get3A_155 = tpu.memref_squeeze %get3A_154 : memref<1x160x64xf32, #tpu.memory_space<vmem>> -> memref<160x64xf32, #tpu.memory_space<vmem>>
        %get3A_156 = arith.index_cast %mul3A_152 : i32 to index
        %get3A_157 = arith.constant 0 : index
        %get3A_158 = tpu.vector_load %get3A_155[%get3A_156, %get3A_157] {strides = array<i32>} : memref<160x64xf32, #tpu.memory_space<vmem>>, vector<1x16xf32>,
        %get3A_159 = vector.shape_cast %get3A_158 : vector<1x16xf32> to vector<16xf32>
        %get3A_160 = arith.constant 0 : i32
        %get3A_161 = arith.constant 0 : i32
        %get3A_162 = tpu.memref_slice %arg6[%scan3A_115, %get3A_160, %get3A_161] : memref<4x160x64xf32, #tpu.memory_space<vmem>> -> memref<1x160x64xf32, #tpu.memory_space<vmem>>
        %get3A_163 = tpu.memref_squeeze %get3A_162 : memref<1x160x64xf32, #tpu.memory_space<vmem>> -> memref<160x64xf32, #tpu.memory_space<vmem>>
        %get3A_164 = arith.index_cast %mul3A_152 : i32 to index
        %get3A_165 = arith.constant 16 : index
        %get3A_166 = tpu.vector_load %get3A_163[%get3A_164, %get3A_165] {strides = array<i32>} : memref<160x64xf32, #tpu.memory_space<vmem>>, vector<1x16xf32>,
        %get3A_167 = vector.shape_cast %get3A_166 : vector<1x16xf32> to vector<16xf32>
        %get3A_168 = arith.constant 0 : i32
        %get3A_169 = arith.constant 0 : i32
        %get3A_170 = tpu.memref_slice %arg6[%scan3A_115, %get3A_168, %get3A_169] : memref<4x160x64xf32, #tpu.memory_space<vmem>> -> memref<1x160x64xf32, #tpu.memory_space<vmem>>
        %get3A_171 = tpu.memref_squeeze %get3A_170 : memref<1x160x64xf32, #tpu.memory_space<vmem>> -> memref<160x64xf32, #tpu.memory_space<vmem>>
        %get3A_172 = arith.index_cast %mul3A_152 : i32 to index
        %get3A_173 = arith.constant 32 : index
        %get3A_174 = tpu.vector_load %get3A_171[%get3A_172, %get3A_173] {strides = array<i32>} : memref<160x64xf32, #tpu.memory_space<vmem>>, vector<1x16xf32>,
        %get3A_175 = vector.shape_cast %get3A_174 : vector<1x16xf32> to vector<16xf32>
        %get3A_176 = arith.constant 0 : i32
        %get3A_177 = arith.constant 0 : i32
        %get3A_178 = tpu.memref_slice %arg6[%scan3A_115, %get3A_176, %get3A_177] : memref<4x160x64xf32, #tpu.memory_space<vmem>> -> memref<1x160x64xf32, #tpu.memory_space<vmem>>
        %get3A_179 = tpu.memref_squeeze %get3A_178 : memref<1x160x64xf32, #tpu.memory_space<vmem>> -> memref<160x64xf32, #tpu.memory_space<vmem>>
        %get3A_180 = arith.index_cast %mul3A_152 : i32 to index
        %get3A_181 = arith.constant 48 : index
        %get3A_182 = tpu.vector_load %get3A_179[%get3A_180, %get3A_181] {strides = array<i32>} : memref<160x64xf32, #tpu.memory_space<vmem>>, vector<1x16xf32>,
        %get3A_183 = vector.shape_cast %get3A_182 : vector<1x16xf32> to vector<16xf32>
        %add3A_184 = arith.constant 1 : i32
        %add3A_185 = arith.addi %mul3A_152, %add3A_184 : i32
        %get3A_186 = arith.constant 0 : i32
        %get3A_187 = arith.constant 0 : i32
        %get3A_188 = tpu.memref_slice %arg6[%scan3A_115, %get3A_186, %get3A_187] : memref<4x160x64xf32, #tpu.memory_space<vmem>> -> memref<1x160x64xf32, #tpu.memory_space<vmem>>
        %get3A_189 = tpu.memref_squeeze %get3A_188 : memref<1x160x64xf32, #tpu.memory_space<vmem>> -> memref<160x64xf32, #tpu.memory_space<vmem>>
        %get3A_190 = arith.index_cast %add3A_185 : i32 to index
        %get3A_191 = arith.constant 0 : index
        %get3A_192 = tpu.vector_load %get3A_189[%get3A_190, %get3A_191] {strides = array<i32>} : memref<160x64xf32, #tpu.memory_space<vmem>>, vector<1x16xf32>,
        %get3A_193 = vector.shape_cast %get3A_192 : vector<1x16xf32> to vector<16xf32>
        %add3A_194 = arith.addf %get3A_159, %get3A_193 : vector<16xf32>
        %add3A_195 = arith.constant 1 : i32
        %add3A_196 = arith.addi %mul3A_152, %add3A_195 : i32
        %get3A_197 = arith.constant 0 : i32
        %get3A_198 = arith.constant 0 : i32
        %get3A_199 = tpu.memref_slice %arg6[%scan3A_115, %get3A_197, %get3A_198] : memref<4x160x64xf32, #tpu.memory_space<vmem>> -> memref<1x160x64xf32, #tpu.memory_space<vmem>>
        %get3A_200 = tpu.memref_squeeze %get3A_199 : memref<1x160x64xf32, #tpu.memory_space<vmem>> -> memref<160x64xf32, #tpu.memory_space<vmem>>
        %get3A_201 = arith.index_cast %add3A_196 : i32 to index
        %get3A_202 = arith.constant 16 : index
        %get3A_203 = tpu.vector_load %get3A_200[%get3A_201, %get3A_202] {strides = array<i32>} : memref<160x64xf32, #tpu.memory_space<vmem>>, vector<1x16xf32>,
        %get3A_204 = vector.shape_cast %get3A_203 : vector<1x16xf32> to vector<16xf32>
        %add3A_205 = arith.addf %get3A_167, %get3A_204 : vector<16xf32>
        %add3A_206 = arith.constant 1 : i32
        %add3A_207 = arith.addi %mul3A_152, %add3A_206 : i32
        %get3A_208 = arith.constant 0 : i32
        %get3A_209 = arith.constant 0 : i32
        %get3A_210 = tpu.memref_slice %arg6[%scan3A_115, %get3A_208, %get3A_209] : memref<4x160x64xf32, #tpu.memory_space<vmem>> -> memref<1x160x64xf32, #tpu.memory_space<vmem>>
        %get3A_211 = tpu.memref_squeeze %get3A_210 : memref<1x160x64xf32, #tpu.memory_space<vmem>> -> memref<160x64xf32, #tpu.memory_space<vmem>>
        %get3A_212 = arith.index_cast %add3A_207 : i32 to index
        %get3A_213 = arith.constant 32 : index
        %get3A_214 = tpu.vector_load %get3A_211[%get3A_212, %get3A_213] {strides = array<i32>} : memref<160x64xf32, #tpu.memory_space<vmem>>, vector<1x16xf32>,
        %get3A_215 = vector.shape_cast %get3A_214 : vector<1x16xf32> to vector<16xf32>
        %add3A_216 = arith.addf %get3A_175, %get3A_215 : vector<16xf32>
        %add3A_217 = arith.constant 1 : i32
        %add3A_218 = arith.addi %mul3A_152, %add3A_217 : i32
        %get3A_219 = arith.constant 0 : i32
        %get3A_220 = arith.constant 0 : i32
        %get3A_221 = tpu.memref_slice %arg6[%scan3A_115, %get3A_219, %get3A_220] : memref<4x160x64xf32, #tpu.memory_space<vmem>> -> memref<1x160x64xf32, #tpu.memory_space<vmem>>
        %get3A_222 = tpu.memref_squeeze %get3A_221 : memref<1x160x64xf32, #tpu.memory_space<vmem>> -> memref<160x64xf32, #tpu.memory_space<vmem>>
        %get3A_223 = arith.index_cast %add3A_218 : i32 to index
        %get3A_224 = arith.constant 48 : index
        %get3A_225 = tpu.vector_load %get3A_222[%get3A_223, %get3A_224] {strides = array<i32>} : memref<160x64xf32, #tpu.memory_space<vmem>>, vector<1x16xf32>,
        %get3A_226 = vector.shape_cast %get3A_225 : vector<1x16xf32> to vector<16xf32>
        %add3A_227 = arith.addf %get3A_183, %get3A_226 : vector<16xf32>
        %add3A_228 = arith.constant 2 : i32
        %add3A_229 = arith.addi %mul3A_152, %add3A_228 : i32
        %get3A_230 = arith.constant 0 : i32
        %get3A_231 = arith.constant 0 : i32
        %get3A_232 = tpu.memref_slice %arg6[%scan3A_115, %get3A_230, %get3A_231] : memref<4x160x64xf32, #tpu.memory_space<vmem>> -> memref<1x160x64xf32, #tpu.memory_space<vmem>>
        %get3A_233 = tpu.memref_squeeze %get3A_232 : memref<1x160x64xf32, #tpu.memory_space<vmem>> -> memref<160x64xf32, #tpu.memory_space<vmem>>
        %get3A_234 = arith.index_cast %add3A_229 : i32 to index
        %get3A_235 = arith.constant 0 : index
        %get3A_236 = tpu.vector_load %get3A_233[%get3A_234, %get3A_235] {strides = array<i32>} : memref<160x64xf32, #tpu.memory_space<vmem>>, vector<1x16xf32>,
        %get3A_237 = vector.shape_cast %get3A_236 : vector<1x16xf32> to vector<16xf32>
        %add3A_238 = arith.addf %add3A_194, %get3A_237 : vector<16xf32>
        %add3A_239 = arith.constant 2 : i32
        %add3A_240 = arith.addi %mul3A_152, %add3A_239 : i32
        %get3A_241 = arith.constant 0 : i32
        %get3A_242 = arith.constant 0 : i32
        %get3A_243 = tpu.memref_slice %arg6[%scan3A_115, %get3A_241, %get3A_242] : memref<4x160x64xf32, #tpu.memory_space<vmem>> -> memref<1x160x64xf32, #tpu.memory_space<vmem>>
        %get3A_244 = tpu.memref_squeeze %get3A_243 : memref<1x160x64xf32, #tpu.memory_space<vmem>> -> memref<160x64xf32, #tpu.memory_space<vmem>>
        %get3A_245 = arith.index_cast %add3A_240 : i32 to index
        %get3A_246 = arith.constant 16 : index
        %get3A_247 = tpu.vector_load %get3A_244[%get3A_245, %get3A_246] {strides = array<i32>} : memref<160x64xf32, #tpu.memory_space<vmem>>, vector<1x16xf32>,
        %get3A_248 = vector.shape_cast %get3A_247 : vector<1x16xf32> to vector<16xf32>
        %add3A_249 = arith.addf %add3A_205, %get3A_248 : vector<16xf32>
        %add3A_250 = arith.constant 2 : i32
        %add3A_251 = arith.addi %mul3A_152, %add3A_250 : i32
        %get3A_252 = arith.constant 0 : i32
        %get3A_253 = arith.constant 0 : i32
        %get3A_254 = tpu.memref_slice %arg6[%scan3A_115, %get3A_252, %get3A_253] : memref<4x160x64xf32, #tpu.memory_space<vmem>> -> memref<1x160x64xf32, #tpu.memory_space<vmem>>
        %get3A_255 = tpu.memref_squeeze %get3A_254 : memref<1x160x64xf32, #tpu.memory_space<vmem>> -> memref<160x64xf32, #tpu.memory_space<vmem>>
        %get3A_256 = arith.index_cast %add3A_251 : i32 to index
        %get3A_257 = arith.constant 32 : index
        %get3A_258 = tpu.vector_load %get3A_255[%get3A_256, %get3A_257] {strides = array<i32>} : memref<160x64xf32, #tpu.memory_space<vmem>>, vector<1x16xf32>,
        %get3A_259 = vector.shape_cast %get3A_258 : vector<1x16xf32> to vector<16xf32>
        %add3A_260 = arith.addf %add3A_216, %get3A_259 : vector<16xf32>
        %add3A_261 = arith.constant 2 : i32
        %add3A_262 = arith.addi %mul3A_152, %add3A_261 : i32
        %get3A_263 = arith.constant 0 : i32
        %get3A_264 = arith.constant 0 : i32
        %get3A_265 = tpu.memref_slice %arg6[%scan3A_115, %get3A_263, %get3A_264] : memref<4x160x64xf32, #tpu.memory_space<vmem>> -> memref<1x160x64xf32, #tpu.memory_space<vmem>>
        %get3A_266 = tpu.memref_squeeze %get3A_265 : memref<1x160x64xf32, #tpu.memory_space<vmem>> -> memref<160x64xf32, #tpu.memory_space<vmem>>
        %get3A_267 = arith.index_cast %add3A_262 : i32 to index
        %get3A_268 = arith.constant 48 : index
        %get3A_269 = tpu.vector_load %get3A_266[%get3A_267, %get3A_268] {strides = array<i32>} : memref<160x64xf32, #tpu.memory_space<vmem>>, vector<1x16xf32>,
        %get3A_270 = vector.shape_cast %get3A_269 : vector<1x16xf32> to vector<16xf32>
        %add3A_271 = arith.addf %add3A_227, %get3A_270 : vector<16xf32>
        %add3A_272 = arith.constant 3 : i32
        %add3A_273 = arith.addi %mul3A_152, %add3A_272 : i32
        %get3A_274 = arith.constant 0 : i32
        %get3A_275 = arith.constant 0 : i32
        %get3A_276 = tpu.memref_slice %arg6[%scan3A_115, %get3A_274, %get3A_275] : memref<4x160x64xf32, #tpu.memory_space<vmem>> -> memref<1x160x64xf32, #tpu.memory_space<vmem>>
        %get3A_277 = tpu.memref_squeeze %get3A_276 : memref<1x160x64xf32, #tpu.memory_space<vmem>> -> memref<160x64xf32, #tpu.memory_space<vmem>>
        %get3A_278 = arith.index_cast %add3A_273 : i32 to index
        %get3A_279 = arith.constant 0 : index
        %get3A_280 = tpu.vector_load %get3A_277[%get3A_278, %get3A_279] {strides = array<i32>} : memref<160x64xf32, #tpu.memory_space<vmem>>, vector<1x16xf32>,
        %get3A_281 = vector.shape_cast %get3A_280 : vector<1x16xf32> to vector<16xf32>
        %add3A_282 = arith.addf %add3A_238, %get3A_281 : vector<16xf32>
        %add3A_283 = arith.constant 3 : i32
        %add3A_284 = arith.addi %mul3A_152, %add3A_283 : i32
        %get3A_285 = arith.constant 0 : i32
        %get3A_286 = arith.constant 0 : i32
        %get3A_287 = tpu.memref_slice %arg6[%scan3A_115, %get3A_285, %get3A_286] : memref<4x160x64xf32, #tpu.memory_space<vmem>> -> memref<1x160x64xf32, #tpu.memory_space<vmem>>
        %get3A_288 = tpu.memref_squeeze %get3A_287 : memref<1x160x64xf32, #tpu.memory_space<vmem>> -> memref<160x64xf32, #tpu.memory_space<vmem>>
        %get3A_289 = arith.index_cast %add3A_284 : i32 to index
        %get3A_290 = arith.constant 16 : index
        %get3A_291 = tpu.vector_load %get3A_288[%get3A_289, %get3A_290] {strides = array<i32>} : memref<160x64xf32, #tpu.memory_space<vmem>>, vector<1x16xf32>,
        %get3A_292 = vector.shape_cast %get3A_291 : vector<1x16xf32> to vector<16xf32>
        %add3A_293 = arith.addf %add3A_249, %get3A_292 : vector<16xf32>
        %add3A_294 = arith.constant 3 : i32
        %add3A_295 = arith.addi %mul3A_152, %add3A_294 : i32
        %get3A_296 = arith.constant 0 : i32
        %get3A_297 = arith.constant 0 : i32
        %get3A_298 = tpu.memref_slice %arg6[%scan3A_115, %get3A_296, %get3A_297] : memref<4x160x64xf32, #tpu.memory_space<vmem>> -> memref<1x160x64xf32, #tpu.memory_space<vmem>>
        %get3A_299 = tpu.memref_squeeze %get3A_298 : memref<1x160x64xf32, #tpu.memory_space<vmem>> -> memref<160x64xf32, #tpu.memory_space<vmem>>
        %get3A_300 = arith.index_cast %add3A_295 : i32 to index
        %get3A_301 = arith.constant 32 : index
        %get3A_302 = tpu.vector_load %get3A_299[%get3A_300, %get3A_301] {strides = array<i32>} : memref<160x64xf32, #tpu.memory_space<vmem>>, vector<1x16xf32>,
        %get3A_303 = vector.shape_cast %get3A_302 : vector<1x16xf32> to vector<16xf32>
        %add3A_304 = arith.addf %add3A_260, %get3A_303 : vector<16xf32>
        %add3A_305 = arith.constant 3 : i32
        %add3A_306 = arith.addi %mul3A_152, %add3A_305 : i32
        %get3A_307 = arith.constant 0 : i32
        %get3A_308 = arith.constant 0 : i32
        %get3A_309 = tpu.memref_slice %arg6[%scan3A_115, %get3A_307, %get3A_308] : memref<4x160x64xf32, #tpu.memory_space<vmem>> -> memref<1x160x64xf32, #tpu.memory_space<vmem>>
        %get3A_310 = tpu.memref_squeeze %get3A_309 : memref<1x160x64xf32, #tpu.memory_space<vmem>> -> memref<160x64xf32, #tpu.memory_space<vmem>>
        %get3A_311 = arith.index_cast %add3A_306 : i32 to index
        %get3A_312 = arith.constant 48 : index
        %get3A_313 = tpu.vector_load %get3A_310[%get3A_311, %get3A_312] {strides = array<i32>} : memref<160x64xf32, #tpu.memory_space<vmem>>, vector<1x16xf32>,
        %get3A_314 = vector.shape_cast %get3A_313 : vector<1x16xf32> to vector<16xf32>
        %add3A_315 = arith.addf %add3A_271, %get3A_314 : vector<16xf32>
        %add3A_316 = arith.constant 4 : i32
        %add3A_317 = arith.addi %mul3A_152, %add3A_316 : i32
        %get3A_318 = arith.constant 0 : i32
        %get3A_319 = arith.constant 0 : i32
        %get3A_320 = tpu.memref_slice %arg6[%scan3A_115, %get3A_318, %get3A_319] : memref<4x160x64xf32, #tpu.memory_space<vmem>> -> memref<1x160x64xf32, #tpu.memory_space<vmem>>
        %get3A_321 = tpu.memref_squeeze %get3A_320 : memref<1x160x64xf32, #tpu.memory_space<vmem>> -> memref<160x64xf32, #tpu.memory_space<vmem>>
        %get3A_322 = arith.index_cast %add3A_317 : i32 to index
        %get3A_323 = arith.constant 0 : index
        %get3A_324 = tpu.vector_load %get3A_321[%get3A_322, %get3A_323] {strides = array<i32>} : memref<160x64xf32, #tpu.memory_space<vmem>>, vector<1x16xf32>,
        %get3A_325 = vector.shape_cast %get3A_324 : vector<1x16xf32> to vector<16xf32>
        %add3A_326 = arith.addf %add3A_282, %get3A_325 : vector<16xf32>
        %add3A_327 = arith.constant 4 : i32
        %add3A_328 = arith.addi %mul3A_152, %add3A_327 : i32
        %get3A_329 = arith.constant 0 : i32
        %get3A_330 = arith.constant 0 : i32
        %get3A_331 = tpu.memref_slice %arg6[%scan3A_115, %get3A_329, %get3A_330] : memref<4x160x64xf32, #tpu.memory_space<vmem>> -> memref<1x160x64xf32, #tpu.memory_space<vmem>>
        %get3A_332 = tpu.memref_squeeze %get3A_331 : memref<1x160x64xf32, #tpu.memory_space<vmem>> -> memref<160x64xf32, #tpu.memory_space<vmem>>
        %get3A_333 = arith.index_cast %add3A_328 : i32 to index
        %get3A_334 = arith.constant 16 : index
        %get3A_335 = tpu.vector_load %get3A_332[%get3A_333, %get3A_334] {strides = array<i32>} : memref<160x64xf32, #tpu.memory_space<vmem>>, vector<1x16xf32>,
        %get3A_336 = vector.shape_cast %get3A_335 : vector<1x16xf32> to vector<16xf32>
        %add3A_337 = arith.addf %add3A_293, %get3A_336 : vector<16xf32>
        %add3A_338 = arith.constant 4 : i32
        %add3A_339 = arith.addi %mul3A_152, %add3A_338 : i32
        %get3A_340 = arith.constant 0 : i32
        %get3A_341 = arith.constant 0 : i32
        %get3A_342 = tpu.memref_slice %arg6[%scan3A_115, %get3A_340, %get3A_341] : memref<4x160x64xf32, #tpu.memory_space<vmem>> -> memref<1x160x64xf32, #tpu.memory_space<vmem>>
        %get3A_343 = tpu.memref_squeeze %get3A_342 : memref<1x160x64xf32, #tpu.memory_space<vmem>> -> memref<160x64xf32, #tpu.memory_space<vmem>>
        %get3A_344 = arith.index_cast %add3A_339 : i32 to index
        %get3A_345 = arith.constant 32 : index
        %get3A_346 = tpu.vector_load %get3A_343[%get3A_344, %get3A_345] {strides = array<i32>} : memref<160x64xf32, #tpu.memory_space<vmem>>, vector<1x16xf32>,
        %get3A_347 = vector.shape_cast %get3A_346 : vector<1x16xf32> to vector<16xf32>
        %add3A_348 = arith.addf %add3A_304, %get3A_347 : vector<16xf32>
        %add3A_349 = arith.constant 4 : i32
        %add3A_350 = arith.addi %mul3A_152, %add3A_349 : i32
        %get3A_351 = arith.constant 0 : i32
        %get3A_352 = arith.constant 0 : i32
        %get3A_353 = tpu.memref_slice %arg6[%scan3A_115, %get3A_351, %get3A_352] : memref<4x160x64xf32, #tpu.memory_space<vmem>> -> memref<1x160x64xf32, #tpu.memory_space<vmem>>
        %get3A_354 = tpu.memref_squeeze %get3A_353 : memref<1x160x64xf32, #tpu.memory_space<vmem>> -> memref<160x64xf32, #tpu.memory_space<vmem>>
        %get3A_355 = arith.index_cast %add3A_350 : i32 to index
        %get3A_356 = arith.constant 48 : index
        %get3A_357 = tpu.vector_load %get3A_354[%get3A_355, %get3A_356] {strides = array<i32>} : memref<160x64xf32, #tpu.memory_space<vmem>>, vector<1x16xf32>,
        %get3A_358 = vector.shape_cast %get3A_357 : vector<1x16xf32> to vector<16xf32>
        %add3A_359 = arith.addf %add3A_315, %get3A_358 : vector<16xf32>
        %scan3A_360 = arith.constant 1 : i32
        %scan3A_361 = arith.constant 3 : i32
        %scan3A_362 = arith.addi %scan3A_360, %scan3A_361 : i32
        %scan3A_363 = arith.constant 1 : i32
        %scan3A_364:4 = scf.for %scan3A_394 = %scan3A_360 to %scan3A_362 step %scan3A_363 iter_args(%scan3A_395 = %add3A_326, %scan3A_396 = %add3A_337, %scan3A_397 = %add3A_348, %scan3A_398 = %add3A_359) -> (vector<16xf32>, vector<16xf32>, vector<16xf32>, vector<16xf32>)  : i32 {
          %mul3A_399 = arith.constant 5 : i32
          %mul3A_400 = arith.muli %scan3A_394, %mul3A_399 : i32
          %add3A_401 = arith.addi %mul3A_152, %mul3A_400 : i32
          %add3A_402 = arith.constant 0 : i32
          %add3A_403 = arith.addi %add3A_401, %add3A_402 : i32
          %get3A_404 = arith.constant 0 : i32
          %get3A_405 = arith.constant 0 : i32
          %get3A_406 = tpu.memref_slice %arg6[%scan3A_115, %get3A_404, %get3A_405] : memref<4x160x64xf32, #tpu.memory_space<vmem>> -> memref<1x160x64xf32, #tpu.memory_space<vmem>>
          %get3A_407 = tpu.memref_squeeze %get3A_406 : memref<1x160x64xf32, #tpu.memory_space<vmem>> -> memref<160x64xf32, #tpu.memory_space<vmem>>
          %get3A_408 = arith.index_cast %add3A_403 : i32 to index
          %get3A_409 = arith.constant 0 : index
          %get3A_410 = tpu.vector_load %get3A_407[%get3A_408, %get3A_409] {strides = array<i32>} : memref<160x64xf32, #tpu.memory_space<vmem>>, vector<1x16xf32>,
          %get3A_411 = vector.shape_cast %get3A_410 : vector<1x16xf32> to vector<16xf32>
          %add3A_412 = arith.addf %scan3A_395, %get3A_411 : vector<16xf32>
          %add3A_413 = arith.constant 0 : i32
          %add3A_414 = arith.addi %add3A_401, %add3A_413 : i32
          %get3A_415 = arith.constant 0 : i32
          %get3A_416 = arith.constant 0 : i32
          %get3A_417 = tpu.memref_slice %arg6[%scan3A_115, %get3A_415, %get3A_416] : memref<4x160x64xf32, #tpu.memory_space<vmem>> -> memref<1x160x64xf32, #tpu.memory_space<vmem>>
          %get3A_418 = tpu.memref_squeeze %get3A_417 : memref<1x160x64xf32, #tpu.memory_space<vmem>> -> memref<160x64xf32, #tpu.memory_space<vmem>>
          %get3A_419 = arith.index_cast %add3A_414 : i32 to index
          %get3A_420 = arith.constant 16 : index
          %get3A_421 = tpu.vector_load %get3A_418[%get3A_419, %get3A_420] {strides = array<i32>} : memref<160x64xf32, #tpu.memory_space<vmem>>, vector<1x16xf32>,
          %get3A_422 = vector.shape_cast %get3A_421 : vector<1x16xf32> to vector<16xf32>
          %add3A_423 = arith.addf %scan3A_396, %get3A_422 : vector<16xf32>
          %add3A_424 = arith.constant 0 : i32
          %add3A_425 = arith.addi %add3A_401, %add3A_424 : i32
          %get3A_426 = arith.constant 0 : i32
          %get3A_427 = arith.constant 0 : i32
          %get3A_428 = tpu.memref_slice %arg6[%scan3A_115, %get3A_426, %get3A_427] : memref<4x160x64xf32, #tpu.memory_space<vmem>> -> memref<1x160x64xf32, #tpu.memory_space<vmem>>
          %get3A_429 = tpu.memref_squeeze %get3A_428 : memref<1x160x64xf32, #tpu.memory_space<vmem>> -> memref<160x64xf32, #tpu.memory_space<vmem>>
          %get3A_430 = arith.index_cast %add3A_425 : i32 to index
          %get3A_431 = arith.constant 32 : index
          %get3A_432 = tpu.vector_load %get3A_429[%get3A_430, %get3A_431] {strides = array<i32>} : memref<160x64xf32, #tpu.memory_space<vmem>>, vector<1x16xf32>,
          %get3A_433 = vector.shape_cast %get3A_432 : vector<1x16xf32> to vector<16xf32>
          %add3A_434 = arith.addf %scan3A_397, %get3A_433 : vector<16xf32>
          %add3A_435 = arith.constant 0 : i32
          %add3A_436 = arith.addi %add3A_401, %add3A_435 : i32
          %get3A_437 = arith.constant 0 : i32
          %get3A_438 = arith.constant 0 : i32
          %get3A_439 = tpu.memref_slice %arg6[%scan3A_115, %get3A_437, %get3A_438] : memref<4x160x64xf32, #tpu.memory_space<vmem>> -> memref<1x160x64xf32, #tpu.memory_space<vmem>>
          %get3A_440 = tpu.memref_squeeze %get3A_439 : memref<1x160x64xf32, #tpu.memory_space<vmem>> -> memref<160x64xf32, #tpu.memory_space<vmem>>
          %get3A_441 = arith.index_cast %add3A_436 : i32 to index
          %get3A_442 = arith.constant 48 : index
          %get3A_443 = tpu.vector_load %get3A_440[%get3A_441, %get3A_442] {strides = array<i32>} : memref<160x64xf32, #tpu.memory_space<vmem>>, vector<1x16xf32>,
          %get3A_444 = vector.shape_cast %get3A_443 : vector<1x16xf32> to vector<16xf32>
          %add3A_445 = arith.addf %scan3A_398, %get3A_444 : vector<16xf32>
          %add3A_446 = arith.constant 1 : i32
          %add3A_447 = arith.addi %add3A_401, %add3A_446 : i32
          %get3A_448 = arith.constant 0 : i32
          %get3A_449 = arith.constant 0 : i32
          %get3A_450 = tpu.memref_slice %arg6[%scan3A_115, %get3A_448, %get3A_449] : memref<4x160x64xf32, #tpu.memory_space<vmem>> -> memref<1x160x64xf32, #tpu.memory_space<vmem>>
          %get3A_451 = tpu.memref_squeeze %get3A_450 : memref<1x160x64xf32, #tpu.memory_space<vmem>> -> memref<160x64xf32, #tpu.memory_space<vmem>>
          %get3A_452 = arith.index_cast %add3A_447 : i32 to index
          %get3A_453 = arith.constant 0 : index
          %get3A_454 = tpu.vector_load %get3A_451[%get3A_452, %get3A_453] {strides = array<i32>} : memref<160x64xf32, #tpu.memory_space<vmem>>, vector<1x16xf32>,
          %get3A_455 = vector.shape_cast %get3A_454 : vector<1x16xf32> to vector<16xf32>
          %add3A_456 = arith.addf %add3A_412, %get3A_455 : vector<16xf32>
          %add3A_457 = arith.constant 1 : i32
          %add3A_458 = arith.addi %add3A_401, %add3A_457 : i32
          %get3A_459 = arith.constant 0 : i32
          %get3A_460 = arith.constant 0 : i32
          %get3A_461 = tpu.memref_slice %arg6[%scan3A_115, %get3A_459, %get3A_460] : memref<4x160x64xf32, #tpu.memory_space<vmem>> -> memref<1x160x64xf32, #tpu.memory_space<vmem>>
          %get3A_462 = tpu.memref_squeeze %get3A_461 : memref<1x160x64xf32, #tpu.memory_space<vmem>> -> memref<160x64xf32, #tpu.memory_space<vmem>>
          %get3A_463 = arith.index_cast %add3A_458 : i32 to index
          %get3A_464 = arith.constant 16 : index
          %get3A_465 = tpu.vector_load %get3A_462[%get3A_463, %get3A_464] {strides = array<i32>} : memref<160x64xf32, #tpu.memory_space<vmem>>, vector<1x16xf32>,
          %get3A_466 = vector.shape_cast %get3A_465 : vector<1x16xf32> to vector<16xf32>
          %add3A_467 = arith.addf %add3A_423, %get3A_466 : vector<16xf32>
          %add3A_468 = arith.constant 1 : i32
          %add3A_469 = arith.addi %add3A_401, %add3A_468 : i32
          %get3A_470 = arith.constant 0 : i32
          %get3A_471 = arith.constant 0 : i32
          %get3A_472 = tpu.memref_slice %arg6[%scan3A_115, %get3A_470, %get3A_471] : memref<4x160x64xf32, #tpu.memory_space<vmem>> -> memref<1x160x64xf32, #tpu.memory_space<vmem>>
          %get3A_473 = tpu.memref_squeeze %get3A_472 : memref<1x160x64xf32, #tpu.memory_space<vmem>> -> memref<160x64xf32, #tpu.memory_space<vmem>>
          %get3A_474 = arith.index_cast %add3A_469 : i32 to index
          %get3A_475 = arith.constant 32 : index
          %get3A_476 = tpu.vector_load %get3A_473[%get3A_474, %get3A_475] {strides = array<i32>} : memref<160x64xf32, #tpu.memory_space<vmem>>, vector<1x16xf32>,
          %get3A_477 = vector.shape_cast %get3A_476 : vector<1x16xf32> to vector<16xf32>
          %add3A_478 = arith.addf %add3A_434, %get3A_477 : vector<16xf32>
          %add3A_479 = arith.constant 1 : i32
          %add3A_480 = arith.addi %add3A_401, %add3A_479 : i32
          %get3A_481 = arith.constant 0 : i32
          %get3A_482 = arith.constant 0 : i32
          %get3A_483 = tpu.memref_slice %arg6[%scan3A_115, %get3A_481, %get3A_482] : memref<4x160x64xf32, #tpu.memory_space<vmem>> -> memref<1x160x64xf32, #tpu.memory_space<vmem>>
          %get3A_484 = tpu.memref_squeeze %get3A_483 : memref<1x160x64xf32, #tpu.memory_space<vmem>> -> memref<160x64xf32, #tpu.memory_space<vmem>>
          %get3A_485 = arith.index_cast %add3A_480 : i32 to index
          %get3A_486 = arith.constant 48 : index
          %get3A_487 = tpu.vector_load %get3A_484[%get3A_485, %get3A_486] {strides = array<i32>} : memref<160x64xf32, #tpu.memory_space<vmem>>, vector<1x16xf32>,
          %get3A_488 = vector.shape_cast %get3A_487 : vector<1x16xf32> to vector<16xf32>
          %add3A_489 = arith.addf %add3A_445, %get3A_488 : vector<16xf32>
          %add3A_490 = arith.constant 2 : i32
          %add3A_491 = arith.addi %add3A_401, %add3A_490 : i32
          %get3A_492 = arith.constant 0 : i32
          %get3A_493 = arith.constant 0 : i32
          %get3A_494 = tpu.memref_slice %arg6[%scan3A_115, %get3A_492, %get3A_493] : memref<4x160x64xf32, #tpu.memory_space<vmem>> -> memref<1x160x64xf32, #tpu.memory_space<vmem>>
          %get3A_495 = tpu.memref_squeeze %get3A_494 : memref<1x160x64xf32, #tpu.memory_space<vmem>> -> memref<160x64xf32, #tpu.memory_space<vmem>>
          %get3A_496 = arith.index_cast %add3A_491 : i32 to index
          %get3A_497 = arith.constant 0 : index
          %get3A_498 = tpu.vector_load %get3A_495[%get3A_496, %get3A_497] {strides = array<i32>} : memref<160x64xf32, #tpu.memory_space<vmem>>, vector<1x16xf32>,
          %get3A_499 = vector.shape_cast %get3A_498 : vector<1x16xf32> to vector<16xf32>
          %add3A_500 = arith.addf %add3A_456, %get3A_499 : vector<16xf32>
          %add3A_501 = arith.constant 2 : i32
          %add3A_502 = arith.addi %add3A_401, %add3A_501 : i32
          %get3A_503 = arith.constant 0 : i32
          %get3A_504 = arith.constant 0 : i32
          %get3A_505 = tpu.memref_slice %arg6[%scan3A_115, %get3A_503, %get3A_504] : memref<4x160x64xf32, #tpu.memory_space<vmem>> -> memref<1x160x64xf32, #tpu.memory_space<vmem>>
          %get3A_506 = tpu.memref_squeeze %get3A_505 : memref<1x160x64xf32, #tpu.memory_space<vmem>> -> memref<160x64xf32, #tpu.memory_space<vmem>>
          %get3A_507 = arith.index_cast %add3A_502 : i32 to index
          %get3A_508 = arith.constant 16 : index
          %get3A_509 = tpu.vector_load %get3A_506[%get3A_507, %get3A_508] {strides = array<i32>} : memref<160x64xf32, #tpu.memory_space<vmem>>, vector<1x16xf32>,
          %get3A_510 = vector.shape_cast %get3A_509 : vector<1x16xf32> to vector<16xf32>
          %add3A_511 = arith.addf %add3A_467, %get3A_510 : vector<16xf32>
          %add3A_512 = arith.constant 2 : i32
          %add3A_513 = arith.addi %add3A_401, %add3A_512 : i32
          %get3A_514 = arith.constant 0 : i32
          %get3A_515 = arith.constant 0 : i32
          %get3A_516 = tpu.memref_slice %arg6[%scan3A_115, %get3A_514, %get3A_515] : memref<4x160x64xf32, #tpu.memory_space<vmem>> -> memref<1x160x64xf32, #tpu.memory_space<vmem>>
          %get3A_517 = tpu.memref_squeeze %get3A_516 : memref<1x160x64xf32, #tpu.memory_space<vmem>> -> memref<160x64xf32, #tpu.memory_space<vmem>>
          %get3A_518 = arith.index_cast %add3A_513 : i32 to index
          %get3A_519 = arith.constant 32 : index
          %get3A_520 = tpu.vector_load %get3A_517[%get3A_518, %get3A_519] {strides = array<i32>} : memref<160x64xf32, #tpu.memory_space<vmem>>, vector<1x16xf32>,
          %get3A_521 = vector.shape_cast %get3A_520 : vector<1x16xf32> to vector<16xf32>
          %add3A_522 = arith.addf %add3A_478, %get3A_521 : vector<16xf32>
          %add3A_523 = arith.constant 2 : i32
          %add3A_524 = arith.addi %add3A_401, %add3A_523 : i32
          %get3A_525 = arith.constant 0 : i32
          %get3A_526 = arith.constant 0 : i32
          %get3A_527 = tpu.memref_slice %arg6[%scan3A_115, %get3A_525, %get3A_526] : memref<4x160x64xf32, #tpu.memory_space<vmem>> -> memref<1x160x64xf32, #tpu.memory_space<vmem>>
          %get3A_528 = tpu.memref_squeeze %get3A_527 : memref<1x160x64xf32, #tpu.memory_space<vmem>> -> memref<160x64xf32, #tpu.memory_space<vmem>>
          %get3A_529 = arith.index_cast %add3A_524 : i32 to index
          %get3A_530 = arith.constant 48 : index
          %get3A_531 = tpu.vector_load %get3A_528[%get3A_529, %get3A_530] {strides = array<i32>} : memref<160x64xf32, #tpu.memory_space<vmem>>, vector<1x16xf32>,
          %get3A_532 = vector.shape_cast %get3A_531 : vector<1x16xf32> to vector<16xf32>
          %add3A_533 = arith.addf %add3A_489, %get3A_532 : vector<16xf32>
          %add3A_534 = arith.constant 3 : i32
          %add3A_535 = arith.addi %add3A_401, %add3A_534 : i32
          %get3A_536 = arith.constant 0 : i32
          %get3A_537 = arith.constant 0 : i32
          %get3A_538 = tpu.memref_slice %arg6[%scan3A_115, %get3A_536, %get3A_537] : memref<4x160x64xf32, #tpu.memory_space<vmem>> -> memref<1x160x64xf32, #tpu.memory_space<vmem>>
          %get3A_539 = tpu.memref_squeeze %get3A_538 : memref<1x160x64xf32, #tpu.memory_space<vmem>> -> memref<160x64xf32, #tpu.memory_space<vmem>>
          %get3A_540 = arith.index_cast %add3A_535 : i32 to index
          %get3A_541 = arith.constant 0 : index
          %get3A_542 = tpu.vector_load %get3A_539[%get3A_540, %get3A_541] {strides = array<i32>} : memref<160x64xf32, #tpu.memory_space<vmem>>, vector<1x16xf32>,
          %get3A_543 = vector.shape_cast %get3A_542 : vector<1x16xf32> to vector<16xf32>
          %add3A_544 = arith.addf %add3A_500, %get3A_543 : vector<16xf32>
          %add3A_545 = arith.constant 3 : i32
          %add3A_546 = arith.addi %add3A_401, %add3A_545 : i32
          %get3A_547 = arith.constant 0 : i32
          %get3A_548 = arith.constant 0 : i32
          %get3A_549 = tpu.memref_slice %arg6[%scan3A_115, %get3A_547, %get3A_548] : memref<4x160x64xf32, #tpu.memory_space<vmem>> -> memref<1x160x64xf32, #tpu.memory_space<vmem>>
          %get3A_550 = tpu.memref_squeeze %get3A_549 : memref<1x160x64xf32, #tpu.memory_space<vmem>> -> memref<160x64xf32, #tpu.memory_space<vmem>>
          %get3A_551 = arith.index_cast %add3A_546 : i32 to index
          %get3A_552 = arith.constant 16 : index
          %get3A_553 = tpu.vector_load %get3A_550[%get3A_551, %get3A_552] {strides = array<i32>} : memref<160x64xf32, #tpu.memory_space<vmem>>, vector<1x16xf32>,
          %get3A_554 = vector.shape_cast %get3A_553 : vector<1x16xf32> to vector<16xf32>
          %add3A_555 = arith.addf %add3A_511, %get3A_554 : vector<16xf32>
          %add3A_556 = arith.constant 3 : i32
          %add3A_557 = arith.addi %add3A_401, %add3A_556 : i32
          %get3A_558 = arith.constant 0 : i32
          %get3A_559 = arith.constant 0 : i32
          %get3A_560 = tpu.memref_slice %arg6[%scan3A_115, %get3A_558, %get3A_559] : memref<4x160x64xf32, #tpu.memory_space<vmem>> -> memref<1x160x64xf32, #tpu.memory_space<vmem>>
          %get3A_561 = tpu.memref_squeeze %get3A_560 : memref<1x160x64xf32, #tpu.memory_space<vmem>> -> memref<160x64xf32, #tpu.memory_space<vmem>>
          %get3A_562 = arith.index_cast %add3A_557 : i32 to index
          %get3A_563 = arith.constant 32 : index
          %get3A_564 = tpu.vector_load %get3A_561[%get3A_562, %get3A_563] {strides = array<i32>} : memref<160x64xf32, #tpu.memory_space<vmem>>, vector<1x16xf32>,
          %get3A_565 = vector.shape_cast %get3A_564 : vector<1x16xf32> to vector<16xf32>
          %add3A_566 = arith.addf %add3A_522, %get3A_565 : vector<16xf32>
          %add3A_567 = arith.constant 3 : i32
          %add3A_568 = arith.addi %add3A_401, %add3A_567 : i32
          %get3A_569 = arith.constant 0 : i32
          %get3A_570 = arith.constant 0 : i32
          %get3A_571 = tpu.memref_slice %arg6[%scan3A_115, %get3A_569, %get3A_570] : memref<4x160x64xf32, #tpu.memory_space<vmem>> -> memref<1x160x64xf32, #tpu.memory_space<vmem>>
          %get3A_572 = tpu.memref_squeeze %get3A_571 : memref<1x160x64xf32, #tpu.memory_space<vmem>> -> memref<160x64xf32, #tpu.memory_space<vmem>>
          %get3A_573 = arith.index_cast %add3A_568 : i32 to index
          %get3A_574 = arith.constant 48 : index
          %get3A_575 = tpu.vector_load %get3A_572[%get3A_573, %get3A_574] {strides = array<i32>} : memref<160x64xf32, #tpu.memory_space<vmem>>, vector<1x16xf32>,
          %get3A_576 = vector.shape_cast %get3A_575 : vector<1x16xf32> to vector<16xf32>
          %add3A_577 = arith.addf %add3A_533, %get3A_576 : vector<16xf32>
          %add3A_578 = arith.constant 4 : i32
          %add3A_579 = arith.addi %add3A_401, %add3A_578 : i32
          %get3A_580 = arith.constant 0 : i32
          %get3A_581 = arith.constant 0 : i32
          %get3A_582 = tpu.memref_slice %arg6[%scan3A_115, %get3A_580, %get3A_581] : memref<4x160x64xf32, #tpu.memory_space<vmem>> -> memref<1x160x64xf32, #tpu.memory_space<vmem>>
          %get3A_583 = tpu.memref_squeeze %get3A_582 : memref<1x160x64xf32, #tpu.memory_space<vmem>> -> memref<160x64xf32, #tpu.memory_space<vmem>>
          %get3A_584 = arith.index_cast %add3A_579 : i32 to index
          %get3A_585 = arith.constant 0 : index
          %get3A_586 = tpu.vector_load %get3A_583[%get3A_584, %get3A_585] {strides = array<i32>} : memref<160x64xf32, #tpu.memory_space<vmem>>, vector<1x16xf32>,
          %get3A_587 = vector.shape_cast %get3A_586 : vector<1x16xf32> to vector<16xf32>
          %add3A_588 = arith.addf %add3A_544, %get3A_587 : vector<16xf32>
          %add3A_589 = arith.constant 4 : i32
          %add3A_590 = arith.addi %add3A_401, %add3A_589 : i32
          %get3A_591 = arith.constant 0 : i32
          %get3A_592 = arith.constant 0 : i32
          %get3A_593 = tpu.memref_slice %arg6[%scan3A_115, %get3A_591, %get3A_592] : memref<4x160x64xf32, #tpu.memory_space<vmem>> -> memref<1x160x64xf32, #tpu.memory_space<vmem>>
          %get3A_594 = tpu.memref_squeeze %get3A_593 : memref<1x160x64xf32, #tpu.memory_space<vmem>> -> memref<160x64xf32, #tpu.memory_space<vmem>>
          %get3A_595 = arith.index_cast %add3A_590 : i32 to index
          %get3A_596 = arith.constant 16 : index
          %get3A_597 = tpu.vector_load %get3A_594[%get3A_595, %get3A_596] {strides = array<i32>} : memref<160x64xf32, #tpu.memory_space<vmem>>, vector<1x16xf32>,
          %get3A_598 = vector.shape_cast %get3A_597 : vector<1x16xf32> to vector<16xf32>
          %add3A_599 = arith.addf %add3A_555, %get3A_598 : vector<16xf32>
          %add3A_600 = arith.constant 4 : i32
          %add3A_601 = arith.addi %add3A_401, %add3A_600 : i32
          %get3A_602 = arith.constant 0 : i32
          %get3A_603 = arith.constant 0 : i32
          %get3A_604 = tpu.memref_slice %arg6[%scan3A_115, %get3A_602, %get3A_603] : memref<4x160x64xf32, #tpu.memory_space<vmem>> -> memref<1x160x64xf32, #tpu.memory_space<vmem>>
          %get3A_605 = tpu.memref_squeeze %get3A_604 : memref<1x160x64xf32, #tpu.memory_space<vmem>> -> memref<160x64xf32, #tpu.memory_space<vmem>>
          %get3A_606 = arith.index_cast %add3A_601 : i32 to index
          %get3A_607 = arith.constant 32 : index
          %get3A_608 = tpu.vector_load %get3A_605[%get3A_606, %get3A_607] {strides = array<i32>} : memref<160x64xf32, #tpu.memory_space<vmem>>, vector<1x16xf32>,
          %get3A_609 = vector.shape_cast %get3A_608 : vector<1x16xf32> to vector<16xf32>
          %add3A_610 = arith.addf %add3A_566, %get3A_609 : vector<16xf32>
          %add3A_611 = arith.constant 4 : i32
          %add3A_612 = arith.addi %add3A_401, %add3A_611 : i32
          %get3A_613 = arith.constant 0 : i32
          %get3A_614 = arith.constant 0 : i32
          %get3A_615 = tpu.memref_slice %arg6[%scan3A_115, %get3A_613, %get3A_614] : memref<4x160x64xf32, #tpu.memory_space<vmem>> -> memref<1x160x64xf32, #tpu.memory_space<vmem>>
          %get3A_616 = tpu.memref_squeeze %get3A_615 : memref<1x160x64xf32, #tpu.memory_space<vmem>> -> memref<160x64xf32, #tpu.memory_space<vmem>>
          %get3A_617 = arith.index_cast %add3A_612 : i32 to index
          %get3A_618 = arith.constant 48 : index
          %get3A_619 = tpu.vector_load %get3A_616[%get3A_617, %get3A_618] {strides = array<i32>} : memref<160x64xf32, #tpu.memory_space<vmem>>, vector<1x16xf32>,
          %get3A_620 = vector.shape_cast %get3A_619 : vector<1x16xf32> to vector<16xf32>
          %add3A_621 = arith.addf %add3A_577, %get3A_620 : vector<16xf32>
          scf.yield %add3A_588, %add3A_599, %add3A_610, %add3A_621 : vector<16xf32>, vector<16xf32>, vector<16xf32>, vector<16xf32>
        }
        %scan3A_365 = arith.constant 3 : i32
        %mul3A_366 = arith.constant 8 : i32
        %mul3A_367 = arith.muli %add3A_95, %mul3A_366 : i32
        %add3A_368 = arith.addi %mul3A_367, %scan3A_150 : i32
        %mul3A_369 = arith.constant 64 : i32
        %mul3A_370 = arith.muli %add3A_368, %mul3A_369 : i32
        %add3A_371 = arith.constant 0 : i32
        %add3A_372 = arith.addi %mul3A_370, %add3A_371 : i32
        %swap3A = arith.index_cast %add3A_372 : i32 to index
        %swap3A_373 = tpu.vector_load %arg7[%swap3A] {strides = array<i32>} : memref<8192xf32, #tpu.memory_space<vmem>>, vector<16xf32>,
        %swap3A_374 = vector.shape_cast %swap3A_373 : vector<16xf32> to vector<16xf32>
        %swap3A_375 = vector.shape_cast %scan3A_364#0 : vector<16xf32> to vector<16xf32>
        tpu.vector_store %arg7[%swap3A], %swap3A_375 {strides = array<i32>} : memref<8192xf32, #tpu.memory_space<vmem>>, vector<16xf32>,
        %add3A_376 = arith.constant 16 : i32
        %add3A_377 = arith.addi %mul3A_370, %add3A_376 : i32
        %swap3A_378 = arith.index_cast %add3A_377 : i32 to index
        %swap3A_379 = tpu.vector_load %arg7[%swap3A_378] {strides = array<i32>} : memref<8192xf32, #tpu.memory_space<vmem>>, vector<16xf32>,
        %swap3A_380 = vector.shape_cast %swap3A_379 : vector<16xf32> to vector<16xf32>
        %swap3A_381 = vector.shape_cast %scan3A_364#1 : vector<16xf32> to vector<16xf32>
        tpu.vector_store %arg7[%swap3A_378], %swap3A_381 {strides = array<i32>} : memref<8192xf32, #tpu.memory_space<vmem>>, vector<16xf32>,
        %add3A_382 = arith.constant 32 : i32
        %add3A_383 = arith.addi %mul3A_370, %add3A_382 : i32
        %swap3A_384 = arith.index_cast %add3A_383 : i32 to index
        %swap3A_385 = tpu.vector_load %arg7[%swap3A_384] {strides = array<i32>} : memref<8192xf32, #tpu.memory_space<vmem>>, vector<16xf32>,
        %swap3A_386 = vector.shape_cast %swap3A_385 : vector<16xf32> to vector<16xf32>
        %swap3A_387 = vector.shape_cast %scan3A_364#2 : vector<16xf32> to vector<16xf32>
        tpu.vector_store %arg7[%swap3A_384], %swap3A_387 {strides = array<i32>} : memref<8192xf32, #tpu.memory_space<vmem>>, vector<16xf32>,
        %add3A_388 = arith.constant 48 : i32
        %add3A_389 = arith.addi %mul3A_370, %add3A_388 : i32
        %swap3A_390 = arith.index_cast %add3A_389 : i32 to index
        %swap3A_391 = tpu.vector_load %arg7[%swap3A_390] {strides = array<i32>} : memref<8192xf32, #tpu.memory_space<vmem>>, vector<16xf32>,
        %swap3A_392 = vector.shape_cast %swap3A_391 : vector<16xf32> to vector<16xf32>
        %swap3A_393 = vector.shape_cast %scan3A_364#3 : vector<16xf32> to vector<16xf32>
        tpu.vector_store %arg7[%swap3A_390], %swap3A_393 {strides = array<i32>} : memref<8192xf32, #tpu.memory_space<vmem>>, vector<16xf32>,
      }
      %scan3A_120 = arith.constant 8 : i32
      %mul3A_121 = arith.constant 4 : i32
      %mul3A_122 = arith.muli %scan3A_38, %mul3A_121 : i32
      %add3A_123 = arith.constant 3 : i32
      %add3A_124 = arith.addi %mul3A_122, %add3A_123 : i32
      %dma_wait3A_125 = arith.constant 3 : i32
      %dma_wait3A_126 = arith.constant 0 : i32
      %dma_wait3A_127 = arith.constant 0 : i32
      %dma_wait3A_128 = tpu.memref_slice %arg6[%dma_wait3A_125, %dma_wait3A_126, %dma_wait3A_127] : memref<4x160x64xf32, #tpu.memory_space<vmem>> -> memref<1x160x64xf32, #tpu.memory_space<vmem>>
      %dma_wait3A_129 = tpu.memref_squeeze %dma_wait3A_128 : memref<1x160x64xf32, #tpu.memory_space<vmem>> -> memref<160x64xf32, #tpu.memory_space<vmem>>
      %dma_wait3A_130 = arith.constant 0 : i32
      %dma_wait3A_131 = tpu.memref_slice %arg5[%dma_wait3A_130] : memref<2560xi32, #tpu.memory_space<vmem>> -> memref<160xi32, #tpu.memory_space<vmem>>
      %dma_wait3A_132 = arith.constant 0 : i32
      %dma_wait3A_133 = arith.constant 0 : i32
      %dma_wait3A_134 = tpu.memref_slice %arg3[%dma_wait3A_132, %dma_wait3A_133] : memref<2000x64xf32, #tpu.memory_space<hbm>> -> memref<2000x64xf32, #tpu.memory_space<hbm>>
      tpu.wait_indirect_dma semaphore(%arg11 : memref<!tpu.dma_semaphore, #tpu.memory_space<semaphore_mem>>) src(%dma_wait3A_134 : memref<2000x64xf32, #tpu.memory_space<hbm>>) dst(%dma_wait3A_129 : memref<160x64xf32, #tpu.memory_space<vmem>>)
      %add3A_135 = arith.constant 4 : i32
      %add3A_136 = arith.addi %add3A_124, %add3A_135 : i32
      %sub3A_137 = arith.constant 1 : i32
      %sub3A_138 = arith.subi %add3A_136, %sub3A_137 : i32
      %lt3A_139 = arith.constant 16 : i32
      %lt3A_140 = arith.cmpi slt, %sub3A_138, %lt3A_139 : i32
      %convert_element_type3A_141 = arith.extui %lt3A_140 : i1 to i32
      %cond3A_142 = arith.constant 0 : i32
      %cond3A_143 = arith.cmpi ne, %convert_element_type3A_141, %cond3A_142 : i32
      scf.if %cond3A_143 {
        %mul3A_150 = arith.constant 160 : i32
        %mul3A_151 = arith.muli %sub3A_138, %mul3A_150 : i32
        %dma_start3A_152 = arith.constant 2 : i32
        %dma_start3A_153 = arith.constant 0 : i32
        %dma_start3A_154 = arith.constant 0 : i32
        %dma_start3A_155 = tpu.memref_slice %arg6[%dma_start3A_152, %dma_start3A_153, %dma_start3A_154] : memref<4x160x64xf32, #tpu.memory_space<vmem>> -> memref<1x160x64xf32, #tpu.memory_space<vmem>>
        %dma_start3A_156 = tpu.memref_squeeze %dma_start3A_155 : memref<1x160x64xf32, #tpu.memory_space<vmem>> -> memref<160x64xf32, #tpu.memory_space<vmem>>
        %dma_start3A_157 = tpu.memref_slice %arg5[%mul3A_151] : memref<2560xi32, #tpu.memory_space<vmem>> -> memref<160xi32, #tpu.memory_space<vmem>>
        %dma_start3A_158 = arith.constant 0 : i32
        %dma_start3A_159 = arith.constant 0 : i32
        %dma_start3A_160 = tpu.memref_slice %arg3[%dma_start3A_158, %dma_start3A_159] : memref<2000x64xf32, #tpu.memory_space<hbm>> -> memref<2000x64xf32, #tpu.memory_space<hbm>>
        tpu.enqueue_indirect_dma source(%dma_start3A_160 : memref<2000x64xf32, #tpu.memory_space<hbm>>) target(%dma_start3A_156 : memref<160x64xf32, #tpu.memory_space<vmem>>) offsets(%dma_start3A_157 : memref<160xi32, #tpu.memory_space<vmem>>) semaphore(%arg10 : memref<!tpu.dma_semaphore, #tpu.memory_space<semaphore_mem>>)
      } else {
      }
      %scan3A_144 = arith.constant 3 : i32
      %scan3A_145 = arith.constant 0 : i32
      %scan3A_146 = arith.constant 8 : i32
      %scan3A_147 = arith.addi %scan3A_145, %scan3A_146 : i32
      %scan3A_148 = arith.constant 1 : i32
      scf.for %scan3A_150 = %scan3A_145 to %scan3A_147 step %scan3A_148  : i32 {
        %mul3A_151 = arith.constant 20 : i32
        %mul3A_152 = arith.muli %scan3A_150, %mul3A_151 : i32
        %get3A = arith.constant 0 : i32
        %get3A_153 = arith.constant 0 : i32
        %get3A_154 = tpu.memref_slice %arg6[%scan3A_144, %get3A, %get3A_153] : memref<4x160x64xf32, #tpu.memory_space<vmem>> -> memref<1x160x64xf32, #tpu.memory_space<vmem>>
        %get3A_155 = tpu.memref_squeeze %get3A_154 : memref<1x160x64xf32, #tpu.memory_space<vmem>> -> memref<160x64xf32, #tpu.memory_space<vmem>>
        %get3A_156 = arith.index_cast %mul3A_152 : i32 to index
        %get3A_157 = arith.constant 0 : index
        %get3A_158 = tpu.vector_load %get3A_155[%get3A_156, %get3A_157] {strides = array<i32>} : memref<160x64xf32, #tpu.memory_space<vmem>>, vector<1x16xf32>,
        %get3A_159 = vector.shape_cast %get3A_158 : vector<1x16xf32> to vector<16xf32>
        %get3A_160 = arith.constant 0 : i32
        %get3A_161 = arith.constant 0 : i32
        %get3A_162 = tpu.memref_slice %arg6[%scan3A_144, %get3A_160, %get3A_161] : memref<4x160x64xf32, #tpu.memory_space<vmem>> -> memref<1x160x64xf32, #tpu.memory_space<vmem>>
        %get3A_163 = tpu.memref_squeeze %get3A_162 : memref<1x160x64xf32, #tpu.memory_space<vmem>> -> memref<160x64xf32, #tpu.memory_space<vmem>>
        %get3A_164 = arith.index_cast %mul3A_152 : i32 to index
        %get3A_165 = arith.constant 16 : index
        %get3A_166 = tpu.vector_load %get3A_163[%get3A_164, %get3A_165] {strides = array<i32>} : memref<160x64xf32, #tpu.memory_space<vmem>>, vector<1x16xf32>,
        %get3A_167 = vector.shape_cast %get3A_166 : vector<1x16xf32> to vector<16xf32>
        %get3A_168 = arith.constant 0 : i32
        %get3A_169 = arith.constant 0 : i32
        %get3A_170 = tpu.memref_slice %arg6[%scan3A_144, %get3A_168, %get3A_169] : memref<4x160x64xf32, #tpu.memory_space<vmem>> -> memref<1x160x64xf32, #tpu.memory_space<vmem>>
        %get3A_171 = tpu.memref_squeeze %get3A_170 : memref<1x160x64xf32, #tpu.memory_space<vmem>> -> memref<160x64xf32, #tpu.memory_space<vmem>>
        %get3A_172 = arith.index_cast %mul3A_152 : i32 to index
        %get3A_173 = arith.constant 32 : index
        %get3A_174 = tpu.vector_load %get3A_171[%get3A_172, %get3A_173] {strides = array<i32>} : memref<160x64xf32, #tpu.memory_space<vmem>>, vector<1x16xf32>,
        %get3A_175 = vector.shape_cast %get3A_174 : vector<1x16xf32> to vector<16xf32>
        %get3A_176 = arith.constant 0 : i32
        %get3A_177 = arith.constant 0 : i32
        %get3A_178 = tpu.memref_slice %arg6[%scan3A_144, %get3A_176, %get3A_177] : memref<4x160x64xf32, #tpu.memory_space<vmem>> -> memref<1x160x64xf32, #tpu.memory_space<vmem>>
        %get3A_179 = tpu.memref_squeeze %get3A_178 : memref<1x160x64xf32, #tpu.memory_space<vmem>> -> memref<160x64xf32, #tpu.memory_space<vmem>>
        %get3A_180 = arith.index_cast %mul3A_152 : i32 to index
        %get3A_181 = arith.constant 48 : index
        %get3A_182 = tpu.vector_load %get3A_179[%get3A_180, %get3A_181] {strides = array<i32>} : memref<160x64xf32, #tpu.memory_space<vmem>>, vector<1x16xf32>,
        %get3A_183 = vector.shape_cast %get3A_182 : vector<1x16xf32> to vector<16xf32>
        %add3A_184 = arith.constant 1 : i32
        %add3A_185 = arith.addi %mul3A_152, %add3A_184 : i32
        %get3A_186 = arith.constant 0 : i32
        %get3A_187 = arith.constant 0 : i32
        %get3A_188 = tpu.memref_slice %arg6[%scan3A_144, %get3A_186, %get3A_187] : memref<4x160x64xf32, #tpu.memory_space<vmem>> -> memref<1x160x64xf32, #tpu.memory_space<vmem>>
        %get3A_189 = tpu.memref_squeeze %get3A_188 : memref<1x160x64xf32, #tpu.memory_space<vmem>> -> memref<160x64xf32, #tpu.memory_space<vmem>>
        %get3A_190 = arith.index_cast %add3A_185 : i32 to index
        %get3A_191 = arith.constant 0 : index
        %get3A_192 = tpu.vector_load %get3A_189[%get3A_190, %get3A_191] {strides = array<i32>} : memref<160x64xf32, #tpu.memory_space<vmem>>, vector<1x16xf32>,
        %get3A_193 = vector.shape_cast %get3A_192 : vector<1x16xf32> to vector<16xf32>
        %add3A_194 = arith.addf %get3A_159, %get3A_193 : vector<16xf32>
        %add3A_195 = arith.constant 1 : i32
        %add3A_196 = arith.addi %mul3A_152, %add3A_195 : i32
        %get3A_197 = arith.constant 0 : i32
        %get3A_198 = arith.constant 0 : i32
        %get3A_199 = tpu.memref_slice %arg6[%scan3A_144, %get3A_197, %get3A_198] : memref<4x160x64xf32, #tpu.memory_space<vmem>> -> memref<1x160x64xf32, #tpu.memory_space<vmem>>
        %get3A_200 = tpu.memref_squeeze %get3A_199 : memref<1x160x64xf32, #tpu.memory_space<vmem>> -> memref<160x64xf32, #tpu.memory_space<vmem>>
        %get3A_201 = arith.index_cast %add3A_196 : i32 to index
        %get3A_202 = arith.constant 16 : index
        %get3A_203 = tpu.vector_load %get3A_200[%get3A_201, %get3A_202] {strides = array<i32>} : memref<160x64xf32, #tpu.memory_space<vmem>>, vector<1x16xf32>,
        %get3A_204 = vector.shape_cast %get3A_203 : vector<1x16xf32> to vector<16xf32>
        %add3A_205 = arith.addf %get3A_167, %get3A_204 : vector<16xf32>
        %add3A_206 = arith.constant 1 : i32
        %add3A_207 = arith.addi %mul3A_152, %add3A_206 : i32
        %get3A_208 = arith.constant 0 : i32
        %get3A_209 = arith.constant 0 : i32
        %get3A_210 = tpu.memref_slice %arg6[%scan3A_144, %get3A_208, %get3A_209] : memref<4x160x64xf32, #tpu.memory_space<vmem>> -> memref<1x160x64xf32, #tpu.memory_space<vmem>>
        %get3A_211 = tpu.memref_squeeze %get3A_210 : memref<1x160x64xf32, #tpu.memory_space<vmem>> -> memref<160x64xf32, #tpu.memory_space<vmem>>
        %get3A_212 = arith.index_cast %add3A_207 : i32 to index
        %get3A_213 = arith.constant 32 : index
        %get3A_214 = tpu.vector_load %get3A_211[%get3A_212, %get3A_213] {strides = array<i32>} : memref<160x64xf32, #tpu.memory_space<vmem>>, vector<1x16xf32>,
        %get3A_215 = vector.shape_cast %get3A_214 : vector<1x16xf32> to vector<16xf32>
        %add3A_216 = arith.addf %get3A_175, %get3A_215 : vector<16xf32>
        %add3A_217 = arith.constant 1 : i32
        %add3A_218 = arith.addi %mul3A_152, %add3A_217 : i32
        %get3A_219 = arith.constant 0 : i32
        %get3A_220 = arith.constant 0 : i32
        %get3A_221 = tpu.memref_slice %arg6[%scan3A_144, %get3A_219, %get3A_220] : memref<4x160x64xf32, #tpu.memory_space<vmem>> -> memref<1x160x64xf32, #tpu.memory_space<vmem>>
        %get3A_222 = tpu.memref_squeeze %get3A_221 : memref<1x160x64xf32, #tpu.memory_space<vmem>> -> memref<160x64xf32, #tpu.memory_space<vmem>>
        %get3A_223 = arith.index_cast %add3A_218 : i32 to index
        %get3A_224 = arith.constant 48 : index
        %get3A_225 = tpu.vector_load %get3A_222[%get3A_223, %get3A_224] {strides = array<i32>} : memref<160x64xf32, #tpu.memory_space<vmem>>, vector<1x16xf32>,
        %get3A_226 = vector.shape_cast %get3A_225 : vector<1x16xf32> to vector<16xf32>
        %add3A_227 = arith.addf %get3A_183, %get3A_226 : vector<16xf32>
        %add3A_228 = arith.constant 2 : i32
        %add3A_229 = arith.addi %mul3A_152, %add3A_228 : i32
        %get3A_230 = arith.constant 0 : i32
        %get3A_231 = arith.constant 0 : i32
        %get3A_232 = tpu.memref_slice %arg6[%scan3A_144, %get3A_230, %get3A_231] : memref<4x160x64xf32, #tpu.memory_space<vmem>> -> memref<1x160x64xf32, #tpu.memory_space<vmem>>
        %get3A_233 = tpu.memref_squeeze %get3A_232 : memref<1x160x64xf32, #tpu.memory_space<vmem>> -> memref<160x64xf32, #tpu.memory_space<vmem>>
        %get3A_234 = arith.index_cast %add3A_229 : i32 to index
        %get3A_235 = arith.constant 0 : index
        %get3A_236 = tpu.vector_load %get3A_233[%get3A_234, %get3A_235] {strides = array<i32>} : memref<160x64xf32, #tpu.memory_space<vmem>>, vector<1x16xf32>,
        %get3A_237 = vector.shape_cast %get3A_236 : vector<1x16xf32> to vector<16xf32>
        %add3A_238 = arith.addf %add3A_194, %get3A_237 : vector<16xf32>
        %add3A_239 = arith.constant 2 : i32
        %add3A_240 = arith.addi %mul3A_152, %add3A_239 : i32
        %get3A_241 = arith.constant 0 : i32
        %get3A_242 = arith.constant 0 : i32
        %get3A_243 = tpu.memref_slice %arg6[%scan3A_144, %get3A_241, %get3A_242] : memref<4x160x64xf32, #tpu.memory_space<vmem>> -> memref<1x160x64xf32, #tpu.memory_space<vmem>>
        %get3A_244 = tpu.memref_squeeze %get3A_243 : memref<1x160x64xf32, #tpu.memory_space<vmem>> -> memref<160x64xf32, #tpu.memory_space<vmem>>
        %get3A_245 = arith.index_cast %add3A_240 : i32 to index
        %get3A_246 = arith.constant 16 : index
        %get3A_247 = tpu.vector_load %get3A_244[%get3A_245, %get3A_246] {strides = array<i32>} : memref<160x64xf32, #tpu.memory_space<vmem>>, vector<1x16xf32>,
        %get3A_248 = vector.shape_cast %get3A_247 : vector<1x16xf32> to vector<16xf32>
        %add3A_249 = arith.addf %add3A_205, %get3A_248 : vector<16xf32>
        %add3A_250 = arith.constant 2 : i32
        %add3A_251 = arith.addi %mul3A_152, %add3A_250 : i32
        %get3A_252 = arith.constant 0 : i32
        %get3A_253 = arith.constant 0 : i32
        %get3A_254 = tpu.memref_slice %arg6[%scan3A_144, %get3A_252, %get3A_253] : memref<4x160x64xf32, #tpu.memory_space<vmem>> -> memref<1x160x64xf32, #tpu.memory_space<vmem>>
        %get3A_255 = tpu.memref_squeeze %get3A_254 : memref<1x160x64xf32, #tpu.memory_space<vmem>> -> memref<160x64xf32, #tpu.memory_space<vmem>>
        %get3A_256 = arith.index_cast %add3A_251 : i32 to index
        %get3A_257 = arith.constant 32 : index
        %get3A_258 = tpu.vector_load %get3A_255[%get3A_256, %get3A_257] {strides = array<i32>} : memref<160x64xf32, #tpu.memory_space<vmem>>, vector<1x16xf32>,
        %get3A_259 = vector.shape_cast %get3A_258 : vector<1x16xf32> to vector<16xf32>
        %add3A_260 = arith.addf %add3A_216, %get3A_259 : vector<16xf32>
        %add3A_261 = arith.constant 2 : i32
        %add3A_262 = arith.addi %mul3A_152, %add3A_261 : i32
        %get3A_263 = arith.constant 0 : i32
        %get3A_264 = arith.constant 0 : i32
        %get3A_265 = tpu.memref_slice %arg6[%scan3A_144, %get3A_263, %get3A_264] : memref<4x160x64xf32, #tpu.memory_space<vmem>> -> memref<1x160x64xf32, #tpu.memory_space<vmem>>
        %get3A_266 = tpu.memref_squeeze %get3A_265 : memref<1x160x64xf32, #tpu.memory_space<vmem>> -> memref<160x64xf32, #tpu.memory_space<vmem>>
        %get3A_267 = arith.index_cast %add3A_262 : i32 to index
        %get3A_268 = arith.constant 48 : index
        %get3A_269 = tpu.vector_load %get3A_266[%get3A_267, %get3A_268] {strides = array<i32>} : memref<160x64xf32, #tpu.memory_space<vmem>>, vector<1x16xf32>,
        %get3A_270 = vector.shape_cast %get3A_269 : vector<1x16xf32> to vector<16xf32>
        %add3A_271 = arith.addf %add3A_227, %get3A_270 : vector<16xf32>
        %add3A_272 = arith.constant 3 : i32
        %add3A_273 = arith.addi %mul3A_152, %add3A_272 : i32
        %get3A_274 = arith.constant 0 : i32
        %get3A_275 = arith.constant 0 : i32
        %get3A_276 = tpu.memref_slice %arg6[%scan3A_144, %get3A_274, %get3A_275] : memref<4x160x64xf32, #tpu.memory_space<vmem>> -> memref<1x160x64xf32, #tpu.memory_space<vmem>>
        %get3A_277 = tpu.memref_squeeze %get3A_276 : memref<1x160x64xf32, #tpu.memory_space<vmem>> -> memref<160x64xf32, #tpu.memory_space<vmem>>
        %get3A_278 = arith.index_cast %add3A_273 : i32 to index
        %get3A_279 = arith.constant 0 : index
        %get3A_280 = tpu.vector_load %get3A_277[%get3A_278, %get3A_279] {strides = array<i32>} : memref<160x64xf32, #tpu.memory_space<vmem>>, vector<1x16xf32>,
        %get3A_281 = vector.shape_cast %get3A_280 : vector<1x16xf32> to vector<16xf32>
        %add3A_282 = arith.addf %add3A_238, %get3A_281 : vector<16xf32>
        %add3A_283 = arith.constant 3 : i32
        %add3A_284 = arith.addi %mul3A_152, %add3A_283 : i32
        %get3A_285 = arith.constant 0 : i32
        %get3A_286 = arith.constant 0 : i32
        %get3A_287 = tpu.memref_slice %arg6[%scan3A_144, %get3A_285, %get3A_286] : memref<4x160x64xf32, #tpu.memory_space<vmem>> -> memref<1x160x64xf32, #tpu.memory_space<vmem>>
        %get3A_288 = tpu.memref_squeeze %get3A_287 : memref<1x160x64xf32, #tpu.memory_space<vmem>> -> memref<160x64xf32, #tpu.memory_space<vmem>>
        %get3A_289 = arith.index_cast %add3A_284 : i32 to index
        %get3A_290 = arith.constant 16 : index
        %get3A_291 = tpu.vector_load %get3A_288[%get3A_289, %get3A_290] {strides = array<i32>} : memref<160x64xf32, #tpu.memory_space<vmem>>, vector<1x16xf32>,
        %get3A_292 = vector.shape_cast %get3A_291 : vector<1x16xf32> to vector<16xf32>
        %add3A_293 = arith.addf %add3A_249, %get3A_292 : vector<16xf32>
        %add3A_294 = arith.constant 3 : i32
        %add3A_295 = arith.addi %mul3A_152, %add3A_294 : i32
        %get3A_296 = arith.constant 0 : i32
        %get3A_297 = arith.constant 0 : i32
        %get3A_298 = tpu.memref_slice %arg6[%scan3A_144, %get3A_296, %get3A_297] : memref<4x160x64xf32, #tpu.memory_space<vmem>> -> memref<1x160x64xf32, #tpu.memory_space<vmem>>
        %get3A_299 = tpu.memref_squeeze %get3A_298 : memref<1x160x64xf32, #tpu.memory_space<vmem>> -> memref<160x64xf32, #tpu.memory_space<vmem>>
        %get3A_300 = arith.index_cast %add3A_295 : i32 to index
        %get3A_301 = arith.constant 32 : index
        %get3A_302 = tpu.vector_load %get3A_299[%get3A_300, %get3A_301] {strides = array<i32>} : memref<160x64xf32, #tpu.memory_space<vmem>>, vector<1x16xf32>,
        %get3A_303 = vector.shape_cast %get3A_302 : vector<1x16xf32> to vector<16xf32>
        %add3A_304 = arith.addf %add3A_260, %get3A_303 : vector<16xf32>
        %add3A_305 = arith.constant 3 : i32
        %add3A_306 = arith.addi %mul3A_152, %add3A_305 : i32
        %get3A_307 = arith.constant 0 : i32
        %get3A_308 = arith.constant 0 : i32
        %get3A_309 = tpu.memref_slice %arg6[%scan3A_144, %get3A_307, %get3A_308] : memref<4x160x64xf32, #tpu.memory_space<vmem>> -> memref<1x160x64xf32, #tpu.memory_space<vmem>>
        %get3A_310 = tpu.memref_squeeze %get3A_309 : memref<1x160x64xf32, #tpu.memory_space<vmem>> -> memref<160x64xf32, #tpu.memory_space<vmem>>
        %get3A_311 = arith.index_cast %add3A_306 : i32 to index
        %get3A_312 = arith.constant 48 : index
        %get3A_313 = tpu.vector_load %get3A_310[%get3A_311, %get3A_312] {strides = array<i32>} : memref<160x64xf32, #tpu.memory_space<vmem>>, vector<1x16xf32>,
        %get3A_314 = vector.shape_cast %get3A_313 : vector<1x16xf32> to vector<16xf32>
        %add3A_315 = arith.addf %add3A_271, %get3A_314 : vector<16xf32>
        %add3A_316 = arith.constant 4 : i32
        %add3A_317 = arith.addi %mul3A_152, %add3A_316 : i32
        %get3A_318 = arith.constant 0 : i32
        %get3A_319 = arith.constant 0 : i32
        %get3A_320 = tpu.memref_slice %arg6[%scan3A_144, %get3A_318, %get3A_319] : memref<4x160x64xf32, #tpu.memory_space<vmem>> -> memref<1x160x64xf32, #tpu.memory_space<vmem>>
        %get3A_321 = tpu.memref_squeeze %get3A_320 : memref<1x160x64xf32, #tpu.memory_space<vmem>> -> memref<160x64xf32, #tpu.memory_space<vmem>>
        %get3A_322 = arith.index_cast %add3A_317 : i32 to index
        %get3A_323 = arith.constant 0 : index
        %get3A_324 = tpu.vector_load %get3A_321[%get3A_322, %get3A_323] {strides = array<i32>} : memref<160x64xf32, #tpu.memory_space<vmem>>, vector<1x16xf32>,
        %get3A_325 = vector.shape_cast %get3A_324 : vector<1x16xf32> to vector<16xf32>
        %add3A_326 = arith.addf %add3A_282, %get3A_325 : vector<16xf32>
        %add3A_327 = arith.constant 4 : i32
        %add3A_328 = arith.addi %mul3A_152, %add3A_327 : i32
        %get3A_329 = arith.constant 0 : i32
        %get3A_330 = arith.constant 0 : i32
        %get3A_331 = tpu.memref_slice %arg6[%scan3A_144, %get3A_329, %get3A_330] : memref<4x160x64xf32, #tpu.memory_space<vmem>> -> memref<1x160x64xf32, #tpu.memory_space<vmem>>
        %get3A_332 = tpu.memref_squeeze %get3A_331 : memref<1x160x64xf32, #tpu.memory_space<vmem>> -> memref<160x64xf32, #tpu.memory_space<vmem>>
        %get3A_333 = arith.index_cast %add3A_328 : i32 to index
        %get3A_334 = arith.constant 16 : index
        %get3A_335 = tpu.vector_load %get3A_332[%get3A_333, %get3A_334] {strides = array<i32>} : memref<160x64xf32, #tpu.memory_space<vmem>>, vector<1x16xf32>,
        %get3A_336 = vector.shape_cast %get3A_335 : vector<1x16xf32> to vector<16xf32>
        %add3A_337 = arith.addf %add3A_293, %get3A_336 : vector<16xf32>
        %add3A_338 = arith.constant 4 : i32
        %add3A_339 = arith.addi %mul3A_152, %add3A_338 : i32
        %get3A_340 = arith.constant 0 : i32
        %get3A_341 = arith.constant 0 : i32
        %get3A_342 = tpu.memref_slice %arg6[%scan3A_144, %get3A_340, %get3A_341] : memref<4x160x64xf32, #tpu.memory_space<vmem>> -> memref<1x160x64xf32, #tpu.memory_space<vmem>>
        %get3A_343 = tpu.memref_squeeze %get3A_342 : memref<1x160x64xf32, #tpu.memory_space<vmem>> -> memref<160x64xf32, #tpu.memory_space<vmem>>
        %get3A_344 = arith.index_cast %add3A_339 : i32 to index
        %get3A_345 = arith.constant 32 : index
        %get3A_346 = tpu.vector_load %get3A_343[%get3A_344, %get3A_345] {strides = array<i32>} : memref<160x64xf32, #tpu.memory_space<vmem>>, vector<1x16xf32>,
        %get3A_347 = vector.shape_cast %get3A_346 : vector<1x16xf32> to vector<16xf32>
        %add3A_348 = arith.addf %add3A_304, %get3A_347 : vector<16xf32>
        %add3A_349 = arith.constant 4 : i32
        %add3A_350 = arith.addi %mul3A_152, %add3A_349 : i32
        %get3A_351 = arith.constant 0 : i32
        %get3A_352 = arith.constant 0 : i32
        %get3A_353 = tpu.memref_slice %arg6[%scan3A_144, %get3A_351, %get3A_352] : memref<4x160x64xf32, #tpu.memory_space<vmem>> -> memref<1x160x64xf32, #tpu.memory_space<vmem>>
        %get3A_354 = tpu.memref_squeeze %get3A_353 : memref<1x160x64xf32, #tpu.memory_space<vmem>> -> memref<160x64xf32, #tpu.memory_space<vmem>>
        %get3A_355 = arith.index_cast %add3A_350 : i32 to index
        %get3A_356 = arith.constant 48 : index
        %get3A_357 = tpu.vector_load %get3A_354[%get3A_355, %get3A_356] {strides = array<i32>} : memref<160x64xf32, #tpu.memory_space<vmem>>, vector<1x16xf32>,
        %get3A_358 = vector.shape_cast %get3A_357 : vector<1x16xf32> to vector<16xf32>
        %add3A_359 = arith.addf %add3A_315, %get3A_358 : vector<16xf32>
        %scan3A_360 = arith.constant 1 : i32
        %scan3A_361 = arith.constant 3 : i32
        %scan3A_362 = arith.addi %scan3A_360, %scan3A_361 : i32
        %scan3A_363 = arith.constant 1 : i32
        %scan3A_364:4 = scf.for %scan3A_394 = %scan3A_360 to %scan3A_362 step %scan3A_363 iter_args(%scan3A_395 = %add3A_326, %scan3A_396 = %add3A_337, %scan3A_397 = %add3A_348, %scan3A_398 = %add3A_359) -> (vector<16xf32>, vector<16xf32>, vector<16xf32>, vector<16xf32>)  : i32 {
          %mul3A_399 = arith.constant 5 : i32
          %mul3A_400 = arith.muli %scan3A_394, %mul3A_399 : i32
          %add3A_401 = arith.addi %mul3A_152, %mul3A_400 : i32
          %add3A_402 = arith.constant 0 : i32
          %add3A_403 = arith.addi %add3A_401, %add3A_402 : i32
          %get3A_404 = arith.constant 0 : i32
          %get3A_405 = arith.constant 0 : i32
          %get3A_406 = tpu.memref_slice %arg6[%scan3A_144, %get3A_404, %get3A_405] : memref<4x160x64xf32, #tpu.memory_space<vmem>> -> memref<1x160x64xf32, #tpu.memory_space<vmem>>
          %get3A_407 = tpu.memref_squeeze %get3A_406 : memref<1x160x64xf32, #tpu.memory_space<vmem>> -> memref<160x64xf32, #tpu.memory_space<vmem>>
          %get3A_408 = arith.index_cast %add3A_403 : i32 to index
          %get3A_409 = arith.constant 0 : index
          %get3A_410 = tpu.vector_load %get3A_407[%get3A_408, %get3A_409] {strides = array<i32>} : memref<160x64xf32, #tpu.memory_space<vmem>>, vector<1x16xf32>,
          %get3A_411 = vector.shape_cast %get3A_410 : vector<1x16xf32> to vector<16xf32>
          %add3A_412 = arith.addf %scan3A_395, %get3A_411 : vector<16xf32>
          %add3A_413 = arith.constant 0 : i32
          %add3A_414 = arith.addi %add3A_401, %add3A_413 : i32
          %get3A_415 = arith.constant 0 : i32
          %get3A_416 = arith.constant 0 : i32
          %get3A_417 = tpu.memref_slice %arg6[%scan3A_144, %get3A_415, %get3A_416] : memref<4x160x64xf32, #tpu.memory_space<vmem>> -> memref<1x160x64xf32, #tpu.memory_space<vmem>>
          %get3A_418 = tpu.memref_squeeze %get3A_417 : memref<1x160x64xf32, #tpu.memory_space<vmem>> -> memref<160x64xf32, #tpu.memory_space<vmem>>
          %get3A_419 = arith.index_cast %add3A_414 : i32 to index
          %get3A_420 = arith.constant 16 : index
          %get3A_421 = tpu.vector_load %get3A_418[%get3A_419, %get3A_420] {strides = array<i32>} : memref<160x64xf32, #tpu.memory_space<vmem>>, vector<1x16xf32>,
          %get3A_422 = vector.shape_cast %get3A_421 : vector<1x16xf32> to vector<16xf32>
          %add3A_423 = arith.addf %scan3A_396, %get3A_422 : vector<16xf32>
          %add3A_424 = arith.constant 0 : i32
          %add3A_425 = arith.addi %add3A_401, %add3A_424 : i32
          %get3A_426 = arith.constant 0 : i32
          %get3A_427 = arith.constant 0 : i32
          %get3A_428 = tpu.memref_slice %arg6[%scan3A_144, %get3A_426, %get3A_427] : memref<4x160x64xf32, #tpu.memory_space<vmem>> -> memref<1x160x64xf32, #tpu.memory_space<vmem>>
          %get3A_429 = tpu.memref_squeeze %get3A_428 : memref<1x160x64xf32, #tpu.memory_space<vmem>> -> memref<160x64xf32, #tpu.memory_space<vmem>>
          %get3A_430 = arith.index_cast %add3A_425 : i32 to index
          %get3A_431 = arith.constant 32 : index
          %get3A_432 = tpu.vector_load %get3A_429[%get3A_430, %get3A_431] {strides = array<i32>} : memref<160x64xf32, #tpu.memory_space<vmem>>, vector<1x16xf32>,
          %get3A_433 = vector.shape_cast %get3A_432 : vector<1x16xf32> to vector<16xf32>
          %add3A_434 = arith.addf %scan3A_397, %get3A_433 : vector<16xf32>
          %add3A_435 = arith.constant 0 : i32
          %add3A_436 = arith.addi %add3A_401, %add3A_435 : i32
          %get3A_437 = arith.constant 0 : i32
          %get3A_438 = arith.constant 0 : i32
          %get3A_439 = tpu.memref_slice %arg6[%scan3A_144, %get3A_437, %get3A_438] : memref<4x160x64xf32, #tpu.memory_space<vmem>> -> memref<1x160x64xf32, #tpu.memory_space<vmem>>
          %get3A_440 = tpu.memref_squeeze %get3A_439 : memref<1x160x64xf32, #tpu.memory_space<vmem>> -> memref<160x64xf32, #tpu.memory_space<vmem>>
          %get3A_441 = arith.index_cast %add3A_436 : i32 to index
          %get3A_442 = arith.constant 48 : index
          %get3A_443 = tpu.vector_load %get3A_440[%get3A_441, %get3A_442] {strides = array<i32>} : memref<160x64xf32, #tpu.memory_space<vmem>>, vector<1x16xf32>,
          %get3A_444 = vector.shape_cast %get3A_443 : vector<1x16xf32> to vector<16xf32>
          %add3A_445 = arith.addf %scan3A_398, %get3A_444 : vector<16xf32>
          %add3A_446 = arith.constant 1 : i32
          %add3A_447 = arith.addi %add3A_401, %add3A_446 : i32
          %get3A_448 = arith.constant 0 : i32
          %get3A_449 = arith.constant 0 : i32
          %get3A_450 = tpu.memref_slice %arg6[%scan3A_144, %get3A_448, %get3A_449] : memref<4x160x64xf32, #tpu.memory_space<vmem>> -> memref<1x160x64xf32, #tpu.memory_space<vmem>>
          %get3A_451 = tpu.memref_squeeze %get3A_450 : memref<1x160x64xf32, #tpu.memory_space<vmem>> -> memref<160x64xf32, #tpu.memory_space<vmem>>
          %get3A_452 = arith.index_cast %add3A_447 : i32 to index
          %get3A_453 = arith.constant 0 : index
          %get3A_454 = tpu.vector_load %get3A_451[%get3A_452, %get3A_453] {strides = array<i32>} : memref<160x64xf32, #tpu.memory_space<vmem>>, vector<1x16xf32>,
          %get3A_455 = vector.shape_cast %get3A_454 : vector<1x16xf32> to vector<16xf32>
          %add3A_456 = arith.addf %add3A_412, %get3A_455 : vector<16xf32>
          %add3A_457 = arith.constant 1 : i32
          %add3A_458 = arith.addi %add3A_401, %add3A_457 : i32
          %get3A_459 = arith.constant 0 : i32
          %get3A_460 = arith.constant 0 : i32
          %get3A_461 = tpu.memref_slice %arg6[%scan3A_144, %get3A_459, %get3A_460] : memref<4x160x64xf32, #tpu.memory_space<vmem>> -> memref<1x160x64xf32, #tpu.memory_space<vmem>>
          %get3A_462 = tpu.memref_squeeze %get3A_461 : memref<1x160x64xf32, #tpu.memory_space<vmem>> -> memref<160x64xf32, #tpu.memory_space<vmem>>
          %get3A_463 = arith.index_cast %add3A_458 : i32 to index
          %get3A_464 = arith.constant 16 : index
          %get3A_465 = tpu.vector_load %get3A_462[%get3A_463, %get3A_464] {strides = array<i32>} : memref<160x64xf32, #tpu.memory_space<vmem>>, vector<1x16xf32>,
          %get3A_466 = vector.shape_cast %get3A_465 : vector<1x16xf32> to vector<16xf32>
          %add3A_467 = arith.addf %add3A_423, %get3A_466 : vector<16xf32>
          %add3A_468 = arith.constant 1 : i32
          %add3A_469 = arith.addi %add3A_401, %add3A_468 : i32
          %get3A_470 = arith.constant 0 : i32
          %get3A_471 = arith.constant 0 : i32
          %get3A_472 = tpu.memref_slice %arg6[%scan3A_144, %get3A_470, %get3A_471] : memref<4x160x64xf32, #tpu.memory_space<vmem>> -> memref<1x160x64xf32, #tpu.memory_space<vmem>>
          %get3A_473 = tpu.memref_squeeze %get3A_472 : memref<1x160x64xf32, #tpu.memory_space<vmem>> -> memref<160x64xf32, #tpu.memory_space<vmem>>
          %get3A_474 = arith.index_cast %add3A_469 : i32 to index
          %get3A_475 = arith.constant 32 : index
          %get3A_476 = tpu.vector_load %get3A_473[%get3A_474, %get3A_475] {strides = array<i32>} : memref<160x64xf32, #tpu.memory_space<vmem>>, vector<1x16xf32>,
          %get3A_477 = vector.shape_cast %get3A_476 : vector<1x16xf32> to vector<16xf32>
          %add3A_478 = arith.addf %add3A_434, %get3A_477 : vector<16xf32>
          %add3A_479 = arith.constant 1 : i32
          %add3A_480 = arith.addi %add3A_401, %add3A_479 : i32
          %get3A_481 = arith.constant 0 : i32
          %get3A_482 = arith.constant 0 : i32
          %get3A_483 = tpu.memref_slice %arg6[%scan3A_144, %get3A_481, %get3A_482] : memref<4x160x64xf32, #tpu.memory_space<vmem>> -> memref<1x160x64xf32, #tpu.memory_space<vmem>>
          %get3A_484 = tpu.memref_squeeze %get3A_483 : memref<1x160x64xf32, #tpu.memory_space<vmem>> -> memref<160x64xf32, #tpu.memory_space<vmem>>
          %get3A_485 = arith.index_cast %add3A_480 : i32 to index
          %get3A_486 = arith.constant 48 : index
          %get3A_487 = tpu.vector_load %get3A_484[%get3A_485, %get3A_486] {strides = array<i32>} : memref<160x64xf32, #tpu.memory_space<vmem>>, vector<1x16xf32>,
          %get3A_488 = vector.shape_cast %get3A_487 : vector<1x16xf32> to vector<16xf32>
          %add3A_489 = arith.addf %add3A_445, %get3A_488 : vector<16xf32>
          %add3A_490 = arith.constant 2 : i32
          %add3A_491 = arith.addi %add3A_401, %add3A_490 : i32
          %get3A_492 = arith.constant 0 : i32
          %get3A_493 = arith.constant 0 : i32
          %get3A_494 = tpu.memref_slice %arg6[%scan3A_144, %get3A_492, %get3A_493] : memref<4x160x64xf32, #tpu.memory_space<vmem>> -> memref<1x160x64xf32, #tpu.memory_space<vmem>>
          %get3A_495 = tpu.memref_squeeze %get3A_494 : memref<1x160x64xf32, #tpu.memory_space<vmem>> -> memref<160x64xf32, #tpu.memory_space<vmem>>
          %get3A_496 = arith.index_cast %add3A_491 : i32 to index
          %get3A_497 = arith.constant 0 : index
          %get3A_498 = tpu.vector_load %get3A_495[%get3A_496, %get3A_497] {strides = array<i32>} : memref<160x64xf32, #tpu.memory_space<vmem>>, vector<1x16xf32>,
          %get3A_499 = vector.shape_cast %get3A_498 : vector<1x16xf32> to vector<16xf32>
          %add3A_500 = arith.addf %add3A_456, %get3A_499 : vector<16xf32>
          %add3A_501 = arith.constant 2 : i32
          %add3A_502 = arith.addi %add3A_401, %add3A_501 : i32
          %get3A_503 = arith.constant 0 : i32
          %get3A_504 = arith.constant 0 : i32
          %get3A_505 = tpu.memref_slice %arg6[%scan3A_144, %get3A_503, %get3A_504] : memref<4x160x64xf32, #tpu.memory_space<vmem>> -> memref<1x160x64xf32, #tpu.memory_space<vmem>>
          %get3A_506 = tpu.memref_squeeze %get3A_505 : memref<1x160x64xf32, #tpu.memory_space<vmem>> -> memref<160x64xf32, #tpu.memory_space<vmem>>
          %get3A_507 = arith.index_cast %add3A_502 : i32 to index
          %get3A_508 = arith.constant 16 : index
          %get3A_509 = tpu.vector_load %get3A_506[%get3A_507, %get3A_508] {strides = array<i32>} : memref<160x64xf32, #tpu.memory_space<vmem>>, vector<1x16xf32>,
          %get3A_510 = vector.shape_cast %get3A_509 : vector<1x16xf32> to vector<16xf32>
          %add3A_511 = arith.addf %add3A_467, %get3A_510 : vector<16xf32>
          %add3A_512 = arith.constant 2 : i32
          %add3A_513 = arith.addi %add3A_401, %add3A_512 : i32
          %get3A_514 = arith.constant 0 : i32
          %get3A_515 = arith.constant 0 : i32
          %get3A_516 = tpu.memref_slice %arg6[%scan3A_144, %get3A_514, %get3A_515] : memref<4x160x64xf32, #tpu.memory_space<vmem>> -> memref<1x160x64xf32, #tpu.memory_space<vmem>>
          %get3A_517 = tpu.memref_squeeze %get3A_516 : memref<1x160x64xf32, #tpu.memory_space<vmem>> -> memref<160x64xf32, #tpu.memory_space<vmem>>
          %get3A_518 = arith.index_cast %add3A_513 : i32 to index
          %get3A_519 = arith.constant 32 : index
          %get3A_520 = tpu.vector_load %get3A_517[%get3A_518, %get3A_519] {strides = array<i32>} : memref<160x64xf32, #tpu.memory_space<vmem>>, vector<1x16xf32>,
          %get3A_521 = vector.shape_cast %get3A_520 : vector<1x16xf32> to vector<16xf32>
          %add3A_522 = arith.addf %add3A_478, %get3A_521 : vector<16xf32>
          %add3A_523 = arith.constant 2 : i32
          %add3A_524 = arith.addi %add3A_401, %add3A_523 : i32
          %get3A_525 = arith.constant 0 : i32
          %get3A_526 = arith.constant 0 : i32
          %get3A_527 = tpu.memref_slice %arg6[%scan3A_144, %get3A_525, %get3A_526] : memref<4x160x64xf32, #tpu.memory_space<vmem>> -> memref<1x160x64xf32, #tpu.memory_space<vmem>>
          %get3A_528 = tpu.memref_squeeze %get3A_527 : memref<1x160x64xf32, #tpu.memory_space<vmem>> -> memref<160x64xf32, #tpu.memory_space<vmem>>
          %get3A_529 = arith.index_cast %add3A_524 : i32 to index
          %get3A_530 = arith.constant 48 : index
          %get3A_531 = tpu.vector_load %get3A_528[%get3A_529, %get3A_530] {strides = array<i32>} : memref<160x64xf32, #tpu.memory_space<vmem>>, vector<1x16xf32>,
          %get3A_532 = vector.shape_cast %get3A_531 : vector<1x16xf32> to vector<16xf32>
          %add3A_533 = arith.addf %add3A_489, %get3A_532 : vector<16xf32>
          %add3A_534 = arith.constant 3 : i32
          %add3A_535 = arith.addi %add3A_401, %add3A_534 : i32
          %get3A_536 = arith.constant 0 : i32
          %get3A_537 = arith.constant 0 : i32
          %get3A_538 = tpu.memref_slice %arg6[%scan3A_144, %get3A_536, %get3A_537] : memref<4x160x64xf32, #tpu.memory_space<vmem>> -> memref<1x160x64xf32, #tpu.memory_space<vmem>>
          %get3A_539 = tpu.memref_squeeze %get3A_538 : memref<1x160x64xf32, #tpu.memory_space<vmem>> -> memref<160x64xf32, #tpu.memory_space<vmem>>
          %get3A_540 = arith.index_cast %add3A_535 : i32 to index
          %get3A_541 = arith.constant 0 : index
          %get3A_542 = tpu.vector_load %get3A_539[%get3A_540, %get3A_541] {strides = array<i32>} : memref<160x64xf32, #tpu.memory_space<vmem>>, vector<1x16xf32>,
          %get3A_543 = vector.shape_cast %get3A_542 : vector<1x16xf32> to vector<16xf32>
          %add3A_544 = arith.addf %add3A_500, %get3A_543 : vector<16xf32>
          %add3A_545 = arith.constant 3 : i32
          %add3A_546 = arith.addi %add3A_401, %add3A_545 : i32
          %get3A_547 = arith.constant 0 : i32
          %get3A_548 = arith.constant 0 : i32
          %get3A_549 = tpu.memref_slice %arg6[%scan3A_144, %get3A_547, %get3A_548] : memref<4x160x64xf32, #tpu.memory_space<vmem>> -> memref<1x160x64xf32, #tpu.memory_space<vmem>>
          %get3A_550 = tpu.memref_squeeze %get3A_549 : memref<1x160x64xf32, #tpu.memory_space<vmem>> -> memref<160x64xf32, #tpu.memory_space<vmem>>
          %get3A_551 = arith.index_cast %add3A_546 : i32 to index
          %get3A_552 = arith.constant 16 : index
          %get3A_553 = tpu.vector_load %get3A_550[%get3A_551, %get3A_552] {strides = array<i32>} : memref<160x64xf32, #tpu.memory_space<vmem>>, vector<1x16xf32>,
          %get3A_554 = vector.shape_cast %get3A_553 : vector<1x16xf32> to vector<16xf32>
          %add3A_555 = arith.addf %add3A_511, %get3A_554 : vector<16xf32>
          %add3A_556 = arith.constant 3 : i32
          %add3A_557 = arith.addi %add3A_401, %add3A_556 : i32
          %get3A_558 = arith.constant 0 : i32
          %get3A_559 = arith.constant 0 : i32
          %get3A_560 = tpu.memref_slice %arg6[%scan3A_144, %get3A_558, %get3A_559] : memref<4x160x64xf32, #tpu.memory_space<vmem>> -> memref<1x160x64xf32, #tpu.memory_space<vmem>>
          %get3A_561 = tpu.memref_squeeze %get3A_560 : memref<1x160x64xf32, #tpu.memory_space<vmem>> -> memref<160x64xf32, #tpu.memory_space<vmem>>
          %get3A_562 = arith.index_cast %add3A_557 : i32 to index
          %get3A_563 = arith.constant 32 : index
          %get3A_564 = tpu.vector_load %get3A_561[%get3A_562, %get3A_563] {strides = array<i32>} : memref<160x64xf32, #tpu.memory_space<vmem>>, vector<1x16xf32>,
          %get3A_565 = vector.shape_cast %get3A_564 : vector<1x16xf32> to vector<16xf32>
          %add3A_566 = arith.addf %add3A_522, %get3A_565 : vector<16xf32>
          %add3A_567 = arith.constant 3 : i32
          %add3A_568 = arith.addi %add3A_401, %add3A_567 : i32
          %get3A_569 = arith.constant 0 : i32
          %get3A_570 = arith.constant 0 : i32
          %get3A_571 = tpu.memref_slice %arg6[%scan3A_144, %get3A_569, %get3A_570] : memref<4x160x64xf32, #tpu.memory_space<vmem>> -> memref<1x160x64xf32, #tpu.memory_space<vmem>>
          %get3A_572 = tpu.memref_squeeze %get3A_571 : memref<1x160x64xf32, #tpu.memory_space<vmem>> -> memref<160x64xf32, #tpu.memory_space<vmem>>
          %get3A_573 = arith.index_cast %add3A_568 : i32 to index
          %get3A_574 = arith.constant 48 : index
          %get3A_575 = tpu.vector_load %get3A_572[%get3A_573, %get3A_574] {strides = array<i32>} : memref<160x64xf32, #tpu.memory_space<vmem>>, vector<1x16xf32>,
          %get3A_576 = vector.shape_cast %get3A_575 : vector<1x16xf32> to vector<16xf32>
          %add3A_577 = arith.addf %add3A_533, %get3A_576 : vector<16xf32>
          %add3A_578 = arith.constant 4 : i32
          %add3A_579 = arith.addi %add3A_401, %add3A_578 : i32
          %get3A_580 = arith.constant 0 : i32
          %get3A_581 = arith.constant 0 : i32
          %get3A_582 = tpu.memref_slice %arg6[%scan3A_144, %get3A_580, %get3A_581] : memref<4x160x64xf32, #tpu.memory_space<vmem>> -> memref<1x160x64xf32, #tpu.memory_space<vmem>>
          %get3A_583 = tpu.memref_squeeze %get3A_582 : memref<1x160x64xf32, #tpu.memory_space<vmem>> -> memref<160x64xf32, #tpu.memory_space<vmem>>
          %get3A_584 = arith.index_cast %add3A_579 : i32 to index
          %get3A_585 = arith.constant 0 : index
          %get3A_586 = tpu.vector_load %get3A_583[%get3A_584, %get3A_585] {strides = array<i32>} : memref<160x64xf32, #tpu.memory_space<vmem>>, vector<1x16xf32>,
          %get3A_587 = vector.shape_cast %get3A_586 : vector<1x16xf32> to vector<16xf32>
          %add3A_588 = arith.addf %add3A_544, %get3A_587 : vector<16xf32>
          %add3A_589 = arith.constant 4 : i32
          %add3A_590 = arith.addi %add3A_401, %add3A_589 : i32
          %get3A_591 = arith.constant 0 : i32
          %get3A_592 = arith.constant 0 : i32
          %get3A_593 = tpu.memref_slice %arg6[%scan3A_144, %get3A_591, %get3A_592] : memref<4x160x64xf32, #tpu.memory_space<vmem>> -> memref<1x160x64xf32, #tpu.memory_space<vmem>>
          %get3A_594 = tpu.memref_squeeze %get3A_593 : memref<1x160x64xf32, #tpu.memory_space<vmem>> -> memref<160x64xf32, #tpu.memory_space<vmem>>
          %get3A_595 = arith.index_cast %add3A_590 : i32 to index
          %get3A_596 = arith.constant 16 : index
          %get3A_597 = tpu.vector_load %get3A_594[%get3A_595, %get3A_596] {strides = array<i32>} : memref<160x64xf32, #tpu.memory_space<vmem>>, vector<1x16xf32>,
          %get3A_598 = vector.shape_cast %get3A_597 : vector<1x16xf32> to vector<16xf32>
          %add3A_599 = arith.addf %add3A_555, %get3A_598 : vector<16xf32>
          %add3A_600 = arith.constant 4 : i32
          %add3A_601 = arith.addi %add3A_401, %add3A_600 : i32
          %get3A_602 = arith.constant 0 : i32
          %get3A_603 = arith.constant 0 : i32
          %get3A_604 = tpu.memref_slice %arg6[%scan3A_144, %get3A_602, %get3A_603] : memref<4x160x64xf32, #tpu.memory_space<vmem>> -> memref<1x160x64xf32, #tpu.memory_space<vmem>>
          %get3A_605 = tpu.memref_squeeze %get3A_604 : memref<1x160x64xf32, #tpu.memory_space<vmem>> -> memref<160x64xf32, #tpu.memory_space<vmem>>
          %get3A_606 = arith.index_cast %add3A_601 : i32 to index
          %get3A_607 = arith.constant 32 : index
          %get3A_608 = tpu.vector_load %get3A_605[%get3A_606, %get3A_607] {strides = array<i32>} : memref<160x64xf32, #tpu.memory_space<vmem>>, vector<1x16xf32>,
          %get3A_609 = vector.shape_cast %get3A_608 : vector<1x16xf32> to vector<16xf32>
          %add3A_610 = arith.addf %add3A_566, %get3A_609 : vector<16xf32>
          %add3A_611 = arith.constant 4 : i32
          %add3A_612 = arith.addi %add3A_401, %add3A_611 : i32
          %get3A_613 = arith.constant 0 : i32
          %get3A_614 = arith.constant 0 : i32
          %get3A_615 = tpu.memref_slice %arg6[%scan3A_144, %get3A_613, %get3A_614] : memref<4x160x64xf32, #tpu.memory_space<vmem>> -> memref<1x160x64xf32, #tpu.memory_space<vmem>>
          %get3A_616 = tpu.memref_squeeze %get3A_615 : memref<1x160x64xf32, #tpu.memory_space<vmem>> -> memref<160x64xf32, #tpu.memory_space<vmem>>
          %get3A_617 = arith.index_cast %add3A_612 : i32 to index
          %get3A_618 = arith.constant 48 : index
          %get3A_619 = tpu.vector_load %get3A_616[%get3A_617, %get3A_618] {strides = array<i32>} : memref<160x64xf32, #tpu.memory_space<vmem>>, vector<1x16xf32>,
          %get3A_620 = vector.shape_cast %get3A_619 : vector<1x16xf32> to vector<16xf32>
          %add3A_621 = arith.addf %add3A_577, %get3A_620 : vector<16xf32>
          scf.yield %add3A_588, %add3A_599, %add3A_610, %add3A_621 : vector<16xf32>, vector<16xf32>, vector<16xf32>, vector<16xf32>
        }
        %scan3A_365 = arith.constant 3 : i32
        %mul3A_366 = arith.constant 8 : i32
        %mul3A_367 = arith.muli %add3A_124, %mul3A_366 : i32
        %add3A_368 = arith.addi %mul3A_367, %scan3A_150 : i32
        %mul3A_369 = arith.constant 64 : i32
        %mul3A_370 = arith.muli %add3A_368, %mul3A_369 : i32
        %add3A_371 = arith.constant 0 : i32
        %add3A_372 = arith.addi %mul3A_370, %add3A_371 : i32
        %swap3A = arith.index_cast %add3A_372 : i32 to index
        %swap3A_373 = tpu.vector_load %arg7[%swap3A] {strides = array<i32>} : memref<8192xf32, #tpu.memory_space<vmem>>, vector<16xf32>,
        %swap3A_374 = vector.shape_cast %swap3A_373 : vector<16xf32> to vector<16xf32>
        %swap3A_375 = vector.shape_cast %scan3A_364#0 : vector<16xf32> to vector<16xf32>
        tpu.vector_store %arg7[%swap3A], %swap3A_375 {strides = array<i32>} : memref<8192xf32, #tpu.memory_space<vmem>>, vector<16xf32>,
        %add3A_376 = arith.constant 16 : i32
        %add3A_377 = arith.addi %mul3A_370, %add3A_376 : i32
        %swap3A_378 = arith.index_cast %add3A_377 : i32 to index
        %swap3A_379 = tpu.vector_load %arg7[%swap3A_378] {strides = array<i32>} : memref<8192xf32, #tpu.memory_space<vmem>>, vector<16xf32>,
        %swap3A_380 = vector.shape_cast %swap3A_379 : vector<16xf32> to vector<16xf32>
        %swap3A_381 = vector.shape_cast %scan3A_364#1 : vector<16xf32> to vector<16xf32>
        tpu.vector_store %arg7[%swap3A_378], %swap3A_381 {strides = array<i32>} : memref<8192xf32, #tpu.memory_space<vmem>>, vector<16xf32>,
        %add3A_382 = arith.constant 32 : i32
        %add3A_383 = arith.addi %mul3A_370, %add3A_382 : i32
        %swap3A_384 = arith.index_cast %add3A_383 : i32 to index
        %swap3A_385 = tpu.vector_load %arg7[%swap3A_384] {strides = array<i32>} : memref<8192xf32, #tpu.memory_space<vmem>>, vector<16xf32>,
        %swap3A_386 = vector.shape_cast %swap3A_385 : vector<16xf32> to vector<16xf32>
        %swap3A_387 = vector.shape_cast %scan3A_364#2 : vector<16xf32> to vector<16xf32>
        tpu.vector_store %arg7[%swap3A_384], %swap3A_387 {strides = array<i32>} : memref<8192xf32, #tpu.memory_space<vmem>>, vector<16xf32>,
        %add3A_388 = arith.constant 48 : i32
        %add3A_389 = arith.addi %mul3A_370, %add3A_388 : i32
        %swap3A_390 = arith.index_cast %add3A_389 : i32 to index
        %swap3A_391 = tpu.vector_load %arg7[%swap3A_390] {strides = array<i32>} : memref<8192xf32, #tpu.memory_space<vmem>>, vector<16xf32>,
        %swap3A_392 = vector.shape_cast %swap3A_391 : vector<16xf32> to vector<16xf32>
        %swap3A_393 = vector.shape_cast %scan3A_364#3 : vector<16xf32> to vector<16xf32>
        tpu.vector_store %arg7[%swap3A_390], %swap3A_393 {strides = array<i32>} : memref<8192xf32, #tpu.memory_space<vmem>>, vector<16xf32>,
      }
      %scan3A_149 = arith.constant 8 : i32
    }
    %scan3A_35 = arith.constant 4 : i32
    %mul3A_36 = arith.constant 8192 : i32
    %mul3A_37 = arith.muli %add3A, %mul3A_36 : i32
    "tpu.region"() ({
      %run_scoped3A = tpu.sem_alloc : memref<!tpu.dma_semaphore, #tpu.memory_space<semaphore_mem>>
      %dma_start3A_38 = tpu.memref_slice %arg4[%mul3A_37] : memref<262144xf32, #tpu.memory_space<hbm>> -> memref<8192xf32, #tpu.memory_space<hbm>>
      %dma_start3A_39 = tpu.memref_slice %arg4[%mul3A_37] : memref<262144xf32, #tpu.memory_space<hbm>> -> memref<8192xf32, #tpu.memory_space<hbm>>
      tpu.enqueue_dma source(%arg7 : memref<8192xf32, #tpu.memory_space<vmem>>) target(%dma_start3A_39 : memref<8192xf32, #tpu.memory_space<hbm>>) target_semaphore(%run_scoped3A : memref<!tpu.dma_semaphore, #tpu.memory_space<semaphore_mem>>)
      %dma_wait3A = tpu.memref_slice %arg4[%mul3A_37] : memref<262144xf32, #tpu.memory_space<hbm>> -> memref<8192xf32, #tpu.memory_space<hbm>>
      %dma_wait3A_40 = tpu.memref_slice %arg4[%mul3A_37] : memref<262144xf32, #tpu.memory_space<hbm>> -> memref<8192xf32, #tpu.memory_space<hbm>>
      tpu.wait_dma2 semaphore(%run_scoped3A : memref<!tpu.dma_semaphore, #tpu.memory_space<semaphore_mem>>) src(%arg7 : memref<8192xf32, #tpu.memory_space<vmem>>) dst(%dma_wait3A_40 : memref<8192xf32, #tpu.memory_space<hbm>>)
      tpu.yield
    }) : () -> ()
    return
  }
}

</mosaic_0001>

<sc_bundles>
// kernel: kernel.4.cloned.1.call-start
scs
__scs_entry_jumppad:
0x0: {  	(pc) =	sbr.rel $0x88, $3  }
0x1: {  	(tag) =	ssettag $0x0;
	lr =	simm.s32 $0x1  }
0x2: {  	[smem:$0x3F9D] =	sst lr;
	_ =	strace $0xD0000000  }
0x3: {  	_ = 	snop  }
0x4: {  	_ = 	snop  }
0x5: {  	_ = 	snop  }
0x6: {  	_ = 	snop  }
0x7: {  	_ = 	snop  }
__scs_overlays_trampoline_lowered:
0x8: {  	[smem:$0x3FAC] =	sst s0  }
0x9: {  	[smem:$0x3FAD] =	sst s1  }
0xa: {  	[smem:$0x3FAE] =	sst s2  }
0xb: {  	[smem:$0x3FAF] =	sst s3  }
0xc: {  	[smem:$0x3FB0] =	sst s4  }
0xd: {  	[smem:$0x3FB1] =	sst s5  }
0xe: {  	[smem:$0x3FB2] =	sst s6  }
0xf: {  	[smem:$0x3FB3] =	sst s7  }
0x10: {  	[smem:$0x3FB4] =	sst s8  }
0x11: {  	[smem:$0x3FB5] =	sst s9;
	s0 =	simm.s32 @!p0 $0x0  }
0x12: {  	s1 =	sld [smem:$0x3F9B];
	s0 =	simm.s32 @p0 $0x1  }
0x13: {  	[smem:$0x3FB6] =	sst s0;
	s0 =	simm.s32 @!p1 $0x0  }
0x14: {  	s2 =	sld [smem:$0x3F9A];
	s0 =	simm.s32 @p1 $0x1  }
0x15: {  	[smem:$0x3FB7] =	sst s0;
	s0 =	simm.s32 @!p2 $0x0  }
0x16: {  	s3 =	sld [smem:$0x3FDB];
	s0 =	simm.s32 @p2 $0x1  }
0x17: {  	s4 =	simm.s32 $0x1BF5;
	[smem:$0x3FB9] =	sst s0  }
0x18: {  	s0 =	sld [smem:$0x3F9C];
	_ =	swait.ge [sflag:s4], $0x0  }
0x19: {  	s7 =	sld [smem:$0x3F9D]  }
0x1a: {  	s8 =	sadd.s32 $0xFFFFE003, lr  }
0x1b: {  	s9 =	sadd.s32 $0xFFFFFEF7, lr;
	s5 =	simm.s32 $0xFFFFFFFF;
	p2 =	slt.u32 s8, $0xFFFFF086  }
0x1c: {  	p1 =	slt.u32 s9, $0xF7A;
	s5 =	simm.s32 @!p2 $0x0  }
0x1d: {  	s5 =	simm.s32 @p1 $0x1;
	p0 =	seq.s32 s7, s2  }
0x1e: {  	s7 =	smul.u32 @!p0 $0xF7A, s2;
	p2 =	seq.s32 @!p0 s5, $0x0  }
0x1f: {  	s9 =	smul.u32 $0xF7A, s1;
	s8 =	simm.s32 @!p0 $0x1BF5;
	p2 =	por !p2, p0  }
0x20: {  	[sflag:s8] =	ssyncset.s32 @!p0 $0xFFFFF086;
	s6 =	sadd.s32 @!p0 s3, s7;
	s7 =	simm.s32 @!p0 $0x108  }
0x21: {  	s3 =	sadd.s32 s3, s9;
	s6 =	sadd.s32 @!p0 $0x88, s6;
	s7 =	simm.s32 @p2 $0x1082  }
0x22: {  	[simem:s7], [sflag:s8] =	dma.local @!p0 [hbm:s6], $0xF7A  }
0x23: {  	s9 =	sor.u32 $0xD0000000, s2;
	s6 =	simm.s32 $0x108;
	_ =	swait.ge @!p0 [sflag:s8], $0x0  }
0x24: {  	s3 =	sadd.s32 $0x88, s3;
	s6 =	simm.s32 @!p1 $0x1082;
	[sflag:s4] =	ssyncset.s32 $0xFFFFF086  }
0x25: {  	[simem:s6], [sflag:s4] =	dma.local [hbm:s3], $0xF7A  }
0x26: {  	[smem:$0x3F9D] =	sst s1;
	(tag) =	ssettag s2;
	_ =	strace s9  }
0x27: {  	s1 =	sld [smem:$0x3FAD]  }
0x28: {  	s2 =	sld [smem:$0x3FAE]  }
0x29: {  	s4 =	sld [smem:$0x3FB0]  }
0x2a: {  	p0 =	seq.s32 s5, $0x0;
	s5 =	sld [smem:$0x3FB1]  }
0x2b: {  	s6 =	sld [smem:$0x3FB2]  }
0x2c: {  	s7 =	sld [smem:$0x3FB3]  }
0x2d: {  	s3 =	simm.s32 $0x108;
	s8 =	sld [smem:$0x3FB4]  }
0x2e: {  	s3 =	simm.s32 @!p0 $0x1082;
	s9 =	sld [smem:$0x3FB5]  }
0x2f: {  	lr =	sadd.s32 s0, s3;
	s0 =	sld [smem:$0x3FAC]  }
0x30: {  	s3 =	sld [smem:$0x3FAF]  }
0x31: {  	[smem:$0x3FB8] =	sst s10  }
0x32: {  	s10 =	sld [smem:$0x3FB6];
	_ =	sdelay $0x3  }
0x33: {  	p0 =	seq.s32 s10, $0x1;
	s10 =	sld [smem:$0x3FB8];
	_ =	sdelay $0x3  }
0x34: {  	[smem:$0x3FB8] =	sst s10  }
0x35: {  	s10 =	sld [smem:$0x3FB7];
	_ =	sdelay $0x3  }
0x36: {  	p1 =	seq.s32 s10, $0x1;
	s10 =	sld [smem:$0x3FB8];
	_ =	sdelay $0x3  }
0x37: {  	[smem:$0x3FB8] =	sst s10  }
0x38: {  	s10 =	sld [smem:$0x3FB9]  }
0x39: {  	_ = 	snop;
	(pc) =	sbr.ind lr, $3  }
0x3a: {  	_ = 	snop  }
0x3b: {  	_ = 	snop  }
0x3c: {  	p2 =	seq.s32 s10, $0x1;
	s10 =	sld [smem:$0x3FB8]  }
0x3d: {  	_ =	shalt  }
0x3e: {  	_ =	shalt  }
0x3f: {  	_ =	shalt  }
0x40: {  	_ =	shalt  }
0x41: {  	_ =	shalt  }
0x42: {  	_ =	shalt  }
0x43: {  	_ =	shalt  }
0x44: {  	_ =	shalt  }
0x45: {  	_ =	shalt  }
0x46: {  	_ =	shalt  }
0x47: {  	_ =	shalt  }
0x48: {  	_ =	shalt  }
0x49: {  	_ =	shalt  }
0x4a: {  	_ =	shalt  }
0x4b: {  	_ =	shalt  }
0x4c: {  	_ =	shalt  }
0x4d: {  	_ =	shalt  }
0x4e: {  	_ =	shalt  }
0x4f: {  	_ =	shalt  }
0x50: {  	_ =	shalt  }
0x51: {  	_ =	shalt  }
0x52: {  	_ =	shalt  }
0x53: {  	_ =	shalt  }
0x54: {  	_ =	shalt  }
0x55: {  	_ =	shalt  }
0x56: {  	_ =	shalt  }
0x57: {  	_ =	shalt  }
0x58: {  	_ =	shalt  }
0x59: {  	_ =	shalt  }
0x5a: {  	_ =	shalt  }
0x5b: {  	_ =	shalt  }
0x5c: {  	_ =	shalt  }
0x5d: {  	_ =	shalt  }
0x5e: {  	_ =	shalt  }
0x5f: {  	_ =	shalt  }
0x60: {  	_ =	shalt  }
0x61: {  	_ =	shalt  }
0x62: {  	_ =	shalt  }
0x63: {  	_ =	shalt  }
0x64: {  	_ =	shalt  }
0x65: {  	_ =	shalt  }
0x66: {  	_ =	shalt  }
0x67: {  	_ =	shalt  }
0x68: {  	_ =	shalt  }
0x69: {  	_ =	shalt  }
0x6a: {  	_ =	shalt  }
0x6b: {  	_ =	shalt  }
0x6c: {  	_ =	shalt  }
0x6d: {  	_ =	shalt  }
0x6e: {  	_ =	shalt  }
0x6f: {  	_ =	shalt  }
0x70: {  	_ =	shalt  }
0x71: {  	_ =	shalt  }
0x72: {  	_ =	shalt  }
0x73: {  	_ =	shalt  }
0x74: {  	_ =	shalt  }
0x75: {  	_ =	shalt  }
0x76: {  	_ =	shalt  }
0x77: {  	_ =	shalt  }
0x78: {  	_ =	shalt  }
0x79: {  	_ =	shalt  }
0x7a: {  	_ =	shalt  }
0x7b: {  	_ =	shalt  }
0x7c: {  	_ =	shalt  }
0x7d: {  	_ =	shalt  }
0x7e: {  	_ =	shalt  }
0x7f: {  	_ =	shalt  }
0x80: {  	_ =	shalt  }
0x81: {  	_ =	shalt  }
0x82: {  	_ =	shalt  }
0x83: {  	_ =	shalt  }
0x84: {  	_ =	shalt  }
0x85: {  	_ =	shalt  }
0x86: {  	_ =	shalt  }
0x87: {  	_ =	shalt  }
.Lfunc_end0:
.L_simem_size_0:
called_computation_lowered:
.L_overlay_start_0:
0x88: {  	s2 =	sld [smem:$0x3FD9]  }
0x89: {  	s3 =	sld [smem:$0x3FFE];
	_ =	sdelay $0x1  }
0x8a: {  	s1 =	srdreg.scid  }
0x8b: {  	s0 =	sand.u32 $0x1, s1  }
0x8c: {  	s15 =	sshll.u32 s0, $0xA;
	s2 =	sadd.s32 s3, s2  }
0x8d: {  	s2 =	sadd.s32 s2, s15  }
0x8e: {  	[smem:$0x3FC4] =	sst s2  }
0x8f: {  	_ = 	snop  }
0x90: {  	s2 =	sld [smem:$0x3FD0];
	_ =	sdelay $0x2  }
0x91: {  	s16 =	simm.s32 $0xB;
	s4 =	simm.s32 $0x10  }
0x92: {  	[smem:s4], [sflag:s16] =	dma.local [hbm:s2], $0x1  }
0x93: {  	_ =	swait.eq [sflag:s16], $0x1  }
0x94: {  	[sflag:s16] =	ssyncset.done $0x0  }
0x95: {  	[sflag:s16] =	ssyncadd.s32 $0xFFFFFFFF  }
0x96: {  	s17 =	sld [smem:$0x11];
	(tm) =	ssettm $0x1  }
0x97: {  	s18 =	sld [smem:$0x3FFB];
	_ =	sdelay $0x3  }
0x98: {  	_ =	strace s18  }
0x99: {  	s2 =	sld [smem:$0x3FFC];
	_ =	sdelay $0x3  }
0x9a: {  	_ =	strace s2  }
0x9b: {  	s2 =	sld [smem:$0x3FFD];
	_ =	sdelay $0x3  }
0x9c: {  	_ =	strace s2  }
0x9d: {  	_ =	strace $0x8FFFFFFF  }
0x9e: {  	s19 =	sld [smem:$0x3FDB];
	_ =	sdelay $0x1  }
0x9f: {  	s20 =	simm.s32 $_scs_section_size  }
0xa0: {  	s5 =	simm.s32 $_size__tile_overlayer_lowered;
	s6 =	simm.s32 $_tile_overlayer_lowered  }
0xa1: {  	s7 =	simm.s32 $0x1BFF;
	s21 =	sshll.u32 s6, $0x1;
	s4 =	sadd.s32 s20, s19  }
0xa2: {  	s22 =	simm.s32 $0x0;
	s5 =	sshll.u32 s5, $0x1;
	s6 =	sadd.s32 s21, s4  }
0xa3: {  	[timem:s22], [sflag:s7] =	dma.local [hbm:s6], s5  }
0xa4: {  	_ =	swait.ge [sflag:s7], s5  }
0xa5: {  	s5 =	ssub.s32 $0x0, s5;
	[sflag:s7] =	ssyncset.done $0x0  }
0xa6: {  	[sflag:s7] =	ssyncadd.s32 s5;
	_ =	sdelay $0x1  }
0xa7: {  	s23 =	simm.s32 $0x1B8B  }
0xa8: {  	_ =	swait.ge [sflag:s23], $0x1  }
0xa9: {  	[sflag:s23] =	ssyncset.done $0x0  }
0xaa: {  	[sflag:s23] =	ssyncadd.s32 $0xFFFFFFFF  }
0xab: {  	s5 =	sld [smem:$0x0]  }
0xac: {  	s6 =	sand.u32 $0xFFFFFFFE, s1  }
0xad: {  	p0 =	sne.s32 s1, s6  }
0xae: {  	s6 =	sshll.u32 @p0 s6, $0xE  }
0xaf: {  	s6 =	sadd.s32 @p0 $0x11B8D, s6;
	s7 =	sshll.u32 @p0 s5, $0x11  }
0xb0: {  	s6 =	sor.u32 @p0 s7, s6  }
0xb1: {  	[sflag:s6] =	ssyncadd.remote.s32 @p0 $0x1;
	_ =	sdelay $0x1  }
0xb2: {  	s6 =	simm.s32 @p0 $0x1B8D  }
0xb3: {  	_ =	swait.eq @p0 [sflag:s6], $0x1  }
0xb4: {  	[sflag:s6] =	ssyncadd.s32 @p0 $0xFFFFFFFF  }
0xb5: {  	s7 =	sshll.u32 @!p0 s1, $0xE  }
0xb6: {  	s7 =	sor.u32 @!p0 $0x4000, s7;
	s6 =	simm.s32 @!p0 $0x1B8D  }
0xb7: {  	s5 =	sshll.u32 @!p0 s5, $0x11;
	s7 =	sadd.s32 @!p0 $0x11B8D, s7;
	_ =	swait.eq @!p0 [sflag:s6], $0x1  }
0xb8: {  	s5 =	sor.u32 @!p0 s5, s7;
	[sflag:s6] =	ssyncadd.s32 @!p0 $0xFFFFFFFF  }
0xb9: {  	s25 =	simm.s32 $0x1B8E;
	s24 =	sld [smem:$0x3FFE];
	[sflag:s5] =	ssyncadd.remote.s32 @!p0 $0x1  }
0xba: {  	s26 =	simm.s32 $execute0_lowered;
	[smem:$0x3FD2] =	sst s25  }
0xbb: {  	s6 =	sshll.u32 s26, $0x1;
	_ =	strace $0x80000049;
	[dreg:$0x1] =	wrdreg $0xFFFFFFFF  }
0xbc: {  	s28 =	simm.s32 $_size_execute0_lowered;
	s4 =	sadd.s32 s4, s6;
	[dreg:$0x0] =	wrdreg $0x0  }
0xbd: {  	s6 =	sshll.u32 s28, $0x1;
	[dreg:$0x2] =	wrdreg s4  }
0xbe: {  	[dreg:$0x3] =	wrdreg s6  }
0xbf: {  	[dreg:$0x4] =	wrdreg $0xC0  }
0xc0: {  	_ =	task [dreg:s22], $0x5FFFF  }
0xc1: {  	[dreg:$0x1] =	wrdreg $0xFFFFFFFF  }
0xc2: {  	[dreg:$0x0] =	wrdreg $0x60  }
0xc3: {  	[dreg:$0x2] =	wrdreg s24  }
0xc4: {  	[dreg:$0x3] =	wrdreg s17  }
0xc5: {  	[dreg:$0x4] =	wrdreg $0x9  }
0xc6: {  	_ =	task.clear_ibuf [dreg:s22], $0x5FFFF;
	_ =	strace $0x90000049  }
0xc7: {  	s29 =	simm.s32 $0x9;
	_ =	strace $0x8000004B  }
0xc8: {  	_ =	swait.ge [sflag:s29], $0x1  }
0xc9: {  	[sflag:s29] =	ssyncadd.s32 $0xFFFFFFFF  }
0xca: {  	_ =	strace $0x9000004B  }
0xcb: {  	_ =	sfence  }
0xcc: {  	s30 =	sld [smem:$0x0];
	_ =	sdelay $0x2  }
0xcd: {  	s31 =	sshll.u32 s1, $0xD;
	s1 =	sshrl.u32 s1, $0x2  }
0xce: {  	s4 =	sand.u32 $0x4000, s31;
	s1 =	sadd.s32 s1, s30  }
0xcf: {  	s0 =	sor.u32 s4, s0;
	s1 =	sshll.u32 s1, $0x11  }
0xd0: {  	s0 =	sor.u32 s1, s0  }
0xd1: {  	s0 =	sadd.s32 $0x8F2B, s0  }
0xd2: {  	[sflag:s0] =	ssyncadd.remote.s32 $0x1  }
0xd3: {  	_ =	sfence.sel $0xFFFF  }
0xd4: {  	[dreg:$0x0] =	wrdreg $0xFFFFFFFF;
	(pc) =	sbr.abs _section_cstart, $3  }
0xd5: {  	[dreg:$0x1] =	wrdreg $0xFFFFFFFF  }
0xd6: {  	_ =	task.clear_ibuf [dreg:s22], $0x2FFFF;
	_ =	strace $0x9FFFFFFF  }
0xd7: {  	(tm) =	ssettm $0x7FFFFFFF  }
tec
execute0_lowered:
.L_overlay_start_1:
0x0: {  	(tag) =	ssettag $0x1  }
0x1: {  	s3 =	rddreg [dreg:$0x0];
	s1 =	srdreg.scid  }
0x2: {  	s0 =	stileid.u32;
	s5 =	rddreg [dreg:$0x1]  }
0x3: {  	s2 =	simm.s32 $0x0;
	s9 =	simm.s32 $0xA00;
	s10 =	simm.s32 $0x3200  }
0x4: {  	s11 =	simm.s32 $0x140;
	s12 =	simm.s32 $0x5A00;
	s13 =	simm.s32 $0x1  }
0x5: {  	s14 =	simm.s32 $0x8200;
	s15 =	simm.s32 $0x2;
	s16 =	simm.s32 $0x3  }
0x6: {  	s17 =	simm.s32 $0x4;
	s18 =	simm.s32 $0xAA00;
	s19 =	simm.s32 $0x0  }
0x7: {  	s4 =	sand.u32 $0x1, s1;
	s6 =	sshll.u32 s0, $0x1;
	s1 =	rddreg [dreg:$0x2]  }
0x8: {  	[smem:$0x7FF] =	sst s2;
	s6 =	sor.u32 s4, s6;
	s4 =	ssub.s32 $0x2, s4  }
0x9: {  	s7 =	smul.u32 $0x140, s6;
	s8 =	sshrl.u32 s4, $0x1;
	s6 =	sshll.u32 s6, $0xA  }
0xa: {  	_ =	strace $0x8000004A;
	s8 =	ssub.s32 s4, s8;
	s5 =	sadd.s32 s5, s6  }
0xb: {  	s7 =	sadd.s32 s7, s3;
	s3 =	sadd.s32 $0x3600, s3;
	s6 =	smax.u32 s8, $0x1  }
0xc: {  	s8 =	simm.s32 $0xA0;
	s4 =	sadd.s32 $0xE00, s7;
	s7 =	simm.s32 $0x5  }
.LBB2_1:
0xd: {  	[tilespmem:s2], [sflag:$0x5] =	stream.linear.gather [hbm4b:s4+s2], $0xA00, $0x38;
	[tilespmem:$0xCA00] =	vst v63  }
0xe: {  	_ =	swait.ge [sflag:s7], $0xA00  }
0xf: {  	[sflag:s7] =	ssyncset.done $0x0  }
0x10: {  	[sflag:s7] =	ssyncadd.s32 $0xFFFFF600  }
0x11: {  	[tilespmem:s9], [sflag:$0x1] =	stream.indirect.gather [hbm4b:s3+s8], $0x40, s2, s8, $0xb8;
	[tilespmem:$0xCA00] =	vst v63  }
0x12: {  	s20 =	simm.s32 $0xAA30;
	s21 =	simm.s32 $0xAC30  }
0x13: {  	[tilespmem:s10], [sflag:$0x2] =	stream.indirect.gather [hbm4b:s3+s8], $0x40, s8, s8, $0xb8;
	[tilespmem:$0xCA00] =	vst v63  }
0x14: {  	s22 =	simm.s32 $0xAE30;
	s23 =	simm.s32 $0xB030;
	s24 =	simm.s32 $0x0  }
0x15: {  	[tilespmem:s12], [sflag:$0x3] =	stream.indirect.gather [hbm4b:s3+s8], $0x40, s11, s8, $0xb8;
	[tilespmem:$0xCA00] =	vst v63  }
.LBB2_2:
0x16: {  	s25 =	sshllo.u32 s24, $0x2  }
0x17: {  	_ =	swait.ge [sflag:s13], $0x2800;
	s25 =	smul.u32 $0x280, s25  }
0x18: {  	[sflag:s13] =	ssyncset.done $0x0  }
0x19: {  	[sflag:s13] =	ssyncadd.s32 $0xFFFFD800;
	s25 =	sshra.s32 s25, $0x2  }
0x1a: {  	[tilespmem:s14], [sflag:$0x4] =	stream.indirect.gather [hbm4b:s3+s8], $0x40, s25, s8, $0xb8;
	[tilespmem:$0xCA00] =	vst v63  }
0x1b: {  	s25 =	simm.s32 $0xC80  }
0x1c: {  	v6 =	vld [tilespmem:s25+$0xFFFFFD80]  }
0x1d: {  	v7 =	vld [tilespmem:s25+$0xFFFFFD90]  }
0x1e: {  	v8 =	vld [tilespmem:s25+$0xFFFFFDD0]  }
0x1f: {  	v1 =	vld [tilespmem:s25+$0x250]  }
0x20: {  	v2 =	vld [tilespmem:s25+$0x240]  }
0x21: {  	v3 =	vld [tilespmem:s25+$0x200]  }
0x22: {  	v0 =	vld [tilespmem:s25+$0x1C0]  }
0x23: {  	v9 =	vld [tilespmem:s25+$0x180]  }
0x24: {  	v4 =	vld [tilespmem:s25+$0x210]  }
0x25: {  	v10 =	vld [tilespmem:s25+$0x140]  }
0x26: {  	v5 =	vld [tilespmem:s25+$0x1D0]  }
0x27: {  	v11 =	vld [tilespmem:s25+$0x100]  }
0x28: {  	v12 =	vld [tilespmem:s25+$0x190]  }
0x29: {  	v13 =	vld [tilespmem:s25+$0xC0]  }
0x2a: {  	v14 =	vld [tilespmem:s25+$0x150]  }
0x2b: {  	v15 =	vld [tilespmem:s25+$0x80]  }
0x2c: {  	v16 =	vld [tilespmem:s25+$0x110]  }
0x2d: {  	v17 =	vld [tilespmem:s25+$0xD0]  }
0x2e: {  	v18 =	vld [tilespmem:s25+$0x50]  }
0x2f: {  	v19 =	vld [tilespmem:s25+$0x40]  }
0x30: {  	v20 =	vld [tilespmem:s25+$0x10]  }
0x31: {  	v21 =	vld [tilespmem:s25+$0x0]  }
0x32: {  	v22 =	vld [tilespmem:s25+$0x90]  }
0x33: {  	v23 =	vld [tilespmem:s25+$0xFFFFFFD0]  }
0x34: {  	v24 =	vld [tilespmem:s25+$0xFFFFFFC0]  }
0x35: {  	v25 =	vld [tilespmem:s25+$0xFFFFFF90]  }
0x36: {  	v26 =	vld [tilespmem:s25+$0xFFFFFF80]  }
0x37: {  	v27 =	vld [tilespmem:s25+$0xFFFFFF50]  }
0x38: {  	v28 =	vld [tilespmem:s25+$0xFFFFFF40]  }
0x39: {  	v29 =	vld [tilespmem:s25+$0xFFFFFF10]  }
0x3a: {  	v30 =	vld [tilespmem:s25+$0xFFFFFF00]  }
0x3b: {  	v31 =	vld [tilespmem:s25+$0xFFFFFED0]  }
0x3c: {  	v32 =	vld [tilespmem:s25+$0xFFFFFEC0]  }
0x3d: {  	v33 =	vld [tilespmem:s25+$0xFFFFFE90]  }
0x3e: {  	v34 =	vld [tilespmem:s25+$0xFFFFFE80]  }
0x3f: {  	v35 =	vld [tilespmem:s25+$0xFFFFFE50]  }
0x40: {  	v36 =	vld [tilespmem:s25+$0xFFFFFE40]  }
0x41: {  	v37 =	vld [tilespmem:s25+$0xFFFFFE10]  }
0x42: {  	v38 =	vld [tilespmem:s25+$0xFFFFFDF0]  }
0x43: {  	v39 =	vld [tilespmem:s25+$0xFFFFFE00]  }
0x44: {  	v40 =	vld [tilespmem:s25+$0xFFFFFDC0]  }
0x45: {  	v41 =	vld [tilespmem:s25+$0xFFFFFDE0]  }
0x46: {  	v42 =	vld [tilespmem:s25+$0xFFFFFDA0]  }
0x47: {  	v43 =	vld [tilespmem:s25+$0xFFFFFDB0]  }
0x48: {  	v44 =	vld [tilespmem:s25+$0xFFFFFE20]  }
0x49: {  	v45 =	vld [tilespmem:s25+$0xFFFFFE30];
	v6 =	vadd.f32 v40, v6  }
0x4a: {  	v46 =	vld [tilespmem:s25+$0xFFFFFE60];
	v7 =	vadd.f32 v8, v7  }
0x4b: {  	v47 =	vld [tilespmem:s25+$0xFFFFFE70];
	v41 =	vadd.f32 v41, v42;
	v6 =	vadd.f32 v39, v6  }
0x4c: {  	v49 =	vld [tilespmem:s25+$0xFFFFFEA0];
	v48 =	vadd.f32 v38, v43;
	v7 =	vadd.f32 v37, v7  }
0x4d: {  	v50 =	vld [tilespmem:s25+$0xFFFFFEB0];
	v41 =	vadd.f32 v44, v41;
	v6 =	vadd.f32 v36, v6  }
0x4e: {  	v52 =	vld [tilespmem:s25+$0xFFFFFEE0];
	v51 =	vadd.f32 v45, v48;
	v7 =	vadd.f32 v35, v7  }
0x4f: {  	v53 =	vld [tilespmem:s25+$0xFFFFFEF0];
	v8 =	vadd.f32 v46, v41;
	v6 =	vadd.f32 v34, v6  }
0x50: {  	v55 =	vld [tilespmem:s25+$0xFFFFFF20];
	v54 =	vadd.f32 v47, v51;
	v7 =	vadd.f32 v33, v7  }
0x51: {  	v56 =	vld [tilespmem:s25+$0xFFFFFF30];
	v8 =	vadd.f32 v49, v8;
	v6 =	vadd.f32 v32, v6  }
0x52: {  	v58 =	vld [tilespmem:s25+$0xFFFFFF60];
	v57 =	vadd.f32 v50, v54;
	v7 =	vadd.f32 v31, v7  }
0x53: {  	v59 =	vld [tilespmem:s25+$0xFFFFFF70];
	v8 =	vadd.f32 v52, v8;
	v6 =	vadd.f32 v30, v6  }
0x54: {  	v61 =	vld [tilespmem:s25+$0xFFFFFFA0];
	v60 =	vadd.f32 v53, v57;
	v7 =	vadd.f32 v29, v7  }
0x55: {  	v62 =	vld [tilespmem:s25+$0xFFFFFFB0];
	v8 =	vadd.f32 v55, v8;
	v6 =	vadd.f32 v28, v6  }
0x56: {  	v32 =	vld [tilespmem:s25+$0xFFFFFFE0];
	v63 =	vadd.f32 v56, v60;
	v7 =	vadd.f32 v27, v7  }
0x57: {  	v34 =	vld [tilespmem:s25+$0xFFFFFFF0];
	v8 =	vadd.f32 v58, v8;
	v6 =	vadd.f32 v26, v6  }
0x58: {  	v36 =	vld [tilespmem:s25+$0x20];
	v35 =	vadd.f32 v59, v63;
	v7 =	vadd.f32 v25, v7  }
0x59: {  	v37 =	vld [tilespmem:s25+$0x30];
	v8 =	vadd.f32 v61, v8;
	v6 =	vadd.f32 v24, v6  }
0x5a: {  	v39 =	vld [tilespmem:s25+$0x60];
	v38 =	vadd.f32 v62, v35;
	v7 =	vadd.f32 v23, v7  }
0x5b: {  	v40 =	vld [tilespmem:s25+$0x70];
	v8 =	vadd.f32 v32, v8;
	v6 =	vadd.f32 v21, v6  }
0x5c: {  	v42 =	vld [tilespmem:s25+$0xA0];
	v41 =	vadd.f32 v34, v38;
	v7 =	vadd.f32 v20, v7  }
0x5d: {  	v43 =	vld [tilespmem:s25+$0xB0];
	v8 =	vadd.f32 v36, v8;
	v6 =	vadd.f32 v19, v6  }
0x5e: {  	v45 =	vld [tilespmem:s25+$0xE0];
	v44 =	vadd.f32 v37, v41;
	v7 =	vadd.f32 v18, v7  }
0x5f: {  	v46 =	vld [tilespmem:s25+$0xF0];
	v8 =	vadd.f32 v39, v8;
	v6 =	vadd.f32 v15, v6  }
0x60: {  	v47 =	vld [tilespmem:s25+$0x120];
	v18 =	vadd.f32 v40, v44;
	v7 =	vadd.f32 v22, v7  }
0x61: {  	v48 =	vld [tilespmem:s25+$0x130];
	v8 =	vadd.f32 v42, v8;
	v6 =	vadd.f32 v13, v6  }
0x62: {  	v50 =	vld [tilespmem:s25+$0x160];
	v49 =	vadd.f32 v43, v18;
	v7 =	vadd.f32 v17, v7  }
0x63: {  	v51 =	vld [tilespmem:s25+$0x170];
	v8 =	vadd.f32 v45, v8;
	v6 =	vadd.f32 v11, v6  }
0x64: {  	v52 =	vld [tilespmem:s25+$0x1A0];
	v15 =	vadd.f32 v46, v49;
	v7 =	vadd.f32 v16, v7  }
0x65: {  	v53 =	vld [tilespmem:s25+$0x1B0];
	v8 =	vadd.f32 v47, v8;
	v6 =	vadd.f32 v10, v6  }
0x66: {  	v54 =	vld [tilespmem:s25+$0x1E0];
	v13 =	vadd.f32 v48, v15;
	v7 =	vadd.f32 v14, v7  }
0x67: {  	v55 =	vld [tilespmem:s25+$0x1F0];
	v8 =	vadd.f32 v50, v8;
	v6 =	vadd.f32 v9, v6  }
0x68: {  	v56 =	vld [tilespmem:s25+$0x220];
	v11 =	vadd.f32 v51, v13;
	v7 =	vadd.f32 v12, v7  }
0x69: {  	v57 =	vld [tilespmem:s25+$0x230];
	v8 =	vadd.f32 v52, v8;
	v6 =	vadd.f32 v0, v6  }
0x6a: {  	v59 =	vld [tilespmem:s25+$0x260];
	v58 =	vadd.f32 v53, v11;
	v0 =	vmov s20;
	v5 =	vadd.f32 v5, v7  }
0x6b: {  	v8 =	vadd.f32 v54, v8;
	v3 =	vadd.f32 v3, v6  }
0x6c: {  	v60 =	vld [tilespmem:s25+$0x270];
	v61 =	vadd.f32 v55, v58;
	v4 =	vadd.f32 v4, v5  }
0x6d: {  	v62 =	vadd.f32 v56, v8;
	v2 =	vadd.f32 v2, v3  }
0x6e: {  	s28 =	simm.s32 $0x0;
	v1 =	vadd.f32 v1, v4  }
0x6f: {  	v3 =	vadd.f32 v57, v61;
	v63 =	vadd.f32 v59, v62;
	[tilespmem:v0+s28+$0xFFFFFFD0 ss:$0x1] =	vst.idx.msk $0xffff, v2  }
0x70: {  	[tilespmem:v0+s28+$0xFFFFFFE0 ss:$0x1] =	vst.idx.msk $0xffff, v1  }
0x71: {  	s26 =	simm.s32 $0x100;
	v1 =	vadd.f32 v60, v3;
	[tilespmem:v0+s28+$0xFFFFFFF0 ss:$0x1] =	vst.idx.msk $0xffff, v63  }
.LBB2_3:
0x72: {  	p0 =	sne.s32 s26, $0x700  }
0x73: {  	[tilespmem:v0+s28+$0x0 ss:$0x1] =	vst.idx.msk $0xffff, v1;
	s25 =	sadd.s32 $0x500, s25;
	s28 =	smov.u32 s26;
	s26 =	sadd.s32 $0x100, s26  }
0x74: {  	v17 =	vld [tilespmem:s25+$0xFFFFFD80]  }
0x75: {  	v5 =	vld [tilespmem:s25+$0xFFFFFD90]  }
0x76: {  	v6 =	vld [tilespmem:s25+$0xFFFFFDD0]  }
0x77: {  	v1 =	vld [tilespmem:s25+$0x250]  }
0x78: {  	v2 =	vld [tilespmem:s25+$0x240]  }
0x79: {  	v3 =	vld [tilespmem:s25+$0x200]  }
0x7a: {  	v4 =	vld [tilespmem:s25+$0x1C0]  }
0x7b: {  	v18 =	vadd.f32 v6, v5;
	v5 =	vld [tilespmem:s25+$0x180]  }
0x7c: {  	v6 =	vld [tilespmem:s25+$0x210]  }
0x7d: {  	v7 =	vld [tilespmem:s25+$0x140]  }
0x7e: {  	v8 =	vld [tilespmem:s25+$0x1D0]  }
0x7f: {  	v9 =	vld [tilespmem:s25+$0x100]  }
0x80: {  	v10 =	vld [tilespmem:s25+$0x190]  }
0x81: {  	v11 =	vld [tilespmem:s25+$0xC0]  }
0x82: {  	v12 =	vld [tilespmem:s25+$0x150]  }
0x83: {  	v13 =	vld [tilespmem:s25+$0x80]  }
0x84: {  	v14 =	vld [tilespmem:s25+$0x110]  }
0x85: {  	v15 =	vld [tilespmem:s25+$0xD0]  }
0x86: {  	v19 =	vld [tilespmem:s25+$0x50]  }
0x87: {  	v16 =	vld [tilespmem:s25+$0x40]  }
0x88: {  	v20 =	vld [tilespmem:s25+$0x10]  }
0x89: {  	v21 =	vld [tilespmem:s25+$0x0]  }
0x8a: {  	v22 =	vld [tilespmem:s25+$0x90]  }
0x8b: {  	v23 =	vld [tilespmem:s25+$0xFFFFFFD0]  }
0x8c: {  	v24 =	vld [tilespmem:s25+$0xFFFFFFC0]  }
0x8d: {  	v25 =	vld [tilespmem:s25+$0xFFFFFF90]  }
0x8e: {  	v26 =	vld [tilespmem:s25+$0xFFFFFF80]  }
0x8f: {  	v27 =	vld [tilespmem:s25+$0xFFFFFF50]  }
0x90: {  	v28 =	vld [tilespmem:s25+$0xFFFFFF40]  }
0x91: {  	v29 =	vld [tilespmem:s25+$0xFFFFFF10]  }
0x92: {  	v30 =	vld [tilespmem:s25+$0xFFFFFF00]  }
0x93: {  	v31 =	vld [tilespmem:s25+$0xFFFFFED0]  }
0x94: {  	v32 =	vld [tilespmem:s25+$0xFFFFFEC0]  }
0x95: {  	v33 =	vld [tilespmem:s25+$0xFFFFFE90]  }
0x96: {  	v34 =	vld [tilespmem:s25+$0xFFFFFE80]  }
0x97: {  	v35 =	vld [tilespmem:s25+$0xFFFFFE50]  }
0x98: {  	v36 =	vld [tilespmem:s25+$0xFFFFFE40]  }
0x99: {  	v37 =	vld [tilespmem:s25+$0xFFFFFE10]  }
0x9a: {  	v38 =	vld [tilespmem:s25+$0xFFFFFDF0]  }
0x9b: {  	v39 =	vld [tilespmem:s25+$0xFFFFFE00]  }
0x9c: {  	v40 =	vld [tilespmem:s25+$0xFFFFFDC0]  }
0x9d: {  	v41 =	vld [tilespmem:s25+$0xFFFFFDE0]  }
0x9e: {  	v42 =	vld [tilespmem:s25+$0xFFFFFDA0];
	v18 =	vadd.f32 v37, v18  }
0x9f: {  	v37 =	vld [tilespmem:s25+$0xFFFFFDB0]  }
0xa0: {  	v43 =	vld [tilespmem:s25+$0xFFFFFE20];
	v18 =	vadd.f32 v35, v18  }
0xa1: {  	v17 =	vadd.f32 v40, v17;
	v35 =	vld [tilespmem:s25+$0xFFFFFE30]  }
0xa2: {  	v40 =	vld [tilespmem:s25+$0xFFFFFE60];
	v18 =	vadd.f32 v33, v18  }
0xa3: {  	v33 =	vadd.f32 v41, v42;
	v17 =	vadd.f32 v39, v17;
	v39 =	vld [tilespmem:s25+$0xFFFFFE70]  }
0xa4: {  	v37 =	vadd.f32 v38, v37;
	v38 =	vld [tilespmem:s25+$0xFFFFFEA0];
	v18 =	vadd.f32 v31, v18  }
0xa5: {  	v31 =	vadd.f32 v43, v33;
	v17 =	vadd.f32 v36, v17;
	v33 =	vld [tilespmem:s25+$0xFFFFFEB0]  }
0xa6: {  	v35 =	vadd.f32 v35, v37;
	v36 =	vld [tilespmem:s25+$0xFFFFFEE0];
	v18 =	vadd.f32 v29, v18  }
0xa7: {  	v29 =	vadd.f32 v40, v31;
	v17 =	vadd.f32 v34, v17;
	v31 =	vld [tilespmem:s25+$0xFFFFFEF0]  }
0xa8: {  	v34 =	vadd.f32 v39, v35;
	v35 =	vld [tilespmem:s25+$0xFFFFFF20];
	v18 =	vadd.f32 v27, v18  }
0xa9: {  	v27 =	vadd.f32 v38, v29;
	v17 =	vadd.f32 v32, v17;
	v29 =	vld [tilespmem:s25+$0xFFFFFF30]  }
0xaa: {  	v32 =	vadd.f32 v33, v34;
	v33 =	vld [tilespmem:s25+$0xFFFFFF60];
	v18 =	vadd.f32 v25, v18  }
0xab: {  	v25 =	vadd.f32 v36, v27;
	v17 =	vadd.f32 v30, v17;
	v27 =	vld [tilespmem:s25+$0xFFFFFF70]  }
0xac: {  	v30 =	vadd.f32 v31, v32;
	v31 =	vld [tilespmem:s25+$0xFFFFFFA0];
	v18 =	vadd.f32 v23, v18  }
0xad: {  	v23 =	vadd.f32 v35, v25;
	v17 =	vadd.f32 v28, v17;
	v25 =	vld [tilespmem:s25+$0xFFFFFFB0]  }
0xae: {  	v28 =	vadd.f32 v29, v30;
	v29 =	vld [tilespmem:s25+$0xFFFFFFE0];
	v18 =	vadd.f32 v20, v18  }
0xaf: {  	v20 =	vadd.f32 v33, v23;
	v17 =	vadd.f32 v26, v17;
	v23 =	vld [tilespmem:s25+$0xFFFFFFF0]  }
0xb0: {  	v26 =	vadd.f32 v27, v28;
	v27 =	vld [tilespmem:s25+$0x20];
	v18 =	vadd.f32 v19, v18  }
0xb1: {  	v19 =	vadd.f32 v31, v20;
	v17 =	vadd.f32 v24, v17;
	v20 =	vld [tilespmem:s25+$0x30]  }
0xb2: {  	v24 =	vadd.f32 v25, v26;
	v25 =	vld [tilespmem:s25+$0x60];
	v18 =	vadd.f32 v22, v18  }
0xb3: {  	v19 =	vadd.f32 v29, v19;
	v17 =	vadd.f32 v21, v17;
	v21 =	vld [tilespmem:s25+$0x70]  }
0xb4: {  	v22 =	vadd.f32 v23, v24;
	v23 =	vld [tilespmem:s25+$0xA0];
	v15 =	vadd.f32 v15, v18  }
0xb5: {  	v18 =	vadd.f32 v27, v19;
	v16 =	vadd.f32 v16, v17;
	v17 =	vld [tilespmem:s25+$0xB0]  }
0xb6: {  	v19 =	vadd.f32 v20, v22;
	v20 =	vld [tilespmem:s25+$0xE0];
	v14 =	vadd.f32 v14, v15  }
0xb7: {  	v15 =	vadd.f32 v25, v18;
	v13 =	vadd.f32 v13, v16;
	v16 =	vld [tilespmem:s25+$0xF0]  }
0xb8: {  	v18 =	vadd.f32 v21, v19;
	v19 =	vld [tilespmem:s25+$0x120];
	v12 =	vadd.f32 v12, v14  }
0xb9: {  	v14 =	vadd.f32 v23, v15;
	v11 =	vadd.f32 v11, v13;
	v13 =	vld [tilespmem:s25+$0x130]  }
0xba: {  	v15 =	vadd.f32 v17, v18;
	v17 =	vld [tilespmem:s25+$0x160];
	v10 =	vadd.f32 v10, v12  }
0xbb: {  	v12 =	vadd.f32 v20, v14;
	v9 =	vadd.f32 v9, v11;
	v11 =	vld [tilespmem:s25+$0x170]  }
0xbc: {  	v14 =	vadd.f32 v16, v15;
	v15 =	vld [tilespmem:s25+$0x1A0];
	v8 =	vadd.f32 v8, v10  }
0xbd: {  	v10 =	vadd.f32 v19, v12;
	v7 =	vadd.f32 v7, v9;
	v9 =	vld [tilespmem:s25+$0x1B0]  }
0xbe: {  	v12 =	vadd.f32 v13, v14;
	v13 =	vld [tilespmem:s25+$0x1E0];
	v6 =	vadd.f32 v6, v8  }
0xbf: {  	v8 =	vadd.f32 v17, v10;
	v5 =	vadd.f32 v5, v7;
	v7 =	vld [tilespmem:s25+$0x1F0]  }
0xc0: {  	v10 =	vadd.f32 v11, v12;
	v11 =	vld [tilespmem:s25+$0x220]  }
0xc1: {  	v8 =	vadd.f32 v15, v8;
	v4 =	vadd.f32 v4, v5;
	v5 =	vld [tilespmem:s25+$0x230]  }
0xc2: {  	v9 =	vadd.f32 v9, v10;
	v10 =	vld [tilespmem:s25+$0x260]  }
0xc3: {  	v8 =	vadd.f32 v13, v8;
	v3 =	vadd.f32 v3, v4;
	v4 =	vld [tilespmem:s25+$0x270]  }
0xc4: {  	v7 =	vadd.f32 v7, v9  }
.Ltmp0:
0xc5: {  	v8 =	vadd.f32 v11, v8;
	v2 =	vadd.f32 v2, v3;
	(pc) =	sbr.rel @p0 .LBB2_3-.Ltmp0, $4  }
0xc6: {  	s28 =	sshra.s32 s28, $0x2;
	v3 =	vadd.f32 v5, v7;
	v5 =	vadd.f32 v1, v6  }
0xc7: {  	v6 =	vadd.f32 v10, v8;
	[tilespmem:v0+s28+$0xFFFFFFD0 ss:$0x1] =	vst.idx.msk $0xffff, v2  }
0xc8: {  	v1 =	vadd.f32 v4, v3;
	[tilespmem:v0+s28+$0xFFFFFFE0 ss:$0x1] =	vst.idx.msk $0xffff, v5  }
0xc9: {  	[tilespmem:v0+s28+$0xFFFFFFF0 ss:$0x1] =	vst.idx.msk $0xffff, v6  }
0xca: {  	_ =	sdelay $0x2  }
0xcb: {  	p0 =	seq.s32 s24, $0x3  }
0xcc: {  	[tilespmem:v0+s28+$0x0 ss:$0x1] =	vst.idx.msk $0xffff, v1;
	s25 =	smul.u32 @!p0 $0xA00, s24  }
0xcd: {  	_ =	swait.ge [sflag:s15], $0x2800  }
0xce: {  	s28 =	simm.s32 @!p0 $0xA0;
	[sflag:s15] =	ssyncset.done $0x0;
	s25 =	sshra.s32 @!p0 s25, $0x2  }
0xcf: {  	s29 =	simm.s32 @!p0 $0xA00;
	[sflag:s15] =	ssyncadd.s32 $0xFFFFD800;
	s26 =	sadd.s32 @!p0 $0x280, s25  }
0xd0: {  	[tilespmem:s29], [sflag:$0x1] =	stream.indirect.gather @!p0 [hbm4b:s3+s28], $0x40, s26, s28, $0xb8;
	[tilespmem:$0xCA00] =	vst v63  }
0xd1: {  	s26 =	simm.s32 $0x36F0  }
0xd2: {  	v6 =	vld [tilespmem:s26+$0xFFFFFB10]  }
0xd3: {  	v7 =	vld [tilespmem:s26+$0xFFFFFB20]  }
0xd4: {  	v8 =	vld [tilespmem:s26+$0xFFFFFB60]  }
0xd5: {  	v1 =	vld [tilespmem:s26+$0xFFFFFFE0]  }
0xd6: {  	v2 =	vld [tilespmem:s26+$0xFFFFFFD0]  }
0xd7: {  	v3 =	vld [tilespmem:s26+$0xFFFFFF90]  }
0xd8: {  	v0 =	vld [tilespmem:s26+$0xFFFFFF50]  }
0xd9: {  	v9 =	vld [tilespmem:s26+$0xFFFFFF10]  }
0xda: {  	v4 =	vld [tilespmem:s26+$0xFFFFFFA0]  }
0xdb: {  	v10 =	vld [tilespmem:s26+$0xFFFFFED0]  }
0xdc: {  	v5 =	vld [tilespmem:s26+$0xFFFFFF60]  }
0xdd: {  	v11 =	vld [tilespmem:s26+$0xFFFFFE90]  }
0xde: {  	v12 =	vld [tilespmem:s26+$0xFFFFFF20]  }
0xdf: {  	v13 =	vld [tilespmem:s26+$0xFFFFFE50]  }
0xe0: {  	v14 =	vld [tilespmem:s26+$0xFFFFFEE0]  }
0xe1: {  	v15 =	vld [tilespmem:s26+$0xFFFFFE10]  }
0xe2: {  	v16 =	vld [tilespmem:s26+$0xFFFFFEA0]  }
0xe3: {  	v17 =	vld [tilespmem:s26+$0xFFFFFE60]  }
0xe4: {  	v18 =	vld [tilespmem:s26+$0xFFFFFDE0]  }
0xe5: {  	v19 =	vld [tilespmem:s26+$0xFFFFFDD0]  }
0xe6: {  	v20 =	vld [tilespmem:s26+$0xFFFFFDA0]  }
0xe7: {  	v21 =	vld [tilespmem:s26+$0xFFFFFD90]  }
0xe8: {  	v22 =	vld [tilespmem:s26+$0xFFFFFE20]  }
0xe9: {  	v23 =	vld [tilespmem:s26+$0xFFFFFD60]  }
0xea: {  	v24 =	vld [tilespmem:s26+$0xFFFFFD50]  }
0xeb: {  	v25 =	vld [tilespmem:s26+$0xFFFFFD20]  }
0xec: {  	v26 =	vld [tilespmem:s26+$0xFFFFFD10]  }
0xed: {  	v27 =	vld [tilespmem:s26+$0xFFFFFCE0]  }
0xee: {  	v28 =	vld [tilespmem:s26+$0xFFFFFCD0]  }
0xef: {  	v29 =	vld [tilespmem:s26+$0xFFFFFCA0]  }
0xf0: {  	v30 =	vld [tilespmem:s26+$0xFFFFFC90]  }
0xf1: {  	v31 =	vld [tilespmem:s26+$0xFFFFFC60]  }
0xf2: {  	v32 =	vld [tilespmem:s26+$0xFFFFFC50]  }
0xf3: {  	v33 =	vld [tilespmem:s26+$0xFFFFFC20]  }
0xf4: {  	v34 =	vld [tilespmem:s26+$0xFFFFFC10]  }
0xf5: {  	v35 =	vld [tilespmem:s26+$0xFFFFFBE0]  }
0xf6: {  	v36 =	vld [tilespmem:s26+$0xFFFFFBD0]  }
0xf7: {  	v37 =	vld [tilespmem:s26+$0xFFFFFBA0]  }
0xf8: {  	v38 =	vld [tilespmem:s26+$0xFFFFFB80]  }
0xf9: {  	v39 =	vld [tilespmem:s26+$0xFFFFFB90]  }
0xfa: {  	v40 =	vld [tilespmem:s26+$0xFFFFFB50]  }
0xfb: {  	v41 =	vld [tilespmem:s26+$0xFFFFFB70]  }
0xfc: {  	v42 =	vld [tilespmem:s26+$0xFFFFFB30]  }
0xfd: {  	v43 =	vld [tilespmem:s26+$0xFFFFFB40]  }
0xfe: {  	v44 =	vld [tilespmem:s26+$0xFFFFFBB0]  }
0xff: {  	v45 =	vld [tilespmem:s26+$0xFFFFFBC0];
	v6 =	vadd.f32 v40, v6  }
0x100: {  	v46 =	vld [tilespmem:s26+$0xFFFFFBF0];
	v7 =	vadd.f32 v8, v7  }
0x101: {  	v47 =	vld [tilespmem:s26+$0xFFFFFC00];
	v41 =	vadd.f32 v41, v42;
	v6 =	vadd.f32 v39, v6  }
0x102: {  	v49 =	vld [tilespmem:s26+$0xFFFFFC30];
	v48 =	vadd.f32 v38, v43;
	v7 =	vadd.f32 v37, v7  }
0x103: {  	v50 =	vld [tilespmem:s26+$0xFFFFFC40];
	v41 =	vadd.f32 v44, v41;
	v6 =	vadd.f32 v36, v6  }
0x104: {  	v52 =	vld [tilespmem:s26+$0xFFFFFC70];
	v51 =	vadd.f32 v45, v48;
	v7 =	vadd.f32 v35, v7  }
0x105: {  	v53 =	vld [tilespmem:s26+$0xFFFFFC80];
	v8 =	vadd.f32 v46, v41;
	v6 =	vadd.f32 v34, v6  }
0x106: {  	v55 =	vld [tilespmem:s26+$0xFFFFFCB0];
	v54 =	vadd.f32 v47, v51;
	v7 =	vadd.f32 v33, v7  }
0x107: {  	v56 =	vld [tilespmem:s26+$0xFFFFFCC0];
	v8 =	vadd.f32 v49, v8;
	v6 =	vadd.f32 v32, v6  }
0x108: {  	v58 =	vld [tilespmem:s26+$0xFFFFFCF0];
	v57 =	vadd.f32 v50, v54;
	v7 =	vadd.f32 v31, v7  }
0x109: {  	v59 =	vld [tilespmem:s26+$0xFFFFFD00];
	v8 =	vadd.f32 v52, v8;
	v6 =	vadd.f32 v30, v6  }
0x10a: {  	v61 =	vld [tilespmem:s26+$0xFFFFFD30];
	v60 =	vadd.f32 v53, v57;
	v7 =	vadd.f32 v29, v7  }
0x10b: {  	v62 =	vld [tilespmem:s26+$0xFFFFFD40];
	v8 =	vadd.f32 v55, v8;
	v6 =	vadd.f32 v28, v6  }
0x10c: {  	v32 =	vld [tilespmem:s26+$0xFFFFFD70];
	v63 =	vadd.f32 v56, v60;
	v7 =	vadd.f32 v27, v7  }
0x10d: {  	v34 =	vld [tilespmem:s26+$0xFFFFFD80];
	v8 =	vadd.f32 v58, v8;
	v6 =	vadd.f32 v26, v6  }
0x10e: {  	v36 =	vld [tilespmem:s26+$0xFFFFFDB0];
	v35 =	vadd.f32 v59, v63;
	v7 =	vadd.f32 v25, v7  }
0x10f: {  	v37 =	vld [tilespmem:s26+$0xFFFFFDC0];
	v8 =	vadd.f32 v61, v8;
	v6 =	vadd.f32 v24, v6  }
0x110: {  	v39 =	vld [tilespmem:s26+$0xFFFFFDF0];
	v38 =	vadd.f32 v62, v35;
	v7 =	vadd.f32 v23, v7  }
0x111: {  	v40 =	vld [tilespmem:s26+$0xFFFFFE00];
	v8 =	vadd.f32 v32, v8;
	v6 =	vadd.f32 v21, v6  }
0x112: {  	v42 =	vld [tilespmem:s26+$0xFFFFFE30];
	v41 =	vadd.f32 v34, v38;
	v7 =	vadd.f32 v20, v7  }
0x113: {  	v43 =	vld [tilespmem:s26+$0xFFFFFE40];
	v8 =	vadd.f32 v36, v8;
	v6 =	vadd.f32 v19, v6  }
0x114: {  	v45 =	vld [tilespmem:s26+$0xFFFFFE70];
	v44 =	vadd.f32 v37, v41;
	v7 =	vadd.f32 v18, v7  }
0x115: {  	v46 =	vld [tilespmem:s26+$0xFFFFFE80];
	v8 =	vadd.f32 v39, v8;
	v6 =	vadd.f32 v15, v6  }
0x116: {  	v47 =	vld [tilespmem:s26+$0xFFFFFEB0];
	v18 =	vadd.f32 v40, v44;
	v7 =	vadd.f32 v22, v7  }
0x117: {  	v48 =	vld [tilespmem:s26+$0xFFFFFEC0];
	v8 =	vadd.f32 v42, v8;
	v6 =	vadd.f32 v13, v6  }
0x118: {  	v50 =	vld [tilespmem:s26+$0xFFFFFEF0];
	v49 =	vadd.f32 v43, v18;
	v7 =	vadd.f32 v17, v7  }
0x119: {  	v51 =	vld [tilespmem:s26+$0xFFFFFF00];
	v8 =	vadd.f32 v45, v8;
	v6 =	vadd.f32 v11, v6  }
0x11a: {  	v52 =	vld [tilespmem:s26+$0xFFFFFF30];
	v15 =	vadd.f32 v46, v49;
	v7 =	vadd.f32 v16, v7  }
0x11b: {  	v53 =	vld [tilespmem:s26+$0xFFFFFF40];
	v8 =	vadd.f32 v47, v8;
	v6 =	vadd.f32 v10, v6  }
0x11c: {  	v54 =	vld [tilespmem:s26+$0xFFFFFF70];
	v13 =	vadd.f32 v48, v15;
	v7 =	vadd.f32 v14, v7  }
0x11d: {  	v55 =	vld [tilespmem:s26+$0xFFFFFF80];
	v8 =	vadd.f32 v50, v8;
	v6 =	vadd.f32 v9, v6  }
0x11e: {  	v56 =	vld [tilespmem:s26+$0xFFFFFFB0];
	v11 =	vadd.f32 v51, v13;
	v7 =	vadd.f32 v12, v7  }
0x11f: {  	v57 =	vld [tilespmem:s26+$0xFFFFFFC0];
	v8 =	vadd.f32 v52, v8;
	v6 =	vadd.f32 v0, v6  }
0x120: {  	v59 =	vld [tilespmem:s26+$0xFFFFFFF0];
	v58 =	vadd.f32 v53, v11;
	v0 =	vmov s21;
	v5 =	vadd.f32 v5, v7  }
0x121: {  	v8 =	vadd.f32 v54, v8;
	v3 =	vadd.f32 v3, v6  }
0x122: {  	v60 =	vld [tilespmem:s26+$0x0];
	v61 =	vadd.f32 v55, v58;
	v4 =	vadd.f32 v4, v5  }
0x123: {  	v62 =	vadd.f32 v56, v8;
	v2 =	vadd.f32 v2, v3  }
0x124: {  	s29 =	simm.s32 $0x0;
	v1 =	vadd.f32 v1, v4  }
0x125: {  	v3 =	vadd.f32 v57, v61;
	v63 =	vadd.f32 v59, v62;
	[tilespmem:v0+s29+$0xFFFFFFD0 ss:$0x1] =	vst.idx.msk $0xffff, v2  }
0x126: {  	[tilespmem:v0+s29+$0xFFFFFFE0 ss:$0x1] =	vst.idx.msk $0xffff, v1  }
0x127: {  	s28 =	simm.s32 $0x100;
	v1 =	vadd.f32 v60, v3;
	[tilespmem:v0+s29+$0xFFFFFFF0 ss:$0x1] =	vst.idx.msk $0xffff, v63  }
.LBB2_5:
0x128: {  	p1 =	sne.s32 s28, $0x700  }
0x129: {  	[tilespmem:v0+s29+$0x0 ss:$0x1] =	vst.idx.msk $0xffff, v1;
	s26 =	sadd.s32 $0x500, s26;
	s29 =	smov.u32 s28;
	s28 =	sadd.s32 $0x100, s28  }
0x12a: {  	v17 =	vld [tilespmem:s26+$0xFFFFFB10]  }
0x12b: {  	v5 =	vld [tilespmem:s26+$0xFFFFFB20]  }
0x12c: {  	v6 =	vld [tilespmem:s26+$0xFFFFFB60]  }
0x12d: {  	v1 =	vld [tilespmem:s26+$0xFFFFFFE0]  }
0x12e: {  	v2 =	vld [tilespmem:s26+$0xFFFFFFD0]  }
0x12f: {  	v3 =	vld [tilespmem:s26+$0xFFFFFF90]  }
0x130: {  	v4 =	vld [tilespmem:s26+$0xFFFFFF50]  }
0x131: {  	v18 =	vadd.f32 v6, v5;
	v5 =	vld [tilespmem:s26+$0xFFFFFF10]  }
0x132: {  	v6 =	vld [tilespmem:s26+$0xFFFFFFA0]  }
0x133: {  	v7 =	vld [tilespmem:s26+$0xFFFFFED0]  }
0x134: {  	v8 =	vld [tilespmem:s26+$0xFFFFFF60]  }
0x135: {  	v9 =	vld [tilespmem:s26+$0xFFFFFE90]  }
0x136: {  	v10 =	vld [tilespmem:s26+$0xFFFFFF20]  }
0x137: {  	v11 =	vld [tilespmem:s26+$0xFFFFFE50]  }
0x138: {  	v12 =	vld [tilespmem:s26+$0xFFFFFEE0]  }
0x139: {  	v13 =	vld [tilespmem:s26+$0xFFFFFE10]  }
0x13a: {  	v14 =	vld [tilespmem:s26+$0xFFFFFEA0]  }
0x13b: {  	v15 =	vld [tilespmem:s26+$0xFFFFFE60]  }
0x13c: {  	v19 =	vld [tilespmem:s26+$0xFFFFFDE0]  }
0x13d: {  	v16 =	vld [tilespmem:s26+$0xFFFFFDD0]  }
0x13e: {  	v20 =	vld [tilespmem:s26+$0xFFFFFDA0]  }
0x13f: {  	v21 =	vld [tilespmem:s26+$0xFFFFFD90]  }
0x140: {  	v22 =	vld [tilespmem:s26+$0xFFFFFE20]  }
0x141: {  	v23 =	vld [tilespmem:s26+$0xFFFFFD60]  }
0x142: {  	v24 =	vld [tilespmem:s26+$0xFFFFFD50]  }
0x143: {  	v25 =	vld [tilespmem:s26+$0xFFFFFD20]  }
0x144: {  	v26 =	vld [tilespmem:s26+$0xFFFFFD10]  }
0x145: {  	v27 =	vld [tilespmem:s26+$0xFFFFFCE0]  }
0x146: {  	v28 =	vld [tilespmem:s26+$0xFFFFFCD0]  }
0x147: {  	v29 =	vld [tilespmem:s26+$0xFFFFFCA0]  }
0x148: {  	v30 =	vld [tilespmem:s26+$0xFFFFFC90]  }
0x149: {  	v31 =	vld [tilespmem:s26+$0xFFFFFC60]  }
0x14a: {  	v32 =	vld [tilespmem:s26+$0xFFFFFC50]  }
0x14b: {  	v33 =	vld [tilespmem:s26+$0xFFFFFC20]  }
0x14c: {  	v34 =	vld [tilespmem:s26+$0xFFFFFC10]  }
0x14d: {  	v35 =	vld [tilespmem:s26+$0xFFFFFBE0]  }
0x14e: {  	v36 =	vld [tilespmem:s26+$0xFFFFFBD0]  }
0x14f: {  	v37 =	vld [tilespmem:s26+$0xFFFFFBA0]  }
0x150: {  	v38 =	vld [tilespmem:s26+$0xFFFFFB80]  }
0x151: {  	v39 =	vld [tilespmem:s26+$0xFFFFFB90]  }
0x152: {  	v40 =	vld [tilespmem:s26+$0xFFFFFB50]  }
0x153: {  	v41 =	vld [tilespmem:s26+$0xFFFFFB70]  }
0x154: {  	v42 =	vld [tilespmem:s26+$0xFFFFFB30];
	v18 =	vadd.f32 v37, v18  }
0x155: {  	v37 =	vld [tilespmem:s26+$0xFFFFFB40]  }
0x156: {  	v43 =	vld [tilespmem:s26+$0xFFFFFBB0];
	v18 =	vadd.f32 v35, v18  }
0x157: {  	v17 =	vadd.f32 v40, v17;
	v35 =	vld [tilespmem:s26+$0xFFFFFBC0]  }
0x158: {  	v40 =	vld [tilespmem:s26+$0xFFFFFBF0];
	v18 =	vadd.f32 v33, v18  }
0x159: {  	v33 =	vadd.f32 v41, v42;
	v17 =	vadd.f32 v39, v17;
	v39 =	vld [tilespmem:s26+$0xFFFFFC00]  }
0x15a: {  	v37 =	vadd.f32 v38, v37;
	v38 =	vld [tilespmem:s26+$0xFFFFFC30];
	v18 =	vadd.f32 v31, v18  }
0x15b: {  	v31 =	vadd.f32 v43, v33;
	v17 =	vadd.f32 v36, v17;
	v33 =	vld [tilespmem:s26+$0xFFFFFC40]  }
0x15c: {  	v35 =	vadd.f32 v35, v37;
	v36 =	vld [tilespmem:s26+$0xFFFFFC70];
	v18 =	vadd.f32 v29, v18  }
0x15d: {  	v29 =	vadd.f32 v40, v31;
	v17 =	vadd.f32 v34, v17;
	v31 =	vld [tilespmem:s26+$0xFFFFFC80]  }
0x15e: {  	v34 =	vadd.f32 v39, v35;
	v35 =	vld [tilespmem:s26+$0xFFFFFCB0];
	v18 =	vadd.f32 v27, v18  }
0x15f: {  	v27 =	vadd.f32 v38, v29;
	v17 =	vadd.f32 v32, v17;
	v29 =	vld [tilespmem:s26+$0xFFFFFCC0]  }
0x160: {  	v32 =	vadd.f32 v33, v34;
	v33 =	vld [tilespmem:s26+$0xFFFFFCF0];
	v18 =	vadd.f32 v25, v18  }
0x161: {  	v25 =	vadd.f32 v36, v27;
	v17 =	vadd.f32 v30, v17;
	v27 =	vld [tilespmem:s26+$0xFFFFFD00]  }
0x162: {  	v30 =	vadd.f32 v31, v32;
	v31 =	vld [tilespmem:s26+$0xFFFFFD30];
	v18 =	vadd.f32 v23, v18  }
0x163: {  	v23 =	vadd.f32 v35, v25;
	v17 =	vadd.f32 v28, v17;
	v25 =	vld [tilespmem:s26+$0xFFFFFD40]  }
0x164: {  	v28 =	vadd.f32 v29, v30;
	v29 =	vld [tilespmem:s26+$0xFFFFFD70];
	v18 =	vadd.f32 v20, v18  }
0x165: {  	v20 =	vadd.f32 v33, v23;
	v17 =	vadd.f32 v26, v17;
	v23 =	vld [tilespmem:s26+$0xFFFFFD80]  }
0x166: {  	v26 =	vadd.f32 v27, v28;
	v27 =	vld [tilespmem:s26+$0xFFFFFDB0];
	v18 =	vadd.f32 v19, v18  }
0x167: {  	v19 =	vadd.f32 v31, v20;
	v17 =	vadd.f32 v24, v17;
	v20 =	vld [tilespmem:s26+$0xFFFFFDC0]  }
0x168: {  	v24 =	vadd.f32 v25, v26;
	v25 =	vld [tilespmem:s26+$0xFFFFFDF0];
	v18 =	vadd.f32 v22, v18  }
0x169: {  	v19 =	vadd.f32 v29, v19;
	v17 =	vadd.f32 v21, v17;
	v21 =	vld [tilespmem:s26+$0xFFFFFE00]  }
0x16a: {  	v22 =	vadd.f32 v23, v24;
	v23 =	vld [tilespmem:s26+$0xFFFFFE30];
	v15 =	vadd.f32 v15, v18  }
0x16b: {  	v18 =	vadd.f32 v27, v19;
	v16 =	vadd.f32 v16, v17;
	v17 =	vld [tilespmem:s26+$0xFFFFFE40]  }
0x16c: {  	v19 =	vadd.f32 v20, v22;
	v20 =	vld [tilespmem:s26+$0xFFFFFE70];
	v14 =	vadd.f32 v14, v15  }
0x16d: {  	v15 =	vadd.f32 v25, v18;
	v13 =	vadd.f32 v13, v16;
	v16 =	vld [tilespmem:s26+$0xFFFFFE80]  }
0x16e: {  	v18 =	vadd.f32 v21, v19;
	v19 =	vld [tilespmem:s26+$0xFFFFFEB0];
	v12 =	vadd.f32 v12, v14  }
0x16f: {  	v14 =	vadd.f32 v23, v15;
	v11 =	vadd.f32 v11, v13;
	v13 =	vld [tilespmem:s26+$0xFFFFFEC0]  }
0x170: {  	v15 =	vadd.f32 v17, v18;
	v17 =	vld [tilespmem:s26+$0xFFFFFEF0];
	v10 =	vadd.f32 v10, v12  }
0x171: {  	v12 =	vadd.f32 v20, v14;
	v9 =	vadd.f32 v9, v11;
	v11 =	vld [tilespmem:s26+$0xFFFFFF00]  }
0x172: {  	v14 =	vadd.f32 v16, v15;
	v15 =	vld [tilespmem:s26+$0xFFFFFF30];
	v8 =	vadd.f32 v8, v10  }
0x173: {  	v10 =	vadd.f32 v19, v12;
	v7 =	vadd.f32 v7, v9;
	v9 =	vld [tilespmem:s26+$0xFFFFFF40]  }
0x174: {  	v12 =	vadd.f32 v13, v14;
	v13 =	vld [tilespmem:s26+$0xFFFFFF70];
	v6 =	vadd.f32 v6, v8  }
0x175: {  	v8 =	vadd.f32 v17, v10;
	v5 =	vadd.f32 v5, v7;
	v7 =	vld [tilespmem:s26+$0xFFFFFF80]  }
0x176: {  	v10 =	vadd.f32 v11, v12;
	v11 =	vld [tilespmem:s26+$0xFFFFFFB0]  }
0x177: {  	v8 =	vadd.f32 v15, v8;
	v4 =	vadd.f32 v4, v5;
	v5 =	vld [tilespmem:s26+$0xFFFFFFC0]  }
0x178: {  	v9 =	vadd.f32 v9, v10;
	v10 =	vld [tilespmem:s26+$0xFFFFFFF0]  }
0x179: {  	v8 =	vadd.f32 v13, v8;
	v3 =	vadd.f32 v3, v4;
	v4 =	vld [tilespmem:s26+$0x0]  }
0x17a: {  	v7 =	vadd.f32 v7, v9  }
.Ltmp1:
0x17b: {  	v8 =	vadd.f32 v11, v8;
	v2 =	vadd.f32 v2, v3;
	(pc) =	sbr.rel @p1 .LBB2_5-.Ltmp1, $4  }
0x17c: {  	s29 =	sshra.s32 s29, $0x2;
	v3 =	vadd.f32 v5, v7;
	v5 =	vadd.f32 v1, v6  }
0x17d: {  	v6 =	vadd.f32 v10, v8;
	[tilespmem:v0+s29+$0xFFFFFFD0 ss:$0x1] =	vst.idx.msk $0xffff, v2  }
0x17e: {  	v1 =	vadd.f32 v4, v3;
	[tilespmem:v0+s29+$0xFFFFFFE0 ss:$0x1] =	vst.idx.msk $0xffff, v5  }
0x17f: {  	[tilespmem:v0+s29+$0xFFFFFFF0 ss:$0x1] =	vst.idx.msk $0xffff, v6  }
0x180: {  	_ =	sdelay $0x3  }
0x181: {  	[tilespmem:v0+s29+$0x0 ss:$0x1] =	vst.idx.msk $0xffff, v1  }
0x182: {  	_ =	swait.ge [sflag:s16], $0x2800  }
0x183: {  	s26 =	sadd.s32 @!p0 $0x320, s25;
	[sflag:s16] =	ssyncset.done $0x0  }
0x184: {  	s28 =	simm.s32 @!p0 $0xA0;
	s29 =	simm.s32 @!p0 $0x3200;
	[sflag:s16] =	ssyncadd.s32 $0xFFFFD800  }
0x185: {  	[tilespmem:s29], [sflag:$0x2] =	stream.indirect.gather @!p0 [hbm4b:s3+s28], $0x40, s26, s28, $0xb8;
	[tilespmem:$0xCA00] =	vst v63  }
0x186: {  	s26 =	simm.s32 $0x0;
	s28 =	smov.u32 s22  }
.LBB2_7:
0x187: {  	s29 =	sshra.s32 s26, $0x2  }
0x188: {  	v0 =	vld [tilespmem:s29+$0x5A00]  }
0x189: {  	v1 =	vld [tilespmem:s29+$0x5A10]  }
0x18a: {  	v2 =	vld [tilespmem:s29+$0x5A20]  }
0x18b: {  	v3 =	vld [tilespmem:s29+$0x5A30]  }
0x18c: {  	v4 =	vld [tilespmem:s29+$0x5A40]  }
0x18d: {  	v5 =	vld [tilespmem:s29+$0x5A50]  }
0x18e: {  	v6 =	vld [tilespmem:s29+$0x5A60]  }
0x18f: {  	v7 =	vld [tilespmem:s29+$0x5A70]  }
0x190: {  	v8 =	vld [tilespmem:s29+$0x5A80]  }
0x191: {  	v9 =	vld [tilespmem:s29+$0x5A90]  }
0x192: {  	v10 =	vld [tilespmem:s29+$0x5AA0]  }
0x193: {  	v11 =	vld [tilespmem:s29+$0x5AB0]  }
0x194: {  	v12 =	vld [tilespmem:s29+$0x5AC0]  }
0x195: {  	v13 =	vld [tilespmem:s29+$0x5AD0]  }
0x196: {  	v14 =	vld [tilespmem:s29+$0x5AE0]  }
0x197: {  	v15 =	vld [tilespmem:s29+$0x5AF0]  }
0x198: {  	v16 =	vld [tilespmem:s29+$0x5B00]  }
0x199: {  	v17 =	vld [tilespmem:s29+$0x5B10]  }
0x19a: {  	v18 =	vld [tilespmem:s29+$0x5B20]  }
0x19b: {  	v19 =	vld [tilespmem:s29+$0x5B30]  }
0x19c: {  	v20 =	vld [tilespmem:s29+$0x5B40]  }
0x19d: {  	v21 =	vld [tilespmem:s29+$0x5B50]  }
0x19e: {  	v22 =	vld [tilespmem:s29+$0x5B60]  }
0x19f: {  	v23 =	vld [tilespmem:s29+$0x5B70]  }
0x1a0: {  	v24 =	vld [tilespmem:s29+$0x5B80]  }
0x1a1: {  	v25 =	vld [tilespmem:s29+$0x5B90]  }
0x1a2: {  	v26 =	vld [tilespmem:s29+$0x5BA0]  }
0x1a3: {  	v27 =	vld [tilespmem:s29+$0x5BB0]  }
0x1a4: {  	v28 =	vld [tilespmem:s29+$0x5BC0]  }
0x1a5: {  	v29 =	vld [tilespmem:s29+$0x5BD0]  }
0x1a6: {  	v30 =	vld [tilespmem:s29+$0x5BE0]  }
0x1a7: {  	v31 =	vld [tilespmem:s29+$0x5BF0]  }
0x1a8: {  	v32 =	vld [tilespmem:s29+$0x5C00]  }
0x1a9: {  	v33 =	vld [tilespmem:s29+$0x5C10]  }
0x1aa: {  	v34 =	vld [tilespmem:s29+$0x5C20]  }
0x1ab: {  	v35 =	vld [tilespmem:s29+$0x5C30]  }
0x1ac: {  	v36 =	vld [tilespmem:s29+$0x5C40]  }
0x1ad: {  	v37 =	vld [tilespmem:s29+$0x5C50]  }
0x1ae: {  	v38 =	vld [tilespmem:s29+$0x5C60]  }
0x1af: {  	v39 =	vld [tilespmem:s29+$0x5C70]  }
0x1b0: {  	v40 =	vld [tilespmem:s29+$0x5C80]  }
0x1b1: {  	v41 =	vld [tilespmem:s29+$0x5C90]  }
0x1b2: {  	v42 =	vld [tilespmem:s29+$0x5CA0]  }
0x1b3: {  	v43 =	vld [tilespmem:s29+$0x5CB0]  }
0x1b4: {  	v44 =	vld [tilespmem:s29+$0x5CC0]  }
0x1b5: {  	v52 =	vld [tilespmem:s29+$0x5CD0];
	v0 =	vadd.f32 v4, v0  }
0x1b6: {  	v53 =	vld [tilespmem:s29+$0x5CE0];
	v1 =	vadd.f32 v5, v1  }
0x1b7: {  	v54 =	vld [tilespmem:s29+$0x5CF0];
	v2 =	vadd.f32 v6, v2;
	v0 =	vadd.f32 v8, v0  }
0x1b8: {  	v55 =	vld [tilespmem:s29+$0x5D00];
	v3 =	vadd.f32 v7, v3;
	v1 =	vadd.f32 v9, v1  }
0x1b9: {  	v56 =	vld [tilespmem:s29+$0x5D10];
	v2 =	vadd.f32 v10, v2;
	v0 =	vadd.f32 v12, v0  }
0x1ba: {  	v57 =	vld [tilespmem:s29+$0x5D20];
	v3 =	vadd.f32 v11, v3;
	v1 =	vadd.f32 v13, v1  }
0x1bb: {  	v58 =	vld [tilespmem:s29+$0x5D30];
	v2 =	vadd.f32 v14, v2;
	v0 =	vadd.f32 v16, v0  }
0x1bc: {  	v59 =	vld [tilespmem:s29+$0x5D40];
	v3 =	vadd.f32 v15, v3;
	v1 =	vadd.f32 v17, v1  }
0x1bd: {  	v60 =	vld [tilespmem:s29+$0x5D50];
	v2 =	vadd.f32 v18, v2;
	v0 =	vadd.f32 v20, v0  }
0x1be: {  	v61 =	vld [tilespmem:s29+$0x5D60];
	v3 =	vadd.f32 v19, v3;
	v1 =	vadd.f32 v21, v1  }
0x1bf: {  	v62 =	vld [tilespmem:s29+$0x5D70];
	v2 =	vadd.f32 v22, v2;
	v0 =	vadd.f32 v24, v0  }
0x1c0: {  	v63 =	vld [tilespmem:s29+$0x5D80];
	v3 =	vadd.f32 v23, v3;
	v1 =	vadd.f32 v25, v1  }
0x1c1: {  	v45 =	vld [tilespmem:s29+$0x5DE0];
	v2 =	vadd.f32 v26, v2;
	v0 =	vadd.f32 v28, v0  }
0x1c2: {  	v46 =	vld [tilespmem:s29+$0x5DF0];
	v3 =	vadd.f32 v27, v3;
	v1 =	vadd.f32 v29, v1  }
0x1c3: {  	v47 =	vld [tilespmem:s29+$0x5E00];
	v2 =	vadd.f32 v30, v2;
	v0 =	vadd.f32 v32, v0  }
0x1c4: {  	v48 =	vld [tilespmem:s29+$0x5E10];
	v3 =	vadd.f32 v31, v3;
	v1 =	vadd.f32 v33, v1  }
0x1c5: {  	v49 =	vld [tilespmem:s29+$0x5E20];
	v2 =	vadd.f32 v34, v2;
	v0 =	vadd.f32 v36, v0  }
0x1c6: {  	v50 =	vld [tilespmem:s29+$0x5E30];
	v3 =	vadd.f32 v35, v3;
	v1 =	vadd.f32 v37, v1  }
0x1c7: {  	v51 =	vld [tilespmem:s29+$0x5E40];
	v2 =	vadd.f32 v38, v2;
	v0 =	vadd.f32 v40, v0  }
0x1c8: {  	v28 =	vld [tilespmem:s29+$0x5D90];
	v3 =	vadd.f32 v39, v3;
	v1 =	vadd.f32 v41, v1  }
0x1c9: {  	v29 =	vld [tilespmem:s29+$0x5DA0];
	v2 =	vadd.f32 v42, v2;
	v0 =	vadd.f32 v44, v0  }
0x1ca: {  	v32 =	vld [tilespmem:s29+$0x5DB0];
	v3 =	vadd.f32 v43, v3;
	v1 =	vadd.f32 v52, v1  }
0x1cb: {  	v33 =	vld [tilespmem:s29+$0x5DC0];
	v2 =	vadd.f32 v53, v2;
	v0 =	vadd.f32 v55, v0  }
0x1cc: {  	v36 =	vld [tilespmem:s29+$0x5DD0];
	v3 =	vadd.f32 v54, v3;
	v1 =	vadd.f32 v56, v1  }
0x1cd: {  	v52 =	vld [tilespmem:s29+$0x5E50];
	v2 =	vadd.f32 v57, v2;
	v0 =	vadd.f32 v59, v0  }
0x1ce: {  	v53 =	vld [tilespmem:s29+$0x5E60];
	v3 =	vadd.f32 v58, v3;
	v1 =	vadd.f32 v60, v1  }
0x1cf: {  	v54 =	vld [tilespmem:s29+$0x5E70];
	v2 =	vadd.f32 v61, v2;
	v0 =	vadd.f32 v63, v0  }
0x1d0: {  	v55 =	vld [tilespmem:s29+$0x5E80];
	v3 =	vadd.f32 v62, v3;
	v1 =	vadd.f32 v28, v1  }
0x1d1: {  	v56 =	vld [tilespmem:s29+$0x5E90];
	v2 =	vadd.f32 v29, v2;
	v0 =	vadd.f32 v33, v0  }
0x1d2: {  	v57 =	vld [tilespmem:s29+$0x5EA0];
	v3 =	vadd.f32 v32, v3;
	v1 =	vadd.f32 v36, v1  }
0x1d3: {  	v58 =	vld [tilespmem:s29+$0x5EB0];
	v2 =	vadd.f32 v45, v2;
	v0 =	vadd.f32 v47, v0  }
0x1d4: {  	v59 =	vld [tilespmem:s29+$0x5EC0];
	v3 =	vadd.f32 v46, v3;
	v1 =	vadd.f32 v48, v1  }
0x1d5: {  	v60 =	vld [tilespmem:s29+$0x5ED0];
	v2 =	vadd.f32 v49, v2;
	v0 =	vadd.f32 v51, v0  }
0x1d6: {  	v61 =	vld [tilespmem:s29+$0x5EE0];
	v3 =	vadd.f32 v50, v3;
	v1 =	vadd.f32 v52, v1  }
0x1d7: {  	v62 =	vld [tilespmem:s29+$0x5EF0];
	v2 =	vadd.f32 v53, v2;
	v0 =	vadd.f32 v55, v0  }
0x1d8: {  	v3 =	vadd.f32 v54, v3;
	v1 =	vadd.f32 v56, v1  }
0x1d9: {  	p1 =	sne.s32 s26, $0x8C00;
	v2 =	vadd.f32 v57, v2;
	v0 =	vadd.f32 v59, v0  }
.Ltmp2:
0x1da: {  	v3 =	vadd.f32 v58, v3;
	v1 =	vadd.f32 v60, v1;
	(pc) =	sbr.rel @p1 .LBB2_7-.Ltmp2, $4  }
0x1db: {  	v2 =	vadd.f32 v61, v2;
	[tilespmem:s28+$0xFFFFFFD0] =	vst v0  }
0x1dc: {  	v63 =	vadd.f32 v62, v3;
	[tilespmem:s28+$0xFFFFFFE0] =	vst v1  }
0x1dd: {  	[tilespmem:s28+$0xFFFFFFF0] =	vst v2  }
0x1de: {  	s26 =	sadd.s32 $0x1400, s26;
	[tilespmem:s28+$0x0] =	vst v63;
	s28 =	sadd.s32 $0x40, s28  }
0x1df: {  	_ =	swait.ge [sflag:s17], $0x2800  }
0x1e0: {  	s25 =	sadd.s32 @!p0 $0x3C0, s25;
	[sflag:s17] =	ssyncset.done $0x0  }
0x1e1: {  	s26 =	simm.s32 @!p0 $0xA0;
	s28 =	simm.s32 @!p0 $0x5A00;
	[sflag:s17] =	ssyncadd.s32 $0xFFFFD800  }
0x1e2: {  	[tilespmem:s28], [sflag:$0x3] =	stream.indirect.gather @!p0 [hbm4b:s3+s26], $0x40, s25, s26, $0xb8;
	[tilespmem:$0xCA00] =	vst v63  }
0x1e3: {  	s25 =	simm.s32 $0x0;
	s26 =	smov.u32 s23  }
.LBB2_9:
0x1e4: {  	s28 =	sshra.s32 s25, $0x2  }
0x1e5: {  	v0 =	vld [tilespmem:s28+$0x8200]  }
0x1e6: {  	v1 =	vld [tilespmem:s28+$0x8210]  }
0x1e7: {  	v2 =	vld [tilespmem:s28+$0x8220]  }
0x1e8: {  	v3 =	vld [tilespmem:s28+$0x8230]  }
0x1e9: {  	v4 =	vld [tilespmem:s28+$0x8240]  }
0x1ea: {  	v5 =	vld [tilespmem:s28+$0x8250]  }
0x1eb: {  	v6 =	vld [tilespmem:s28+$0x8260]  }
0x1ec: {  	v7 =	vld [tilespmem:s28+$0x8270]  }
0x1ed: {  	v8 =	vld [tilespmem:s28+$0x8280]  }
0x1ee: {  	v9 =	vld [tilespmem:s28+$0x8290]  }
0x1ef: {  	v10 =	vld [tilespmem:s28+$0x82A0]  }
0x1f0: {  	v11 =	vld [tilespmem:s28+$0x82B0]  }
0x1f1: {  	v12 =	vld [tilespmem:s28+$0x82C0]  }
0x1f2: {  	v13 =	vld [tilespmem:s28+$0x82D0]  }
0x1f3: {  	v14 =	vld [tilespmem:s28+$0x82E0]  }
0x1f4: {  	v15 =	vld [tilespmem:s28+$0x82F0]  }
0x1f5: {  	v16 =	vld [tilespmem:s28+$0x8300]  }
0x1f6: {  	v17 =	vld [tilespmem:s28+$0x8310]  }
0x1f7: {  	v18 =	vld [tilespmem:s28+$0x8320]  }
0x1f8: {  	v19 =	vld [tilespmem:s28+$0x8330]  }
0x1f9: {  	v20 =	vld [tilespmem:s28+$0x8340]  }
0x1fa: {  	v21 =	vld [tilespmem:s28+$0x8350]  }
0x1fb: {  	v22 =	vld [tilespmem:s28+$0x8360]  }
0x1fc: {  	v23 =	vld [tilespmem:s28+$0x8370]  }
0x1fd: {  	v24 =	vld [tilespmem:s28+$0x8380]  }
0x1fe: {  	v25 =	vld [tilespmem:s28+$0x8390]  }
0x1ff: {  	v26 =	vld [tilespmem:s28+$0x83A0]  }
0x200: {  	v27 =	vld [tilespmem:s28+$0x83B0]  }
0x201: {  	v28 =	vld [tilespmem:s28+$0x83C0]  }
0x202: {  	v29 =	vld [tilespmem:s28+$0x83D0]  }
0x203: {  	v30 =	vld [tilespmem:s28+$0x83E0]  }
0x204: {  	v31 =	vld [tilespmem:s28+$0x83F0]  }
0x205: {  	v32 =	vld [tilespmem:s28+$0x8400]  }
0x206: {  	v33 =	vld [tilespmem:s28+$0x8410]  }
0x207: {  	v34 =	vld [tilespmem:s28+$0x8420]  }
0x208: {  	v35 =	vld [tilespmem:s28+$0x8430]  }
0x209: {  	v36 =	vld [tilespmem:s28+$0x8440]  }
0x20a: {  	v37 =	vld [tilespmem:s28+$0x8450]  }
0x20b: {  	v38 =	vld [tilespmem:s28+$0x8460]  }
0x20c: {  	v39 =	vld [tilespmem:s28+$0x8470]  }
0x20d: {  	v40 =	vld [tilespmem:s28+$0x8480]  }
0x20e: {  	v41 =	vld [tilespmem:s28+$0x8490]  }
0x20f: {  	v42 =	vld [tilespmem:s28+$0x84A0]  }
0x210: {  	v43 =	vld [tilespmem:s28+$0x84B0]  }
0x211: {  	v44 =	vld [tilespmem:s28+$0x84C0]  }
0x212: {  	v52 =	vld [tilespmem:s28+$0x84D0];
	v0 =	vadd.f32 v4, v0  }
0x213: {  	v53 =	vld [tilespmem:s28+$0x84E0];
	v1 =	vadd.f32 v5, v1  }
0x214: {  	v54 =	vld [tilespmem:s28+$0x84F0];
	v2 =	vadd.f32 v6, v2;
	v0 =	vadd.f32 v8, v0  }
0x215: {  	v55 =	vld [tilespmem:s28+$0x8500];
	v3 =	vadd.f32 v7, v3;
	v1 =	vadd.f32 v9, v1  }
0x216: {  	v56 =	vld [tilespmem:s28+$0x8510];
	v2 =	vadd.f32 v10, v2;
	v0 =	vadd.f32 v12, v0  }
0x217: {  	v57 =	vld [tilespmem:s28+$0x8520];
	v3 =	vadd.f32 v11, v3;
	v1 =	vadd.f32 v13, v1  }
0x218: {  	v58 =	vld [tilespmem:s28+$0x8530];
	v2 =	vadd.f32 v14, v2;
	v0 =	vadd.f32 v16, v0  }
0x219: {  	v59 =	vld [tilespmem:s28+$0x8540];
	v3 =	vadd.f32 v15, v3;
	v1 =	vadd.f32 v17, v1  }
0x21a: {  	v60 =	vld [tilespmem:s28+$0x8550];
	v2 =	vadd.f32 v18, v2;
	v0 =	vadd.f32 v20, v0  }
0x21b: {  	v61 =	vld [tilespmem:s28+$0x8560];
	v3 =	vadd.f32 v19, v3;
	v1 =	vadd.f32 v21, v1  }
0x21c: {  	v62 =	vld [tilespmem:s28+$0x8570];
	v2 =	vadd.f32 v22, v2;
	v0 =	vadd.f32 v24, v0  }
0x21d: {  	v63 =	vld [tilespmem:s28+$0x8580];
	v3 =	vadd.f32 v23, v3;
	v1 =	vadd.f32 v25, v1  }
0x21e: {  	v45 =	vld [tilespmem:s28+$0x85E0];
	v2 =	vadd.f32 v26, v2;
	v0 =	vadd.f32 v28, v0  }
0x21f: {  	v46 =	vld [tilespmem:s28+$0x85F0];
	v3 =	vadd.f32 v27, v3;
	v1 =	vadd.f32 v29, v1  }
0x220: {  	v47 =	vld [tilespmem:s28+$0x8600];
	v2 =	vadd.f32 v30, v2;
	v0 =	vadd.f32 v32, v0  }
0x221: {  	v48 =	vld [tilespmem:s28+$0x8610];
	v3 =	vadd.f32 v31, v3;
	v1 =	vadd.f32 v33, v1  }
0x222: {  	v49 =	vld [tilespmem:s28+$0x8620];
	v2 =	vadd.f32 v34, v2;
	v0 =	vadd.f32 v36, v0  }
0x223: {  	v50 =	vld [tilespmem:s28+$0x8630];
	v3 =	vadd.f32 v35, v3;
	v1 =	vadd.f32 v37, v1  }
0x224: {  	v51 =	vld [tilespmem:s28+$0x8640];
	v2 =	vadd.f32 v38, v2;
	v0 =	vadd.f32 v40, v0  }
0x225: {  	v28 =	vld [tilespmem:s28+$0x8590];
	v3 =	vadd.f32 v39, v3;
	v1 =	vadd.f32 v41, v1  }
0x226: {  	v29 =	vld [tilespmem:s28+$0x85A0];
	v2 =	vadd.f32 v42, v2;
	v0 =	vadd.f32 v44, v0  }
0x227: {  	v32 =	vld [tilespmem:s28+$0x85B0];
	v3 =	vadd.f32 v43, v3;
	v1 =	vadd.f32 v52, v1  }
0x228: {  	v33 =	vld [tilespmem:s28+$0x85C0];
	v2 =	vadd.f32 v53, v2;
	v0 =	vadd.f32 v55, v0  }
0x229: {  	v36 =	vld [tilespmem:s28+$0x85D0];
	v3 =	vadd.f32 v54, v3;
	v1 =	vadd.f32 v56, v1  }
0x22a: {  	v52 =	vld [tilespmem:s28+$0x8650];
	v2 =	vadd.f32 v57, v2;
	v0 =	vadd.f32 v59, v0  }
0x22b: {  	v53 =	vld [tilespmem:s28+$0x8660];
	v3 =	vadd.f32 v58, v3;
	v1 =	vadd.f32 v60, v1  }
0x22c: {  	v54 =	vld [tilespmem:s28+$0x8670];
	v2 =	vadd.f32 v61, v2;
	v0 =	vadd.f32 v63, v0  }
0x22d: {  	v55 =	vld [tilespmem:s28+$0x8680];
	v3 =	vadd.f32 v62, v3;
	v1 =	vadd.f32 v28, v1  }
0x22e: {  	v56 =	vld [tilespmem:s28+$0x8690];
	v2 =	vadd.f32 v29, v2;
	v0 =	vadd.f32 v33, v0  }
0x22f: {  	v57 =	vld [tilespmem:s28+$0x86A0];
	v3 =	vadd.f32 v32, v3;
	v1 =	vadd.f32 v36, v1  }
0x230: {  	v58 =	vld [tilespmem:s28+$0x86B0];
	v2 =	vadd.f32 v45, v2;
	v0 =	vadd.f32 v47, v0  }
0x231: {  	v59 =	vld [tilespmem:s28+$0x86C0];
	v3 =	vadd.f32 v46, v3;
	v1 =	vadd.f32 v48, v1  }
0x232: {  	v60 =	vld [tilespmem:s28+$0x86D0];
	v2 =	vadd.f32 v49, v2;
	v0 =	vadd.f32 v51, v0  }
0x233: {  	v61 =	vld [tilespmem:s28+$0x86E0];
	v3 =	vadd.f32 v50, v3;
	v1 =	vadd.f32 v52, v1  }
0x234: {  	v62 =	vld [tilespmem:s28+$0x86F0];
	v2 =	vadd.f32 v53, v2;
	v0 =	vadd.f32 v55, v0  }
0x235: {  	v3 =	vadd.f32 v54, v3;
	v1 =	vadd.f32 v56, v1  }
0x236: {  	p0 =	sne.s32 s25, $0x8C00;
	v2 =	vadd.f32 v57, v2;
	v0 =	vadd.f32 v59, v0  }
.Ltmp3:
0x237: {  	v3 =	vadd.f32 v58, v3;
	v1 =	vadd.f32 v60, v1;
	(pc) =	sbr.rel @p0 .LBB2_9-.Ltmp3, $4  }
0x238: {  	v2 =	vadd.f32 v61, v2;
	[tilespmem:s26+$0xFFFFFFD0] =	vst v0  }
0x239: {  	v63 =	vadd.f32 v62, v3;
	[tilespmem:s26+$0xFFFFFFE0] =	vst v1  }
0x23a: {  	[tilespmem:s26+$0xFFFFFFF0] =	vst v2  }
0x23b: {  	s25 =	sadd.s32 $0x1400, s25;
	[tilespmem:s26+$0x0] =	vst v63;
	s26 =	sadd.s32 $0x40, s26  }
0x23c: {  	s24 =	sadd.s32 $0x1, s24  }
0x23d: {  	p0 =	sne.s32 s24, $0x4  }
.Ltmp4:
0x23e: {  	_ = 	snop;
	(pc) =	sbr.rel @p0 .LBB2_2-.Ltmp4, $3  }
0x23f: {  	_ =	sdelay $0x1  }
0x240: {  	s20 =	sadd.s32 $0x800, s20  }
0x241: {  	s21 =	sadd.s32 $0x800, s21;
	s22 =	sadd.s32 $0x800, s22;
	s23 =	sadd.s32 $0x800, s23  }
0x242: {  	s19 =	sadd.s32 $0x1, s19  }
0x243: {  	p0 =	sne.s32 s19, s6  }
.Ltmp5:
0x244: {  	_ = 	snop;
	(pc) =	sbr.rel @p0 .LBB2_1-.Ltmp5, $4  }
0x245: {  	[hbm4b:s5+s2] =	stream.linear.scatter [tilespmem:s18], [sflag:$0x5], $0x2000, $0x38;
	[tilespmem:$0xCA00] =	vst v63  }
0x246: {  	_ =	swait.ge [sflag:s7], $0x2000  }
0x247: {  	[sflag:s7] =	ssyncset.done $0x0  }
0x248: {  	[sflag:s7] =	ssyncadd.s32 $0xFFFFE000  }
0x249: {  	_ =	sfence.sel $0x180000  }
0x24a: {  	[bflag:$0x0] =	sbarrier.arrive $0xFFFF  }
0x24b: {  	p0 =	sne.s32 s0, $0x0;
	_ =	strace $0x9000004A  }
0x24c: {  	s0 =	sadd.s32 @!p0 $0x100000, s1;
	[bflag:$0x2] =	sbarrier.arrive $0xFFFF  }
0x24d: {  	[sflag:s0] =	ssyncadd.tile.s32 @!p0 $0x1;
	_ =	shalt  }
.Lfunc_end2:
_tile_overlayer_lowered:
.L_overlay_start_2:
0x24e: {  	(tag) =	ssettag $0x2  }
0x24f: {  	s0 =	rddreg [dreg:$0x0];
	s2 =	stileid.u32  }
0x250: {  	s1 =	rddreg [dreg:$0x1];
	p0 =	sne.s32 s2, $0x0  }
0x251: {  	s3 =	rddreg [dreg:$0x2];
	[bflag:$0x3] =	sbarrier.arrive $0xFFFF;
	s2 =	simm.s32 @!p0 $0x1C05  }
0x252: {  	[timem:s3], [sflag:s2] =	dma.local @!p0 [hbm:s0], s1  }
0x253: {  	s0 =	simm.s32 @!p0 $0x5  }
0x254: {  	_ =	swait.ge @!p0 [sflag:s0], s1  }
0x255: {  	s1 =	ssub.s32 @!p0 $0x0, s1;
	[sflag:s0] =	ssyncset.done @!p0 $0x0  }
0x256: {  	[sflag:s0] =	ssyncadd.s32 @!p0 s1  }
0x257: {  	[bflag:$0x3] =	sbarrier.arrive $0xFFFF  }
0x258: {  	_ =	shalt  }

// kernel: kernel.7.cloned.1.call-start
scs
__scs_entry_jumppad:
0x0: {  	(pc) =	sbr.rel $0x88, $3  }
0x1: {  	(tag) =	ssettag $0x0;
	lr =	simm.s32 $0x1  }
0x2: {  	[smem:$0x3F9D] =	sst lr;
	_ =	strace $0xD0000000  }
0x3: {  	_ = 	snop  }
0x4: {  	_ = 	snop  }
0x5: {  	_ = 	snop  }
0x6: {  	_ = 	snop  }
0x7: {  	_ = 	snop  }
__scs_overlays_trampoline_lowered:
0x8: {  	[smem:$0x3FAC] =	sst s0  }
0x9: {  	[smem:$0x3FAD] =	sst s1  }
0xa: {  	[smem:$0x3FAE] =	sst s2  }
0xb: {  	[smem:$0x3FAF] =	sst s3  }
0xc: {  	[smem:$0x3FB0] =	sst s4  }
0xd: {  	[smem:$0x3FB1] =	sst s5  }
0xe: {  	[smem:$0x3FB2] =	sst s6  }
0xf: {  	[smem:$0x3FB3] =	sst s7  }
0x10: {  	[smem:$0x3FB4] =	sst s8  }
0x11: {  	[smem:$0x3FB5] =	sst s9;
	s0 =	simm.s32 @!p0 $0x0  }
0x12: {  	s1 =	sld [smem:$0x3F9B];
	s0 =	simm.s32 @p0 $0x1  }
0x13: {  	[smem:$0x3FB6] =	sst s0;
	s0 =	simm.s32 @!p1 $0x0  }
0x14: {  	s2 =	sld [smem:$0x3F9A];
	s0 =	simm.s32 @p1 $0x1  }
0x15: {  	[smem:$0x3FB7] =	sst s0;
	s0 =	simm.s32 @!p2 $0x0  }
0x16: {  	s3 =	sld [smem:$0x3FDB];
	s0 =	simm.s32 @p2 $0x1  }
0x17: {  	s4 =	simm.s32 $0x1BF5;
	[smem:$0x3FB9] =	sst s0  }
0x18: {  	s0 =	sld [smem:$0x3F9C];
	_ =	swait.ge [sflag:s4], $0x0  }
0x19: {  	s7 =	sld [smem:$0x3F9D]  }
0x1a: {  	s8 =	sadd.s32 $0xFFFFE003, lr  }
0x1b: {  	s9 =	sadd.s32 $0xFFFFFEF7, lr;
	s5 =	simm.s32 $0xFFFFFFFF;
	p2 =	slt.u32 s8, $0xFFFFF086  }
0x1c: {  	p1 =	slt.u32 s9, $0xF7A;
	s5 =	simm.s32 @!p2 $0x0  }
0x1d: {  	s5 =	simm.s32 @p1 $0x1;
	p0 =	seq.s32 s7, s2  }
0x1e: {  	s7 =	smul.u32 @!p0 $0xF7A, s2;
	p2 =	seq.s32 @!p0 s5, $0x0  }
0x1f: {  	s9 =	smul.u32 $0xF7A, s1;
	s8 =	simm.s32 @!p0 $0x1BF5;
	p2 =	por !p2, p0  }
0x20: {  	[sflag:s8] =	ssyncset.s32 @!p0 $0xFFFFF086;
	s6 =	sadd.s32 @!p0 s3, s7;
	s7 =	simm.s32 @!p0 $0x108  }
0x21: {  	s3 =	sadd.s32 s3, s9;
	s6 =	sadd.s32 @!p0 $0x88, s6;
	s7 =	simm.s32 @p2 $0x1082  }
0x22: {  	[simem:s7], [sflag:s8] =	dma.local @!p0 [hbm:s6], $0xF7A  }
0x23: {  	s9 =	sor.u32 $0xD0000000, s2;
	s6 =	simm.s32 $0x108;
	_ =	swait.ge @!p0 [sflag:s8], $0x0  }
0x24: {  	s3 =	sadd.s32 $0x88, s3;
	s6 =	simm.s32 @!p1 $0x1082;
	[sflag:s4] =	ssyncset.s32 $0xFFFFF086  }
0x25: {  	[simem:s6], [sflag:s4] =	dma.local [hbm:s3], $0xF7A  }
0x26: {  	[smem:$0x3F9D] =	sst s1;
	(tag) =	ssettag s2;
	_ =	strace s9  }
0x27: {  	s1 =	sld [smem:$0x3FAD]  }
0x28: {  	s2 =	sld [smem:$0x3FAE]  }
0x29: {  	s4 =	sld [smem:$0x3FB0]  }
0x2a: {  	p0 =	seq.s32 s5, $0x0;
	s5 =	sld [smem:$0x3FB1]  }
0x2b: {  	s6 =	sld [smem:$0x3FB2]  }
0x2c: {  	s7 =	sld [smem:$0x3FB3]  }
0x2d: {  	s3 =	simm.s32 $0x108;
	s8 =	sld [smem:$0x3FB4]  }
0x2e: {  	s3 =	simm.s32 @!p0 $0x1082;
	s9 =	sld [smem:$0x3FB5]  }
0x2f: {  	lr =	sadd.s32 s0, s3;
	s0 =	sld [smem:$0x3FAC]  }
0x30: {  	s3 =	sld [smem:$0x3FAF]  }
0x31: {  	[smem:$0x3FB8] =	sst s10  }
0x32: {  	s10 =	sld [smem:$0x3FB6];
	_ =	sdelay $0x3  }
0x33: {  	p0 =	seq.s32 s10, $0x1;
	s10 =	sld [smem:$0x3FB8];
	_ =	sdelay $0x3  }
0x34: {  	[smem:$0x3FB8] =	sst s10  }
0x35: {  	s10 =	sld [smem:$0x3FB7];
	_ =	sdelay $0x3  }
0x36: {  	p1 =	seq.s32 s10, $0x1;
	s10 =	sld [smem:$0x3FB8];
	_ =	sdelay $0x3  }
0x37: {  	[smem:$0x3FB8] =	sst s10  }
0x38: {  	s10 =	sld [smem:$0x3FB9]  }
0x39: {  	_ = 	snop;
	(pc) =	sbr.ind lr, $3  }
0x3a: {  	_ = 	snop  }
0x3b: {  	_ = 	snop  }
0x3c: {  	p2 =	seq.s32 s10, $0x1;
	s10 =	sld [smem:$0x3FB8]  }
0x3d: {  	_ =	shalt  }
0x3e: {  	_ =	shalt  }
0x3f: {  	_ =	shalt  }
0x40: {  	_ =	shalt  }
0x41: {  	_ =	shalt  }
0x42: {  	_ =	shalt  }
0x43: {  	_ =	shalt  }
0x44: {  	_ =	shalt  }
0x45: {  	_ =	shalt  }
0x46: {  	_ =	shalt  }
0x47: {  	_ =	shalt  }
0x48: {  	_ =	shalt  }
0x49: {  	_ =	shalt  }
0x4a: {  	_ =	shalt  }
0x4b: {  	_ =	shalt  }
0x4c: {  	_ =	shalt  }
0x4d: {  	_ =	shalt  }
0x4e: {  	_ =	shalt  }
0x4f: {  	_ =	shalt  }
0x50: {  	_ =	shalt  }
0x51: {  	_ =	shalt  }
0x52: {  	_ =	shalt  }
0x53: {  	_ =	shalt  }
0x54: {  	_ =	shalt  }
0x55: {  	_ =	shalt  }
0x56: {  	_ =	shalt  }
0x57: {  	_ =	shalt  }
0x58: {  	_ =	shalt  }
0x59: {  	_ =	shalt  }
0x5a: {  	_ =	shalt  }
0x5b: {  	_ =	shalt  }
0x5c: {  	_ =	shalt  }
0x5d: {  	_ =	shalt  }
0x5e: {  	_ =	shalt  }
0x5f: {  	_ =	shalt  }
0x60: {  	_ =	shalt  }
0x61: {  	_ =	shalt  }
0x62: {  	_ =	shalt  }
0x63: {  	_ =	shalt  }
0x64: {  	_ =	shalt  }
0x65: {  	_ =	shalt  }
0x66: {  	_ =	shalt  }
0x67: {  	_ =	shalt  }
0x68: {  	_ =	shalt  }
0x69: {  	_ =	shalt  }
0x6a: {  	_ =	shalt  }
0x6b: {  	_ =	shalt  }
0x6c: {  	_ =	shalt  }
0x6d: {  	_ =	shalt  }
0x6e: {  	_ =	shalt  }
0x6f: {  	_ =	shalt  }
0x70: {  	_ =	shalt  }
0x71: {  	_ =	shalt  }
0x72: {  	_ =	shalt  }
0x73: {  	_ =	shalt  }
0x74: {  	_ =	shalt  }
0x75: {  	_ =	shalt  }
0x76: {  	_ =	shalt  }
0x77: {  	_ =	shalt  }
0x78: {  	_ =	shalt  }
0x79: {  	_ =	shalt  }
0x7a: {  	_ =	shalt  }
0x7b: {  	_ =	shalt  }
0x7c: {  	_ =	shalt  }
0x7d: {  	_ =	shalt  }
0x7e: {  	_ =	shalt  }
0x7f: {  	_ =	shalt  }
0x80: {  	_ =	shalt  }
0x81: {  	_ =	shalt  }
0x82: {  	_ =	shalt  }
0x83: {  	_ =	shalt  }
0x84: {  	_ =	shalt  }
0x85: {  	_ =	shalt  }
0x86: {  	_ =	shalt  }
0x87: {  	_ =	shalt  }
.Lfunc_end0:
.L_simem_size_0:
called_computation.1_lowered:
.L_overlay_start_0:
0x88: {  	s2 =	sld [smem:$0x3FD9]  }
0x89: {  	s3 =	sld [smem:$0x3FFE];
	_ =	sdelay $0x1  }
0x8a: {  	s1 =	srdreg.scid  }
0x8b: {  	s0 =	sand.u32 $0x1, s1  }
0x8c: {  	s14 =	sshll.u32 s0, $0xA;
	s2 =	sadd.s32 s3, s2  }
0x8d: {  	s2 =	sadd.s32 s2, s14  }
0x8e: {  	[smem:$0x3FC4] =	sst s2  }
0x8f: {  	_ = 	snop  }
0x90: {  	s2 =	sld [smem:$0x3FD0];
	_ =	sdelay $0x2  }
0x91: {  	s15 =	simm.s32 $0xB;
	s4 =	simm.s32 $0x10  }
0x92: {  	[smem:s4], [sflag:s15] =	dma.local [hbm:s2], $0x1  }
0x93: {  	_ =	swait.eq [sflag:s15], $0x1  }
0x94: {  	[sflag:s15] =	ssyncset.done $0x0  }
0x95: {  	[sflag:s15] =	ssyncadd.s32 $0xFFFFFFFF  }
0x96: {  	s16 =	sld [smem:$0x10];
	(tm) =	ssettm $0x1  }
0x97: {  	s17 =	sld [smem:$0x3FFB];
	_ =	sdelay $0x3  }
0x98: {  	_ =	strace s17  }
0x99: {  	s3 =	sld [smem:$0x3FFC];
	_ =	sdelay $0x3  }
0x9a: {  	_ =	strace s3  }
0x9b: {  	s3 =	sld [smem:$0x3FFD];
	_ =	sdelay $0x3  }
0x9c: {  	_ =	strace s3  }
0x9d: {  	_ =	strace $0x8FFFFFFF  }
0x9e: {  	s18 =	sld [smem:$0x3FDB];
	_ =	sdelay $0x1  }
0x9f: {  	s19 =	simm.s32 $_scs_section_size  }
0xa0: {  	s5 =	simm.s32 $_size__tile_overlayer_lowered;
	s6 =	simm.s32 $_tile_overlayer_lowered  }
0xa1: {  	s22 =	simm.s32 $0x1BFF;
	s21 =	sshll.u32 s6, $0x1;
	s3 =	sadd.s32 s19, s18  }
0xa2: {  	s7 =	simm.s32 $0x0;
	s20 =	sshll.u32 s5, $0x1;
	s5 =	sadd.s32 s21, s3  }
0xa3: {  	[timem:s7], [sflag:s22] =	dma.local [hbm:s5], s20  }
0xa4: {  	_ =	swait.ge [sflag:s22], s20  }
0xa5: {  	s4 =	ssub.s32 $0x0, s20;
	[sflag:s22] =	ssyncset.done $0x0  }
0xa6: {  	[sflag:s22] =	ssyncadd.s32 s4;
	_ =	sdelay $0x1  }
0xa7: {  	s23 =	simm.s32 $0x1B8B  }
0xa8: {  	_ =	swait.ge [sflag:s23], $0x1  }
0xa9: {  	[sflag:s23] =	ssyncset.done $0x0  }
0xaa: {  	s25 =	simm.s32 $0x1B8E;
	s24 =	sld [smem:$0x3FFE];
	[sflag:s23] =	ssyncadd.s32 $0xFFFFFFFF  }
0xab: {  	s26 =	simm.s32 $execute0_lowered;
	[smem:$0x3FD2] =	sst s25  }
0xac: {  	s5 =	sshll.u32 s26, $0x1;
	_ =	strace $0x80000046;
	[dreg:$0x1] =	wrdreg $0xFFFFFFFF  }
0xad: {  	s28 =	simm.s32 $_size_execute0_lowered;
	s3 =	sadd.s32 s3, s5;
	[dreg:$0x0] =	wrdreg $0x0  }
0xae: {  	s5 =	sshll.u32 s28, $0x1;
	[dreg:$0x2] =	wrdreg s3  }
0xaf: {  	[dreg:$0x3] =	wrdreg s5  }
0xb0: {  	[dreg:$0x4] =	wrdreg $0xC0  }
0xb1: {  	_ =	task [dreg:s7], $0x5FFFF  }
0xb2: {  	[dreg:$0x1] =	wrdreg $0xFFFFFFFF  }
0xb3: {  	[dreg:$0x0] =	wrdreg $0x60  }
0xb4: {  	[dreg:$0x2] =	wrdreg s24  }
0xb5: {  	[dreg:$0x3] =	wrdreg s16  }
0xb6: {  	[dreg:$0x4] =	wrdreg $0xA  }
0xb7: {  	_ =	task.clear_ibuf [dreg:s7], $0x5FFFF;
	_ =	strace $0x90000046  }
0xb8: {  	s29 =	simm.s32 $0xA;
	_ =	strace $0x80000048  }
0xb9: {  	_ =	swait.ge [sflag:s29], $0x1  }
0xba: {  	[sflag:s29] =	ssyncadd.s32 $0xFFFFFFFF  }
0xbb: {  	_ =	strace $0x90000048  }
0xbc: {  	_ =	sfence  }
0xbd: {  	s30 =	sld [smem:$0x0];
	_ =	sdelay $0x2  }
0xbe: {  	s31 =	sshll.u32 s1, $0xD;
	s1 =	sshrl.u32 s1, $0x2  }
0xbf: {  	s3 =	sand.u32 $0x4000, s31;
	s1 =	sadd.s32 s1, s30  }
0xc0: {  	s0 =	sor.u32 s3, s0;
	s1 =	sshll.u32 s1, $0x11  }
0xc1: {  	s0 =	sor.u32 s1, s0  }
0xc2: {  	s0 =	sadd.s32 $0x8F2B, s0  }
0xc3: {  	[sflag:s0] =	ssyncadd.remote.s32 $0x1  }
0xc4: {  	_ =	sfence.sel $0xFFFF  }
0xc5: {  	[dreg:$0x0] =	wrdreg $0xFFFFFFFF;
	(pc) =	sbr.abs _section_cstart, $3  }
0xc6: {  	[dreg:$0x1] =	wrdreg $0xFFFFFFFF  }
0xc7: {  	_ =	task.clear_ibuf [dreg:s7], $0x2FFFF;
	_ =	strace $0x9FFFFFFF  }
0xc8: {  	(tm) =	ssettm $0x7FFFFFFF  }
0xc9: {  	_ =	shalt  }
tec
execute0_lowered:
.L_overlay_start_1:
0x0: {  	(tag) =	ssettag $0x1  }
0x1: {  	s3 =	rddreg [dreg:$0x0];
	s1 =	srdreg.scid  }
0x2: {  	s0 =	stileid.u32;
	s5 =	rddreg [dreg:$0x1]  }
0x3: {  	s2 =	simm.s32 $0x0;
	s9 =	simm.s32 $0x1900;
	s10 =	simm.s32 $0x7D00  }
0x4: {  	s11 =	simm.s32 $0x320;
	s12 =	simm.s32 $0xE100;
	s13 =	simm.s32 $0x1  }
0x5: {  	s14 =	simm.s32 $0x14500;
	s15 =	simm.s32 $0x2;
	s16 =	simm.s32 $0x3  }
0x6: {  	s17 =	simm.s32 $0x4;
	s18 =	simm.s32 $0x1A900;
	s19 =	simm.s32 $0x0  }
0x7: {  	s4 =	sand.u32 $0x1, s1;
	s6 =	sshll.u32 s0, $0x1;
	s1 =	rddreg [dreg:$0x2]  }
0x8: {  	[smem:$0x7FF] =	sst s2;
	s6 =	sor.u32 s4, s6;
	s4 =	ssub.s32 $0x2, s4  }
0x9: {  	s7 =	smul.u32 $0x320, s6;
	s8 =	sshrl.u32 s4, $0x1;
	s6 =	sshll.u32 s6, $0xA  }
0xa: {  	_ =	strace $0x80000047;
	s8 =	ssub.s32 s4, s8;
	s5 =	sadd.s32 s5, s6  }
0xb: {  	s7 =	sadd.s32 s7, s3;
	s3 =	sadd.s32 $0x18DC00, s3;
	s6 =	smax.u32 s8, $0x1  }
0xc: {  	s8 =	simm.s32 $0x190;
	s4 =	sadd.s32 $0x187800, s7;
	s7 =	simm.s32 $0x5  }
.LBB2_1:
0xd: {  	[tilespmem:s2], [sflag:$0x5] =	stream.linear.gather [hbm4b:s4+s2], $0x1900, $0x38;
	[tilespmem:$0x1C900] =	vst v63  }
0xe: {  	_ =	swait.ge [sflag:s7], $0x1900  }
0xf: {  	[sflag:s7] =	ssyncset.done $0x0  }
0x10: {  	[sflag:s7] =	ssyncadd.s32 $0xFFFFE700  }
0x11: {  	[tilespmem:s9], [sflag:$0x1] =	stream.indirect.gather [hbm4b:s3+s8], $0x40, s2, s8, $0xb8;
	[tilespmem:$0x1C900] =	vst v63  }
0x12: {  	_ = 	snop  }
0x13: {  	[tilespmem:s10], [sflag:$0x2] =	stream.indirect.gather [hbm4b:s3+s8], $0x40, s8, s8, $0xb8;
	[tilespmem:$0x1C900] =	vst v63  }
0x14: {  	s20 =	simm.s32 $0x0  }
0x15: {  	[tilespmem:s12], [sflag:$0x3] =	stream.indirect.gather [hbm4b:s3+s8], $0x40, s11, s8, $0xb8;
	[tilespmem:$0x1C900] =	vst v63  }
.LBB2_2:
0x16: {  	s21 =	sshllo.u32 s20, $0x2  }
0x17: {  	_ =	swait.ge [sflag:s13], $0x6400;
	s22 =	smul.u32 $0x640, s21  }
0x18: {  	[sflag:s13] =	ssyncset.done $0x0  }
0x19: {  	s31 =	sshll.u32 s20, $0xB;
	[sflag:s13] =	ssyncadd.s32 $0xFFFF9C00;
	s22 =	sshra.s32 s22, $0x2  }
0x1a: {  	[tilespmem:s14], [sflag:$0x4] =	stream.indirect.gather [hbm4b:s3+s8], $0x40, s22, s8, $0xb8;
	[tilespmem:$0x1C900] =	vst v63  }
0x1b: {  	s22 =	sand.u32 $0x3FFFF800, s31  }
0x1c: {  	s24 =	sadd.s32 $0x1A900, s22  }
0x1d: {  	s23 =	simm.s32 $0x1900;
	s22 =	simm.s32 $0x0;
	v0 =	vmov s24  }
.LBB2_3:
0x1e: {  	s24 =	smul.u32 $0x3200, s22;
	_ =	sdelay $0x1  }
0x1f: {  	s24 =	sshra.s32 s24, $0x2  }
0x20: {  	v5 =	vld [tilespmem:s24+$0x1900]  }
0x21: {  	v6 =	vld [tilespmem:s24+$0x1910]  }
0x22: {  	v7 =	vld [tilespmem:s24+$0x1920]  }
0x23: {  	v8 =	vld [tilespmem:s24+$0x1930]  }
0x24: {  	v9 =	vld [tilespmem:s24+$0x1940]  }
0x25: {  	v10 =	vld [tilespmem:s24+$0x1950]  }
0x26: {  	v11 =	vld [tilespmem:s24+$0x1960]  }
0x27: {  	v12 =	vld [tilespmem:s24+$0x1970]  }
0x28: {  	v13 =	vld [tilespmem:s24+$0x1980]  }
0x29: {  	v14 =	vld [tilespmem:s24+$0x1990]  }
0x2a: {  	v15 =	vld [tilespmem:s24+$0x19A0]  }
0x2b: {  	v16 =	vld [tilespmem:s24+$0x19B0]  }
0x2c: {  	v17 =	vld [tilespmem:s24+$0x19C0]  }
0x2d: {  	v18 =	vld [tilespmem:s24+$0x19D0]  }
0x2e: {  	v19 =	vld [tilespmem:s24+$0x19E0]  }
0x2f: {  	v1 =	vmov s23;
	v20 =	vld [tilespmem:s24+$0x19F0]  }
0x30: {  	v21 =	vld [tilespmem:s24+$0x1A00]  }
0x31: {  	v22 =	vld [tilespmem:s24+$0x1A10]  }
0x32: {  	v23 =	vld [tilespmem:s24+$0x1A20]  }
0x33: {  	v24 =	vld [tilespmem:s24+$0x1A30];
	s24 =	simm.s32 $0x270  }
0x34: {  	v3 =	vld.idx.msk [tilespmem:v1+s24+$0xFFFFFFD0 ss:$0x1], $0xffff  }
0x35: {  	v4 =	vld.idx.msk [tilespmem:v1+s24+$0xFFFFFFE0 ss:$0x1], $0xffff  }
0x36: {  	v2 =	vld.idx.msk [tilespmem:v1+s24+$0xFFFFFF90 ss:$0x1], $0xffff  }
0x37: {  	v9 =	vadd.f32 v9, v5;
	v10 =	vadd.f32 v10, v6;
	v5 =	vld.idx.msk [tilespmem:v1+s24+$0xFFFFFFA0 ss:$0x1], $0xffff  }
0x38: {  	v11 =	vadd.f32 v11, v7;
	v8 =	vadd.f32 v12, v8;
	v6 =	vld.idx.msk [tilespmem:v1+s24+$0xFFFFFF50 ss:$0x1], $0xffff  }
0x39: {  	v7 =	vld.idx.msk [tilespmem:v1+s24+$0xFFFFFF60 ss:$0x1], $0xffff;
	v9 =	vadd.f32 v13, v9;
	v10 =	vadd.f32 v14, v10  }
0x3a: {  	v11 =	vadd.f32 v15, v11;
	v12 =	vadd.f32 v16, v8;
	v8 =	vld.idx.msk [tilespmem:v1+s24+$0xFFFFFF10 ss:$0x1], $0xffff  }
0x3b: {  	v14 =	vld.idx.msk [tilespmem:v1+s24+$0xFFFFFED0 ss:$0x1], $0xffff;
	v13 =	vadd.f32 v17, v9;
	v10 =	vadd.f32 v18, v10  }
0x3c: {  	v15 =	vld.idx.msk [tilespmem:v1+s24+$0xFFFFFEE0 ss:$0x1], $0xffff;
	v16 =	vadd.f32 v19, v11;
	v17 =	vadd.f32 v20, v12  }
0x3d: {  	v9 =	vld.idx.msk [tilespmem:v1+s24+$0xFFFFFF20 ss:$0x1], $0xffff;
	v13 =	vadd.f32 v21, v13;
	v11 =	vadd.f32 v22, v10  }
0x3e: {  	s25 =	simm.s32 $0xEC0;
	v12 =	vadd.f32 v23, v16;
	v10 =	vadd.f32 v24, v17;
	v16 =	vld.idx.msk [tilespmem:v1+s24+$0xFFFFFEF0 ss:$0x1], $0xffff  }
.LBB2_4:
0x3f: {  	p0 =	sne.s32 s25, $0x31C0;
	v17 =	vld.idx.msk [tilespmem:v1+s24+$0xFFFFFF00 ss:$0x1], $0xffff  }
0x40: {  	v18 =	vld.idx.msk [tilespmem:v1+s24+$0xFFFFFF30 ss:$0x1], $0xffff  }
0x41: {  	v19 =	vld.idx.msk [tilespmem:v1+s24+$0xFFFFFF40 ss:$0x1], $0xffff  }
0x42: {  	v20 =	vld.idx.msk [tilespmem:v1+s24+$0xFFFFFF70 ss:$0x1], $0xffff  }
0x43: {  	v21 =	vld.idx.msk [tilespmem:v1+s24+$0xFFFFFF80 ss:$0x1], $0xffff  }
0x44: {  	v13 =	vadd.f32 v14, v13;
	v11 =	vadd.f32 v15, v11;
	v14 =	vld.idx.msk [tilespmem:v1+s24+$0xFFFFFFB0 ss:$0x1], $0xffff  }
0x45: {  	v12 =	vadd.f32 v16, v12;
	v10 =	vadd.f32 v17, v10;
	v15 =	vld.idx.msk [tilespmem:v1+s24+$0xFFFFFFC0 ss:$0x1], $0xffff  }
0x46: {  	v8 =	vadd.f32 v8, v13;
	v9 =	vadd.f32 v9, v11;
	v16 =	vld.idx.msk [tilespmem:v1+s24+$0xFFFFFFF0 ss:$0x1], $0xffff  }
0x47: {  	v11 =	vadd.f32 v18, v12;
	v10 =	vadd.f32 v19, v10;
	v17 =	vld.idx.msk [tilespmem:v1+s24+$0x0 ss:$0x1], $0xffff;
	s24 =	sshra.s32 s25, $0x2  }
0x48: {  	v6 =	vadd.f32 v6, v8;
	v7 =	vadd.f32 v7, v9;
	v18 =	vld.idx.msk [tilespmem:v1+s24+$0xFFFFFFD0 ss:$0x1], $0xffff  }
0x49: {  	v8 =	vadd.f32 v20, v11;
	v9 =	vadd.f32 v21, v10;
	v19 =	vld.idx.msk [tilespmem:v1+s24+$0xFFFFFFE0 ss:$0x1], $0xffff  }
0x4a: {  	v10 =	vadd.f32 v2, v6;
	v7 =	vadd.f32 v5, v7;
	v2 =	vld.idx.msk [tilespmem:v1+s24+$0xFFFFFF90 ss:$0x1], $0xffff  }
0x4b: {  	v8 =	vadd.f32 v14, v8;
	v9 =	vadd.f32 v15, v9;
	v5 =	vld.idx.msk [tilespmem:v1+s24+$0xFFFFFFA0 ss:$0x1], $0xffff  }
0x4c: {  	v13 =	vadd.f32 v3, v10;
	v11 =	vadd.f32 v4, v7;
	v6 =	vld.idx.msk [tilespmem:v1+s24+$0xFFFFFF50 ss:$0x1], $0xffff  }
0x4d: {  	v12 =	vadd.f32 v16, v8;
	v10 =	vadd.f32 v17, v9;
	v7 =	vld.idx.msk [tilespmem:v1+s24+$0xFFFFFF60 ss:$0x1], $0xffff  }
.Ltmp0:
0x4e: {  	v3 =	vmov v18;
	v8 =	vld.idx.msk [tilespmem:v1+s24+$0xFFFFFF10 ss:$0x1], $0xffff;
	(pc) =	sbr.rel @p0 .LBB2_4-.Ltmp0, $4  }
0x4f: {  	v4 =	vmov v19;
	v9 =	vld.idx.msk [tilespmem:v1+s24+$0xFFFFFF20 ss:$0x1], $0xffff  }
0x50: {  	v14 =	vld.idx.msk [tilespmem:v1+s24+$0xFFFFFED0 ss:$0x1], $0xffff  }
0x51: {  	v15 =	vld.idx.msk [tilespmem:v1+s24+$0xFFFFFEE0 ss:$0x1], $0xffff  }
0x52: {  	s25 =	sadd.s32 $0x500, s25;
	v16 =	vld.idx.msk [tilespmem:v1+s24+$0xFFFFFEF0 ss:$0x1], $0xffff  }
0x53: {  	_ =	sdelay $0x3  }
0x54: {  	v17 =	vld.idx.msk [tilespmem:v1+s24+$0xFFFFFF00 ss:$0x1], $0xffff  }
0x55: {  	v18 =	vld.idx.msk [tilespmem:v1+s24+$0xFFFFFF30 ss:$0x1], $0xffff  }
0x56: {  	v19 =	vld.idx.msk [tilespmem:v1+s24+$0xFFFFFF40 ss:$0x1], $0xffff;
	v13 =	vadd.f32 v14, v13  }
0x57: {  	v55 =	vld.idx.msk [tilespmem:v1+s24+$0xFFFFFF70 ss:$0x1], $0xffff;
	v11 =	vadd.f32 v15, v11  }
0x58: {  	v56 =	vld.idx.msk [tilespmem:v1+s24+$0xFFFFFF80 ss:$0x1], $0xffff;
	v12 =	vadd.f32 v16, v12;
	v8 =	vadd.f32 v8, v13  }
0x59: {  	v57 =	vld.idx.msk [tilespmem:v1+s24+$0xFFFFFFB0 ss:$0x1], $0xffff;
	v10 =	vadd.f32 v17, v10;
	v9 =	vadd.f32 v9, v11  }
0x5a: {  	v58 =	vld.idx.msk [tilespmem:v1+s24+$0xFFFFFFC0 ss:$0x1], $0xffff;
	v12 =	vadd.f32 v18, v12;
	v6 =	vadd.f32 v6, v8  }
0x5b: {  	v59 =	vld.idx.msk [tilespmem:v1+s24+$0xFFFFFFF0 ss:$0x1], $0xffff;
	v10 =	vadd.f32 v19, v10;
	v7 =	vadd.f32 v7, v9  }
0x5c: {  	v1 =	vld.idx.msk [tilespmem:v1+s24+$0x0 ss:$0x1], $0xffff;
	v60 =	vadd.f32 v55, v12;
	v2 =	vadd.f32 v2, v6  }
0x5d: {  	s31 =	sshll.u32 s22, $0x6;
	s22 =	sadd.s32 $0x1, s22;
	v61 =	vadd.f32 v56, v10;
	v5 =	vadd.f32 v5, v7  }
0x5e: {  	p0 =	sne.s32 s22, $0x8;
	v62 =	vadd.f32 v57, v60;
	v2 =	vadd.f32 v3, v2  }
.Ltmp1:
0x5f: {  	s24 =	sand.u32 $0x3FFFFFC0, s31;
	v3 =	vadd.f32 v58, v61;
	v4 =	vadd.f32 v4, v5;
	(pc) =	sbr.rel @p0 .LBB2_3-.Ltmp1, $4  }
0x60: {  	v63 =	vadd.f32 v59, v62;
	[tilespmem:v0+s24+$0x0 ss:$0x1] =	vst.idx.msk $0xffff, v2  }
0x61: {  	v1 =	vadd.f32 v1, v3;
	[tilespmem:v0+s24+$0x10 ss:$0x1] =	vst.idx.msk $0xffff, v4  }
0x62: {  	[tilespmem:v0+s24+$0x20 ss:$0x1] =	vst.idx.msk $0xffff, v63  }
0x63: {  	s23 =	sadd.s32 $0xC80, s23;
	[tilespmem:v0+s24+$0x30 ss:$0x1] =	vst.idx.msk $0xffff, v1  }
0x64: {  	p0 =	seq.s32 s20, $0x3  }
0x65: {  	s22 =	smul.u32 @!p0 $0x1900, s20  }
0x66: {  	_ =	swait.ge [sflag:s15], $0x6400  }
0x67: {  	[sflag:s15] =	ssyncset.done $0x0;
	s24 =	simm.s32 @!p0 $0x190;
	s22 =	sshra.s32 @!p0 s22, $0x2  }
0x68: {  	s25 =	simm.s32 @!p0 $0x1900;
	[sflag:s15] =	ssyncadd.s32 $0xFFFF9C00;
	s23 =	sadd.s32 @!p0 $0x640, s22  }
0x69: {  	[tilespmem:s25], [sflag:$0x1] =	stream.indirect.gather @!p0 [hbm4b:s3+s24], $0x40, s23, s24, $0xb8;
	[tilespmem:$0x1C900] =	vst v63  }
0x6a: {  	s23 =	simm.s32 $0x0;
	s24 =	simm.s32 $0x1900  }
.LBB2_7:
0x6b: {  	s25 =	smul.u32 $0x3200, s23;
	_ =	sdelay $0x1  }
0x6c: {  	s25 =	sshra.s32 s25, $0x2  }
0x6d: {  	v5 =	vld [tilespmem:s25+$0x7D00]  }
0x6e: {  	v6 =	vld [tilespmem:s25+$0x7D10]  }
0x6f: {  	v7 =	vld [tilespmem:s25+$0x7D20]  }
0x70: {  	v8 =	vld [tilespmem:s25+$0x7D30]  }
0x71: {  	v9 =	vld [tilespmem:s25+$0x7D40]  }
0x72: {  	v10 =	vld [tilespmem:s25+$0x7D50]  }
0x73: {  	v11 =	vld [tilespmem:s25+$0x7D60]  }
0x74: {  	v12 =	vld [tilespmem:s25+$0x7D70]  }
0x75: {  	v13 =	vld [tilespmem:s25+$0x7D80]  }
0x76: {  	v14 =	vld [tilespmem:s25+$0x7D90]  }
0x77: {  	v15 =	vld [tilespmem:s25+$0x7DA0]  }
0x78: {  	v16 =	vld [tilespmem:s25+$0x7DB0]  }
0x79: {  	v17 =	vld [tilespmem:s25+$0x7DC0]  }
0x7a: {  	v18 =	vld [tilespmem:s25+$0x7DD0]  }
0x7b: {  	v19 =	vld [tilespmem:s25+$0x7DE0]  }
0x7c: {  	v1 =	vmov s24;
	v20 =	vld [tilespmem:s25+$0x7DF0]  }
0x7d: {  	v21 =	vld [tilespmem:s25+$0x7E00]  }
0x7e: {  	v22 =	vld [tilespmem:s25+$0x7E10]  }
0x7f: {  	v23 =	vld [tilespmem:s25+$0x7E20]  }
0x80: {  	v24 =	vld [tilespmem:s25+$0x7E30];
	s25 =	simm.s32 $0x0  }
0x81: {  	v3 =	vld.idx.msk [tilespmem:v1+s25+$0x6640 ss:$0x1], $0xffff  }
0x82: {  	v4 =	vld.idx.msk [tilespmem:v1+s25+$0x6650 ss:$0x1], $0xffff  }
0x83: {  	v2 =	vld.idx.msk [tilespmem:v1+s25+$0x6600 ss:$0x1], $0xffff  }
0x84: {  	v9 =	vadd.f32 v9, v5;
	v10 =	vadd.f32 v10, v6;
	v5 =	vld.idx.msk [tilespmem:v1+s25+$0x6610 ss:$0x1], $0xffff  }
0x85: {  	v11 =	vadd.f32 v11, v7;
	v8 =	vadd.f32 v12, v8;
	v6 =	vld.idx.msk [tilespmem:v1+s25+$0x65C0 ss:$0x1], $0xffff  }
0x86: {  	v7 =	vld.idx.msk [tilespmem:v1+s25+$0x65D0 ss:$0x1], $0xffff;
	v9 =	vadd.f32 v13, v9;
	v10 =	vadd.f32 v14, v10  }
0x87: {  	v11 =	vadd.f32 v15, v11;
	v12 =	vadd.f32 v16, v8;
	v8 =	vld.idx.msk [tilespmem:v1+s25+$0x6580 ss:$0x1], $0xffff  }
0x88: {  	v14 =	vld.idx.msk [tilespmem:v1+s25+$0x6540 ss:$0x1], $0xffff;
	v13 =	vadd.f32 v17, v9;
	v10 =	vadd.f32 v18, v10  }
0x89: {  	v15 =	vld.idx.msk [tilespmem:v1+s25+$0x6550 ss:$0x1], $0xffff;
	v16 =	vadd.f32 v19, v11;
	v17 =	vadd.f32 v20, v12  }
0x8a: {  	v9 =	vld.idx.msk [tilespmem:v1+s25+$0x6590 ss:$0x1], $0xffff;
	v13 =	vadd.f32 v21, v13;
	v11 =	vadd.f32 v22, v10  }
0x8b: {  	s26 =	simm.s32 $0x500;
	v12 =	vadd.f32 v23, v16;
	v10 =	vadd.f32 v24, v17;
	v16 =	vld.idx.msk [tilespmem:v1+s25+$0x6560 ss:$0x1], $0xffff  }
.LBB2_8:
0x8c: {  	p1 =	sne.s32 s26, $0x2800;
	v17 =	vld.idx.msk [tilespmem:v1+s25+$0x6570 ss:$0x1], $0xffff  }
0x8d: {  	v18 =	vld.idx.msk [tilespmem:v1+s25+$0x65A0 ss:$0x1], $0xffff  }
0x8e: {  	v19 =	vld.idx.msk [tilespmem:v1+s25+$0x65B0 ss:$0x1], $0xffff  }
0x8f: {  	v20 =	vld.idx.msk [tilespmem:v1+s25+$0x65E0 ss:$0x1], $0xffff  }
0x90: {  	v21 =	vld.idx.msk [tilespmem:v1+s25+$0x65F0 ss:$0x1], $0xffff  }
0x91: {  	v13 =	vadd.f32 v14, v13;
	v11 =	vadd.f32 v15, v11;
	v14 =	vld.idx.msk [tilespmem:v1+s25+$0x6620 ss:$0x1], $0xffff  }
0x92: {  	v12 =	vadd.f32 v16, v12;
	v10 =	vadd.f32 v17, v10;
	v15 =	vld.idx.msk [tilespmem:v1+s25+$0x6630 ss:$0x1], $0xffff  }
0x93: {  	v8 =	vadd.f32 v8, v13;
	v9 =	vadd.f32 v9, v11;
	v16 =	vld.idx.msk [tilespmem:v1+s25+$0x6660 ss:$0x1], $0xffff  }
0x94: {  	v11 =	vadd.f32 v18, v12;
	v10 =	vadd.f32 v19, v10;
	v17 =	vld.idx.msk [tilespmem:v1+s25+$0x6670 ss:$0x1], $0xffff;
	s25 =	sshra.s32 s26, $0x2  }
0x95: {  	v6 =	vadd.f32 v6, v8;
	v7 =	vadd.f32 v7, v9;
	v18 =	vld.idx.msk [tilespmem:v1+s25+$0x6640 ss:$0x1], $0xffff  }
0x96: {  	v8 =	vadd.f32 v20, v11;
	v9 =	vadd.f32 v21, v10;
	v19 =	vld.idx.msk [tilespmem:v1+s25+$0x6650 ss:$0x1], $0xffff  }
0x97: {  	v10 =	vadd.f32 v2, v6;
	v7 =	vadd.f32 v5, v7;
	v2 =	vld.idx.msk [tilespmem:v1+s25+$0x6600 ss:$0x1], $0xffff  }
0x98: {  	v8 =	vadd.f32 v14, v8;
	v9 =	vadd.f32 v15, v9;
	v5 =	vld.idx.msk [tilespmem:v1+s25+$0x6610 ss:$0x1], $0xffff  }
0x99: {  	v13 =	vadd.f32 v3, v10;
	v11 =	vadd.f32 v4, v7;
	v6 =	vld.idx.msk [tilespmem:v1+s25+$0x65C0 ss:$0x1], $0xffff  }
0x9a: {  	v12 =	vadd.f32 v16, v8;
	v10 =	vadd.f32 v17, v9;
	v7 =	vld.idx.msk [tilespmem:v1+s25+$0x65D0 ss:$0x1], $0xffff  }
.Ltmp2:
0x9b: {  	v3 =	vmov v18;
	v8 =	vld.idx.msk [tilespmem:v1+s25+$0x6580 ss:$0x1], $0xffff;
	(pc) =	sbr.rel @p1 .LBB2_8-.Ltmp2, $4  }
0x9c: {  	v4 =	vmov v19;
	v9 =	vld.idx.msk [tilespmem:v1+s25+$0x6590 ss:$0x1], $0xffff  }
0x9d: {  	v14 =	vld.idx.msk [tilespmem:v1+s25+$0x6540 ss:$0x1], $0xffff  }
0x9e: {  	v15 =	vld.idx.msk [tilespmem:v1+s25+$0x6550 ss:$0x1], $0xffff  }
0x9f: {  	s26 =	sadd.s32 $0x500, s26;
	v16 =	vld.idx.msk [tilespmem:v1+s25+$0x6560 ss:$0x1], $0xffff  }
0xa0: {  	_ =	sdelay $0x3  }
0xa1: {  	v17 =	vld.idx.msk [tilespmem:v1+s25+$0x6570 ss:$0x1], $0xffff  }
0xa2: {  	v18 =	vld.idx.msk [tilespmem:v1+s25+$0x65A0 ss:$0x1], $0xffff  }
0xa3: {  	v19 =	vld.idx.msk [tilespmem:v1+s25+$0x65B0 ss:$0x1], $0xffff;
	v13 =	vadd.f32 v14, v13  }
0xa4: {  	v55 =	vld.idx.msk [tilespmem:v1+s25+$0x65E0 ss:$0x1], $0xffff;
	v11 =	vadd.f32 v15, v11  }
0xa5: {  	v56 =	vld.idx.msk [tilespmem:v1+s25+$0x65F0 ss:$0x1], $0xffff;
	v12 =	vadd.f32 v16, v12;
	v8 =	vadd.f32 v8, v13  }
0xa6: {  	v57 =	vld.idx.msk [tilespmem:v1+s25+$0x6620 ss:$0x1], $0xffff;
	v10 =	vadd.f32 v17, v10;
	v9 =	vadd.f32 v9, v11  }
0xa7: {  	v58 =	vld.idx.msk [tilespmem:v1+s25+$0x6630 ss:$0x1], $0xffff;
	v12 =	vadd.f32 v18, v12;
	v6 =	vadd.f32 v6, v8  }
0xa8: {  	v59 =	vld.idx.msk [tilespmem:v1+s25+$0x6660 ss:$0x1], $0xffff;
	v10 =	vadd.f32 v19, v10;
	v7 =	vadd.f32 v7, v9  }
0xa9: {  	v1 =	vld.idx.msk [tilespmem:v1+s25+$0x6670 ss:$0x1], $0xffff;
	v60 =	vadd.f32 v55, v12;
	v2 =	vadd.f32 v2, v6  }
0xaa: {  	s31 =	sshll.u32 s23, $0x6;
	s23 =	sadd.s32 $0x1, s23;
	v61 =	vadd.f32 v56, v10;
	v5 =	vadd.f32 v5, v7  }
0xab: {  	p1 =	sne.s32 s23, $0x8;
	v62 =	vadd.f32 v57, v60;
	v2 =	vadd.f32 v3, v2  }
.Ltmp3:
0xac: {  	s25 =	sand.u32 $0x3FFFFFC0, s31;
	v3 =	vadd.f32 v58, v61;
	v4 =	vadd.f32 v4, v5;
	(pc) =	sbr.rel @p1 .LBB2_7-.Ltmp3, $4  }
0xad: {  	v63 =	vadd.f32 v59, v62;
	[tilespmem:v0+s25+$0x200 ss:$0x1] =	vst.idx.msk $0xffff, v2  }
0xae: {  	v1 =	vadd.f32 v1, v3;
	[tilespmem:v0+s25+$0x210 ss:$0x1] =	vst.idx.msk $0xffff, v4  }
0xaf: {  	[tilespmem:v0+s25+$0x220 ss:$0x1] =	vst.idx.msk $0xffff, v63  }
0xb0: {  	s24 =	sadd.s32 $0xC80, s24;
	[tilespmem:v0+s25+$0x230 ss:$0x1] =	vst.idx.msk $0xffff, v1  }
0xb1: {  	_ =	swait.ge [sflag:s16], $0x6400  }
0xb2: {  	s23 =	sadd.s32 @!p0 $0x7D0, s22;
	[sflag:s16] =	ssyncset.done $0x0  }
0xb3: {  	s24 =	simm.s32 @!p0 $0x190;
	s25 =	simm.s32 @!p0 $0x7D00;
	[sflag:s16] =	ssyncadd.s32 $0xFFFF9C00  }
0xb4: {  	[tilespmem:s25], [sflag:$0x2] =	stream.indirect.gather @!p0 [hbm4b:s3+s24], $0x40, s23, s24, $0xb8;
	[tilespmem:$0x1C900] =	vst v63  }
0xb5: {  	s23 =	simm.s32 $0x0;
	s24 =	simm.s32 $0x1900  }
.LBB2_11:
0xb6: {  	s25 =	smul.u32 $0x3200, s23;
	_ =	sdelay $0x1  }
0xb7: {  	s25 =	sshra.s32 s25, $0x2  }
0xb8: {  	v5 =	vld [tilespmem:s25+$0xE100]  }
0xb9: {  	v6 =	vld [tilespmem:s25+$0xE110]  }
0xba: {  	v7 =	vld [tilespmem:s25+$0xE120]  }
0xbb: {  	v8 =	vld [tilespmem:s25+$0xE130]  }
0xbc: {  	v9 =	vld [tilespmem:s25+$0xE140]  }
0xbd: {  	v10 =	vld [tilespmem:s25+$0xE150]  }
0xbe: {  	v11 =	vld [tilespmem:s25+$0xE160]  }
0xbf: {  	v12 =	vld [tilespmem:s25+$0xE170]  }
0xc0: {  	v13 =	vld [tilespmem:s25+$0xE180]  }
0xc1: {  	v14 =	vld [tilespmem:s25+$0xE190]  }
0xc2: {  	v15 =	vld [tilespmem:s25+$0xE1A0]  }
0xc3: {  	v16 =	vld [tilespmem:s25+$0xE1B0]  }
0xc4: {  	v17 =	vld [tilespmem:s25+$0xE1C0]  }
0xc5: {  	v18 =	vld [tilespmem:s25+$0xE1D0]  }
0xc6: {  	v19 =	vld [tilespmem:s25+$0xE1E0]  }
0xc7: {  	v1 =	vmov s24;
	v20 =	vld [tilespmem:s25+$0xE1F0]  }
0xc8: {  	v21 =	vld [tilespmem:s25+$0xE200]  }
0xc9: {  	v22 =	vld [tilespmem:s25+$0xE210]  }
0xca: {  	v23 =	vld [tilespmem:s25+$0xE220]  }
0xcb: {  	v24 =	vld [tilespmem:s25+$0xE230];
	s25 =	simm.s32 $0x0  }
0xcc: {  	v3 =	vld.idx.msk [tilespmem:v1+s25+$0xCA40 ss:$0x1], $0xffff  }
0xcd: {  	v4 =	vld.idx.msk [tilespmem:v1+s25+$0xCA50 ss:$0x1], $0xffff  }
0xce: {  	v2 =	vld.idx.msk [tilespmem:v1+s25+$0xCA00 ss:$0x1], $0xffff  }
0xcf: {  	v9 =	vadd.f32 v9, v5;
	v10 =	vadd.f32 v10, v6;
	v5 =	vld.idx.msk [tilespmem:v1+s25+$0xCA10 ss:$0x1], $0xffff  }
0xd0: {  	v11 =	vadd.f32 v11, v7;
	v8 =	vadd.f32 v12, v8;
	v6 =	vld.idx.msk [tilespmem:v1+s25+$0xC9C0 ss:$0x1], $0xffff  }
0xd1: {  	v7 =	vld.idx.msk [tilespmem:v1+s25+$0xC9D0 ss:$0x1], $0xffff;
	v9 =	vadd.f32 v13, v9;
	v10 =	vadd.f32 v14, v10  }
0xd2: {  	v11 =	vadd.f32 v15, v11;
	v12 =	vadd.f32 v16, v8;
	v8 =	vld.idx.msk [tilespmem:v1+s25+$0xC980 ss:$0x1], $0xffff  }
0xd3: {  	v14 =	vld.idx.msk [tilespmem:v1+s25+$0xC940 ss:$0x1], $0xffff;
	v13 =	vadd.f32 v17, v9;
	v10 =	vadd.f32 v18, v10  }
0xd4: {  	v15 =	vld.idx.msk [tilespmem:v1+s25+$0xC950 ss:$0x1], $0xffff;
	v16 =	vadd.f32 v19, v11;
	v17 =	vadd.f32 v20, v12  }
0xd5: {  	v9 =	vld.idx.msk [tilespmem:v1+s25+$0xC990 ss:$0x1], $0xffff;
	v13 =	vadd.f32 v21, v13;
	v11 =	vadd.f32 v22, v10  }
0xd6: {  	s26 =	simm.s32 $0x500;
	v12 =	vadd.f32 v23, v16;
	v10 =	vadd.f32 v24, v17;
	v16 =	vld.idx.msk [tilespmem:v1+s25+$0xC960 ss:$0x1], $0xffff  }
.LBB2_12:
0xd7: {  	p1 =	sne.s32 s26, $0x2800;
	v17 =	vld.idx.msk [tilespmem:v1+s25+$0xC970 ss:$0x1], $0xffff  }
0xd8: {  	v18 =	vld.idx.msk [tilespmem:v1+s25+$0xC9A0 ss:$0x1], $0xffff  }
0xd9: {  	v19 =	vld.idx.msk [tilespmem:v1+s25+$0xC9B0 ss:$0x1], $0xffff  }
0xda: {  	v20 =	vld.idx.msk [tilespmem:v1+s25+$0xC9E0 ss:$0x1], $0xffff  }
0xdb: {  	v21 =	vld.idx.msk [tilespmem:v1+s25+$0xC9F0 ss:$0x1], $0xffff  }
0xdc: {  	v13 =	vadd.f32 v14, v13;
	v11 =	vadd.f32 v15, v11;
	v14 =	vld.idx.msk [tilespmem:v1+s25+$0xCA20 ss:$0x1], $0xffff  }
0xdd: {  	v12 =	vadd.f32 v16, v12;
	v10 =	vadd.f32 v17, v10;
	v15 =	vld.idx.msk [tilespmem:v1+s25+$0xCA30 ss:$0x1], $0xffff  }
0xde: {  	v8 =	vadd.f32 v8, v13;
	v9 =	vadd.f32 v9, v11;
	v16 =	vld.idx.msk [tilespmem:v1+s25+$0xCA60 ss:$0x1], $0xffff  }
0xdf: {  	v11 =	vadd.f32 v18, v12;
	v10 =	vadd.f32 v19, v10;
	v17 =	vld.idx.msk [tilespmem:v1+s25+$0xCA70 ss:$0x1], $0xffff;
	s25 =	sshra.s32 s26, $0x2  }
0xe0: {  	v6 =	vadd.f32 v6, v8;
	v7 =	vadd.f32 v7, v9;
	v18 =	vld.idx.msk [tilespmem:v1+s25+$0xCA40 ss:$0x1], $0xffff  }
0xe1: {  	v8 =	vadd.f32 v20, v11;
	v9 =	vadd.f32 v21, v10;
	v19 =	vld.idx.msk [tilespmem:v1+s25+$0xCA50 ss:$0x1], $0xffff  }
0xe2: {  	v10 =	vadd.f32 v2, v6;
	v7 =	vadd.f32 v5, v7;
	v2 =	vld.idx.msk [tilespmem:v1+s25+$0xCA00 ss:$0x1], $0xffff  }
0xe3: {  	v8 =	vadd.f32 v14, v8;
	v9 =	vadd.f32 v15, v9;
	v5 =	vld.idx.msk [tilespmem:v1+s25+$0xCA10 ss:$0x1], $0xffff  }
0xe4: {  	v13 =	vadd.f32 v3, v10;
	v11 =	vadd.f32 v4, v7;
	v6 =	vld.idx.msk [tilespmem:v1+s25+$0xC9C0 ss:$0x1], $0xffff  }
0xe5: {  	v12 =	vadd.f32 v16, v8;
	v10 =	vadd.f32 v17, v9;
	v7 =	vld.idx.msk [tilespmem:v1+s25+$0xC9D0 ss:$0x1], $0xffff  }
.Ltmp4:
0xe6: {  	v3 =	vmov v18;
	v8 =	vld.idx.msk [tilespmem:v1+s25+$0xC980 ss:$0x1], $0xffff;
	(pc) =	sbr.rel @p1 .LBB2_12-.Ltmp4, $4  }
0xe7: {  	v4 =	vmov v19;
	v9 =	vld.idx.msk [tilespmem:v1+s25+$0xC990 ss:$0x1], $0xffff  }
0xe8: {  	v14 =	vld.idx.msk [tilespmem:v1+s25+$0xC940 ss:$0x1], $0xffff  }
0xe9: {  	v15 =	vld.idx.msk [tilespmem:v1+s25+$0xC950 ss:$0x1], $0xffff  }
0xea: {  	s26 =	sadd.s32 $0x500, s26;
	v16 =	vld.idx.msk [tilespmem:v1+s25+$0xC960 ss:$0x1], $0xffff  }
0xeb: {  	_ =	sdelay $0x3  }
0xec: {  	v17 =	vld.idx.msk [tilespmem:v1+s25+$0xC970 ss:$0x1], $0xffff  }
0xed: {  	v18 =	vld.idx.msk [tilespmem:v1+s25+$0xC9A0 ss:$0x1], $0xffff  }
0xee: {  	v19 =	vld.idx.msk [tilespmem:v1+s25+$0xC9B0 ss:$0x1], $0xffff;
	v13 =	vadd.f32 v14, v13  }
0xef: {  	v55 =	vld.idx.msk [tilespmem:v1+s25+$0xC9E0 ss:$0x1], $0xffff;
	v11 =	vadd.f32 v15, v11  }
0xf0: {  	v56 =	vld.idx.msk [tilespmem:v1+s25+$0xC9F0 ss:$0x1], $0xffff;
	v12 =	vadd.f32 v16, v12;
	v8 =	vadd.f32 v8, v13  }
0xf1: {  	v57 =	vld.idx.msk [tilespmem:v1+s25+$0xCA20 ss:$0x1], $0xffff;
	v10 =	vadd.f32 v17, v10;
	v9 =	vadd.f32 v9, v11  }
0xf2: {  	v58 =	vld.idx.msk [tilespmem:v1+s25+$0xCA30 ss:$0x1], $0xffff;
	v12 =	vadd.f32 v18, v12;
	v6 =	vadd.f32 v6, v8  }
0xf3: {  	v59 =	vld.idx.msk [tilespmem:v1+s25+$0xCA60 ss:$0x1], $0xffff;
	v10 =	vadd.f32 v19, v10;
	v7 =	vadd.f32 v7, v9  }
0xf4: {  	v1 =	vld.idx.msk [tilespmem:v1+s25+$0xCA70 ss:$0x1], $0xffff;
	v60 =	vadd.f32 v55, v12;
	v2 =	vadd.f32 v2, v6  }
0xf5: {  	s31 =	sshll.u32 s23, $0x6;
	s23 =	sadd.s32 $0x1, s23;
	v61 =	vadd.f32 v56, v10;
	v5 =	vadd.f32 v5, v7  }
0xf6: {  	p1 =	sne.s32 s23, $0x8;
	v62 =	vadd.f32 v57, v60;
	v2 =	vadd.f32 v3, v2  }
.Ltmp5:
0xf7: {  	s25 =	sand.u32 $0x3FFFFFC0, s31;
	v3 =	vadd.f32 v58, v61;
	v4 =	vadd.f32 v4, v5;
	(pc) =	sbr.rel @p1 .LBB2_11-.Ltmp5, $4  }
0xf8: {  	v63 =	vadd.f32 v59, v62;
	[tilespmem:v0+s25+$0x400 ss:$0x1] =	vst.idx.msk $0xffff, v2  }
0xf9: {  	v1 =	vadd.f32 v1, v3;
	[tilespmem:v0+s25+$0x410 ss:$0x1] =	vst.idx.msk $0xffff, v4  }
0xfa: {  	[tilespmem:v0+s25+$0x420 ss:$0x1] =	vst.idx.msk $0xffff, v63  }
0xfb: {  	s24 =	sadd.s32 $0xC80, s24;
	[tilespmem:v0+s25+$0x430 ss:$0x1] =	vst.idx.msk $0xffff, v1  }
0xfc: {  	_ =	swait.ge [sflag:s17], $0x6400;
	s22 =	sadd.s32 @!p0 $0x960, s22;
	s21 =	sshll.u32 s21, $0x9  }
0xfd: {  	s23 =	simm.s32 @!p0 $0x190;
	[sflag:s17] =	ssyncset.done $0x0;
	s21 =	sand.u32 $0x3FFFFE00, s21  }
0xfe: {  	s24 =	simm.s32 @!p0 $0xE100;
	[sflag:s17] =	ssyncadd.s32 $0xFFFF9C00;
	s31 =	sadd.s32 $0x1A900, s21  }
0xff: {  	[tilespmem:s24], [sflag:$0x3] =	stream.indirect.gather @!p0 [hbm4b:s3+s23], $0x40, s22, s23, $0xb8;
	[tilespmem:$0x1C900] =	vst v63  }
0x100: {  	s21 =	simm.s32 $0x0;
	s22 =	simm.s32 $0x1900;
	v0 =	vmov s31  }
.LBB2_15:
0x101: {  	s23 =	smul.u32 $0x3200, s21;
	_ =	sdelay $0x1  }
0x102: {  	s23 =	sshra.s32 s23, $0x2  }
0x103: {  	v5 =	vld [tilespmem:s23+$0x14500]  }
0x104: {  	v6 =	vld [tilespmem:s23+$0x14510]  }
0x105: {  	v7 =	vld [tilespmem:s23+$0x14520]  }
0x106: {  	v8 =	vld [tilespmem:s23+$0x14530]  }
0x107: {  	v9 =	vld [tilespmem:s23+$0x14540]  }
0x108: {  	v10 =	vld [tilespmem:s23+$0x14550]  }
0x109: {  	v11 =	vld [tilespmem:s23+$0x14560]  }
0x10a: {  	v12 =	vld [tilespmem:s23+$0x14570]  }
0x10b: {  	v13 =	vld [tilespmem:s23+$0x14580]  }
0x10c: {  	v14 =	vld [tilespmem:s23+$0x14590]  }
0x10d: {  	v15 =	vld [tilespmem:s23+$0x145A0]  }
0x10e: {  	v16 =	vld [tilespmem:s23+$0x145B0]  }
0x10f: {  	v17 =	vld [tilespmem:s23+$0x145C0]  }
0x110: {  	v18 =	vld [tilespmem:s23+$0x145D0]  }
0x111: {  	v19 =	vld [tilespmem:s23+$0x145E0]  }
0x112: {  	v1 =	vmov s22;
	v20 =	vld [tilespmem:s23+$0x145F0]  }
0x113: {  	v21 =	vld [tilespmem:s23+$0x14600]  }
0x114: {  	v22 =	vld [tilespmem:s23+$0x14610]  }
0x115: {  	v23 =	vld [tilespmem:s23+$0x14620]  }
0x116: {  	v24 =	vld [tilespmem:s23+$0x14630];
	s23 =	simm.s32 $0x0  }
0x117: {  	v3 =	vld.idx.msk [tilespmem:v1+s23+$0x12E40 ss:$0x1], $0xffff  }
0x118: {  	v4 =	vld.idx.msk [tilespmem:v1+s23+$0x12E50 ss:$0x1], $0xffff  }
0x119: {  	v2 =	vld.idx.msk [tilespmem:v1+s23+$0x12E00 ss:$0x1], $0xffff  }
0x11a: {  	v9 =	vadd.f32 v9, v5;
	v10 =	vadd.f32 v10, v6;
	v5 =	vld.idx.msk [tilespmem:v1+s23+$0x12E10 ss:$0x1], $0xffff  }
0x11b: {  	v11 =	vadd.f32 v11, v7;
	v8 =	vadd.f32 v12, v8;
	v6 =	vld.idx.msk [tilespmem:v1+s23+$0x12DC0 ss:$0x1], $0xffff  }
0x11c: {  	v7 =	vld.idx.msk [tilespmem:v1+s23+$0x12DD0 ss:$0x1], $0xffff;
	v9 =	vadd.f32 v13, v9;
	v10 =	vadd.f32 v14, v10  }
0x11d: {  	v11 =	vadd.f32 v15, v11;
	v12 =	vadd.f32 v16, v8;
	v8 =	vld.idx.msk [tilespmem:v1+s23+$0x12D80 ss:$0x1], $0xffff  }
0x11e: {  	v14 =	vld.idx.msk [tilespmem:v1+s23+$0x12D40 ss:$0x1], $0xffff;
	v13 =	vadd.f32 v17, v9;
	v10 =	vadd.f32 v18, v10  }
0x11f: {  	v15 =	vld.idx.msk [tilespmem:v1+s23+$0x12D50 ss:$0x1], $0xffff;
	v16 =	vadd.f32 v19, v11;
	v17 =	vadd.f32 v20, v12  }
0x120: {  	v9 =	vld.idx.msk [tilespmem:v1+s23+$0x12D90 ss:$0x1], $0xffff;
	v13 =	vadd.f32 v21, v13;
	v11 =	vadd.f32 v22, v10  }
0x121: {  	s24 =	simm.s32 $0x500;
	v12 =	vadd.f32 v23, v16;
	v10 =	vadd.f32 v24, v17;
	v16 =	vld.idx.msk [tilespmem:v1+s23+$0x12D60 ss:$0x1], $0xffff  }
.LBB2_16:
0x122: {  	p0 =	sne.s32 s24, $0x2800;
	v17 =	vld.idx.msk [tilespmem:v1+s23+$0x12D70 ss:$0x1], $0xffff  }
0x123: {  	v18 =	vld.idx.msk [tilespmem:v1+s23+$0x12DA0 ss:$0x1], $0xffff  }
0x124: {  	v19 =	vld.idx.msk [tilespmem:v1+s23+$0x12DB0 ss:$0x1], $0xffff  }
0x125: {  	v20 =	vld.idx.msk [tilespmem:v1+s23+$0x12DE0 ss:$0x1], $0xffff  }
0x126: {  	v21 =	vld.idx.msk [tilespmem:v1+s23+$0x12DF0 ss:$0x1], $0xffff  }
0x127: {  	v13 =	vadd.f32 v14, v13;
	v11 =	vadd.f32 v15, v11;
	v14 =	vld.idx.msk [tilespmem:v1+s23+$0x12E20 ss:$0x1], $0xffff  }
0x128: {  	v12 =	vadd.f32 v16, v12;
	v10 =	vadd.f32 v17, v10;
	v15 =	vld.idx.msk [tilespmem:v1+s23+$0x12E30 ss:$0x1], $0xffff  }
0x129: {  	v8 =	vadd.f32 v8, v13;
	v9 =	vadd.f32 v9, v11;
	v16 =	vld.idx.msk [tilespmem:v1+s23+$0x12E60 ss:$0x1], $0xffff  }
0x12a: {  	v11 =	vadd.f32 v18, v12;
	v10 =	vadd.f32 v19, v10;
	v17 =	vld.idx.msk [tilespmem:v1+s23+$0x12E70 ss:$0x1], $0xffff;
	s23 =	sshra.s32 s24, $0x2  }
0x12b: {  	v6 =	vadd.f32 v6, v8;
	v7 =	vadd.f32 v7, v9;
	v18 =	vld.idx.msk [tilespmem:v1+s23+$0x12E40 ss:$0x1], $0xffff  }
0x12c: {  	v8 =	vadd.f32 v20, v11;
	v9 =	vadd.f32 v21, v10;
	v19 =	vld.idx.msk [tilespmem:v1+s23+$0x12E50 ss:$0x1], $0xffff  }
0x12d: {  	v10 =	vadd.f32 v2, v6;
	v7 =	vadd.f32 v5, v7;
	v2 =	vld.idx.msk [tilespmem:v1+s23+$0x12E00 ss:$0x1], $0xffff  }
0x12e: {  	v8 =	vadd.f32 v14, v8;
	v9 =	vadd.f32 v15, v9;
	v5 =	vld.idx.msk [tilespmem:v1+s23+$0x12E10 ss:$0x1], $0xffff  }
0x12f: {  	v13 =	vadd.f32 v3, v10;
	v11 =	vadd.f32 v4, v7;
	v6 =	vld.idx.msk [tilespmem:v1+s23+$0x12DC0 ss:$0x1], $0xffff  }
0x130: {  	v12 =	vadd.f32 v16, v8;
	v10 =	vadd.f32 v17, v9;
	v7 =	vld.idx.msk [tilespmem:v1+s23+$0x12DD0 ss:$0x1], $0xffff  }
.Ltmp6:
0x131: {  	v3 =	vmov v18;
	v8 =	vld.idx.msk [tilespmem:v1+s23+$0x12D80 ss:$0x1], $0xffff;
	(pc) =	sbr.rel @p0 .LBB2_16-.Ltmp6, $4  }
0x132: {  	v4 =	vmov v19;
	v9 =	vld.idx.msk [tilespmem:v1+s23+$0x12D90 ss:$0x1], $0xffff  }
0x133: {  	v14 =	vld.idx.msk [tilespmem:v1+s23+$0x12D40 ss:$0x1], $0xffff  }
0x134: {  	v15 =	vld.idx.msk [tilespmem:v1+s23+$0x12D50 ss:$0x1], $0xffff  }
0x135: {  	s24 =	sadd.s32 $0x500, s24;
	v16 =	vld.idx.msk [tilespmem:v1+s23+$0x12D60 ss:$0x1], $0xffff  }
0x136: {  	_ =	sdelay $0x3  }
0x137: {  	v17 =	vld.idx.msk [tilespmem:v1+s23+$0x12D70 ss:$0x1], $0xffff  }
0x138: {  	v18 =	vld.idx.msk [tilespmem:v1+s23+$0x12DA0 ss:$0x1], $0xffff  }
0x139: {  	v19 =	vld.idx.msk [tilespmem:v1+s23+$0x12DB0 ss:$0x1], $0xffff;
	v13 =	vadd.f32 v14, v13  }
0x13a: {  	v55 =	vld.idx.msk [tilespmem:v1+s23+$0x12DE0 ss:$0x1], $0xffff;
	v11 =	vadd.f32 v15, v11  }
0x13b: {  	v56 =	vld.idx.msk [tilespmem:v1+s23+$0x12DF0 ss:$0x1], $0xffff;
	v12 =	vadd.f32 v16, v12;
	v8 =	vadd.f32 v8, v13  }
0x13c: {  	v57 =	vld.idx.msk [tilespmem:v1+s23+$0x12E20 ss:$0x1], $0xffff;
	v10 =	vadd.f32 v17, v10;
	v9 =	vadd.f32 v9, v11  }
0x13d: {  	v58 =	vld.idx.msk [tilespmem:v1+s23+$0x12E30 ss:$0x1], $0xffff;
	v12 =	vadd.f32 v18, v12;
	v6 =	vadd.f32 v6, v8  }
0x13e: {  	v59 =	vld.idx.msk [tilespmem:v1+s23+$0x12E60 ss:$0x1], $0xffff;
	v10 =	vadd.f32 v19, v10;
	v7 =	vadd.f32 v7, v9  }
0x13f: {  	v1 =	vld.idx.msk [tilespmem:v1+s23+$0x12E70 ss:$0x1], $0xffff;
	v60 =	vadd.f32 v55, v12;
	v2 =	vadd.f32 v2, v6  }
0x140: {  	s31 =	sshll.u32 s21, $0x6;
	s21 =	sadd.s32 $0x1, s21;
	v61 =	vadd.f32 v56, v10;
	v5 =	vadd.f32 v5, v7  }
0x141: {  	p0 =	sne.s32 s21, $0x8;
	v62 =	vadd.f32 v57, v60;
	v2 =	vadd.f32 v3, v2  }
.Ltmp7:
0x142: {  	s23 =	sand.u32 $0x3FFFFFC0, s31;
	v3 =	vadd.f32 v58, v61;
	v4 =	vadd.f32 v4, v5;
	(pc) =	sbr.rel @p0 .LBB2_15-.Ltmp7, $4  }
0x143: {  	v63 =	vadd.f32 v59, v62;
	[tilespmem:v0+s23+$0x0 ss:$0x1] =	vst.idx.msk $0xffff, v2  }
0x144: {  	v1 =	vadd.f32 v1, v3;
	[tilespmem:v0+s23+$0x10 ss:$0x1] =	vst.idx.msk $0xffff, v4  }
0x145: {  	[tilespmem:v0+s23+$0x20 ss:$0x1] =	vst.idx.msk $0xffff, v63  }
0x146: {  	s22 =	sadd.s32 $0xC80, s22;
	[tilespmem:v0+s23+$0x30 ss:$0x1] =	vst.idx.msk $0xffff, v1  }
0x147: {  	s20 =	sadd.s32 $0x1, s20  }
0x148: {  	p0 =	sne.s32 s20, $0x4  }
.Ltmp8:
0x149: {  	_ = 	snop;
	(pc) =	sbr.rel @p0 .LBB2_2-.Ltmp8, $1  }
0x14a: {  	_ =	sdelay $0x3  }
0x14b: {  	s19 =	sadd.s32 $0x1, s19  }
0x14c: {  	p0 =	sne.s32 s19, s6  }
.Ltmp9:
0x14d: {  	_ = 	snop;
	(pc) =	sbr.rel @p0 .LBB2_1-.Ltmp9, $4  }
0x14e: {  	[hbm4b:s5+s2] =	stream.linear.scatter [tilespmem:s18], [sflag:$0x5], $0x2000, $0x38;
	[tilespmem:$0x1C900] =	vst v63  }
0x14f: {  	_ =	swait.ge [sflag:s7], $0x2000  }
0x150: {  	[sflag:s7] =	ssyncset.done $0x0  }
0x151: {  	[sflag:s7] =	ssyncadd.s32 $0xFFFFE000  }
0x152: {  	_ =	sfence.sel $0x180000  }
0x153: {  	[bflag:$0x0] =	sbarrier.arrive $0xFFFF  }
0x154: {  	p0 =	sne.s32 s0, $0x0;
	_ =	strace $0x90000047  }
0x155: {  	s0 =	sadd.s32 @!p0 $0x100000, s1;
	[bflag:$0x2] =	sbarrier.arrive $0xFFFF  }
0x156: {  	[sflag:s0] =	ssyncadd.tile.s32 @!p0 $0x1;
	_ =	shalt  }
.Lfunc_end2:
_tile_overlayer_lowered:
.L_overlay_start_2:
0x157: {  	(tag) =	ssettag $0x2  }
0x158: {  	s0 =	rddreg [dreg:$0x0];
	s2 =	stileid.u32  }
0x159: {  	s1 =	rddreg [dreg:$0x1];
	p0 =	sne.s32 s2, $0x0  }
0x15a: {  	s3 =	rddreg [dreg:$0x2];
	[bflag:$0x3] =	sbarrier.arrive $0xFFFF;
	s2 =	simm.s32 @!p0 $0x1C05  }
0x15b: {  	[timem:s3], [sflag:s2] =	dma.local @!p0 [hbm:s0], s1  }
0x15c: {  	s0 =	simm.s32 @!p0 $0x5  }
0x15d: {  	_ =	swait.ge @!p0 [sflag:s0], s1  }
0x15e: {  	s1 =	ssub.s32 @!p0 $0x0, s1;
	[sflag:s0] =	ssyncset.done @!p0 $0x0  }
0x15f: {  	[sflag:s0] =	ssyncadd.s32 @!p0 s1  }
0x160: {  	[bflag:$0x3] =	sbarrier.arrive $0xFFFF  }
0x161: {  	_ =	shalt  }

</sc_bundles>
